<compile_context>
chip_gen: v7x
topology: tpu7x:2x2x1
jax: 0.10.2.dev20260603
libtpu: 0.0.44.dev20260713+nightly
codegen_flags: <defaults>
</compile_context>

<pallas_src>
import functools

import jax
import jax.numpy as jnp
from jax import lax
from jax.experimental import pallas as pl
from jax.experimental.pallas import tpu as pltpu
import jax.experimental.pallas.tpu_sc as plsc

N_NODES = 10000
N_EDGES = 320000
N_GRAPHS = 64
D = 128

NC, NS = 2, 16
NW = NC * NS
NPAD = 10240
ROWS_PW = NPAD // NW
ECHUNK = 128
NCHUNK = 81
EPAD = NW * NCHUNK * ECHUNK
EDGES_PW = NCHUNK * ECHUNK
GCHUNK = 80
ROWS_PT = NPAD // NS
ACC_ROWS = 10112
APT = ACC_ROWS // NS

_BLK = 1024
_NBLK = NPAD // _BLK


def _mesh():
    return plsc.VectorSubcoreMesh(core_axis_name="c", subcore_axis_name="s")


def _sc_gather_deg(xp, dst3, emb):
    @functools.partial(
        pl.kernel,
        mesh=_mesh(),
        out_type=[
            jax.ShapeDtypeStruct((NPAD, D), jnp.float32),
            jax.ShapeDtypeStruct((NC, NPAD), jnp.float32),
        ],
        scratch_types=[
            pltpu.VMEM((ROWS_PW,), jnp.int32),
            pltpu.VMEM((NCHUNK, ECHUNK), jnp.int32),
            pltpu.VMEM((ECHUNK,), jnp.float32),
            pltpu.VMEM((ROWS_PT,), jnp.float32),
            pltpu.VMEM((GCHUNK, D), jnp.float32),
            pltpu.VMEM((GCHUNK, D), jnp.float32),
            pltpu.VMEM_SHARED((NPAD,), jnp.float32),
            pltpu.SemaphoreType.DMA,
            pltpu.SemaphoreType.DMA,
        ],
    )
    def body(x_hbm, dst_hbm, emb_hbm, h_out, deg_out, idx4, dst2d,
             ones_v, zbuf, rows_a, rows_b, shared_deg, sem_g, sem_h):
        c = lax.axis_index("c")
        s = lax.axis_index("s")
        wid = s * NC + c

        for j in range(ECHUNK // 16):
            ones_v[pl.ds(16 * j, 16)] = jnp.ones((16,), jnp.float32)
        for j in range(ROWS_PT // 16):
            zbuf[pl.ds(16 * j, 16)] = jnp.zeros((16,), jnp.float32)

        pltpu.sync_copy(zbuf, shared_deg.at[pl.ds(s * ROWS_PT, ROWS_PT)])
        pltpu.sync_copy(dst_hbm.at[wid], dst2d)
        plsc.subcore_barrier()

        nge = ROWS_PW // GCHUNK
        pltpu.sync_copy(x_hbm.at[pl.ds(wid * ROWS_PW, ROWS_PW)], idx4)
        ids = [idx4.at[pl.ds(j * GCHUNK, GCHUNK)] for j in range(nge)]
        rows = [rows_a, rows_b]
        pltpu.async_copy(emb_hbm.at[ids[0]], rows_a, sem_g)
        for j in range(nge):
            pltpu.make_async_copy(emb_hbm.at[ids[j]], rows[j % 2],
                                  sem_g).wait()
            if j + 1 < nge:
                pltpu.async_copy(emb_hbm.at[ids[j + 1]],
                                 rows[(j + 1) % 2], sem_g)
            pltpu.sync_copy(rows[j % 2],
                            h_out.at[pl.ds(wid * ROWS_PW + j * GCHUNK,
                                           GCHUNK)])

        def hgroup(g, carry):
            for j in range(8):
                pltpu.async_copy(ones_v, shared_deg.at[dst2d.at[g * 8 + j]],
                                 sem_h, add=True)
            for j in range(8):
                pltpu.make_async_copy(ones_v,
                                      shared_deg.at[dst2d.at[g * 8 + j]],
                                      sem_h).wait()
            return carry

        lax.fori_loop(0, NCHUNK // 8, hgroup, 0)
        for t in range(NCHUNK - 8 * (NCHUNK // 8)):
            i = 8 * (NCHUNK // 8) + t
            pltpu.async_copy(ones_v, shared_deg.at[dst2d.at[i]],
                             sem_h, add=True)
            pltpu.make_async_copy(ones_v, shared_deg.at[dst2d.at[i]],
                                  sem_h).wait()
        plsc.subcore_barrier()

        pltpu.sync_copy(shared_deg.at[pl.ds(s * ROWS_PT, ROWS_PT)], zbuf)
        pltpu.sync_copy(zbuf, deg_out.at[c, pl.ds(s * ROWS_PT, ROWS_PT)])

    return body(xp, dst3, emb)


def _sc_edge_agg(hws, src3, dst3):
    @functools.partial(
        pl.kernel,
        mesh=_mesh(),
        out_type=jax.ShapeDtypeStruct((NC, NPAD, D), jnp.float32),
        scratch_types=[
            pltpu.VMEM((4, ECHUNK), jnp.int32),
            pltpu.VMEM((4, ECHUNK), jnp.int32),
            pltpu.VMEM((ECHUNK, D), jnp.float32),
            pltpu.VMEM((ECHUNK, D), jnp.float32),
            pltpu.VMEM((ECHUNK, D), jnp.float32),
            pltpu.VMEM_SHARED((ACC_ROWS, D), jnp.float32),
            pltpu.SemaphoreType.DMA,
            pltpu.SemaphoreType.DMA,
            pltpu.SemaphoreType.DMA,
            pltpu.SemaphoreType.DMA,
            pltpu.SemaphoreType.DMA,
        ],
    )
    def body(hws_hbm, src_hbm, dst_hbm, acc_out, src_sm, dst_sm, rows_a,
             rows_b, rows_c, shared_acc, sem_a, sem_b, sem_c, sem_i, sem_f):
        c = lax.axis_index("c")
        s = lax.axis_index("s")
        wid = s * NC + c
        rows = [rows_a, rows_b, rows_c]
        gsem = [sem_a, sem_b, sem_c]

        def zb(i, carry):
            for j in range(8):
                rows_a[i, pl.ds(j * 16, 16)] = jnp.zeros((16,), jnp.float32)
            return carry
        lax.fori_loop(0, ECHUNK, zb, 0)
        nz = -(-APT // ECHUNK)
        for k in range(nz):
            r0 = s * APT + k * ECHUNK
            n = min(ECHUNK, APT - k * ECHUNK)
            pltpu.sync_copy(rows_a.at[pl.ds(0, n)],
                            shared_acc.at[pl.ds(r0, n)])

        @pl.when(s == 0)
        def _():
            pltpu.sync_copy(rows_a, acc_out.at[c, pl.ds(ACC_ROWS, ECHUNK)])
        plsc.subcore_barrier()

        pltpu.sync_copy(src_hbm.at[wid, 0], src_sm.at[0])
        pltpu.sync_copy(dst_hbm.at[wid, 0], dst_sm.at[0])
        pltpu.sync_copy(src_hbm.at[wid, 1], src_sm.at[1])
        pltpu.sync_copy(dst_hbm.at[wid, 1], dst_sm.at[1])
        pltpu.async_copy(src_hbm.at[wid, 2], src_sm.at[2], sem_i)
        pltpu.async_copy(dst_hbm.at[wid, 2], dst_sm.at[2], sem_i)
        pltpu.async_copy(hws_hbm.at[src_sm.at[0]], rows_a, sem_a)
        pltpu.async_copy(hws_hbm.at[src_sm.at[1]], rows_b, sem_b)

        def tri(k, carry):
            for j in range(3):
                i = 3 * k + j
                sl = lax.rem(i, 4)
                pltpu.make_async_copy(hws_hbm.at[src_sm.at[sl]],
                                      rows[j], gsem[j]).wait()

                @pl.when(i + 2 < NCHUNK)
                def _():
                    sl2 = lax.rem(i + 2, 4)
                    pltpu.make_async_copy(src_hbm.at[wid, i + 2],
                                          src_sm.at[sl2], sem_i).wait()
                    pltpu.make_async_copy(dst_hbm.at[wid, i + 2],
                                          dst_sm.at[sl2], sem_i).wait()
                    pltpu.async_copy(hws_hbm.at[src_sm.at[sl2]],
                                     rows[(j + 2) % 3], gsem[(j + 2) % 3])

                @pl.when(i + 3 < NCHUNK)
                def _():
                    sl3 = lax.rem(i + 3, 4)
                    pltpu.async_copy(src_hbm.at[wid, i + 3],
                                     src_sm.at[sl3], sem_i)
                    pltpu.async_copy(dst_hbm.at[wid, i + 3],
                                     dst_sm.at[sl3], sem_i)

                pltpu.sync_copy(rows[j], shared_acc.at[dst_sm.at[sl]],
                                add=True)
            return carry

        lax.fori_loop(0, NCHUNK // 3, tri, 0)
        plsc.subcore_barrier()

        nf = -(-APT // ECHUNK)
        sizes = [min(ECHUNK, APT - k * ECHUNK) for k in range(nf)]
        for k in range(nf):
            r0 = s * APT + k * ECHUNK
            buf = rows[k % 2].at[pl.ds(0, sizes[k])]
            if k >= 2:
                rp = s * APT + (k - 2) * ECHUNK
                pltpu.make_async_copy(rows[k % 2].at[pl.ds(0, sizes[k - 2])],
                                      acc_out.at[c, pl.ds(rp, sizes[k - 2])],
                                      sem_f).wait()
            pltpu.sync_copy(shared_acc.at[pl.ds(r0, sizes[k])], buf)
            pltpu.async_copy(buf, acc_out.at[c, pl.ds(r0, sizes[k])], sem_f)
        for k in range(nf - 2, nf):
            r0 = s * APT + k * ECHUNK
            pltpu.make_async_copy(rows[k % 2].at[pl.ds(0, sizes[k])],
                                  acc_out.at[c, pl.ds(r0, sizes[k])],
                                  sem_f).wait()

    return body(hws, src3, dst3)


def _tc_prep1(deg_t, h, W1):
    def body(degt_ref, h_ref, w_ref, hws_ref, dinv_ref):
        deg = degt_ref[:, 0:1] + degt_ref[:, 1:2] + 1.0
        dinv = lax.rsqrt(deg)
        dinv_ref[...] = dinv
        hw = jnp.dot(h_ref[...], w_ref[...], preferred_element_type=jnp.float32)
        hws_ref[...] = hw * dinv

    return pl.pallas_call(
        body,
        grid=(_NBLK,),
        in_specs=[
            pl.BlockSpec((_BLK, 2), lambda i: (i, 0)),
            pl.BlockSpec((_BLK, D), lambda i: (i, 0)),
            pl.BlockSpec((D, D), lambda i: (0, 0)),
        ],
        out_specs=[
            pl.BlockSpec((_BLK, D), lambda i: (i, 0)),
            pl.BlockSpec((_BLK, 1), lambda i: (i, 0)),
        ],
        out_shape=[
            jax.ShapeDtypeStruct((NPAD, D), jnp.float32),
            jax.ShapeDtypeStruct((NPAD, 1), jnp.float32),
        ],
    )(deg_t, h, W1)


def _norm_act(accp, hws, dinv, b, g, be):
    acc = accp[0] + accp[1]
    pre = dinv * (acc + hws) + b
    mu = jnp.mean(pre, axis=1, keepdims=True)
    yc = pre - mu
    var = jnp.mean(yc * yc, axis=1, keepdims=True)
    hn = yc * lax.rsqrt(var + 1e-5) * g + be
    return jnp.maximum(hn, 0.0)


def _tc_combine1(accp, hws1, dinv, b1, g1, be1, W2):
    def body(accp_ref, hws_ref, dinv_ref, b_ref, g_ref, be_ref, w_ref, out_ref):
        h1 = _norm_act(accp_ref[...], hws_ref[...], dinv_ref[...],
                       b_ref[...], g_ref[...], be_ref[...])
        hw = jnp.dot(h1, w_ref[...], preferred_element_type=jnp.float32)
        out_ref[...] = hw * dinv_ref[...]

    return pl.pallas_call(
        body,
        grid=(_NBLK,),
        in_specs=[
            pl.BlockSpec((NC, _BLK, D), lambda i: (0, i, 0)),
            pl.BlockSpec((_BLK, D), lambda i: (i, 0)),
            pl.BlockSpec((_BLK, 1), lambda i: (i, 0)),
            pl.BlockSpec((1, D), lambda i: (0, 0)),
            pl.BlockSpec((1, D), lambda i: (0, 0)),
            pl.BlockSpec((1, D), lambda i: (0, 0)),
            pl.BlockSpec((D, D), lambda i: (0, 0)),
        ],
        out_specs=pl.BlockSpec((_BLK, D), lambda i: (i, 0)),
        out_shape=jax.ShapeDtypeStruct((NPAD, D), jnp.float32),
    )(accp, hws1, dinv, b1.reshape(1, D), g1.reshape(1, D),
      be1.reshape(1, D), W2)


def _tc_combine2(accp, hws2, dinv, b2, g2, be2, batch_col, fcW, fcb):
    def body(accp_ref, hws_ref, dinv_ref, b_ref, g_ref, be_ref, bat_ref,
             fcw_ref, fcb_ref, out_ref, sums_sc, cnts_sc):
        h2 = _norm_act(accp_ref[...], hws_ref[...], dinv_ref[...],
                       b_ref[...], g_ref[...], be_ref[...])
        bid = bat_ref[...]
        gi = lax.broadcasted_iota(jnp.int32, (_BLK, N_GRAPHS), 1)
        oh = (bid == gi).astype(jnp.float32)
        dn = (((0,), (0,)), ((), ()))
        ps = lax.dot_general(oh, h2, dn, preferred_element_type=jnp.float32)
        ones_m = jnp.ones((_BLK, D), jnp.float32)
        pc = lax.dot_general(oh, ones_m, dn, preferred_element_type=jnp.float32)

        i = pl.program_id(0)

        @pl.when(i == 0)
        def _():
            sums_sc[...] = ps
            cnts_sc[...] = pc
            out_ref[...] = jnp.zeros((N_GRAPHS, 1), jnp.float32)

        @pl.when(i > 0)
        def _():
            sums_sc[...] += ps
            cnts_sc[...] += pc

        @pl.when(i == _NBLK - 1)
        def _():
            pooled = sums_sc[...] / jnp.maximum(cnts_sc[...], 1.0)
            out_ref[...] = (jnp.dot(pooled, fcw_ref[...],
                                    preferred_element_type=jnp.float32)
                            + fcb_ref[...])

    return pl.pallas_call(
        body,
        grid=(_NBLK,),
        in_specs=[
            pl.BlockSpec((NC, _BLK, D), lambda i: (0, i, 0)),
            pl.BlockSpec((_BLK, D), lambda i: (i, 0)),
            pl.BlockSpec((_BLK, 1), lambda i: (i, 0)),
            pl.BlockSpec((1, D), lambda i: (0, 0)),
            pl.BlockSpec((1, D), lambda i: (0, 0)),
            pl.BlockSpec((1, D), lambda i: (0, 0)),
            pl.BlockSpec((_BLK, 1), lambda i: (i, 0)),
            pl.BlockSpec((D, 1), lambda i: (0, 0)),
            pl.BlockSpec((1, 1), lambda i: (0, 0)),
        ],
        out_specs=pl.BlockSpec((N_GRAPHS, 1), lambda i: (0, 0)),
        out_shape=jax.ShapeDtypeStruct((N_GRAPHS, 1), jnp.float32),
        scratch_shapes=[
            pltpu.VMEM((N_GRAPHS, D), jnp.float32),
            pltpu.VMEM((N_GRAPHS, D), jnp.float32),
        ],
    )(accp, hws2, dinv, b2.reshape(1, D), g2.reshape(1, D), be2.reshape(1, D),
      batch_col, fcW, fcb.reshape(1, 1))


def kernel(x, edge_index, batch, emb, W1, b1, g1, be1, W2, b2, g2, be2,
           fcW, fcb):
    x = x.astype(jnp.int32)
    src = edge_index[0].astype(jnp.int32)
    dst = edge_index[1].astype(jnp.int32)
    xp = jnp.concatenate([x, jnp.arange(NPAD - N_NODES, dtype=jnp.int32)])
    batch_col = jnp.concatenate(
        [batch.astype(jnp.int32),
         jnp.full((NPAD - N_NODES,), N_GRAPHS, jnp.int32)]).reshape(NPAD, 1)
    npe = EPAD - N_EDGES
    pad_src = jnp.arange(npe, dtype=jnp.int32) % N_NODES
    pad_dst = N_NODES + jnp.arange(npe, dtype=jnp.int32) % (ACC_ROWS - N_NODES)
    src3 = jnp.concatenate([src, pad_src]).reshape(NW, NCHUNK, ECHUNK)
    dst3 = jnp.concatenate([dst, pad_dst]).reshape(NW, NCHUNK, ECHUNK)

    h, degp = _sc_gather_deg(xp, dst3, emb)
    hws1, dinv = _tc_prep1(degp.T, h, W1)
    accp1 = _sc_edge_agg(hws1, src3, dst3)
    hws2 = _tc_combine1(accp1, hws1, dinv, b1, g1, be1, W2)
    accp2 = _sc_edge_agg(hws2, src3, dst3)
    out_col = _tc_combine2(accp2, hws2, dinv, b2, g2, be2, batch_col, fcW, fcb)
    return out_col[:, 0]

# --- scband reference (transcript-rebuilt; emitter-appended) ---
"""Pipeline reference for scband-gcnregressor-33706903339183 (READ-ONLY COPY).

The authoritative reference and input builder live on the scoring server;
editing this copy changes nothing except your own understanding.
"""

import jax, jax.numpy as jnp
import numpy as np

NUM_EMB = 100000
EMBED_DIM = 128
HIDDEN = 128
N_NODES = 10000
N_EDGES = 320000
N_GRAPHS = 64


def setup_inputs(seed: int = 0) -> dict:
    key = jax.random.key(seed)
    ks = jax.random.split(key, 16)
    x = jax.random.randint(ks[0], (N_NODES,), 0, NUM_EMB)
    edge_index = jax.random.randint(ks[1], (2, N_EDGES), 0, N_NODES)
    batch = jnp.sort(jax.random.randint(ks[2], (N_NODES,), 0, N_GRAPHS))
    emb = jax.random.normal(ks[3], (NUM_EMB, EMBED_DIM), dtype=jnp.float32)
    W1 = jax.random.normal(ks[4], (EMBED_DIM, HIDDEN), dtype=jnp.float32) * (1.0 / np.sqrt(EMBED_DIM))
    b1 = jnp.zeros((HIDDEN,), dtype=jnp.float32)
    g1 = jnp.ones((HIDDEN,), dtype=jnp.float32)
    be1 = jnp.zeros((HIDDEN,), dtype=jnp.float32)
    W2 = jax.random.normal(ks[5], (HIDDEN, HIDDEN), dtype=jnp.float32) * (1.0 / np.sqrt(HIDDEN))
    b2 = jnp.zeros((HIDDEN,), dtype=jnp.float32)
    g2 = jnp.ones((HIDDEN,), dtype=jnp.float32)
    be2 = jnp.zeros((HIDDEN,), dtype=jnp.float32)
    fcW = jax.random.normal(ks[6], (HIDDEN, 1), dtype=jnp.float32) * (1.0 / np.sqrt(HIDDEN))
    fcb = jnp.zeros((1,), dtype=jnp.float32)
    return {"x": x, "edge_index": edge_index, "batch": batch, "emb": emb,
            "W1": W1, "b1": b1, "g1": g1, "be1": be1,
            "W2": W2, "b2": b2, "g2": g2, "be2": be2,
            "fcW": fcW, "fcb": fcb}


def _gcn_conv(h, edge_index, W, b, num_nodes):
    # PyG GCNConv: add self-loops, symmetric normalization, linear transform, sum-aggregate
    src = edge_index[0]
    dst = edge_index[1]
    sl = jnp.arange(num_nodes, dtype=src.dtype)
    src = jnp.concatenate([src, sl])
    dst = jnp.concatenate([dst, sl])
    deg = jnp.zeros((num_nodes,), dtype=h.dtype).at[dst].add(1.0)
    dinv = jnp.where(deg > 0, deg ** -0.5, 0.0)
    norm = dinv[src] * dinv[dst]
    hw = h @ W
    msgs = hw[src] * norm[:, None]
    out = jax.ops.segment_sum(msgs, dst, num_segments=num_nodes)
    return out + b


def _layer_norm(h, g, b, eps=1e-5):
    mu = jnp.mean(h, axis=-1, keepdims=True)
    var = jnp.var(h, axis=-1, keepdims=True)
    return (h - mu) / jnp.sqrt(var + eps) * g + b


def reference(x, edge_index, batch, emb, W1, b1, g1, be1, W2, b2, g2, be2, fcW, fcb):
    h = jnp.take(emb, x, axis=0)  # embedding lookup [N, EMBED_DIM]
    # layer 1
    h = _gcn_conv(h, edge_index, W1, b1, N_NODES)
    h = _layer_norm(h, g1, be1)
    h = jax.nn.relu(h)  # dropout is identity in eval mode
    # layer 2
    h = _gcn_conv(h, edge_index, W2, b2, N_NODES)
    h = _layer_norm(h, g2, be2)
    h = jax.nn.relu(h)
    # global mean pool over graph ids
    sums = jax.ops.segment_sum(h, batch, num_segments=N_GRAPHS)
    cnts = jax.ops.segment_sum(jnp.ones((N_NODES,), dtype=h.dtype), batch, num_segments=N_GRAPHS)
    pooled = sums / jnp.maximum(cnts, 1.0)[:, None]
    out = pooled @ fcW + fcb
    return out.squeeze(-1)

if __name__ == "__main__":
    import jax
    _d = setup_inputs()
    print(jax.jit(kernel)(*tuple(_d.values())))

</pallas_src>

<mosaic_0001>
#map = affine_map<(d0, d1) -> (0, 0)>
#map1 = affine_map<(d0, d1) -> (0, 0, 0)>
module attributes {stable_mosaic.version = 14 : i64} {
  func.func @body(%arg0: i32, %arg1: i32, %arg2: memref<10240x128xf32, #tpu.memory_space<hbm>>, %arg3: memref<32x81x128xi32, #tpu.memory_space<hbm>>, %arg4: memref<32x81x128xi32, #tpu.memory_space<hbm>>, %arg5: memref<2x10240x128xf32, #tpu.memory_space<hbm>>, %arg6: memref<4x128xi32, #tpu.memory_space<vmem>>, %arg7: memref<4x128xi32, #tpu.memory_space<vmem>>, %arg8: memref<128x128xf32, #tpu.memory_space<vmem>>, %arg9: memref<128x128xf32, #tpu.memory_space<vmem>>, %arg10: memref<128x128xf32, #tpu.memory_space<vmem>>, %arg11: memref<10112x128xf32, #tpu.memory_space<vmem_shared>>, %arg12: memref<!tpu.dma_semaphore, #tpu.memory_space<semaphore_mem>>, %arg13: memref<!tpu.dma_semaphore, #tpu.memory_space<semaphore_mem>>, %arg14: memref<!tpu.dma_semaphore, #tpu.memory_space<semaphore_mem>>, %arg15: memref<!tpu.dma_semaphore, #tpu.memory_space<semaphore_mem>>, %arg16: memref<!tpu.dma_semaphore, #tpu.memory_space<semaphore_mem>>) attributes {dimension_semantics = [#tpu.dimension_semantics<core_parallel>, #tpu.dimension_semantics<subcore_parallel>], iteration_bounds = array<i64: 2, 16>, scalar_prefetch = 0 : i64, scratch_operands = 11 : i64, tpu.core_type = #tpu.core_type<sc_vector_subcore>, window_params = [{transform_indices = #map}, {transform_indices = #map1}, {transform_indices = #map1}, {transform_indices = #map1}]} {
    %mul3A = arith.constant 2 : i32
    %mul3A_0 = arith.muli %arg1, %mul3A : i32
    %add3A = arith.addi %mul3A_0, %arg0 : i32
    %scan3A = arith.constant 0 : i32
    %scan3A_1 = arith.constant 0 : i32
    %scan3A_2 = arith.constant 128 : i32
    %scan3A_3 = arith.addi %scan3A_1, %scan3A_2 : i32
    %scan3A_4 = arith.constant 1 : i32
    scf.for %scan3A_242 = %scan3A_1 to %scan3A_3 step %scan3A_4  : i32 {
      %broadcast_in_dim3A = arith.constant 0.000000e+00 : f32
      %broadcast_in_dim3A_243 = vector.broadcast %broadcast_in_dim3A : f32 to vector<16xf32>
      %swap3A = arith.index_cast %scan3A_242 : i32 to index
      %swap3A_244 = arith.constant 0 : index
      %swap3A_245 = tpu.vector_load %arg8[%swap3A, %swap3A_244] {strides = array<i32>} : memref<128x128xf32, #tpu.memory_space<vmem>>, vector<1x16xf32>,
      %swap3A_246 = vector.shape_cast %swap3A_245 : vector<1x16xf32> to vector<16xf32>
      %swap3A_247 = vector.shape_cast %broadcast_in_dim3A_243 : vector<16xf32> to vector<1x16xf32>
      tpu.vector_store %arg8[%swap3A, %swap3A_244], %swap3A_247 {strides = array<i32>} : memref<128x128xf32, #tpu.memory_space<vmem>>, vector<1x16xf32>,
      %broadcast_in_dim3A_248 = arith.constant 0.000000e+00 : f32
      %broadcast_in_dim3A_249 = vector.broadcast %broadcast_in_dim3A_248 : f32 to vector<16xf32>
      %swap3A_250 = arith.index_cast %scan3A_242 : i32 to index
      %swap3A_251 = arith.constant 16 : index
      %swap3A_252 = tpu.vector_load %arg8[%swap3A_250, %swap3A_251] {strides = array<i32>} : memref<128x128xf32, #tpu.memory_space<vmem>>, vector<1x16xf32>,
      %swap3A_253 = vector.shape_cast %swap3A_252 : vector<1x16xf32> to vector<16xf32>
      %swap3A_254 = vector.shape_cast %broadcast_in_dim3A_249 : vector<16xf32> to vector<1x16xf32>
      tpu.vector_store %arg8[%swap3A_250, %swap3A_251], %swap3A_254 {strides = array<i32>} : memref<128x128xf32, #tpu.memory_space<vmem>>, vector<1x16xf32>,
      %broadcast_in_dim3A_255 = arith.constant 0.000000e+00 : f32
      %broadcast_in_dim3A_256 = vector.broadcast %broadcast_in_dim3A_255 : f32 to vector<16xf32>
      %swap3A_257 = arith.index_cast %scan3A_242 : i32 to index
      %swap3A_258 = arith.constant 32 : index
      %swap3A_259 = tpu.vector_load %arg8[%swap3A_257, %swap3A_258] {strides = array<i32>} : memref<128x128xf32, #tpu.memory_space<vmem>>, vector<1x16xf32>,
      %swap3A_260 = vector.shape_cast %swap3A_259 : vector<1x16xf32> to vector<16xf32>
      %swap3A_261 = vector.shape_cast %broadcast_in_dim3A_256 : vector<16xf32> to vector<1x16xf32>
      tpu.vector_store %arg8[%swap3A_257, %swap3A_258], %swap3A_261 {strides = array<i32>} : memref<128x128xf32, #tpu.memory_space<vmem>>, vector<1x16xf32>,
      %broadcast_in_dim3A_262 = arith.constant 0.000000e+00 : f32
      %broadcast_in_dim3A_263 = vector.broadcast %broadcast_in_dim3A_262 : f32 to vector<16xf32>
      %swap3A_264 = arith.index_cast %scan3A_242 : i32 to index
      %swap3A_265 = arith.constant 48 : index
      %swap3A_266 = tpu.vector_load %arg8[%swap3A_264, %swap3A_265] {strides = array<i32>} : memref<128x128xf32, #tpu.memory_space<vmem>>, vector<1x16xf32>,
      %swap3A_267 = vector.shape_cast %swap3A_266 : vector<1x16xf32> to vector<16xf32>
      %swap3A_268 = vector.shape_cast %broadcast_in_dim3A_263 : vector<16xf32> to vector<1x16xf32>
      tpu.vector_store %arg8[%swap3A_264, %swap3A_265], %swap3A_268 {strides = array<i32>} : memref<128x128xf32, #tpu.memory_space<vmem>>, vector<1x16xf32>,
      %broadcast_in_dim3A_269 = arith.constant 0.000000e+00 : f32
      %broadcast_in_dim3A_270 = vector.broadcast %broadcast_in_dim3A_269 : f32 to vector<16xf32>
      %swap3A_271 = arith.index_cast %scan3A_242 : i32 to index
      %swap3A_272 = arith.constant 64 : index
      %swap3A_273 = tpu.vector_load %arg8[%swap3A_271, %swap3A_272] {strides = array<i32>} : memref<128x128xf32, #tpu.memory_space<vmem>>, vector<1x16xf32>,
      %swap3A_274 = vector.shape_cast %swap3A_273 : vector<1x16xf32> to vector<16xf32>
      %swap3A_275 = vector.shape_cast %broadcast_in_dim3A_270 : vector<16xf32> to vector<1x16xf32>
      tpu.vector_store %arg8[%swap3A_271, %swap3A_272], %swap3A_275 {strides = array<i32>} : memref<128x128xf32, #tpu.memory_space<vmem>>, vector<1x16xf32>,
      %broadcast_in_dim3A_276 = arith.constant 0.000000e+00 : f32
      %broadcast_in_dim3A_277 = vector.broadcast %broadcast_in_dim3A_276 : f32 to vector<16xf32>
      %swap3A_278 = arith.index_cast %scan3A_242 : i32 to index
      %swap3A_279 = arith.constant 80 : index
      %swap3A_280 = tpu.vector_load %arg8[%swap3A_278, %swap3A_279] {strides = array<i32>} : memref<128x128xf32, #tpu.memory_space<vmem>>, vector<1x16xf32>,
      %swap3A_281 = vector.shape_cast %swap3A_280 : vector<1x16xf32> to vector<16xf32>
      %swap3A_282 = vector.shape_cast %broadcast_in_dim3A_277 : vector<16xf32> to vector<1x16xf32>
      tpu.vector_store %arg8[%swap3A_278, %swap3A_279], %swap3A_282 {strides = array<i32>} : memref<128x128xf32, #tpu.memory_space<vmem>>, vector<1x16xf32>,
      %broadcast_in_dim3A_283 = arith.constant 0.000000e+00 : f32
      %broadcast_in_dim3A_284 = vector.broadcast %broadcast_in_dim3A_283 : f32 to vector<16xf32>
      %swap3A_285 = arith.index_cast %scan3A_242 : i32 to index
      %swap3A_286 = arith.constant 96 : index
      %swap3A_287 = tpu.vector_load %arg8[%swap3A_285, %swap3A_286] {strides = array<i32>} : memref<128x128xf32, #tpu.memory_space<vmem>>, vector<1x16xf32>,
      %swap3A_288 = vector.shape_cast %swap3A_287 : vector<1x16xf32> to vector<16xf32>
      %swap3A_289 = vector.shape_cast %broadcast_in_dim3A_284 : vector<16xf32> to vector<1x16xf32>
      tpu.vector_store %arg8[%swap3A_285, %swap3A_286], %swap3A_289 {strides = array<i32>} : memref<128x128xf32, #tpu.memory_space<vmem>>, vector<1x16xf32>,
      %broadcast_in_dim3A_290 = arith.constant 0.000000e+00 : f32
      %broadcast_in_dim3A_291 = vector.broadcast %broadcast_in_dim3A_290 : f32 to vector<16xf32>
      %swap3A_292 = arith.index_cast %scan3A_242 : i32 to index
      %swap3A_293 = arith.constant 112 : index
      %swap3A_294 = tpu.vector_load %arg8[%swap3A_292, %swap3A_293] {strides = array<i32>} : memref<128x128xf32, #tpu.memory_space<vmem>>, vector<1x16xf32>,
      %swap3A_295 = vector.shape_cast %swap3A_294 : vector<1x16xf32> to vector<16xf32>
      %swap3A_296 = vector.shape_cast %broadcast_in_dim3A_291 : vector<16xf32> to vector<1x16xf32>
      tpu.vector_store %arg8[%swap3A_292, %swap3A_293], %swap3A_296 {strides = array<i32>} : memref<128x128xf32, #tpu.memory_space<vmem>>, vector<1x16xf32>,
    }
    %scan3A_5 = arith.constant 128 : i32
    %mul3A_6 = arith.constant 632 : i32
    %mul3A_7 = arith.muli %arg1, %mul3A_6 : i32
    %add3A_8 = arith.constant 0 : i32
    %add3A_9 = arith.addi %mul3A_7, %add3A_8 : i32
    "tpu.region"() ({
      %run_scoped3A_242 = tpu.sem_alloc : memref<!tpu.dma_semaphore, #tpu.memory_space<semaphore_mem>>
      %dma_start3A_243 = arith.constant 0 : i32
      %dma_start3A_244 = arith.constant 0 : i32
      %dma_start3A_245 = tpu.memref_slice %arg8[%dma_start3A_243, %dma_start3A_244] : memref<128x128xf32, #tpu.memory_space<vmem>> -> memref<128x128xf32, #tpu.memory_space<vmem>>
      %dma_start3A_246 = arith.constant 0 : i32
      %dma_start3A_247 = tpu.memref_slice %arg11[%add3A_9, %dma_start3A_246] : memref<10112x128xf32, #tpu.memory_space<vmem_shared>> -> memref<128x128xf32, #tpu.memory_space<vmem_shared>>
      %dma_start3A_248 = arith.constant 0 : i32
      %dma_start3A_249 = tpu.memref_slice %arg11[%add3A_9, %dma_start3A_248] : memref<10112x128xf32, #tpu.memory_space<vmem_shared>> -> memref<128x128xf32, #tpu.memory_space<vmem_shared>>
      %dma_start3A_250 = arith.constant 0 : i32
      %dma_start3A_251 = arith.constant 0 : i32
      %dma_start3A_252 = tpu.memref_slice %arg8[%dma_start3A_250, %dma_start3A_251] : memref<128x128xf32, #tpu.memory_space<vmem>> -> memref<128x128xf32, #tpu.memory_space<vmem>>
      tpu.enqueue_dma source(%dma_start3A_252 : memref<128x128xf32, #tpu.memory_space<vmem>>) target(%dma_start3A_249 : memref<128x128xf32, #tpu.memory_space<vmem_shared>>) target_semaphore(%run_scoped3A_242 : memref<!tpu.dma_semaphore, #tpu.memory_space<semaphore_mem>>)
      %dma_wait3A_253 = arith.constant 0 : i32
      %dma_wait3A_254 = arith.constant 0 : i32
      %dma_wait3A_255 = tpu.memref_slice %arg8[%dma_wait3A_253, %dma_wait3A_254] : memref<128x128xf32, #tpu.memory_space<vmem>> -> memref<128x128xf32, #tpu.memory_space<vmem>>
      %dma_wait3A_256 = arith.constant 0 : i32
      %dma_wait3A_257 = tpu.memref_slice %arg11[%add3A_9, %dma_wait3A_256] : memref<10112x128xf32, #tpu.memory_space<vmem_shared>> -> memref<128x128xf32, #tpu.memory_space<vmem_shared>>
      %dma_wait3A_258 = arith.constant 0 : i32
      %dma_wait3A_259 = tpu.memref_slice %arg11[%add3A_9, %dma_wait3A_258] : memref<10112x128xf32, #tpu.memory_space<vmem_shared>> -> memref<128x128xf32, #tpu.memory_space<vmem_shared>>
      %dma_wait3A_260 = arith.constant 0 : i32
      %dma_wait3A_261 = arith.constant 0 : i32
      %dma_wait3A_262 = tpu.memref_slice %arg8[%dma_wait3A_260, %dma_wait3A_261] : memref<128x128xf32, #tpu.memory_space<vmem>> -> memref<128x128xf32, #tpu.memory_space<vmem>>
      tpu.wait_dma2 semaphore(%run_scoped3A_242 : memref<!tpu.dma_semaphore, #tpu.memory_space<semaphore_mem>>) src(%dma_wait3A_262 : memref<128x128xf32, #tpu.memory_space<vmem>>) dst(%dma_wait3A_259 : memref<128x128xf32, #tpu.memory_space<vmem_shared>>)
      tpu.yield
    }) : () -> ()
    %mul3A_10 = arith.constant 632 : i32
    %mul3A_11 = arith.muli %arg1, %mul3A_10 : i32
    %add3A_12 = arith.constant 128 : i32
    %add3A_13 = arith.addi %mul3A_11, %add3A_12 : i32
    "tpu.region"() ({
      %run_scoped3A_242 = tpu.sem_alloc : memref<!tpu.dma_semaphore, #tpu.memory_space<semaphore_mem>>
      %dma_start3A_243 = arith.constant 0 : i32
      %dma_start3A_244 = arith.constant 0 : i32
      %dma_start3A_245 = tpu.memref_slice %arg8[%dma_start3A_243, %dma_start3A_244] : memref<128x128xf32, #tpu.memory_space<vmem>> -> memref<128x128xf32, #tpu.memory_space<vmem>>
      %dma_start3A_246 = arith.constant 0 : i32
      %dma_start3A_247 = tpu.memref_slice %arg11[%add3A_13, %dma_start3A_246] : memref<10112x128xf32, #tpu.memory_space<vmem_shared>> -> memref<128x128xf32, #tpu.memory_space<vmem_shared>>
      %dma_start3A_248 = arith.constant 0 : i32
      %dma_start3A_249 = tpu.memref_slice %arg11[%add3A_13, %dma_start3A_248] : memref<10112x128xf32, #tpu.memory_space<vmem_shared>> -> memref<128x128xf32, #tpu.memory_space<vmem_shared>>
      %dma_start3A_250 = arith.constant 0 : i32
      %dma_start3A_251 = arith.constant 0 : i32
      %dma_start3A_252 = tpu.memref_slice %arg8[%dma_start3A_250, %dma_start3A_251] : memref<128x128xf32, #tpu.memory_space<vmem>> -> memref<128x128xf32, #tpu.memory_space<vmem>>
      tpu.enqueue_dma source(%dma_start3A_252 : memref<128x128xf32, #tpu.memory_space<vmem>>) target(%dma_start3A_249 : memref<128x128xf32, #tpu.memory_space<vmem_shared>>) target_semaphore(%run_scoped3A_242 : memref<!tpu.dma_semaphore, #tpu.memory_space<semaphore_mem>>)
      %dma_wait3A_253 = arith.constant 0 : i32
      %dma_wait3A_254 = arith.constant 0 : i32
      %dma_wait3A_255 = tpu.memref_slice %arg8[%dma_wait3A_253, %dma_wait3A_254] : memref<128x128xf32, #tpu.memory_space<vmem>> -> memref<128x128xf32, #tpu.memory_space<vmem>>
      %dma_wait3A_256 = arith.constant 0 : i32
      %dma_wait3A_257 = tpu.memref_slice %arg11[%add3A_13, %dma_wait3A_256] : memref<10112x128xf32, #tpu.memory_space<vmem_shared>> -> memref<128x128xf32, #tpu.memory_space<vmem_shared>>
      %dma_wait3A_258 = arith.constant 0 : i32
      %dma_wait3A_259 = tpu.memref_slice %arg11[%add3A_13, %dma_wait3A_258] : memref<10112x128xf32, #tpu.memory_space<vmem_shared>> -> memref<128x128xf32, #tpu.memory_space<vmem_shared>>
      %dma_wait3A_260 = arith.constant 0 : i32
      %dma_wait3A_261 = arith.constant 0 : i32
      %dma_wait3A_262 = tpu.memref_slice %arg8[%dma_wait3A_260, %dma_wait3A_261] : memref<128x128xf32, #tpu.memory_space<vmem>> -> memref<128x128xf32, #tpu.memory_space<vmem>>
      tpu.wait_dma2 semaphore(%run_scoped3A_242 : memref<!tpu.dma_semaphore, #tpu.memory_space<semaphore_mem>>) src(%dma_wait3A_262 : memref<128x128xf32, #tpu.memory_space<vmem>>) dst(%dma_wait3A_259 : memref<128x128xf32, #tpu.memory_space<vmem_shared>>)
      tpu.yield
    }) : () -> ()
    %mul3A_14 = arith.constant 632 : i32
    %mul3A_15 = arith.muli %arg1, %mul3A_14 : i32
    %add3A_16 = arith.constant 256 : i32
    %add3A_17 = arith.addi %mul3A_15, %add3A_16 : i32
    "tpu.region"() ({
      %run_scoped3A_242 = tpu.sem_alloc : memref<!tpu.dma_semaphore, #tpu.memory_space<semaphore_mem>>
      %dma_start3A_243 = arith.constant 0 : i32
      %dma_start3A_244 = arith.constant 0 : i32
      %dma_start3A_245 = tpu.memref_slice %arg8[%dma_start3A_243, %dma_start3A_244] : memref<128x128xf32, #tpu.memory_space<vmem>> -> memref<128x128xf32, #tpu.memory_space<vmem>>
      %dma_start3A_246 = arith.constant 0 : i32
      %dma_start3A_247 = tpu.memref_slice %arg11[%add3A_17, %dma_start3A_246] : memref<10112x128xf32, #tpu.memory_space<vmem_shared>> -> memref<128x128xf32, #tpu.memory_space<vmem_shared>>
      %dma_start3A_248 = arith.constant 0 : i32
      %dma_start3A_249 = tpu.memref_slice %arg11[%add3A_17, %dma_start3A_248] : memref<10112x128xf32, #tpu.memory_space<vmem_shared>> -> memref<128x128xf32, #tpu.memory_space<vmem_shared>>
      %dma_start3A_250 = arith.constant 0 : i32
      %dma_start3A_251 = arith.constant 0 : i32
      %dma_start3A_252 = tpu.memref_slice %arg8[%dma_start3A_250, %dma_start3A_251] : memref<128x128xf32, #tpu.memory_space<vmem>> -> memref<128x128xf32, #tpu.memory_space<vmem>>
      tpu.enqueue_dma source(%dma_start3A_252 : memref<128x128xf32, #tpu.memory_space<vmem>>) target(%dma_start3A_249 : memref<128x128xf32, #tpu.memory_space<vmem_shared>>) target_semaphore(%run_scoped3A_242 : memref<!tpu.dma_semaphore, #tpu.memory_space<semaphore_mem>>)
      %dma_wait3A_253 = arith.constant 0 : i32
      %dma_wait3A_254 = arith.constant 0 : i32
      %dma_wait3A_255 = tpu.memref_slice %arg8[%dma_wait3A_253, %dma_wait3A_254] : memref<128x128xf32, #tpu.memory_space<vmem>> -> memref<128x128xf32, #tpu.memory_space<vmem>>
      %dma_wait3A_256 = arith.constant 0 : i32
      %dma_wait3A_257 = tpu.memref_slice %arg11[%add3A_17, %dma_wait3A_256] : memref<10112x128xf32, #tpu.memory_space<vmem_shared>> -> memref<128x128xf32, #tpu.memory_space<vmem_shared>>
      %dma_wait3A_258 = arith.constant 0 : i32
      %dma_wait3A_259 = tpu.memref_slice %arg11[%add3A_17, %dma_wait3A_258] : memref<10112x128xf32, #tpu.memory_space<vmem_shared>> -> memref<128x128xf32, #tpu.memory_space<vmem_shared>>
      %dma_wait3A_260 = arith.constant 0 : i32
      %dma_wait3A_261 = arith.constant 0 : i32
      %dma_wait3A_262 = tpu.memref_slice %arg8[%dma_wait3A_260, %dma_wait3A_261] : memref<128x128xf32, #tpu.memory_space<vmem>> -> memref<128x128xf32, #tpu.memory_space<vmem>>
      tpu.wait_dma2 semaphore(%run_scoped3A_242 : memref<!tpu.dma_semaphore, #tpu.memory_space<semaphore_mem>>) src(%dma_wait3A_262 : memref<128x128xf32, #tpu.memory_space<vmem>>) dst(%dma_wait3A_259 : memref<128x128xf32, #tpu.memory_space<vmem_shared>>)
      tpu.yield
    }) : () -> ()
    %mul3A_18 = arith.constant 632 : i32
    %mul3A_19 = arith.muli %arg1, %mul3A_18 : i32
    %add3A_20 = arith.constant 384 : i32
    %add3A_21 = arith.addi %mul3A_19, %add3A_20 : i32
    "tpu.region"() ({
      %run_scoped3A_242 = tpu.sem_alloc : memref<!tpu.dma_semaphore, #tpu.memory_space<semaphore_mem>>
      %dma_start3A_243 = arith.constant 0 : i32
      %dma_start3A_244 = arith.constant 0 : i32
      %dma_start3A_245 = tpu.memref_slice %arg8[%dma_start3A_243, %dma_start3A_244] : memref<128x128xf32, #tpu.memory_space<vmem>> -> memref<128x128xf32, #tpu.memory_space<vmem>>
      %dma_start3A_246 = arith.constant 0 : i32
      %dma_start3A_247 = tpu.memref_slice %arg11[%add3A_21, %dma_start3A_246] : memref<10112x128xf32, #tpu.memory_space<vmem_shared>> -> memref<128x128xf32, #tpu.memory_space<vmem_shared>>
      %dma_start3A_248 = arith.constant 0 : i32
      %dma_start3A_249 = tpu.memref_slice %arg11[%add3A_21, %dma_start3A_248] : memref<10112x128xf32, #tpu.memory_space<vmem_shared>> -> memref<128x128xf32, #tpu.memory_space<vmem_shared>>
      %dma_start3A_250 = arith.constant 0 : i32
      %dma_start3A_251 = arith.constant 0 : i32
      %dma_start3A_252 = tpu.memref_slice %arg8[%dma_start3A_250, %dma_start3A_251] : memref<128x128xf32, #tpu.memory_space<vmem>> -> memref<128x128xf32, #tpu.memory_space<vmem>>
      tpu.enqueue_dma source(%dma_start3A_252 : memref<128x128xf32, #tpu.memory_space<vmem>>) target(%dma_start3A_249 : memref<128x128xf32, #tpu.memory_space<vmem_shared>>) target_semaphore(%run_scoped3A_242 : memref<!tpu.dma_semaphore, #tpu.memory_space<semaphore_mem>>)
      %dma_wait3A_253 = arith.constant 0 : i32
      %dma_wait3A_254 = arith.constant 0 : i32
      %dma_wait3A_255 = tpu.memref_slice %arg8[%dma_wait3A_253, %dma_wait3A_254] : memref<128x128xf32, #tpu.memory_space<vmem>> -> memref<128x128xf32, #tpu.memory_space<vmem>>
      %dma_wait3A_256 = arith.constant 0 : i32
      %dma_wait3A_257 = tpu.memref_slice %arg11[%add3A_21, %dma_wait3A_256] : memref<10112x128xf32, #tpu.memory_space<vmem_shared>> -> memref<128x128xf32, #tpu.memory_space<vmem_shared>>
      %dma_wait3A_258 = arith.constant 0 : i32
      %dma_wait3A_259 = tpu.memref_slice %arg11[%add3A_21, %dma_wait3A_258] : memref<10112x128xf32, #tpu.memory_space<vmem_shared>> -> memref<128x128xf32, #tpu.memory_space<vmem_shared>>
      %dma_wait3A_260 = arith.constant 0 : i32
      %dma_wait3A_261 = arith.constant 0 : i32
      %dma_wait3A_262 = tpu.memref_slice %arg8[%dma_wait3A_260, %dma_wait3A_261] : memref<128x128xf32, #tpu.memory_space<vmem>> -> memref<128x128xf32, #tpu.memory_space<vmem>>
      tpu.wait_dma2 semaphore(%run_scoped3A_242 : memref<!tpu.dma_semaphore, #tpu.memory_space<semaphore_mem>>) src(%dma_wait3A_262 : memref<128x128xf32, #tpu.memory_space<vmem>>) dst(%dma_wait3A_259 : memref<128x128xf32, #tpu.memory_space<vmem_shared>>)
      tpu.yield
    }) : () -> ()
    %mul3A_22 = arith.constant 632 : i32
    %mul3A_23 = arith.muli %arg1, %mul3A_22 : i32
    %add3A_24 = arith.constant 512 : i32
    %add3A_25 = arith.addi %mul3A_23, %add3A_24 : i32
    "tpu.region"() ({
      %run_scoped3A_242 = tpu.sem_alloc : memref<!tpu.dma_semaphore, #tpu.memory_space<semaphore_mem>>
      %dma_start3A_243 = arith.constant 0 : i32
      %dma_start3A_244 = arith.constant 0 : i32
      %dma_start3A_245 = tpu.memref_slice %arg8[%dma_start3A_243, %dma_start3A_244] : memref<128x128xf32, #tpu.memory_space<vmem>> -> memref<120x128xf32, #tpu.memory_space<vmem>>
      %dma_start3A_246 = arith.constant 0 : i32
      %dma_start3A_247 = tpu.memref_slice %arg11[%add3A_25, %dma_start3A_246] : memref<10112x128xf32, #tpu.memory_space<vmem_shared>> -> memref<120x128xf32, #tpu.memory_space<vmem_shared>>
      %dma_start3A_248 = arith.constant 0 : i32
      %dma_start3A_249 = tpu.memref_slice %arg11[%add3A_25, %dma_start3A_248] : memref<10112x128xf32, #tpu.memory_space<vmem_shared>> -> memref<120x128xf32, #tpu.memory_space<vmem_shared>>
      %dma_start3A_250 = arith.constant 0 : i32
      %dma_start3A_251 = arith.constant 0 : i32
      %dma_start3A_252 = tpu.memref_slice %arg8[%dma_start3A_250, %dma_start3A_251] : memref<128x128xf32, #tpu.memory_space<vmem>> -> memref<120x128xf32, #tpu.memory_space<vmem>>
      tpu.enqueue_dma source(%dma_start3A_252 : memref<120x128xf32, #tpu.memory_space<vmem>>) target(%dma_start3A_249 : memref<120x128xf32, #tpu.memory_space<vmem_shared>>) target_semaphore(%run_scoped3A_242 : memref<!tpu.dma_semaphore, #tpu.memory_space<semaphore_mem>>)
      %dma_wait3A_253 = arith.constant 0 : i32
      %dma_wait3A_254 = arith.constant 0 : i32
      %dma_wait3A_255 = tpu.memref_slice %arg8[%dma_wait3A_253, %dma_wait3A_254] : memref<128x128xf32, #tpu.memory_space<vmem>> -> memref<120x128xf32, #tpu.memory_space<vmem>>
      %dma_wait3A_256 = arith.constant 0 : i32
      %dma_wait3A_257 = tpu.memref_slice %arg11[%add3A_25, %dma_wait3A_256] : memref<10112x128xf32, #tpu.memory_space<vmem_shared>> -> memref<120x128xf32, #tpu.memory_space<vmem_shared>>
      %dma_wait3A_258 = arith.constant 0 : i32
      %dma_wait3A_259 = tpu.memref_slice %arg11[%add3A_25, %dma_wait3A_258] : memref<10112x128xf32, #tpu.memory_space<vmem_shared>> -> memref<120x128xf32, #tpu.memory_space<vmem_shared>>
      %dma_wait3A_260 = arith.constant 0 : i32
      %dma_wait3A_261 = arith.constant 0 : i32
      %dma_wait3A_262 = tpu.memref_slice %arg8[%dma_wait3A_260, %dma_wait3A_261] : memref<128x128xf32, #tpu.memory_space<vmem>> -> memref<120x128xf32, #tpu.memory_space<vmem>>
      tpu.wait_dma2 semaphore(%run_scoped3A_242 : memref<!tpu.dma_semaphore, #tpu.memory_space<semaphore_mem>>) src(%dma_wait3A_262 : memref<120x128xf32, #tpu.memory_space<vmem>>) dst(%dma_wait3A_259 : memref<120x128xf32, #tpu.memory_space<vmem_shared>>)
      tpu.yield
    }) : () -> ()
    %eq3A = arith.constant 0 : i32
    %eq3A_26 = arith.cmpi eq, %arg1, %eq3A : i32
    %convert_element_type3A = arith.extui %eq3A_26 : i1 to i32
    %cond3A = arith.constant 0 : i32
    %cond3A_27 = arith.cmpi ne, %convert_element_type3A, %cond3A : i32
    scf.if %cond3A_27 {
      "tpu.region"() ({
        %run_scoped3A_242 = tpu.sem_alloc : memref<!tpu.dma_semaphore, #tpu.memory_space<semaphore_mem>>
        %dma_start3A_243 = arith.constant 10112 : i32
        %dma_start3A_244 = arith.constant 0 : i32
        %dma_start3A_245 = tpu.memref_slice %arg5[%arg0, %dma_start3A_243, %dma_start3A_244] : memref<2x10240x128xf32, #tpu.memory_space<hbm>> -> memref<1x128x128xf32, #tpu.memory_space<hbm>>
        %dma_start3A_246 = tpu.memref_squeeze %dma_start3A_245 : memref<1x128x128xf32, #tpu.memory_space<hbm>> -> memref<128x128xf32, #tpu.memory_space<hbm>>
        %dma_start3A_247 = arith.constant 10112 : i32
        %dma_start3A_248 = arith.constant 0 : i32
        %dma_start3A_249 = tpu.memref_slice %arg5[%arg0, %dma_start3A_247, %dma_start3A_248] : memref<2x10240x128xf32, #tpu.memory_space<hbm>> -> memref<1x128x128xf32, #tpu.memory_space<hbm>>
        %dma_start3A_250 = tpu.memref_squeeze %dma_start3A_249 : memref<1x128x128xf32, #tpu.memory_space<hbm>> -> memref<128x128xf32, #tpu.memory_space<hbm>>
        tpu.enqueue_dma source(%arg8 : memref<128x128xf32, #tpu.memory_space<vmem>>) target(%dma_start3A_250 : memref<128x128xf32, #tpu.memory_space<hbm>>) target_semaphore(%run_scoped3A_242 : memref<!tpu.dma_semaphore, #tpu.memory_space<semaphore_mem>>)
        %dma_wait3A_251 = arith.constant 10112 : i32
        %dma_wait3A_252 = arith.constant 0 : i32
        %dma_wait3A_253 = tpu.memref_slice %arg5[%arg0, %dma_wait3A_251, %dma_wait3A_252] : memref<2x10240x128xf32, #tpu.memory_space<hbm>> -> memref<1x128x128xf32, #tpu.memory_space<hbm>>
        %dma_wait3A_254 = tpu.memref_squeeze %dma_wait3A_253 : memref<1x128x128xf32, #tpu.memory_space<hbm>> -> memref<128x128xf32, #tpu.memory_space<hbm>>
        %dma_wait3A_255 = arith.constant 10112 : i32
        %dma_wait3A_256 = arith.constant 0 : i32
        %dma_wait3A_257 = tpu.memref_slice %arg5[%arg0, %dma_wait3A_255, %dma_wait3A_256] : memref<2x10240x128xf32, #tpu.memory_space<hbm>> -> memref<1x128x128xf32, #tpu.memory_space<hbm>>
        %dma_wait3A_258 = tpu.memref_squeeze %dma_wait3A_257 : memref<1x128x128xf32, #tpu.memory_space<hbm>> -> memref<128x128xf32, #tpu.memory_space<hbm>>
        tpu.wait_dma2 semaphore(%run_scoped3A_242 : memref<!tpu.dma_semaphore, #tpu.memory_space<semaphore_mem>>) src(%arg8 : memref<128x128xf32, #tpu.memory_space<vmem>>) dst(%dma_wait3A_258 : memref<128x128xf32, #tpu.memory_space<hbm>>)
        tpu.yield
      }) : () -> ()
    } else {
    }
    %barrier3A = arith.constant 0 : index
    tpu.barrier barrier_id(%barrier3A)
    %run_scoped3A = arith.constant 0 : i32
    %run_scoped3A_28 = arith.constant 0 : i32
    "tpu.region"() ({
      %run_scoped3A_242 = tpu.sem_alloc : memref<!tpu.dma_semaphore, #tpu.memory_space<semaphore_mem>>
      %dma_start3A_243 = arith.constant 0 : i32
      %dma_start3A_244 = tpu.memref_slice %arg6[%run_scoped3A_28, %dma_start3A_243] : memref<4x128xi32, #tpu.memory_space<vmem>> -> memref<1x128xi32, #tpu.memory_space<vmem>>
      %dma_start3A_245 = tpu.memref_squeeze %dma_start3A_244 : memref<1x128xi32, #tpu.memory_space<vmem>> -> memref<128xi32, #tpu.memory_space<vmem>>
      %dma_start3A_246 = arith.constant 0 : i32
      %dma_start3A_247 = tpu.memref_slice %arg3[%add3A, %run_scoped3A, %dma_start3A_246] : memref<32x81x128xi32, #tpu.memory_space<hbm>> -> memref<1x1x128xi32, #tpu.memory_space<hbm>>
      %dma_start3A_248 = tpu.memref_squeeze %dma_start3A_247 : memref<1x1x128xi32, #tpu.memory_space<hbm>> -> memref<128xi32, #tpu.memory_space<hbm>>
      %dma_start3A_249 = arith.constant 0 : i32
      %dma_start3A_250 = tpu.memref_slice %arg6[%run_scoped3A_28, %dma_start3A_249] : memref<4x128xi32, #tpu.memory_space<vmem>> -> memref<1x128xi32, #tpu.memory_space<vmem>>
      %dma_start3A_251 = tpu.memref_squeeze %dma_start3A_250 : memref<1x128xi32, #tpu.memory_space<vmem>> -> memref<128xi32, #tpu.memory_space<vmem>>
      %dma_start3A_252 = arith.constant 0 : i32
      %dma_start3A_253 = tpu.memref_slice %arg3[%add3A, %run_scoped3A, %dma_start3A_252] : memref<32x81x128xi32, #tpu.memory_space<hbm>> -> memref<1x1x128xi32, #tpu.memory_space<hbm>>
      %dma_start3A_254 = tpu.memref_squeeze %dma_start3A_253 : memref<1x1x128xi32, #tpu.memory_space<hbm>> -> memref<128xi32, #tpu.memory_space<hbm>>
      tpu.enqueue_dma source(%dma_start3A_254 : memref<128xi32, #tpu.memory_space<hbm>>) target(%dma_start3A_251 : memref<128xi32, #tpu.memory_space<vmem>>) target_semaphore(%run_scoped3A_242 : memref<!tpu.dma_semaphore, #tpu.memory_space<semaphore_mem>>)
      %dma_wait3A_255 = arith.constant 0 : i32
      %dma_wait3A_256 = tpu.memref_slice %arg6[%run_scoped3A_28, %dma_wait3A_255] : memref<4x128xi32, #tpu.memory_space<vmem>> -> memref<1x128xi32, #tpu.memory_space<vmem>>
      %dma_wait3A_257 = tpu.memref_squeeze %dma_wait3A_256 : memref<1x128xi32, #tpu.memory_space<vmem>> -> memref<128xi32, #tpu.memory_space<vmem>>
      %dma_wait3A_258 = arith.constant 0 : i32
      %dma_wait3A_259 = tpu.memref_slice %arg3[%add3A, %run_scoped3A, %dma_wait3A_258] : memref<32x81x128xi32, #tpu.memory_space<hbm>> -> memref<1x1x128xi32, #tpu.memory_space<hbm>>
      %dma_wait3A_260 = tpu.memref_squeeze %dma_wait3A_259 : memref<1x1x128xi32, #tpu.memory_space<hbm>> -> memref<128xi32, #tpu.memory_space<hbm>>
      %dma_wait3A_261 = arith.constant 0 : i32
      %dma_wait3A_262 = tpu.memref_slice %arg6[%run_scoped3A_28, %dma_wait3A_261] : memref<4x128xi32, #tpu.memory_space<vmem>> -> memref<1x128xi32, #tpu.memory_space<vmem>>
      %dma_wait3A_263 = tpu.memref_squeeze %dma_wait3A_262 : memref<1x128xi32, #tpu.memory_space<vmem>> -> memref<128xi32, #tpu.memory_space<vmem>>
      %dma_wait3A_264 = arith.constant 0 : i32
      %dma_wait3A_265 = tpu.memref_slice %arg3[%add3A, %run_scoped3A, %dma_wait3A_264] : memref<32x81x128xi32, #tpu.memory_space<hbm>> -> memref<1x1x128xi32, #tpu.memory_space<hbm>>
      %dma_wait3A_266 = tpu.memref_squeeze %dma_wait3A_265 : memref<1x1x128xi32, #tpu.memory_space<hbm>> -> memref<128xi32, #tpu.memory_space<hbm>>
      tpu.wait_dma2 semaphore(%run_scoped3A_242 : memref<!tpu.dma_semaphore, #tpu.memory_space<semaphore_mem>>) src(%dma_wait3A_266 : memref<128xi32, #tpu.memory_space<hbm>>) dst(%dma_wait3A_263 : memref<128xi32, #tpu.memory_space<vmem>>)
      tpu.yield
    }) : () -> ()
    %run_scoped3A_29 = arith.constant 0 : i32
    %run_scoped3A_30 = arith.constant 0 : i32
    "tpu.region"() ({
      %run_scoped3A_242 = tpu.sem_alloc : memref<!tpu.dma_semaphore, #tpu.memory_space<semaphore_mem>>
      %dma_start3A_243 = arith.constant 0 : i32
      %dma_start3A_244 = tpu.memref_slice %arg7[%run_scoped3A_30, %dma_start3A_243] : memref<4x128xi32, #tpu.memory_space<vmem>> -> memref<1x128xi32, #tpu.memory_space<vmem>>
      %dma_start3A_245 = tpu.memref_squeeze %dma_start3A_244 : memref<1x128xi32, #tpu.memory_space<vmem>> -> memref<128xi32, #tpu.memory_space<vmem>>
      %dma_start3A_246 = arith.constant 0 : i32
      %dma_start3A_247 = tpu.memref_slice %arg4[%add3A, %run_scoped3A_29, %dma_start3A_246] : memref<32x81x128xi32, #tpu.memory_space<hbm>> -> memref<1x1x128xi32, #tpu.memory_space<hbm>>
      %dma_start3A_248 = tpu.memref_squeeze %dma_start3A_247 : memref<1x1x128xi32, #tpu.memory_space<hbm>> -> memref<128xi32, #tpu.memory_space<hbm>>
      %dma_start3A_249 = arith.constant 0 : i32
      %dma_start3A_250 = tpu.memref_slice %arg7[%run_scoped3A_30, %dma_start3A_249] : memref<4x128xi32, #tpu.memory_space<vmem>> -> memref<1x128xi32, #tpu.memory_space<vmem>>
      %dma_start3A_251 = tpu.memref_squeeze %dma_start3A_250 : memref<1x128xi32, #tpu.memory_space<vmem>> -> memref<128xi32, #tpu.memory_space<vmem>>
      %dma_start3A_252 = arith.constant 0 : i32
      %dma_start3A_253 = tpu.memref_slice %arg4[%add3A, %run_scoped3A_29, %dma_start3A_252] : memref<32x81x128xi32, #tpu.memory_space<hbm>> -> memref<1x1x128xi32, #tpu.memory_space<hbm>>
      %dma_start3A_254 = tpu.memref_squeeze %dma_start3A_253 : memref<1x1x128xi32, #tpu.memory_space<hbm>> -> memref<128xi32, #tpu.memory_space<hbm>>
      tpu.enqueue_dma source(%dma_start3A_254 : memref<128xi32, #tpu.memory_space<hbm>>) target(%dma_start3A_251 : memref<128xi32, #tpu.memory_space<vmem>>) target_semaphore(%run_scoped3A_242 : memref<!tpu.dma_semaphore, #tpu.memory_space<semaphore_mem>>)
      %dma_wait3A_255 = arith.constant 0 : i32
      %dma_wait3A_256 = tpu.memref_slice %arg7[%run_scoped3A_30, %dma_wait3A_255] : memref<4x128xi32, #tpu.memory_space<vmem>> -> memref<1x128xi32, #tpu.memory_space<vmem>>
      %dma_wait3A_257 = tpu.memref_squeeze %dma_wait3A_256 : memref<1x128xi32, #tpu.memory_space<vmem>> -> memref<128xi32, #tpu.memory_space<vmem>>
      %dma_wait3A_258 = arith.constant 0 : i32
      %dma_wait3A_259 = tpu.memref_slice %arg4[%add3A, %run_scoped3A_29, %dma_wait3A_258] : memref<32x81x128xi32, #tpu.memory_space<hbm>> -> memref<1x1x128xi32, #tpu.memory_space<hbm>>
      %dma_wait3A_260 = tpu.memref_squeeze %dma_wait3A_259 : memref<1x1x128xi32, #tpu.memory_space<hbm>> -> memref<128xi32, #tpu.memory_space<hbm>>
      %dma_wait3A_261 = arith.constant 0 : i32
      %dma_wait3A_262 = tpu.memref_slice %arg7[%run_scoped3A_30, %dma_wait3A_261] : memref<4x128xi32, #tpu.memory_space<vmem>> -> memref<1x128xi32, #tpu.memory_space<vmem>>
      %dma_wait3A_263 = tpu.memref_squeeze %dma_wait3A_262 : memref<1x128xi32, #tpu.memory_space<vmem>> -> memref<128xi32, #tpu.memory_space<vmem>>
      %dma_wait3A_264 = arith.constant 0 : i32
      %dma_wait3A_265 = tpu.memref_slice %arg4[%add3A, %run_scoped3A_29, %dma_wait3A_264] : memref<32x81x128xi32, #tpu.memory_space<hbm>> -> memref<1x1x128xi32, #tpu.memory_space<hbm>>
      %dma_wait3A_266 = tpu.memref_squeeze %dma_wait3A_265 : memref<1x1x128xi32, #tpu.memory_space<hbm>> -> memref<128xi32, #tpu.memory_space<hbm>>
      tpu.wait_dma2 semaphore(%run_scoped3A_242 : memref<!tpu.dma_semaphore, #tpu.memory_space<semaphore_mem>>) src(%dma_wait3A_266 : memref<128xi32, #tpu.memory_space<hbm>>) dst(%dma_wait3A_263 : memref<128xi32, #tpu.memory_space<vmem>>)
      tpu.yield
    }) : () -> ()
    %run_scoped3A_31 = arith.constant 1 : i32
    %run_scoped3A_32 = arith.constant 1 : i32
    "tpu.region"() ({
      %run_scoped3A_242 = tpu.sem_alloc : memref<!tpu.dma_semaphore, #tpu.memory_space<semaphore_mem>>
      %dma_start3A_243 = arith.constant 0 : i32
      %dma_start3A_244 = tpu.memref_slice %arg6[%run_scoped3A_32, %dma_start3A_243] : memref<4x128xi32, #tpu.memory_space<vmem>> -> memref<1x128xi32, #tpu.memory_space<vmem>>
      %dma_start3A_245 = tpu.memref_squeeze %dma_start3A_244 : memref<1x128xi32, #tpu.memory_space<vmem>> -> memref<128xi32, #tpu.memory_space<vmem>>
      %dma_start3A_246 = arith.constant 0 : i32
      %dma_start3A_247 = tpu.memref_slice %arg3[%add3A, %run_scoped3A_31, %dma_start3A_246] : memref<32x81x128xi32, #tpu.memory_space<hbm>> -> memref<1x1x128xi32, #tpu.memory_space<hbm>>
      %dma_start3A_248 = tpu.memref_squeeze %dma_start3A_247 : memref<1x1x128xi32, #tpu.memory_space<hbm>> -> memref<128xi32, #tpu.memory_space<hbm>>
      %dma_start3A_249 = arith.constant 0 : i32
      %dma_start3A_250 = tpu.memref_slice %arg6[%run_scoped3A_32, %dma_start3A_249] : memref<4x128xi32, #tpu.memory_space<vmem>> -> memref<1x128xi32, #tpu.memory_space<vmem>>
      %dma_start3A_251 = tpu.memref_squeeze %dma_start3A_250 : memref<1x128xi32, #tpu.memory_space<vmem>> -> memref<128xi32, #tpu.memory_space<vmem>>
      %dma_start3A_252 = arith.constant 0 : i32
      %dma_start3A_253 = tpu.memref_slice %arg3[%add3A, %run_scoped3A_31, %dma_start3A_252] : memref<32x81x128xi32, #tpu.memory_space<hbm>> -> memref<1x1x128xi32, #tpu.memory_space<hbm>>
      %dma_start3A_254 = tpu.memref_squeeze %dma_start3A_253 : memref<1x1x128xi32, #tpu.memory_space<hbm>> -> memref<128xi32, #tpu.memory_space<hbm>>
      tpu.enqueue_dma source(%dma_start3A_254 : memref<128xi32, #tpu.memory_space<hbm>>) target(%dma_start3A_251 : memref<128xi32, #tpu.memory_space<vmem>>) target_semaphore(%run_scoped3A_242 : memref<!tpu.dma_semaphore, #tpu.memory_space<semaphore_mem>>)
      %dma_wait3A_255 = arith.constant 0 : i32
      %dma_wait3A_256 = tpu.memref_slice %arg6[%run_scoped3A_32, %dma_wait3A_255] : memref<4x128xi32, #tpu.memory_space<vmem>> -> memref<1x128xi32, #tpu.memory_space<vmem>>
      %dma_wait3A_257 = tpu.memref_squeeze %dma_wait3A_256 : memref<1x128xi32, #tpu.memory_space<vmem>> -> memref<128xi32, #tpu.memory_space<vmem>>
      %dma_wait3A_258 = arith.constant 0 : i32
      %dma_wait3A_259 = tpu.memref_slice %arg3[%add3A, %run_scoped3A_31, %dma_wait3A_258] : memref<32x81x128xi32, #tpu.memory_space<hbm>> -> memref<1x1x128xi32, #tpu.memory_space<hbm>>
      %dma_wait3A_260 = tpu.memref_squeeze %dma_wait3A_259 : memref<1x1x128xi32, #tpu.memory_space<hbm>> -> memref<128xi32, #tpu.memory_space<hbm>>
      %dma_wait3A_261 = arith.constant 0 : i32
      %dma_wait3A_262 = tpu.memref_slice %arg6[%run_scoped3A_32, %dma_wait3A_261] : memref<4x128xi32, #tpu.memory_space<vmem>> -> memref<1x128xi32, #tpu.memory_space<vmem>>
      %dma_wait3A_263 = tpu.memref_squeeze %dma_wait3A_262 : memref<1x128xi32, #tpu.memory_space<vmem>> -> memref<128xi32, #tpu.memory_space<vmem>>
      %dma_wait3A_264 = arith.constant 0 : i32
      %dma_wait3A_265 = tpu.memref_slice %arg3[%add3A, %run_scoped3A_31, %dma_wait3A_264] : memref<32x81x128xi32, #tpu.memory_space<hbm>> -> memref<1x1x128xi32, #tpu.memory_space<hbm>>
      %dma_wait3A_266 = tpu.memref_squeeze %dma_wait3A_265 : memref<1x1x128xi32, #tpu.memory_space<hbm>> -> memref<128xi32, #tpu.memory_space<hbm>>
      tpu.wait_dma2 semaphore(%run_scoped3A_242 : memref<!tpu.dma_semaphore, #tpu.memory_space<semaphore_mem>>) src(%dma_wait3A_266 : memref<128xi32, #tpu.memory_space<hbm>>) dst(%dma_wait3A_263 : memref<128xi32, #tpu.memory_space<vmem>>)
      tpu.yield
    }) : () -> ()
    %run_scoped3A_33 = arith.constant 1 : i32
    %run_scoped3A_34 = arith.constant 1 : i32
    "tpu.region"() ({
      %run_scoped3A_242 = tpu.sem_alloc : memref<!tpu.dma_semaphore, #tpu.memory_space<semaphore_mem>>
      %dma_start3A_243 = arith.constant 0 : i32
      %dma_start3A_244 = tpu.memref_slice %arg7[%run_scoped3A_34, %dma_start3A_243] : memref<4x128xi32, #tpu.memory_space<vmem>> -> memref<1x128xi32, #tpu.memory_space<vmem>>
      %dma_start3A_245 = tpu.memref_squeeze %dma_start3A_244 : memref<1x128xi32, #tpu.memory_space<vmem>> -> memref<128xi32, #tpu.memory_space<vmem>>
      %dma_start3A_246 = arith.constant 0 : i32
      %dma_start3A_247 = tpu.memref_slice %arg4[%add3A, %run_scoped3A_33, %dma_start3A_246] : memref<32x81x128xi32, #tpu.memory_space<hbm>> -> memref<1x1x128xi32, #tpu.memory_space<hbm>>
      %dma_start3A_248 = tpu.memref_squeeze %dma_start3A_247 : memref<1x1x128xi32, #tpu.memory_space<hbm>> -> memref<128xi32, #tpu.memory_space<hbm>>
      %dma_start3A_249 = arith.constant 0 : i32
      %dma_start3A_250 = tpu.memref_slice %arg7[%run_scoped3A_34, %dma_start3A_249] : memref<4x128xi32, #tpu.memory_space<vmem>> -> memref<1x128xi32, #tpu.memory_space<vmem>>
      %dma_start3A_251 = tpu.memref_squeeze %dma_start3A_250 : memref<1x128xi32, #tpu.memory_space<vmem>> -> memref<128xi32, #tpu.memory_space<vmem>>
      %dma_start3A_252 = arith.constant 0 : i32
      %dma_start3A_253 = tpu.memref_slice %arg4[%add3A, %run_scoped3A_33, %dma_start3A_252] : memref<32x81x128xi32, #tpu.memory_space<hbm>> -> memref<1x1x128xi32, #tpu.memory_space<hbm>>
      %dma_start3A_254 = tpu.memref_squeeze %dma_start3A_253 : memref<1x1x128xi32, #tpu.memory_space<hbm>> -> memref<128xi32, #tpu.memory_space<hbm>>
      tpu.enqueue_dma source(%dma_start3A_254 : memref<128xi32, #tpu.memory_space<hbm>>) target(%dma_start3A_251 : memref<128xi32, #tpu.memory_space<vmem>>) target_semaphore(%run_scoped3A_242 : memref<!tpu.dma_semaphore, #tpu.memory_space<semaphore_mem>>)
      %dma_wait3A_255 = arith.constant 0 : i32
      %dma_wait3A_256 = tpu.memref_slice %arg7[%run_scoped3A_34, %dma_wait3A_255] : memref<4x128xi32, #tpu.memory_space<vmem>> -> memref<1x128xi32, #tpu.memory_space<vmem>>
      %dma_wait3A_257 = tpu.memref_squeeze %dma_wait3A_256 : memref<1x128xi32, #tpu.memory_space<vmem>> -> memref<128xi32, #tpu.memory_space<vmem>>
      %dma_wait3A_258 = arith.constant 0 : i32
      %dma_wait3A_259 = tpu.memref_slice %arg4[%add3A, %run_scoped3A_33, %dma_wait3A_258] : memref<32x81x128xi32, #tpu.memory_space<hbm>> -> memref<1x1x128xi32, #tpu.memory_space<hbm>>
      %dma_wait3A_260 = tpu.memref_squeeze %dma_wait3A_259 : memref<1x1x128xi32, #tpu.memory_space<hbm>> -> memref<128xi32, #tpu.memory_space<hbm>>
      %dma_wait3A_261 = arith.constant 0 : i32
      %dma_wait3A_262 = tpu.memref_slice %arg7[%run_scoped3A_34, %dma_wait3A_261] : memref<4x128xi32, #tpu.memory_space<vmem>> -> memref<1x128xi32, #tpu.memory_space<vmem>>
      %dma_wait3A_263 = tpu.memref_squeeze %dma_wait3A_262 : memref<1x128xi32, #tpu.memory_space<vmem>> -> memref<128xi32, #tpu.memory_space<vmem>>
      %dma_wait3A_264 = arith.constant 0 : i32
      %dma_wait3A_265 = tpu.memref_slice %arg4[%add3A, %run_scoped3A_33, %dma_wait3A_264] : memref<32x81x128xi32, #tpu.memory_space<hbm>> -> memref<1x1x128xi32, #tpu.memory_space<hbm>>
      %dma_wait3A_266 = tpu.memref_squeeze %dma_wait3A_265 : memref<1x1x128xi32, #tpu.memory_space<hbm>> -> memref<128xi32, #tpu.memory_space<hbm>>
      tpu.wait_dma2 semaphore(%run_scoped3A_242 : memref<!tpu.dma_semaphore, #tpu.memory_space<semaphore_mem>>) src(%dma_wait3A_266 : memref<128xi32, #tpu.memory_space<hbm>>) dst(%dma_wait3A_263 : memref<128xi32, #tpu.memory_space<vmem>>)
      tpu.yield
    }) : () -> ()
    %dma_start3A = arith.constant 2 : i32
    %dma_start3A_35 = arith.constant 2 : i32
    %dma_start3A_36 = arith.constant 0 : i32
    %dma_start3A_37 = tpu.memref_slice %arg6[%dma_start3A_35, %dma_start3A_36] : memref<4x128xi32, #tpu.memory_space<vmem>> -> memref<1x128xi32, #tpu.memory_space<vmem>>
    %dma_start3A_38 = tpu.memref_squeeze %dma_start3A_37 : memref<1x128xi32, #tpu.memory_space<vmem>> -> memref<128xi32, #tpu.memory_space<vmem>>
    %dma_start3A_39 = arith.constant 0 : i32
    %dma_start3A_40 = tpu.memref_slice %arg3[%add3A, %dma_start3A, %dma_start3A_39] : memref<32x81x128xi32, #tpu.memory_space<hbm>> -> memref<1x1x128xi32, #tpu.memory_space<hbm>>
    %dma_start3A_41 = tpu.memref_squeeze %dma_start3A_40 : memref<1x1x128xi32, #tpu.memory_space<hbm>> -> memref<128xi32, #tpu.memory_space<hbm>>
    %dma_start3A_42 = arith.constant 0 : i32
    %dma_start3A_43 = tpu.memref_slice %arg6[%dma_start3A_35, %dma_start3A_42] : memref<4x128xi32, #tpu.memory_space<vmem>> -> memref<1x128xi32, #tpu.memory_space<vmem>>
    %dma_start3A_44 = tpu.memref_squeeze %dma_start3A_43 : memref<1x128xi32, #tpu.memory_space<vmem>> -> memref<128xi32, #tpu.memory_space<vmem>>
    %dma_start3A_45 = arith.constant 0 : i32
    %dma_start3A_46 = tpu.memref_slice %arg3[%add3A, %dma_start3A, %dma_start3A_45] : memref<32x81x128xi32, #tpu.memory_space<hbm>> -> memref<1x1x128xi32, #tpu.memory_space<hbm>>
    %dma_start3A_47 = tpu.memref_squeeze %dma_start3A_46 : memref<1x1x128xi32, #tpu.memory_space<hbm>> -> memref<128xi32, #tpu.memory_space<hbm>>
    tpu.enqueue_dma source(%dma_start3A_47 : memref<128xi32, #tpu.memory_space<hbm>>) target(%dma_start3A_44 : memref<128xi32, #tpu.memory_space<vmem>>) target_semaphore(%arg15 : memref<!tpu.dma_semaphore, #tpu.memory_space<semaphore_mem>>)
    %dma_start3A_48 = arith.constant 2 : i32
    %dma_start3A_49 = arith.constant 2 : i32
    %dma_start3A_50 = arith.constant 0 : i32
    %dma_start3A_51 = tpu.memref_slice %arg7[%dma_start3A_49, %dma_start3A_50] : memref<4x128xi32, #tpu.memory_space<vmem>> -> memref<1x128xi32, #tpu.memory_space<vmem>>
    %dma_start3A_52 = tpu.memref_squeeze %dma_start3A_51 : memref<1x128xi32, #tpu.memory_space<vmem>> -> memref<128xi32, #tpu.memory_space<vmem>>
    %dma_start3A_53 = arith.constant 0 : i32
    %dma_start3A_54 = tpu.memref_slice %arg4[%add3A, %dma_start3A_48, %dma_start3A_53] : memref<32x81x128xi32, #tpu.memory_space<hbm>> -> memref<1x1x128xi32, #tpu.memory_space<hbm>>
    %dma_start3A_55 = tpu.memref_squeeze %dma_start3A_54 : memref<1x1x128xi32, #tpu.memory_space<hbm>> -> memref<128xi32, #tpu.memory_space<hbm>>
    %dma_start3A_56 = arith.constant 0 : i32
    %dma_start3A_57 = tpu.memref_slice %arg7[%dma_start3A_49, %dma_start3A_56] : memref<4x128xi32, #tpu.memory_space<vmem>> -> memref<1x128xi32, #tpu.memory_space<vmem>>
    %dma_start3A_58 = tpu.memref_squeeze %dma_start3A_57 : memref<1x128xi32, #tpu.memory_space<vmem>> -> memref<128xi32, #tpu.memory_space<vmem>>
    %dma_start3A_59 = arith.constant 0 : i32
    %dma_start3A_60 = tpu.memref_slice %arg4[%add3A, %dma_start3A_48, %dma_start3A_59] : memref<32x81x128xi32, #tpu.memory_space<hbm>> -> memref<1x1x128xi32, #tpu.memory_space<hbm>>
    %dma_start3A_61 = tpu.memref_squeeze %dma_start3A_60 : memref<1x1x128xi32, #tpu.memory_space<hbm>> -> memref<128xi32, #tpu.memory_space<hbm>>
    tpu.enqueue_dma source(%dma_start3A_61 : memref<128xi32, #tpu.memory_space<hbm>>) target(%dma_start3A_58 : memref<128xi32, #tpu.memory_space<vmem>>) target_semaphore(%arg15 : memref<!tpu.dma_semaphore, #tpu.memory_space<semaphore_mem>>)
    %dma_start3A_62 = arith.constant 0 : i32
    %dma_start3A_63 = arith.constant 0 : i32
    %dma_start3A_64 = tpu.memref_slice %arg6[%dma_start3A_62, %dma_start3A_63] : memref<4x128xi32, #tpu.memory_space<vmem>> -> memref<1x128xi32, #tpu.memory_space<vmem>>
    %dma_start3A_65 = tpu.memref_squeeze %dma_start3A_64 : memref<1x128xi32, #tpu.memory_space<vmem>> -> memref<128xi32, #tpu.memory_space<vmem>>
    %dma_start3A_66 = arith.constant 0 : i32
    %dma_start3A_67 = arith.constant 0 : i32
    %dma_start3A_68 = tpu.memref_slice %arg2[%dma_start3A_66, %dma_start3A_67] : memref<10240x128xf32, #tpu.memory_space<hbm>> -> memref<10240x128xf32, #tpu.memory_space<hbm>>
    tpu.enqueue_indirect_dma source(%dma_start3A_68 : memref<10240x128xf32, #tpu.memory_space<hbm>>) target(%arg8 : memref<128x128xf32, #tpu.memory_space<vmem>>) offsets(%dma_start3A_65 : memref<128xi32, #tpu.memory_space<vmem>>) semaphore(%arg12 : memref<!tpu.dma_semaphore, #tpu.memory_space<semaphore_mem>>)
    %dma_start3A_69 = arith.constant 1 : i32
    %dma_start3A_70 = arith.constant 0 : i32
    %dma_start3A_71 = tpu.memref_slice %arg6[%dma_start3A_69, %dma_start3A_70] : memref<4x128xi32, #tpu.memory_space<vmem>> -> memref<1x128xi32, #tpu.memory_space<vmem>>
    %dma_start3A_72 = tpu.memref_squeeze %dma_start3A_71 : memref<1x128xi32, #tpu.memory_space<vmem>> -> memref<128xi32, #tpu.memory_space<vmem>>
    %dma_start3A_73 = arith.constant 0 : i32
    %dma_start3A_74 = arith.constant 0 : i32
    %dma_start3A_75 = tpu.memref_slice %arg2[%dma_start3A_73, %dma_start3A_74] : memref<10240x128xf32, #tpu.memory_space<hbm>> -> memref<10240x128xf32, #tpu.memory_space<hbm>>
    tpu.enqueue_indirect_dma source(%dma_start3A_75 : memref<10240x128xf32, #tpu.memory_space<hbm>>) target(%arg9 : memref<128x128xf32, #tpu.memory_space<vmem>>) offsets(%dma_start3A_72 : memref<128xi32, #tpu.memory_space<vmem>>) semaphore(%arg13 : memref<!tpu.dma_semaphore, #tpu.memory_space<semaphore_mem>>)
    %scan3A_76 = arith.constant 0 : i32
    %scan3A_77 = arith.constant 0 : i32
    %scan3A_78 = arith.constant 27 : i32
    %scan3A_79 = arith.addi %scan3A_77, %scan3A_78 : i32
    %scan3A_80 = arith.constant 1 : i32
    scf.for %scan3A_242 = %scan3A_77 to %scan3A_79 step %scan3A_80  : i32 {
      %mul3A_243 = arith.constant 3 : i32
      %mul3A_244 = arith.muli %mul3A_243, %scan3A_242 : i32
      %add3A_245 = arith.constant 0 : i32
      %add3A_246 = arith.addi %mul3A_244, %add3A_245 : i32
      %rem3A = arith.constant 4 : i32
      %rem3A_247 = arith.remsi %add3A_246, %rem3A : i32
      %dma_wait3A_248 = arith.constant 0 : i32
      %dma_wait3A_249 = tpu.memref_slice %arg6[%rem3A_247, %dma_wait3A_248] : memref<4x128xi32, #tpu.memory_space<vmem>> -> memref<1x128xi32, #tpu.memory_space<vmem>>
      %dma_wait3A_250 = tpu.memref_squeeze %dma_wait3A_249 : memref<1x128xi32, #tpu.memory_space<vmem>> -> memref<128xi32, #tpu.memory_space<vmem>>
      %dma_wait3A_251 = arith.constant 0 : i32
      %dma_wait3A_252 = arith.constant 0 : i32
      %dma_wait3A_253 = tpu.memref_slice %arg2[%dma_wait3A_251, %dma_wait3A_252] : memref<10240x128xf32, #tpu.memory_space<hbm>> -> memref<10240x128xf32, #tpu.memory_space<hbm>>
      tpu.wait_indirect_dma semaphore(%arg12 : memref<!tpu.dma_semaphore, #tpu.memory_space<semaphore_mem>>) src(%dma_wait3A_253 : memref<10240x128xf32, #tpu.memory_space<hbm>>) dst(%arg8 : memref<128x128xf32, #tpu.memory_space<vmem>>)
      %add3A_254 = arith.constant 2 : i32
      %add3A_255 = arith.addi %add3A_246, %add3A_254 : i32
      %lt3A = arith.constant 81 : i32
      %lt3A_256 = arith.cmpi slt, %add3A_255, %lt3A : i32
      %convert_element_type3A_257 = arith.extui %lt3A_256 : i1 to i32
      %cond3A_258 = arith.constant 0 : i32
      %cond3A_259 = arith.cmpi ne, %convert_element_type3A_257, %cond3A_258 : i32
      scf.if %cond3A_259 {
        %add3A_319 = arith.constant 2 : i32
        %add3A_320 = arith.addi %add3A_246, %add3A_319 : i32
        %rem3A_321 = arith.constant 4 : i32
        %rem3A_322 = arith.remsi %add3A_320, %rem3A_321 : i32
        %add3A_323 = arith.constant 2 : i32
        %add3A_324 = arith.addi %add3A_246, %add3A_323 : i32
        %dma_wait3A_325 = arith.constant 0 : i32
        %dma_wait3A_326 = tpu.memref_slice %arg6[%rem3A_322, %dma_wait3A_325] : memref<4x128xi32, #tpu.memory_space<vmem>> -> memref<1x128xi32, #tpu.memory_space<vmem>>
        %dma_wait3A_327 = tpu.memref_squeeze %dma_wait3A_326 : memref<1x128xi32, #tpu.memory_space<vmem>> -> memref<128xi32, #tpu.memory_space<vmem>>
        %dma_wait3A_328 = arith.constant 0 : i32
        %dma_wait3A_329 = tpu.memref_slice %arg3[%add3A, %add3A_324, %dma_wait3A_328] : memref<32x81x128xi32, #tpu.memory_space<hbm>> -> memref<1x1x128xi32, #tpu.memory_space<hbm>>
        %dma_wait3A_330 = tpu.memref_squeeze %dma_wait3A_329 : memref<1x1x128xi32, #tpu.memory_space<hbm>> -> memref<128xi32, #tpu.memory_space<hbm>>
        %dma_wait3A_331 = arith.constant 0 : i32
        %dma_wait3A_332 = tpu.memref_slice %arg6[%rem3A_322, %dma_wait3A_331] : memref<4x128xi32, #tpu.memory_space<vmem>> -> memref<1x128xi32, #tpu.memory_space<vmem>>
        %dma_wait3A_333 = tpu.memref_squeeze %dma_wait3A_332 : memref<1x128xi32, #tpu.memory_space<vmem>> -> memref<128xi32, #tpu.memory_space<vmem>>
        %dma_wait3A_334 = arith.constant 0 : i32
        %dma_wait3A_335 = tpu.memref_slice %arg3[%add3A, %add3A_324, %dma_wait3A_334] : memref<32x81x128xi32, #tpu.memory_space<hbm>> -> memref<1x1x128xi32, #tpu.memory_space<hbm>>
        %dma_wait3A_336 = tpu.memref_squeeze %dma_wait3A_335 : memref<1x1x128xi32, #tpu.memory_space<hbm>> -> memref<128xi32, #tpu.memory_space<hbm>>
        tpu.wait_dma2 semaphore(%arg15 : memref<!tpu.dma_semaphore, #tpu.memory_space<semaphore_mem>>) src(%dma_wait3A_336 : memref<128xi32, #tpu.memory_space<hbm>>) dst(%dma_wait3A_333 : memref<128xi32, #tpu.memory_space<vmem>>)
        %add3A_337 = arith.constant 2 : i32
        %add3A_338 = arith.addi %add3A_246, %add3A_337 : i32
        %dma_wait3A_339 = arith.constant 0 : i32
        %dma_wait3A_340 = tpu.memref_slice %arg7[%rem3A_322, %dma_wait3A_339] : memref<4x128xi32, #tpu.memory_space<vmem>> -> memref<1x128xi32, #tpu.memory_space<vmem>>
        %dma_wait3A_341 = tpu.memref_squeeze %dma_wait3A_340 : memref<1x128xi32, #tpu.memory_space<vmem>> -> memref<128xi32, #tpu.memory_space<vmem>>
        %dma_wait3A_342 = arith.constant 0 : i32
        %dma_wait3A_343 = tpu.memref_slice %arg4[%add3A, %add3A_338, %dma_wait3A_342] : memref<32x81x128xi32, #tpu.memory_space<hbm>> -> memref<1x1x128xi32, #tpu.memory_space<hbm>>
        %dma_wait3A_344 = tpu.memref_squeeze %dma_wait3A_343 : memref<1x1x128xi32, #tpu.memory_space<hbm>> -> memref<128xi32, #tpu.memory_space<hbm>>
        %dma_wait3A_345 = arith.constant 0 : i32
        %dma_wait3A_346 = tpu.memref_slice %arg7[%rem3A_322, %dma_wait3A_345] : memref<4x128xi32, #tpu.memory_space<vmem>> -> memref<1x128xi32, #tpu.memory_space<vmem>>
        %dma_wait3A_347 = tpu.memref_squeeze %dma_wait3A_346 : memref<1x128xi32, #tpu.memory_space<vmem>> -> memref<128xi32, #tpu.memory_space<vmem>>
        %dma_wait3A_348 = arith.constant 0 : i32
        %dma_wait3A_349 = tpu.memref_slice %arg4[%add3A, %add3A_338, %dma_wait3A_348] : memref<32x81x128xi32, #tpu.memory_space<hbm>> -> memref<1x1x128xi32, #tpu.memory_space<hbm>>
        %dma_wait3A_350 = tpu.memref_squeeze %dma_wait3A_349 : memref<1x1x128xi32, #tpu.memory_space<hbm>> -> memref<128xi32, #tpu.memory_space<hbm>>
        tpu.wait_dma2 semaphore(%arg15 : memref<!tpu.dma_semaphore, #tpu.memory_space<semaphore_mem>>) src(%dma_wait3A_350 : memref<128xi32, #tpu.memory_space<hbm>>) dst(%dma_wait3A_347 : memref<128xi32, #tpu.memory_space<vmem>>)
        %dma_start3A_351 = arith.constant 0 : i32
        %dma_start3A_352 = tpu.memref_slice %arg6[%rem3A_322, %dma_start3A_351] : memref<4x128xi32, #tpu.memory_space<vmem>> -> memref<1x128xi32, #tpu.memory_space<vmem>>
        %dma_start3A_353 = tpu.memref_squeeze %dma_start3A_352 : memref<1x128xi32, #tpu.memory_space<vmem>> -> memref<128xi32, #tpu.memory_space<vmem>>
        %dma_start3A_354 = arith.constant 0 : i32
        %dma_start3A_355 = arith.constant 0 : i32
        %dma_start3A_356 = tpu.memref_slice %arg2[%dma_start3A_354, %dma_start3A_355] : memref<10240x128xf32, #tpu.memory_space<hbm>> -> memref<10240x128xf32, #tpu.memory_space<hbm>>
        tpu.enqueue_indirect_dma source(%dma_start3A_356 : memref<10240x128xf32, #tpu.memory_space<hbm>>) target(%arg10 : memref<128x128xf32, #tpu.memory_space<vmem>>) offsets(%dma_start3A_353 : memref<128xi32, #tpu.memory_space<vmem>>) semaphore(%arg14 : memref<!tpu.dma_semaphore, #tpu.memory_space<semaphore_mem>>)
      } else {
      }
      %add3A_260 = arith.constant 3 : i32
      %add3A_261 = arith.addi %add3A_246, %add3A_260 : i32
      %lt3A_262 = arith.constant 81 : i32
      %lt3A_263 = arith.cmpi slt, %add3A_261, %lt3A_262 : i32
      %convert_element_type3A_264 = arith.extui %lt3A_263 : i1 to i32
      %cond3A_265 = arith.constant 0 : i32
      %cond3A_266 = arith.cmpi ne, %convert_element_type3A_264, %cond3A_265 : i32
      scf.if %cond3A_266 {
        %add3A_319 = arith.constant 3 : i32
        %add3A_320 = arith.addi %add3A_246, %add3A_319 : i32
        %rem3A_321 = arith.constant 4 : i32
        %rem3A_322 = arith.remsi %add3A_320, %rem3A_321 : i32
        %add3A_323 = arith.constant 3 : i32
        %add3A_324 = arith.addi %add3A_246, %add3A_323 : i32
        %dma_start3A_325 = arith.constant 0 : i32
        %dma_start3A_326 = tpu.memref_slice %arg6[%rem3A_322, %dma_start3A_325] : memref<4x128xi32, #tpu.memory_space<vmem>> -> memref<1x128xi32, #tpu.memory_space<vmem>>
        %dma_start3A_327 = tpu.memref_squeeze %dma_start3A_326 : memref<1x128xi32, #tpu.memory_space<vmem>> -> memref<128xi32, #tpu.memory_space<vmem>>
        %dma_start3A_328 = arith.constant 0 : i32
        %dma_start3A_329 = tpu.memref_slice %arg3[%add3A, %add3A_324, %dma_start3A_328] : memref<32x81x128xi32, #tpu.memory_space<hbm>> -> memref<1x1x128xi32, #tpu.memory_space<hbm>>
        %dma_start3A_330 = tpu.memref_squeeze %dma_start3A_329 : memref<1x1x128xi32, #tpu.memory_space<hbm>> -> memref<128xi32, #tpu.memory_space<hbm>>
        %dma_start3A_331 = arith.constant 0 : i32
        %dma_start3A_332 = tpu.memref_slice %arg6[%rem3A_322, %dma_start3A_331] : memref<4x128xi32, #tpu.memory_space<vmem>> -> memref<1x128xi32, #tpu.memory_space<vmem>>
        %dma_start3A_333 = tpu.memref_squeeze %dma_start3A_332 : memref<1x128xi32, #tpu.memory_space<vmem>> -> memref<128xi32, #tpu.memory_space<vmem>>
        %dma_start3A_334 = arith.constant 0 : i32
        %dma_start3A_335 = tpu.memref_slice %arg3[%add3A, %add3A_324, %dma_start3A_334] : memref<32x81x128xi32, #tpu.memory_space<hbm>> -> memref<1x1x128xi32, #tpu.memory_space<hbm>>
        %dma_start3A_336 = tpu.memref_squeeze %dma_start3A_335 : memref<1x1x128xi32, #tpu.memory_space<hbm>> -> memref<128xi32, #tpu.memory_space<hbm>>
        tpu.enqueue_dma source(%dma_start3A_336 : memref<128xi32, #tpu.memory_space<hbm>>) target(%dma_start3A_333 : memref<128xi32, #tpu.memory_space<vmem>>) target_semaphore(%arg15 : memref<!tpu.dma_semaphore, #tpu.memory_space<semaphore_mem>>)
        %add3A_337 = arith.constant 3 : i32
        %add3A_338 = arith.addi %add3A_246, %add3A_337 : i32
        %dma_start3A_339 = arith.constant 0 : i32
        %dma_start3A_340 = tpu.memref_slice %arg7[%rem3A_322, %dma_start3A_339] : memref<4x128xi32, #tpu.memory_space<vmem>> -> memref<1x128xi32, #tpu.memory_space<vmem>>
        %dma_start3A_341 = tpu.memref_squeeze %dma_start3A_340 : memref<1x128xi32, #tpu.memory_space<vmem>> -> memref<128xi32, #tpu.memory_space<vmem>>
        %dma_start3A_342 = arith.constant 0 : i32
        %dma_start3A_343 = tpu.memref_slice %arg4[%add3A, %add3A_338, %dma_start3A_342] : memref<32x81x128xi32, #tpu.memory_space<hbm>> -> memref<1x1x128xi32, #tpu.memory_space<hbm>>
        %dma_start3A_344 = tpu.memref_squeeze %dma_start3A_343 : memref<1x1x128xi32, #tpu.memory_space<hbm>> -> memref<128xi32, #tpu.memory_space<hbm>>
        %dma_start3A_345 = arith.constant 0 : i32
        %dma_start3A_346 = tpu.memref_slice %arg7[%rem3A_322, %dma_start3A_345] : memref<4x128xi32, #tpu.memory_space<vmem>> -> memref<1x128xi32, #tpu.memory_space<vmem>>
        %dma_start3A_347 = tpu.memref_squeeze %dma_start3A_346 : memref<1x128xi32, #tpu.memory_space<vmem>> -> memref<128xi32, #tpu.memory_space<vmem>>
        %dma_start3A_348 = arith.constant 0 : i32
        %dma_start3A_349 = tpu.memref_slice %arg4[%add3A, %add3A_338, %dma_start3A_348] : memref<32x81x128xi32, #tpu.memory_space<hbm>> -> memref<1x1x128xi32, #tpu.memory_space<hbm>>
        %dma_start3A_350 = tpu.memref_squeeze %dma_start3A_349 : memref<1x1x128xi32, #tpu.memory_space<hbm>> -> memref<128xi32, #tpu.memory_space<hbm>>
        tpu.enqueue_dma source(%dma_start3A_350 : memref<128xi32, #tpu.memory_space<hbm>>) target(%dma_start3A_347 : memref<128xi32, #tpu.memory_space<vmem>>) target_semaphore(%arg15 : memref<!tpu.dma_semaphore, #tpu.memory_space<semaphore_mem>>)
      } else {
      }
      "tpu.region"() ({
        %run_scoped3A_319 = tpu.sem_alloc : memref<!tpu.dma_semaphore, #tpu.memory_space<semaphore_mem>>
        %dma_start3A_320 = arith.constant 0 : i32
        %dma_start3A_321 = tpu.memref_slice %arg7[%rem3A_247, %dma_start3A_320] : memref<4x128xi32, #tpu.memory_space<vmem>> -> memref<1x128xi32, #tpu.memory_space<vmem>>
        %dma_start3A_322 = tpu.memref_squeeze %dma_start3A_321 : memref<1x128xi32, #tpu.memory_space<vmem>> -> memref<128xi32, #tpu.memory_space<vmem>>
        %dma_start3A_323 = arith.constant 0 : i32
        %dma_start3A_324 = arith.constant 0 : i32
        %dma_start3A_325 = tpu.memref_slice %arg11[%dma_start3A_323, %dma_start3A_324] : memref<10112x128xf32, #tpu.memory_space<vmem_shared>> -> memref<10112x128xf32, #tpu.memory_space<vmem_shared>>
        tpu.enqueue_indirect_dma source(%arg8 : memref<128x128xf32, #tpu.memory_space<vmem>>) target(%dma_start3A_325 : memref<10112x128xf32, #tpu.memory_space<vmem_shared>>) offsets(%dma_start3A_322 : memref<128xi32, #tpu.memory_space<vmem>>) semaphore(%run_scoped3A_319 : memref<!tpu.dma_semaphore, #tpu.memory_space<semaphore_mem>>) {add = true}
        %dma_wait3A_326 = arith.constant 0 : i32
        %dma_wait3A_327 = tpu.memref_slice %arg7[%rem3A_247, %dma_wait3A_326] : memref<4x128xi32, #tpu.memory_space<vmem>> -> memref<1x128xi32, #tpu.memory_space<vmem>>
        %dma_wait3A_328 = tpu.memref_squeeze %dma_wait3A_327 : memref<1x128xi32, #tpu.memory_space<vmem>> -> memref<128xi32, #tpu.memory_space<vmem>>
        %dma_wait3A_329 = arith.constant 0 : i32
        %dma_wait3A_330 = arith.constant 0 : i32
        %dma_wait3A_331 = tpu.memref_slice %arg11[%dma_wait3A_329, %dma_wait3A_330] : memref<10112x128xf32, #tpu.memory_space<vmem_shared>> -> memref<10112x128xf32, #tpu.memory_space<vmem_shared>>
        tpu.wait_indirect_dma semaphore(%run_scoped3A_319 : memref<!tpu.dma_semaphore, #tpu.memory_space<semaphore_mem>>) src(%arg8 : memref<128x128xf32, #tpu.memory_space<vmem>>) dst(%dma_wait3A_331 : memref<10112x128xf32, #tpu.memory_space<vmem_shared>>)
        tpu.yield
      }) : () -> ()
      %mul3A_267 = arith.constant 3 : i32
      %mul3A_268 = arith.muli %mul3A_267, %scan3A_242 : i32
      %add3A_269 = arith.constant 1 : i32
      %add3A_270 = arith.addi %mul3A_268, %add3A_269 : i32
      %rem3A_271 = arith.constant 4 : i32
      %rem3A_272 = arith.remsi %add3A_270, %rem3A_271 : i32
      %dma_wait3A_273 = arith.constant 0 : i32
      %dma_wait3A_274 = tpu.memref_slice %arg6[%rem3A_272, %dma_wait3A_273] : memref<4x128xi32, #tpu.memory_space<vmem>> -> memref<1x128xi32, #tpu.memory_space<vmem>>
      %dma_wait3A_275 = tpu.memref_squeeze %dma_wait3A_274 : memref<1x128xi32, #tpu.memory_space<vmem>> -> memref<128xi32, #tpu.memory_space<vmem>>
      %dma_wait3A_276 = arith.constant 0 : i32
      %dma_wait3A_277 = arith.constant 0 : i32
      %dma_wait3A_278 = tpu.memref_slice %arg2[%dma_wait3A_276, %dma_wait3A_277] : memref<10240x128xf32, #tpu.memory_space<hbm>> -> memref<10240x128xf32, #tpu.memory_space<hbm>>
      tpu.wait_indirect_dma semaphore(%arg13 : memref<!tpu.dma_semaphore, #tpu.memory_space<semaphore_mem>>) src(%dma_wait3A_278 : memref<10240x128xf32, #tpu.memory_space<hbm>>) dst(%arg9 : memref<128x128xf32, #tpu.memory_space<vmem>>)
      %add3A_279 = arith.constant 2 : i32
      %add3A_280 = arith.addi %add3A_270, %add3A_279 : i32
      %lt3A_281 = arith.constant 81 : i32
      %lt3A_282 = arith.cmpi slt, %add3A_280, %lt3A_281 : i32
      %convert_element_type3A_283 = arith.extui %lt3A_282 : i1 to i32
      %cond3A_284 = arith.constant 0 : i32
      %cond3A_285 = arith.cmpi ne, %convert_element_type3A_283, %cond3A_284 : i32
      scf.if %cond3A_285 {
        %add3A_319 = arith.constant 2 : i32
        %add3A_320 = arith.addi %add3A_270, %add3A_319 : i32
        %rem3A_321 = arith.constant 4 : i32
        %rem3A_322 = arith.remsi %add3A_320, %rem3A_321 : i32
        %add3A_323 = arith.constant 2 : i32
        %add3A_324 = arith.addi %add3A_270, %add3A_323 : i32
        %dma_wait3A_325 = arith.constant 0 : i32
        %dma_wait3A_326 = tpu.memref_slice %arg6[%rem3A_322, %dma_wait3A_325] : memref<4x128xi32, #tpu.memory_space<vmem>> -> memref<1x128xi32, #tpu.memory_space<vmem>>
        %dma_wait3A_327 = tpu.memref_squeeze %dma_wait3A_326 : memref<1x128xi32, #tpu.memory_space<vmem>> -> memref<128xi32, #tpu.memory_space<vmem>>
        %dma_wait3A_328 = arith.constant 0 : i32
        %dma_wait3A_329 = tpu.memref_slice %arg3[%add3A, %add3A_324, %dma_wait3A_328] : memref<32x81x128xi32, #tpu.memory_space<hbm>> -> memref<1x1x128xi32, #tpu.memory_space<hbm>>
        %dma_wait3A_330 = tpu.memref_squeeze %dma_wait3A_329 : memref<1x1x128xi32, #tpu.memory_space<hbm>> -> memref<128xi32, #tpu.memory_space<hbm>>
        %dma_wait3A_331 = arith.constant 0 : i32
        %dma_wait3A_332 = tpu.memref_slice %arg6[%rem3A_322, %dma_wait3A_331] : memref<4x128xi32, #tpu.memory_space<vmem>> -> memref<1x128xi32, #tpu.memory_space<vmem>>
        %dma_wait3A_333 = tpu.memref_squeeze %dma_wait3A_332 : memref<1x128xi32, #tpu.memory_space<vmem>> -> memref<128xi32, #tpu.memory_space<vmem>>
        %dma_wait3A_334 = arith.constant 0 : i32
        %dma_wait3A_335 = tpu.memref_slice %arg3[%add3A, %add3A_324, %dma_wait3A_334] : memref<32x81x128xi32, #tpu.memory_space<hbm>> -> memref<1x1x128xi32, #tpu.memory_space<hbm>>
        %dma_wait3A_336 = tpu.memref_squeeze %dma_wait3A_335 : memref<1x1x128xi32, #tpu.memory_space<hbm>> -> memref<128xi32, #tpu.memory_space<hbm>>
        tpu.wait_dma2 semaphore(%arg15 : memref<!tpu.dma_semaphore, #tpu.memory_space<semaphore_mem>>) src(%dma_wait3A_336 : memref<128xi32, #tpu.memory_space<hbm>>) dst(%dma_wait3A_333 : memref<128xi32, #tpu.memory_space<vmem>>)
        %add3A_337 = arith.constant 2 : i32
        %add3A_338 = arith.addi %add3A_270, %add3A_337 : i32
        %dma_wait3A_339 = arith.constant 0 : i32
        %dma_wait3A_340 = tpu.memref_slice %arg7[%rem3A_322, %dma_wait3A_339] : memref<4x128xi32, #tpu.memory_space<vmem>> -> memref<1x128xi32, #tpu.memory_space<vmem>>
        %dma_wait3A_341 = tpu.memref_squeeze %dma_wait3A_340 : memref<1x128xi32, #tpu.memory_space<vmem>> -> memref<128xi32, #tpu.memory_space<vmem>>
        %dma_wait3A_342 = arith.constant 0 : i32
        %dma_wait3A_343 = tpu.memref_slice %arg4[%add3A, %add3A_338, %dma_wait3A_342] : memref<32x81x128xi32, #tpu.memory_space<hbm>> -> memref<1x1x128xi32, #tpu.memory_space<hbm>>
        %dma_wait3A_344 = tpu.memref_squeeze %dma_wait3A_343 : memref<1x1x128xi32, #tpu.memory_space<hbm>> -> memref<128xi32, #tpu.memory_space<hbm>>
        %dma_wait3A_345 = arith.constant 0 : i32
        %dma_wait3A_346 = tpu.memref_slice %arg7[%rem3A_322, %dma_wait3A_345] : memref<4x128xi32, #tpu.memory_space<vmem>> -> memref<1x128xi32, #tpu.memory_space<vmem>>
        %dma_wait3A_347 = tpu.memref_squeeze %dma_wait3A_346 : memref<1x128xi32, #tpu.memory_space<vmem>> -> memref<128xi32, #tpu.memory_space<vmem>>
        %dma_wait3A_348 = arith.constant 0 : i32
        %dma_wait3A_349 = tpu.memref_slice %arg4[%add3A, %add3A_338, %dma_wait3A_348] : memref<32x81x128xi32, #tpu.memory_space<hbm>> -> memref<1x1x128xi32, #tpu.memory_space<hbm>>
        %dma_wait3A_350 = tpu.memref_squeeze %dma_wait3A_349 : memref<1x1x128xi32, #tpu.memory_space<hbm>> -> memref<128xi32, #tpu.memory_space<hbm>>
        tpu.wait_dma2 semaphore(%arg15 : memref<!tpu.dma_semaphore, #tpu.memory_space<semaphore_mem>>) src(%dma_wait3A_350 : memref<128xi32, #tpu.memory_space<hbm>>) dst(%dma_wait3A_347 : memref<128xi32, #tpu.memory_space<vmem>>)
        %dma_start3A_351 = arith.constant 0 : i32
        %dma_start3A_352 = tpu.memref_slice %arg6[%rem3A_322, %dma_start3A_351] : memref<4x128xi32, #tpu.memory_space<vmem>> -> memref<1x128xi32, #tpu.memory_space<vmem>>
        %dma_start3A_353 = tpu.memref_squeeze %dma_start3A_352 : memref<1x128xi32, #tpu.memory_space<vmem>> -> memref<128xi32, #tpu.memory_space<vmem>>
        %dma_start3A_354 = arith.constant 0 : i32
        %dma_start3A_355 = arith.constant 0 : i32
        %dma_start3A_356 = tpu.memref_slice %arg2[%dma_start3A_354, %dma_start3A_355] : memref<10240x128xf32, #tpu.memory_space<hbm>> -> memref<10240x128xf32, #tpu.memory_space<hbm>>
        tpu.enqueue_indirect_dma source(%dma_start3A_356 : memref<10240x128xf32, #tpu.memory_space<hbm>>) target(%arg8 : memref<128x128xf32, #tpu.memory_space<vmem>>) offsets(%dma_start3A_353 : memref<128xi32, #tpu.memory_space<vmem>>) semaphore(%arg12 : memref<!tpu.dma_semaphore, #tpu.memory_space<semaphore_mem>>)
      } else {
      }
      %add3A_286 = arith.constant 3 : i32
      %add3A_287 = arith.addi %add3A_270, %add3A_286 : i32
      %lt3A_288 = arith.constant 81 : i32
      %lt3A_289 = arith.cmpi slt, %add3A_287, %lt3A_288 : i32
      %convert_element_type3A_290 = arith.extui %lt3A_289 : i1 to i32
      %cond3A_291 = arith.constant 0 : i32
      %cond3A_292 = arith.cmpi ne, %convert_element_type3A_290, %cond3A_291 : i32
      scf.if %cond3A_292 {
        %add3A_319 = arith.constant 3 : i32
        %add3A_320 = arith.addi %add3A_270, %add3A_319 : i32
        %rem3A_321 = arith.constant 4 : i32
        %rem3A_322 = arith.remsi %add3A_320, %rem3A_321 : i32
        %add3A_323 = arith.constant 3 : i32
        %add3A_324 = arith.addi %add3A_270, %add3A_323 : i32
        %dma_start3A_325 = arith.constant 0 : i32
        %dma_start3A_326 = tpu.memref_slice %arg6[%rem3A_322, %dma_start3A_325] : memref<4x128xi32, #tpu.memory_space<vmem>> -> memref<1x128xi32, #tpu.memory_space<vmem>>
        %dma_start3A_327 = tpu.memref_squeeze %dma_start3A_326 : memref<1x128xi32, #tpu.memory_space<vmem>> -> memref<128xi32, #tpu.memory_space<vmem>>
        %dma_start3A_328 = arith.constant 0 : i32
        %dma_start3A_329 = tpu.memref_slice %arg3[%add3A, %add3A_324, %dma_start3A_328] : memref<32x81x128xi32, #tpu.memory_space<hbm>> -> memref<1x1x128xi32, #tpu.memory_space<hbm>>
        %dma_start3A_330 = tpu.memref_squeeze %dma_start3A_329 : memref<1x1x128xi32, #tpu.memory_space<hbm>> -> memref<128xi32, #tpu.memory_space<hbm>>
        %dma_start3A_331 = arith.constant 0 : i32
        %dma_start3A_332 = tpu.memref_slice %arg6[%rem3A_322, %dma_start3A_331] : memref<4x128xi32, #tpu.memory_space<vmem>> -> memref<1x128xi32, #tpu.memory_space<vmem>>
        %dma_start3A_333 = tpu.memref_squeeze %dma_start3A_332 : memref<1x128xi32, #tpu.memory_space<vmem>> -> memref<128xi32, #tpu.memory_space<vmem>>
        %dma_start3A_334 = arith.constant 0 : i32
        %dma_start3A_335 = tpu.memref_slice %arg3[%add3A, %add3A_324, %dma_start3A_334] : memref<32x81x128xi32, #tpu.memory_space<hbm>> -> memref<1x1x128xi32, #tpu.memory_space<hbm>>
        %dma_start3A_336 = tpu.memref_squeeze %dma_start3A_335 : memref<1x1x128xi32, #tpu.memory_space<hbm>> -> memref<128xi32, #tpu.memory_space<hbm>>
        tpu.enqueue_dma source(%dma_start3A_336 : memref<128xi32, #tpu.memory_space<hbm>>) target(%dma_start3A_333 : memref<128xi32, #tpu.memory_space<vmem>>) target_semaphore(%arg15 : memref<!tpu.dma_semaphore, #tpu.memory_space<semaphore_mem>>)
        %add3A_337 = arith.constant 3 : i32
        %add3A_338 = arith.addi %add3A_270, %add3A_337 : i32
        %dma_start3A_339 = arith.constant 0 : i32
        %dma_start3A_340 = tpu.memref_slice %arg7[%rem3A_322, %dma_start3A_339] : memref<4x128xi32, #tpu.memory_space<vmem>> -> memref<1x128xi32, #tpu.memory_space<vmem>>
        %dma_start3A_341 = tpu.memref_squeeze %dma_start3A_340 : memref<1x128xi32, #tpu.memory_space<vmem>> -> memref<128xi32, #tpu.memory_space<vmem>>
        %dma_start3A_342 = arith.constant 0 : i32
        %dma_start3A_343 = tpu.memref_slice %arg4[%add3A, %add3A_338, %dma_start3A_342] : memref<32x81x128xi32, #tpu.memory_space<hbm>> -> memref<1x1x128xi32, #tpu.memory_space<hbm>>
        %dma_start3A_344 = tpu.memref_squeeze %dma_start3A_343 : memref<1x1x128xi32, #tpu.memory_space<hbm>> -> memref<128xi32, #tpu.memory_space<hbm>>
        %dma_start3A_345 = arith.constant 0 : i32
        %dma_start3A_346 = tpu.memref_slice %arg7[%rem3A_322, %dma_start3A_345] : memref<4x128xi32, #tpu.memory_space<vmem>> -> memref<1x128xi32, #tpu.memory_space<vmem>>
        %dma_start3A_347 = tpu.memref_squeeze %dma_start3A_346 : memref<1x128xi32, #tpu.memory_space<vmem>> -> memref<128xi32, #tpu.memory_space<vmem>>
        %dma_start3A_348 = arith.constant 0 : i32
        %dma_start3A_349 = tpu.memref_slice %arg4[%add3A, %add3A_338, %dma_start3A_348] : memref<32x81x128xi32, #tpu.memory_space<hbm>> -> memref<1x1x128xi32, #tpu.memory_space<hbm>>
        %dma_start3A_350 = tpu.memref_squeeze %dma_start3A_349 : memref<1x1x128xi32, #tpu.memory_space<hbm>> -> memref<128xi32, #tpu.memory_space<hbm>>
        tpu.enqueue_dma source(%dma_start3A_350 : memref<128xi32, #tpu.memory_space<hbm>>) target(%dma_start3A_347 : memref<128xi32, #tpu.memory_space<vmem>>) target_semaphore(%arg15 : memref<!tpu.dma_semaphore, #tpu.memory_space<semaphore_mem>>)
      } else {
      }
      "tpu.region"() ({
        %run_scoped3A_319 = tpu.sem_alloc : memref<!tpu.dma_semaphore, #tpu.memory_space<semaphore_mem>>
        %dma_start3A_320 = arith.constant 0 : i32
        %dma_start3A_321 = tpu.memref_slice %arg7[%rem3A_272, %dma_start3A_320] : memref<4x128xi32, #tpu.memory_space<vmem>> -> memref<1x128xi32, #tpu.memory_space<vmem>>
        %dma_start3A_322 = tpu.memref_squeeze %dma_start3A_321 : memref<1x128xi32, #tpu.memory_space<vmem>> -> memref<128xi32, #tpu.memory_space<vmem>>
        %dma_start3A_323 = arith.constant 0 : i32
        %dma_start3A_324 = arith.constant 0 : i32
        %dma_start3A_325 = tpu.memref_slice %arg11[%dma_start3A_323, %dma_start3A_324] : memref<10112x128xf32, #tpu.memory_space<vmem_shared>> -> memref<10112x128xf32, #tpu.memory_space<vmem_shared>>
        tpu.enqueue_indirect_dma source(%arg9 : memref<128x128xf32, #tpu.memory_space<vmem>>) target(%dma_start3A_325 : memref<10112x128xf32, #tpu.memory_space<vmem_shared>>) offsets(%dma_start3A_322 : memref<128xi32, #tpu.memory_space<vmem>>) semaphore(%run_scoped3A_319 : memref<!tpu.dma_semaphore, #tpu.memory_space<semaphore_mem>>) {add = true}
        %dma_wait3A_326 = arith.constant 0 : i32
        %dma_wait3A_327 = tpu.memref_slice %arg7[%rem3A_272, %dma_wait3A_326] : memref<4x128xi32, #tpu.memory_space<vmem>> -> memref<1x128xi32, #tpu.memory_space<vmem>>
        %dma_wait3A_328 = tpu.memref_squeeze %dma_wait3A_327 : memref<1x128xi32, #tpu.memory_space<vmem>> -> memref<128xi32, #tpu.memory_space<vmem>>
        %dma_wait3A_329 = arith.constant 0 : i32
        %dma_wait3A_330 = arith.constant 0 : i32
        %dma_wait3A_331 = tpu.memref_slice %arg11[%dma_wait3A_329, %dma_wait3A_330] : memref<10112x128xf32, #tpu.memory_space<vmem_shared>> -> memref<10112x128xf32, #tpu.memory_space<vmem_shared>>
        tpu.wait_indirect_dma semaphore(%run_scoped3A_319 : memref<!tpu.dma_semaphore, #tpu.memory_space<semaphore_mem>>) src(%arg9 : memref<128x128xf32, #tpu.memory_space<vmem>>) dst(%dma_wait3A_331 : memref<10112x128xf32, #tpu.memory_space<vmem_shared>>)
        tpu.yield
      }) : () -> ()
      %mul3A_293 = arith.constant 3 : i32
      %mul3A_294 = arith.muli %mul3A_293, %scan3A_242 : i32
      %add3A_295 = arith.constant 2 : i32
      %add3A_296 = arith.addi %mul3A_294, %add3A_295 : i32
      %rem3A_297 = arith.constant 4 : i32
      %rem3A_298 = arith.remsi %add3A_296, %rem3A_297 : i32
      %dma_wait3A_299 = arith.constant 0 : i32
      %dma_wait3A_300 = tpu.memref_slice %arg6[%rem3A_298, %dma_wait3A_299] : memref<4x128xi32, #tpu.memory_space<vmem>> -> memref<1x128xi32, #tpu.memory_space<vmem>>
      %dma_wait3A_301 = tpu.memref_squeeze %dma_wait3A_300 : memref<1x128xi32, #tpu.memory_space<vmem>> -> memref<128xi32, #tpu.memory_space<vmem>>
      %dma_wait3A_302 = arith.constant 0 : i32
      %dma_wait3A_303 = arith.constant 0 : i32
      %dma_wait3A_304 = tpu.memref_slice %arg2[%dma_wait3A_302, %dma_wait3A_303] : memref<10240x128xf32, #tpu.memory_space<hbm>> -> memref<10240x128xf32, #tpu.memory_space<hbm>>
      tpu.wait_indirect_dma semaphore(%arg14 : memref<!tpu.dma_semaphore, #tpu.memory_space<semaphore_mem>>) src(%dma_wait3A_304 : memref<10240x128xf32, #tpu.memory_space<hbm>>) dst(%arg10 : memref<128x128xf32, #tpu.memory_space<vmem>>)
      %add3A_305 = arith.constant 2 : i32
      %add3A_306 = arith.addi %add3A_296, %add3A_305 : i32
      %lt3A_307 = arith.constant 81 : i32
      %lt3A_308 = arith.cmpi slt, %add3A_306, %lt3A_307 : i32
      %convert_element_type3A_309 = arith.extui %lt3A_308 : i1 to i32
      %cond3A_310 = arith.constant 0 : i32
      %cond3A_311 = arith.cmpi ne, %convert_element_type3A_309, %cond3A_310 : i32
      scf.if %cond3A_311 {
        %add3A_319 = arith.constant 2 : i32
        %add3A_320 = arith.addi %add3A_296, %add3A_319 : i32
        %rem3A_321 = arith.constant 4 : i32
        %rem3A_322 = arith.remsi %add3A_320, %rem3A_321 : i32
        %add3A_323 = arith.constant 2 : i32
        %add3A_324 = arith.addi %add3A_296, %add3A_323 : i32
        %dma_wait3A_325 = arith.constant 0 : i32
        %dma_wait3A_326 = tpu.memref_slice %arg6[%rem3A_322, %dma_wait3A_325] : memref<4x128xi32, #tpu.memory_space<vmem>> -> memref<1x128xi32, #tpu.memory_space<vmem>>
        %dma_wait3A_327 = tpu.memref_squeeze %dma_wait3A_326 : memref<1x128xi32, #tpu.memory_space<vmem>> -> memref<128xi32, #tpu.memory_space<vmem>>
        %dma_wait3A_328 = arith.constant 0 : i32
        %dma_wait3A_329 = tpu.memref_slice %arg3[%add3A, %add3A_324, %dma_wait3A_328] : memref<32x81x128xi32, #tpu.memory_space<hbm>> -> memref<1x1x128xi32, #tpu.memory_space<hbm>>
        %dma_wait3A_330 = tpu.memref_squeeze %dma_wait3A_329 : memref<1x1x128xi32, #tpu.memory_space<hbm>> -> memref<128xi32, #tpu.memory_space<hbm>>
        %dma_wait3A_331 = arith.constant 0 : i32
        %dma_wait3A_332 = tpu.memref_slice %arg6[%rem3A_322, %dma_wait3A_331] : memref<4x128xi32, #tpu.memory_space<vmem>> -> memref<1x128xi32, #tpu.memory_space<vmem>>
        %dma_wait3A_333 = tpu.memref_squeeze %dma_wait3A_332 : memref<1x128xi32, #tpu.memory_space<vmem>> -> memref<128xi32, #tpu.memory_space<vmem>>
        %dma_wait3A_334 = arith.constant 0 : i32
        %dma_wait3A_335 = tpu.memref_slice %arg3[%add3A, %add3A_324, %dma_wait3A_334] : memref<32x81x128xi32, #tpu.memory_space<hbm>> -> memref<1x1x128xi32, #tpu.memory_space<hbm>>
        %dma_wait3A_336 = tpu.memref_squeeze %dma_wait3A_335 : memref<1x1x128xi32, #tpu.memory_space<hbm>> -> memref<128xi32, #tpu.memory_space<hbm>>
        tpu.wait_dma2 semaphore(%arg15 : memref<!tpu.dma_semaphore, #tpu.memory_space<semaphore_mem>>) src(%dma_wait3A_336 : memref<128xi32, #tpu.memory_space<hbm>>) dst(%dma_wait3A_333 : memref<128xi32, #tpu.memory_space<vmem>>)
        %add3A_337 = arith.constant 2 : i32
        %add3A_338 = arith.addi %add3A_296, %add3A_337 : i32
        %dma_wait3A_339 = arith.constant 0 : i32
        %dma_wait3A_340 = tpu.memref_slice %arg7[%rem3A_322, %dma_wait3A_339] : memref<4x128xi32, #tpu.memory_space<vmem>> -> memref<1x128xi32, #tpu.memory_space<vmem>>
        %dma_wait3A_341 = tpu.memref_squeeze %dma_wait3A_340 : memref<1x128xi32, #tpu.memory_space<vmem>> -> memref<128xi32, #tpu.memory_space<vmem>>
        %dma_wait3A_342 = arith.constant 0 : i32
        %dma_wait3A_343 = tpu.memref_slice %arg4[%add3A, %add3A_338, %dma_wait3A_342] : memref<32x81x128xi32, #tpu.memory_space<hbm>> -> memref<1x1x128xi32, #tpu.memory_space<hbm>>
        %dma_wait3A_344 = tpu.memref_squeeze %dma_wait3A_343 : memref<1x1x128xi32, #tpu.memory_space<hbm>> -> memref<128xi32, #tpu.memory_space<hbm>>
        %dma_wait3A_345 = arith.constant 0 : i32
        %dma_wait3A_346 = tpu.memref_slice %arg7[%rem3A_322, %dma_wait3A_345] : memref<4x128xi32, #tpu.memory_space<vmem>> -> memref<1x128xi32, #tpu.memory_space<vmem>>
        %dma_wait3A_347 = tpu.memref_squeeze %dma_wait3A_346 : memref<1x128xi32, #tpu.memory_space<vmem>> -> memref<128xi32, #tpu.memory_space<vmem>>
        %dma_wait3A_348 = arith.constant 0 : i32
        %dma_wait3A_349 = tpu.memref_slice %arg4[%add3A, %add3A_338, %dma_wait3A_348] : memref<32x81x128xi32, #tpu.memory_space<hbm>> -> memref<1x1x128xi32, #tpu.memory_space<hbm>>
        %dma_wait3A_350 = tpu.memref_squeeze %dma_wait3A_349 : memref<1x1x128xi32, #tpu.memory_space<hbm>> -> memref<128xi32, #tpu.memory_space<hbm>>
        tpu.wait_dma2 semaphore(%arg15 : memref<!tpu.dma_semaphore, #tpu.memory_space<semaphore_mem>>) src(%dma_wait3A_350 : memref<128xi32, #tpu.memory_space<hbm>>) dst(%dma_wait3A_347 : memref<128xi32, #tpu.memory_space<vmem>>)
        %dma_start3A_351 = arith.constant 0 : i32
        %dma_start3A_352 = tpu.memref_slice %arg6[%rem3A_322, %dma_start3A_351] : memref<4x128xi32, #tpu.memory_space<vmem>> -> memref<1x128xi32, #tpu.memory_space<vmem>>
        %dma_start3A_353 = tpu.memref_squeeze %dma_start3A_352 : memref<1x128xi32, #tpu.memory_space<vmem>> -> memref<128xi32, #tpu.memory_space<vmem>>
        %dma_start3A_354 = arith.constant 0 : i32
        %dma_start3A_355 = arith.constant 0 : i32
        %dma_start3A_356 = tpu.memref_slice %arg2[%dma_start3A_354, %dma_start3A_355] : memref<10240x128xf32, #tpu.memory_space<hbm>> -> memref<10240x128xf32, #tpu.memory_space<hbm>>
        tpu.enqueue_indirect_dma source(%dma_start3A_356 : memref<10240x128xf32, #tpu.memory_space<hbm>>) target(%arg9 : memref<128x128xf32, #tpu.memory_space<vmem>>) offsets(%dma_start3A_353 : memref<128xi32, #tpu.memory_space<vmem>>) semaphore(%arg13 : memref<!tpu.dma_semaphore, #tpu.memory_space<semaphore_mem>>)
      } else {
      }
      %add3A_312 = arith.constant 3 : i32
      %add3A_313 = arith.addi %add3A_296, %add3A_312 : i32
      %lt3A_314 = arith.constant 81 : i32
      %lt3A_315 = arith.cmpi slt, %add3A_313, %lt3A_314 : i32
      %convert_element_type3A_316 = arith.extui %lt3A_315 : i1 to i32
      %cond3A_317 = arith.constant 0 : i32
      %cond3A_318 = arith.cmpi ne, %convert_element_type3A_316, %cond3A_317 : i32
      scf.if %cond3A_318 {
        %add3A_319 = arith.constant 3 : i32
        %add3A_320 = arith.addi %add3A_296, %add3A_319 : i32
        %rem3A_321 = arith.constant 4 : i32
        %rem3A_322 = arith.remsi %add3A_320, %rem3A_321 : i32
        %add3A_323 = arith.constant 3 : i32
        %add3A_324 = arith.addi %add3A_296, %add3A_323 : i32
        %dma_start3A_325 = arith.constant 0 : i32
        %dma_start3A_326 = tpu.memref_slice %arg6[%rem3A_322, %dma_start3A_325] : memref<4x128xi32, #tpu.memory_space<vmem>> -> memref<1x128xi32, #tpu.memory_space<vmem>>
        %dma_start3A_327 = tpu.memref_squeeze %dma_start3A_326 : memref<1x128xi32, #tpu.memory_space<vmem>> -> memref<128xi32, #tpu.memory_space<vmem>>
        %dma_start3A_328 = arith.constant 0 : i32
        %dma_start3A_329 = tpu.memref_slice %arg3[%add3A, %add3A_324, %dma_start3A_328] : memref<32x81x128xi32, #tpu.memory_space<hbm>> -> memref<1x1x128xi32, #tpu.memory_space<hbm>>
        %dma_start3A_330 = tpu.memref_squeeze %dma_start3A_329 : memref<1x1x128xi32, #tpu.memory_space<hbm>> -> memref<128xi32, #tpu.memory_space<hbm>>
        %dma_start3A_331 = arith.constant 0 : i32
        %dma_start3A_332 = tpu.memref_slice %arg6[%rem3A_322, %dma_start3A_331] : memref<4x128xi32, #tpu.memory_space<vmem>> -> memref<1x128xi32, #tpu.memory_space<vmem>>
        %dma_start3A_333 = tpu.memref_squeeze %dma_start3A_332 : memref<1x128xi32, #tpu.memory_space<vmem>> -> memref<128xi32, #tpu.memory_space<vmem>>
        %dma_start3A_334 = arith.constant 0 : i32
        %dma_start3A_335 = tpu.memref_slice %arg3[%add3A, %add3A_324, %dma_start3A_334] : memref<32x81x128xi32, #tpu.memory_space<hbm>> -> memref<1x1x128xi32, #tpu.memory_space<hbm>>
        %dma_start3A_336 = tpu.memref_squeeze %dma_start3A_335 : memref<1x1x128xi32, #tpu.memory_space<hbm>> -> memref<128xi32, #tpu.memory_space<hbm>>
        tpu.enqueue_dma source(%dma_start3A_336 : memref<128xi32, #tpu.memory_space<hbm>>) target(%dma_start3A_333 : memref<128xi32, #tpu.memory_space<vmem>>) target_semaphore(%arg15 : memref<!tpu.dma_semaphore, #tpu.memory_space<semaphore_mem>>)
        %add3A_337 = arith.constant 3 : i32
        %add3A_338 = arith.addi %add3A_296, %add3A_337 : i32
        %dma_start3A_339 = arith.constant 0 : i32
        %dma_start3A_340 = tpu.memref_slice %arg7[%rem3A_322, %dma_start3A_339] : memref<4x128xi32, #tpu.memory_space<vmem>> -> memref<1x128xi32, #tpu.memory_space<vmem>>
        %dma_start3A_341 = tpu.memref_squeeze %dma_start3A_340 : memref<1x128xi32, #tpu.memory_space<vmem>> -> memref<128xi32, #tpu.memory_space<vmem>>
        %dma_start3A_342 = arith.constant 0 : i32
        %dma_start3A_343 = tpu.memref_slice %arg4[%add3A, %add3A_338, %dma_start3A_342] : memref<32x81x128xi32, #tpu.memory_space<hbm>> -> memref<1x1x128xi32, #tpu.memory_space<hbm>>
        %dma_start3A_344 = tpu.memref_squeeze %dma_start3A_343 : memref<1x1x128xi32, #tpu.memory_space<hbm>> -> memref<128xi32, #tpu.memory_space<hbm>>
        %dma_start3A_345 = arith.constant 0 : i32
        %dma_start3A_346 = tpu.memref_slice %arg7[%rem3A_322, %dma_start3A_345] : memref<4x128xi32, #tpu.memory_space<vmem>> -> memref<1x128xi32, #tpu.memory_space<vmem>>
        %dma_start3A_347 = tpu.memref_squeeze %dma_start3A_346 : memref<1x128xi32, #tpu.memory_space<vmem>> -> memref<128xi32, #tpu.memory_space<vmem>>
        %dma_start3A_348 = arith.constant 0 : i32
        %dma_start3A_349 = tpu.memref_slice %arg4[%add3A, %add3A_338, %dma_start3A_348] : memref<32x81x128xi32, #tpu.memory_space<hbm>> -> memref<1x1x128xi32, #tpu.memory_space<hbm>>
        %dma_start3A_350 = tpu.memref_squeeze %dma_start3A_349 : memref<1x1x128xi32, #tpu.memory_space<hbm>> -> memref<128xi32, #tpu.memory_space<hbm>>
        tpu.enqueue_dma source(%dma_start3A_350 : memref<128xi32, #tpu.memory_space<hbm>>) target(%dma_start3A_347 : memref<128xi32, #tpu.memory_space<vmem>>) target_semaphore(%arg15 : memref<!tpu.dma_semaphore, #tpu.memory_space<semaphore_mem>>)
      } else {
      }
      "tpu.region"() ({
        %run_scoped3A_319 = tpu.sem_alloc : memref<!tpu.dma_semaphore, #tpu.memory_space<semaphore_mem>>
        %dma_start3A_320 = arith.constant 0 : i32
        %dma_start3A_321 = tpu.memref_slice %arg7[%rem3A_298, %dma_start3A_320] : memref<4x128xi32, #tpu.memory_space<vmem>> -> memref<1x128xi32, #tpu.memory_space<vmem>>
        %dma_start3A_322 = tpu.memref_squeeze %dma_start3A_321 : memref<1x128xi32, #tpu.memory_space<vmem>> -> memref<128xi32, #tpu.memory_space<vmem>>
        %dma_start3A_323 = arith.constant 0 : i32
        %dma_start3A_324 = arith.constant 0 : i32
        %dma_start3A_325 = tpu.memref_slice %arg11[%dma_start3A_323, %dma_start3A_324] : memref<10112x128xf32, #tpu.memory_space<vmem_shared>> -> memref<10112x128xf32, #tpu.memory_space<vmem_shared>>
        tpu.enqueue_indirect_dma source(%arg10 : memref<128x128xf32, #tpu.memory_space<vmem>>) target(%dma_start3A_325 : memref<10112x128xf32, #tpu.memory_space<vmem_shared>>) offsets(%dma_start3A_322 : memref<128xi32, #tpu.memory_space<vmem>>) semaphore(%run_scoped3A_319 : memref<!tpu.dma_semaphore, #tpu.memory_space<semaphore_mem>>) {add = true}
        %dma_wait3A_326 = arith.constant 0 : i32
        %dma_wait3A_327 = tpu.memref_slice %arg7[%rem3A_298, %dma_wait3A_326] : memref<4x128xi32, #tpu.memory_space<vmem>> -> memref<1x128xi32, #tpu.memory_space<vmem>>
        %dma_wait3A_328 = tpu.memref_squeeze %dma_wait3A_327 : memref<1x128xi32, #tpu.memory_space<vmem>> -> memref<128xi32, #tpu.memory_space<vmem>>
        %dma_wait3A_329 = arith.constant 0 : i32
        %dma_wait3A_330 = arith.constant 0 : i32
        %dma_wait3A_331 = tpu.memref_slice %arg11[%dma_wait3A_329, %dma_wait3A_330] : memref<10112x128xf32, #tpu.memory_space<vmem_shared>> -> memref<10112x128xf32, #tpu.memory_space<vmem_shared>>
        tpu.wait_indirect_dma semaphore(%run_scoped3A_319 : memref<!tpu.dma_semaphore, #tpu.memory_space<semaphore_mem>>) src(%arg10 : memref<128x128xf32, #tpu.memory_space<vmem>>) dst(%dma_wait3A_331 : memref<10112x128xf32, #tpu.memory_space<vmem_shared>>)
        tpu.yield
      }) : () -> ()
    }
    %scan3A_81 = arith.constant 27 : i32
    %barrier3A_82 = arith.constant 0 : index
    tpu.barrier barrier_id(%barrier3A_82)
    %mul3A_83 = arith.constant 632 : i32
    %mul3A_84 = arith.muli %arg1, %mul3A_83 : i32
    %add3A_85 = arith.constant 0 : i32
    %add3A_86 = arith.addi %mul3A_84, %add3A_85 : i32
    "tpu.region"() ({
      %run_scoped3A_242 = tpu.sem_alloc : memref<!tpu.dma_semaphore, #tpu.memory_space<semaphore_mem>>
      %dma_start3A_243 = arith.constant 0 : i32
      %dma_start3A_244 = arith.constant 0 : i32
      %dma_start3A_245 = tpu.memref_slice %arg8[%dma_start3A_243, %dma_start3A_244] : memref<128x128xf32, #tpu.memory_space<vmem>> -> memref<128x128xf32, #tpu.memory_space<vmem>>
      %dma_start3A_246 = arith.constant 0 : i32
      %dma_start3A_247 = tpu.memref_slice %arg11[%add3A_86, %dma_start3A_246] : memref<10112x128xf32, #tpu.memory_space<vmem_shared>> -> memref<128x128xf32, #tpu.memory_space<vmem_shared>>
      %dma_start3A_248 = arith.constant 0 : i32
      %dma_start3A_249 = arith.constant 0 : i32
      %dma_start3A_250 = tpu.memref_slice %arg8[%dma_start3A_248, %dma_start3A_249] : memref<128x128xf32, #tpu.memory_space<vmem>> -> memref<128x128xf32, #tpu.memory_space<vmem>>
      %dma_start3A_251 = arith.constant 0 : i32
      %dma_start3A_252 = tpu.memref_slice %arg11[%add3A_86, %dma_start3A_251] : memref<10112x128xf32, #tpu.memory_space<vmem_shared>> -> memref<128x128xf32, #tpu.memory_space<vmem_shared>>
      tpu.enqueue_dma source(%dma_start3A_252 : memref<128x128xf32, #tpu.memory_space<vmem_shared>>) target(%dma_start3A_250 : memref<128x128xf32, #tpu.memory_space<vmem>>) target_semaphore(%run_scoped3A_242 : memref<!tpu.dma_semaphore, #tpu.memory_space<semaphore_mem>>)
      %dma_wait3A_253 = arith.constant 0 : i32
      %dma_wait3A_254 = arith.constant 0 : i32
      %dma_wait3A_255 = tpu.memref_slice %arg8[%dma_wait3A_253, %dma_wait3A_254] : memref<128x128xf32, #tpu.memory_space<vmem>> -> memref<128x128xf32, #tpu.memory_space<vmem>>
      %dma_wait3A_256 = arith.constant 0 : i32
      %dma_wait3A_257 = tpu.memref_slice %arg11[%add3A_86, %dma_wait3A_256] : memref<10112x128xf32, #tpu.memory_space<vmem_shared>> -> memref<128x128xf32, #tpu.memory_space<vmem_shared>>
      %dma_wait3A_258 = arith.constant 0 : i32
      %dma_wait3A_259 = arith.constant 0 : i32
      %dma_wait3A_260 = tpu.memref_slice %arg8[%dma_wait3A_258, %dma_wait3A_259] : memref<128x128xf32, #tpu.memory_space<vmem>> -> memref<128x128xf32, #tpu.memory_space<vmem>>
      %dma_wait3A_261 = arith.constant 0 : i32
      %dma_wait3A_262 = tpu.memref_slice %arg11[%add3A_86, %dma_wait3A_261] : memref<10112x128xf32, #tpu.memory_space<vmem_shared>> -> memref<128x128xf32, #tpu.memory_space<vmem_shared>>
      tpu.wait_dma2 semaphore(%run_scoped3A_242 : memref<!tpu.dma_semaphore, #tpu.memory_space<semaphore_mem>>) src(%dma_wait3A_262 : memref<128x128xf32, #tpu.memory_space<vmem_shared>>) dst(%dma_wait3A_260 : memref<128x128xf32, #tpu.memory_space<vmem>>)
      tpu.yield
    }) : () -> ()
    %dma_start3A_87 = arith.constant 0 : i32
    %dma_start3A_88 = arith.constant 0 : i32
    %dma_start3A_89 = tpu.memref_slice %arg8[%dma_start3A_87, %dma_start3A_88] : memref<128x128xf32, #tpu.memory_space<vmem>> -> memref<128x128xf32, #tpu.memory_space<vmem>>
    %dma_start3A_90 = arith.constant 0 : i32
    %dma_start3A_91 = tpu.memref_slice %arg5[%arg0, %add3A_86, %dma_start3A_90] : memref<2x10240x128xf32, #tpu.memory_space<hbm>> -> memref<1x128x128xf32, #tpu.memory_space<hbm>>
    %dma_start3A_92 = tpu.memref_squeeze %dma_start3A_91 : memref<1x128x128xf32, #tpu.memory_space<hbm>> -> memref<128x128xf32, #tpu.memory_space<hbm>>
    %dma_start3A_93 = arith.constant 0 : i32
    %dma_start3A_94 = tpu.memref_slice %arg5[%arg0, %add3A_86, %dma_start3A_93] : memref<2x10240x128xf32, #tpu.memory_space<hbm>> -> memref<1x128x128xf32, #tpu.memory_space<hbm>>
    %dma_start3A_95 = tpu.memref_squeeze %dma_start3A_94 : memref<1x128x128xf32, #tpu.memory_space<hbm>> -> memref<128x128xf32, #tpu.memory_space<hbm>>
    %dma_start3A_96 = arith.constant 0 : i32
    %dma_start3A_97 = arith.constant 0 : i32
    %dma_start3A_98 = tpu.memref_slice %arg8[%dma_start3A_96, %dma_start3A_97] : memref<128x128xf32, #tpu.memory_space<vmem>> -> memref<128x128xf32, #tpu.memory_space<vmem>>
    tpu.enqueue_dma source(%dma_start3A_98 : memref<128x128xf32, #tpu.memory_space<vmem>>) target(%dma_start3A_95 : memref<128x128xf32, #tpu.memory_space<hbm>>) target_semaphore(%arg16 : memref<!tpu.dma_semaphore, #tpu.memory_space<semaphore_mem>>)
    %mul3A_99 = arith.constant 632 : i32
    %mul3A_100 = arith.muli %arg1, %mul3A_99 : i32
    %add3A_101 = arith.constant 128 : i32
    %add3A_102 = arith.addi %mul3A_100, %add3A_101 : i32
    "tpu.region"() ({
      %run_scoped3A_242 = tpu.sem_alloc : memref<!tpu.dma_semaphore, #tpu.memory_space<semaphore_mem>>
      %dma_start3A_243 = arith.constant 0 : i32
      %dma_start3A_244 = arith.constant 0 : i32
      %dma_start3A_245 = tpu.memref_slice %arg9[%dma_start3A_243, %dma_start3A_244] : memref<128x128xf32, #tpu.memory_space<vmem>> -> memref<128x128xf32, #tpu.memory_space<vmem>>
      %dma_start3A_246 = arith.constant 0 : i32
      %dma_start3A_247 = tpu.memref_slice %arg11[%add3A_102, %dma_start3A_246] : memref<10112x128xf32, #tpu.memory_space<vmem_shared>> -> memref<128x128xf32, #tpu.memory_space<vmem_shared>>
      %dma_start3A_248 = arith.constant 0 : i32
      %dma_start3A_249 = arith.constant 0 : i32
      %dma_start3A_250 = tpu.memref_slice %arg9[%dma_start3A_248, %dma_start3A_249] : memref<128x128xf32, #tpu.memory_space<vmem>> -> memref<128x128xf32, #tpu.memory_space<vmem>>
      %dma_start3A_251 = arith.constant 0 : i32
      %dma_start3A_252 = tpu.memref_slice %arg11[%add3A_102, %dma_start3A_251] : memref<10112x128xf32, #tpu.memory_space<vmem_shared>> -> memref<128x128xf32, #tpu.memory_space<vmem_shared>>
      tpu.enqueue_dma source(%dma_start3A_252 : memref<128x128xf32, #tpu.memory_space<vmem_shared>>) target(%dma_start3A_250 : memref<128x128xf32, #tpu.memory_space<vmem>>) target_semaphore(%run_scoped3A_242 : memref<!tpu.dma_semaphore, #tpu.memory_space<semaphore_mem>>)
      %dma_wait3A_253 = arith.constant 0 : i32
      %dma_wait3A_254 = arith.constant 0 : i32
      %dma_wait3A_255 = tpu.memref_slice %arg9[%dma_wait3A_253, %dma_wait3A_254] : memref<128x128xf32, #tpu.memory_space<vmem>> -> memref<128x128xf32, #tpu.memory_space<vmem>>
      %dma_wait3A_256 = arith.constant 0 : i32
      %dma_wait3A_257 = tpu.memref_slice %arg11[%add3A_102, %dma_wait3A_256] : memref<10112x128xf32, #tpu.memory_space<vmem_shared>> -> memref<128x128xf32, #tpu.memory_space<vmem_shared>>
      %dma_wait3A_258 = arith.constant 0 : i32
      %dma_wait3A_259 = arith.constant 0 : i32
      %dma_wait3A_260 = tpu.memref_slice %arg9[%dma_wait3A_258, %dma_wait3A_259] : memref<128x128xf32, #tpu.memory_space<vmem>> -> memref<128x128xf32, #tpu.memory_space<vmem>>
      %dma_wait3A_261 = arith.constant 0 : i32
      %dma_wait3A_262 = tpu.memref_slice %arg11[%add3A_102, %dma_wait3A_261] : memref<10112x128xf32, #tpu.memory_space<vmem_shared>> -> memref<128x128xf32, #tpu.memory_space<vmem_shared>>
      tpu.wait_dma2 semaphore(%run_scoped3A_242 : memref<!tpu.dma_semaphore, #tpu.memory_space<semaphore_mem>>) src(%dma_wait3A_262 : memref<128x128xf32, #tpu.memory_space<vmem_shared>>) dst(%dma_wait3A_260 : memref<128x128xf32, #tpu.memory_space<vmem>>)
      tpu.yield
    }) : () -> ()
    %dma_start3A_103 = arith.constant 0 : i32
    %dma_start3A_104 = arith.constant 0 : i32
    %dma_start3A_105 = tpu.memref_slice %arg9[%dma_start3A_103, %dma_start3A_104] : memref<128x128xf32, #tpu.memory_space<vmem>> -> memref<128x128xf32, #tpu.memory_space<vmem>>
    %dma_start3A_106 = arith.constant 0 : i32
    %dma_start3A_107 = tpu.memref_slice %arg5[%arg0, %add3A_102, %dma_start3A_106] : memref<2x10240x128xf32, #tpu.memory_space<hbm>> -> memref<1x128x128xf32, #tpu.memory_space<hbm>>
    %dma_start3A_108 = tpu.memref_squeeze %dma_start3A_107 : memref<1x128x128xf32, #tpu.memory_space<hbm>> -> memref<128x128xf32, #tpu.memory_space<hbm>>
    %dma_start3A_109 = arith.constant 0 : i32
    %dma_start3A_110 = tpu.memref_slice %arg5[%arg0, %add3A_102, %dma_start3A_109] : memref<2x10240x128xf32, #tpu.memory_space<hbm>> -> memref<1x128x128xf32, #tpu.memory_space<hbm>>
    %dma_start3A_111 = tpu.memref_squeeze %dma_start3A_110 : memref<1x128x128xf32, #tpu.memory_space<hbm>> -> memref<128x128xf32, #tpu.memory_space<hbm>>
    %dma_start3A_112 = arith.constant 0 : i32
    %dma_start3A_113 = arith.constant 0 : i32
    %dma_start3A_114 = tpu.memref_slice %arg9[%dma_start3A_112, %dma_start3A_113] : memref<128x128xf32, #tpu.memory_space<vmem>> -> memref<128x128xf32, #tpu.memory_space<vmem>>
    tpu.enqueue_dma source(%dma_start3A_114 : memref<128x128xf32, #tpu.memory_space<vmem>>) target(%dma_start3A_111 : memref<128x128xf32, #tpu.memory_space<hbm>>) target_semaphore(%arg16 : memref<!tpu.dma_semaphore, #tpu.memory_space<semaphore_mem>>)
    %mul3A_115 = arith.constant 632 : i32
    %mul3A_116 = arith.muli %arg1, %mul3A_115 : i32
    %add3A_117 = arith.constant 256 : i32
    %add3A_118 = arith.addi %mul3A_116, %add3A_117 : i32
    %mul3A_119 = arith.constant 632 : i32
    %mul3A_120 = arith.muli %arg1, %mul3A_119 : i32
    %add3A_121 = arith.constant 0 : i32
    %add3A_122 = arith.addi %mul3A_120, %add3A_121 : i32
    %dma_wait3A = arith.constant 0 : i32
    %dma_wait3A_123 = arith.constant 0 : i32
    %dma_wait3A_124 = tpu.memref_slice %arg8[%dma_wait3A, %dma_wait3A_123] : memref<128x128xf32, #tpu.memory_space<vmem>> -> memref<128x128xf32, #tpu.memory_space<vmem>>
    %dma_wait3A_125 = arith.constant 0 : i32
    %dma_wait3A_126 = tpu.memref_slice %arg5[%arg0, %add3A_122, %dma_wait3A_125] : memref<2x10240x128xf32, #tpu.memory_space<hbm>> -> memref<1x128x128xf32, #tpu.memory_space<hbm>>
    %dma_wait3A_127 = tpu.memref_squeeze %dma_wait3A_126 : memref<1x128x128xf32, #tpu.memory_space<hbm>> -> memref<128x128xf32, #tpu.memory_space<hbm>>
    %dma_wait3A_128 = arith.constant 0 : i32
    %dma_wait3A_129 = tpu.memref_slice %arg5[%arg0, %add3A_122, %dma_wait3A_128] : memref<2x10240x128xf32, #tpu.memory_space<hbm>> -> memref<1x128x128xf32, #tpu.memory_space<hbm>>
    %dma_wait3A_130 = tpu.memref_squeeze %dma_wait3A_129 : memref<1x128x128xf32, #tpu.memory_space<hbm>> -> memref<128x128xf32, #tpu.memory_space<hbm>>
    %dma_wait3A_131 = arith.constant 0 : i32
    %dma_wait3A_132 = arith.constant 0 : i32
    %dma_wait3A_133 = tpu.memref_slice %arg8[%dma_wait3A_131, %dma_wait3A_132] : memref<128x128xf32, #tpu.memory_space<vmem>> -> memref<128x128xf32, #tpu.memory_space<vmem>>
    tpu.wait_dma2 semaphore(%arg16 : memref<!tpu.dma_semaphore, #tpu.memory_space<semaphore_mem>>) src(%dma_wait3A_133 : memref<128x128xf32, #tpu.memory_space<vmem>>) dst(%dma_wait3A_130 : memref<128x128xf32, #tpu.memory_space<hbm>>)
    "tpu.region"() ({
      %run_scoped3A_242 = tpu.sem_alloc : memref<!tpu.dma_semaphore, #tpu.memory_space<semaphore_mem>>
      %dma_start3A_243 = arith.constant 0 : i32
      %dma_start3A_244 = arith.constant 0 : i32
      %dma_start3A_245 = tpu.memref_slice %arg8[%dma_start3A_243, %dma_start3A_244] : memref<128x128xf32, #tpu.memory_space<vmem>> -> memref<128x128xf32, #tpu.memory_space<vmem>>
      %dma_start3A_246 = arith.constant 0 : i32
      %dma_start3A_247 = tpu.memref_slice %arg11[%add3A_118, %dma_start3A_246] : memref<10112x128xf32, #tpu.memory_space<vmem_shared>> -> memref<128x128xf32, #tpu.memory_space<vmem_shared>>
      %dma_start3A_248 = arith.constant 0 : i32
      %dma_start3A_249 = arith.constant 0 : i32
      %dma_start3A_250 = tpu.memref_slice %arg8[%dma_start3A_248, %dma_start3A_249] : memref<128x128xf32, #tpu.memory_space<vmem>> -> memref<128x128xf32, #tpu.memory_space<vmem>>
      %dma_start3A_251 = arith.constant 0 : i32
      %dma_start3A_252 = tpu.memref_slice %arg11[%add3A_118, %dma_start3A_251] : memref<10112x128xf32, #tpu.memory_space<vmem_shared>> -> memref<128x128xf32, #tpu.memory_space<vmem_shared>>
      tpu.enqueue_dma source(%dma_start3A_252 : memref<128x128xf32, #tpu.memory_space<vmem_shared>>) target(%dma_start3A_250 : memref<128x128xf32, #tpu.memory_space<vmem>>) target_semaphore(%run_scoped3A_242 : memref<!tpu.dma_semaphore, #tpu.memory_space<semaphore_mem>>)
      %dma_wait3A_253 = arith.constant 0 : i32
      %dma_wait3A_254 = arith.constant 0 : i32
      %dma_wait3A_255 = tpu.memref_slice %arg8[%dma_wait3A_253, %dma_wait3A_254] : memref<128x128xf32, #tpu.memory_space<vmem>> -> memref<128x128xf32, #tpu.memory_space<vmem>>
      %dma_wait3A_256 = arith.constant 0 : i32
      %dma_wait3A_257 = tpu.memref_slice %arg11[%add3A_118, %dma_wait3A_256] : memref<10112x128xf32, #tpu.memory_space<vmem_shared>> -> memref<128x128xf32, #tpu.memory_space<vmem_shared>>
      %dma_wait3A_258 = arith.constant 0 : i32
      %dma_wait3A_259 = arith.constant 0 : i32
      %dma_wait3A_260 = tpu.memref_slice %arg8[%dma_wait3A_258, %dma_wait3A_259] : memref<128x128xf32, #tpu.memory_space<vmem>> -> memref<128x128xf32, #tpu.memory_space<vmem>>
      %dma_wait3A_261 = arith.constant 0 : i32
      %dma_wait3A_262 = tpu.memref_slice %arg11[%add3A_118, %dma_wait3A_261] : memref<10112x128xf32, #tpu.memory_space<vmem_shared>> -> memref<128x128xf32, #tpu.memory_space<vmem_shared>>
      tpu.wait_dma2 semaphore(%run_scoped3A_242 : memref<!tpu.dma_semaphore, #tpu.memory_space<semaphore_mem>>) src(%dma_wait3A_262 : memref<128x128xf32, #tpu.memory_space<vmem_shared>>) dst(%dma_wait3A_260 : memref<128x128xf32, #tpu.memory_space<vmem>>)
      tpu.yield
    }) : () -> ()
    %dma_start3A_134 = arith.constant 0 : i32
    %dma_start3A_135 = arith.constant 0 : i32
    %dma_start3A_136 = tpu.memref_slice %arg8[%dma_start3A_134, %dma_start3A_135] : memref<128x128xf32, #tpu.memory_space<vmem>> -> memref<128x128xf32, #tpu.memory_space<vmem>>
    %dma_start3A_137 = arith.constant 0 : i32
    %dma_start3A_138 = tpu.memref_slice %arg5[%arg0, %add3A_118, %dma_start3A_137] : memref<2x10240x128xf32, #tpu.memory_space<hbm>> -> memref<1x128x128xf32, #tpu.memory_space<hbm>>
    %dma_start3A_139 = tpu.memref_squeeze %dma_start3A_138 : memref<1x128x128xf32, #tpu.memory_space<hbm>> -> memref<128x128xf32, #tpu.memory_space<hbm>>
    %dma_start3A_140 = arith.constant 0 : i32
    %dma_start3A_141 = tpu.memref_slice %arg5[%arg0, %add3A_118, %dma_start3A_140] : memref<2x10240x128xf32, #tpu.memory_space<hbm>> -> memref<1x128x128xf32, #tpu.memory_space<hbm>>
    %dma_start3A_142 = tpu.memref_squeeze %dma_start3A_141 : memref<1x128x128xf32, #tpu.memory_space<hbm>> -> memref<128x128xf32, #tpu.memory_space<hbm>>
    %dma_start3A_143 = arith.constant 0 : i32
    %dma_start3A_144 = arith.constant 0 : i32
    %dma_start3A_145 = tpu.memref_slice %arg8[%dma_start3A_143, %dma_start3A_144] : memref<128x128xf32, #tpu.memory_space<vmem>> -> memref<128x128xf32, #tpu.memory_space<vmem>>
    tpu.enqueue_dma source(%dma_start3A_145 : memref<128x128xf32, #tpu.memory_space<vmem>>) target(%dma_start3A_142 : memref<128x128xf32, #tpu.memory_space<hbm>>) target_semaphore(%arg16 : memref<!tpu.dma_semaphore, #tpu.memory_space<semaphore_mem>>)
    %mul3A_146 = arith.constant 632 : i32
    %mul3A_147 = arith.muli %arg1, %mul3A_146 : i32
    %add3A_148 = arith.constant 384 : i32
    %add3A_149 = arith.addi %mul3A_147, %add3A_148 : i32
    %mul3A_150 = arith.constant 632 : i32
    %mul3A_151 = arith.muli %arg1, %mul3A_150 : i32
    %add3A_152 = arith.constant 128 : i32
    %add3A_153 = arith.addi %mul3A_151, %add3A_152 : i32
    %dma_wait3A_154 = arith.constant 0 : i32
    %dma_wait3A_155 = arith.constant 0 : i32
    %dma_wait3A_156 = tpu.memref_slice %arg9[%dma_wait3A_154, %dma_wait3A_155] : memref<128x128xf32, #tpu.memory_space<vmem>> -> memref<128x128xf32, #tpu.memory_space<vmem>>
    %dma_wait3A_157 = arith.constant 0 : i32
    %dma_wait3A_158 = tpu.memref_slice %arg5[%arg0, %add3A_153, %dma_wait3A_157] : memref<2x10240x128xf32, #tpu.memory_space<hbm>> -> memref<1x128x128xf32, #tpu.memory_space<hbm>>
    %dma_wait3A_159 = tpu.memref_squeeze %dma_wait3A_158 : memref<1x128x128xf32, #tpu.memory_space<hbm>> -> memref<128x128xf32, #tpu.memory_space<hbm>>
    %dma_wait3A_160 = arith.constant 0 : i32
    %dma_wait3A_161 = tpu.memref_slice %arg5[%arg0, %add3A_153, %dma_wait3A_160] : memref<2x10240x128xf32, #tpu.memory_space<hbm>> -> memref<1x128x128xf32, #tpu.memory_space<hbm>>
    %dma_wait3A_162 = tpu.memref_squeeze %dma_wait3A_161 : memref<1x128x128xf32, #tpu.memory_space<hbm>> -> memref<128x128xf32, #tpu.memory_space<hbm>>
    %dma_wait3A_163 = arith.constant 0 : i32
    %dma_wait3A_164 = arith.constant 0 : i32
    %dma_wait3A_165 = tpu.memref_slice %arg9[%dma_wait3A_163, %dma_wait3A_164] : memref<128x128xf32, #tpu.memory_space<vmem>> -> memref<128x128xf32, #tpu.memory_space<vmem>>
    tpu.wait_dma2 semaphore(%arg16 : memref<!tpu.dma_semaphore, #tpu.memory_space<semaphore_mem>>) src(%dma_wait3A_165 : memref<128x128xf32, #tpu.memory_space<vmem>>) dst(%dma_wait3A_162 : memref<128x128xf32, #tpu.memory_space<hbm>>)
    "tpu.region"() ({
      %run_scoped3A_242 = tpu.sem_alloc : memref<!tpu.dma_semaphore, #tpu.memory_space<semaphore_mem>>
      %dma_start3A_243 = arith.constant 0 : i32
      %dma_start3A_244 = arith.constant 0 : i32
      %dma_start3A_245 = tpu.memref_slice %arg9[%dma_start3A_243, %dma_start3A_244] : memref<128x128xf32, #tpu.memory_space<vmem>> -> memref<128x128xf32, #tpu.memory_space<vmem>>
      %dma_start3A_246 = arith.constant 0 : i32
      %dma_start3A_247 = tpu.memref_slice %arg11[%add3A_149, %dma_start3A_246] : memref<10112x128xf32, #tpu.memory_space<vmem_shared>> -> memref<128x128xf32, #tpu.memory_space<vmem_shared>>
      %dma_start3A_248 = arith.constant 0 : i32
      %dma_start3A_249 = arith.constant 0 : i32
      %dma_start3A_250 = tpu.memref_slice %arg9[%dma_start3A_248, %dma_start3A_249] : memref<128x128xf32, #tpu.memory_space<vmem>> -> memref<128x128xf32, #tpu.memory_space<vmem>>
      %dma_start3A_251 = arith.constant 0 : i32
      %dma_start3A_252 = tpu.memref_slice %arg11[%add3A_149, %dma_start3A_251] : memref<10112x128xf32, #tpu.memory_space<vmem_shared>> -> memref<128x128xf32, #tpu.memory_space<vmem_shared>>
      tpu.enqueue_dma source(%dma_start3A_252 : memref<128x128xf32, #tpu.memory_space<vmem_shared>>) target(%dma_start3A_250 : memref<128x128xf32, #tpu.memory_space<vmem>>) target_semaphore(%run_scoped3A_242 : memref<!tpu.dma_semaphore, #tpu.memory_space<semaphore_mem>>)
      %dma_wait3A_253 = arith.constant 0 : i32
      %dma_wait3A_254 = arith.constant 0 : i32
      %dma_wait3A_255 = tpu.memref_slice %arg9[%dma_wait3A_253, %dma_wait3A_254] : memref<128x128xf32, #tpu.memory_space<vmem>> -> memref<128x128xf32, #tpu.memory_space<vmem>>
      %dma_wait3A_256 = arith.constant 0 : i32
      %dma_wait3A_257 = tpu.memref_slice %arg11[%add3A_149, %dma_wait3A_256] : memref<10112x128xf32, #tpu.memory_space<vmem_shared>> -> memref<128x128xf32, #tpu.memory_space<vmem_shared>>
      %dma_wait3A_258 = arith.constant 0 : i32
      %dma_wait3A_259 = arith.constant 0 : i32
      %dma_wait3A_260 = tpu.memref_slice %arg9[%dma_wait3A_258, %dma_wait3A_259] : memref<128x128xf32, #tpu.memory_space<vmem>> -> memref<128x128xf32, #tpu.memory_space<vmem>>
      %dma_wait3A_261 = arith.constant 0 : i32
      %dma_wait3A_262 = tpu.memref_slice %arg11[%add3A_149, %dma_wait3A_261] : memref<10112x128xf32, #tpu.memory_space<vmem_shared>> -> memref<128x128xf32, #tpu.memory_space<vmem_shared>>
      tpu.wait_dma2 semaphore(%run_scoped3A_242 : memref<!tpu.dma_semaphore, #tpu.memory_space<semaphore_mem>>) src(%dma_wait3A_262 : memref<128x128xf32, #tpu.memory_space<vmem_shared>>) dst(%dma_wait3A_260 : memref<128x128xf32, #tpu.memory_space<vmem>>)
      tpu.yield
    }) : () -> ()
    %dma_start3A_166 = arith.constant 0 : i32
    %dma_start3A_167 = arith.constant 0 : i32
    %dma_start3A_168 = tpu.memref_slice %arg9[%dma_start3A_166, %dma_start3A_167] : memref<128x128xf32, #tpu.memory_space<vmem>> -> memref<128x128xf32, #tpu.memory_space<vmem>>
    %dma_start3A_169 = arith.constant 0 : i32
    %dma_start3A_170 = tpu.memref_slice %arg5[%arg0, %add3A_149, %dma_start3A_169] : memref<2x10240x128xf32, #tpu.memory_space<hbm>> -> memref<1x128x128xf32, #tpu.memory_space<hbm>>
    %dma_start3A_171 = tpu.memref_squeeze %dma_start3A_170 : memref<1x128x128xf32, #tpu.memory_space<hbm>> -> memref<128x128xf32, #tpu.memory_space<hbm>>
    %dma_start3A_172 = arith.constant 0 : i32
    %dma_start3A_173 = tpu.memref_slice %arg5[%arg0, %add3A_149, %dma_start3A_172] : memref<2x10240x128xf32, #tpu.memory_space<hbm>> -> memref<1x128x128xf32, #tpu.memory_space<hbm>>
    %dma_start3A_174 = tpu.memref_squeeze %dma_start3A_173 : memref<1x128x128xf32, #tpu.memory_space<hbm>> -> memref<128x128xf32, #tpu.memory_space<hbm>>
    %dma_start3A_175 = arith.constant 0 : i32
    %dma_start3A_176 = arith.constant 0 : i32
    %dma_start3A_177 = tpu.memref_slice %arg9[%dma_start3A_175, %dma_start3A_176] : memref<128x128xf32, #tpu.memory_space<vmem>> -> memref<128x128xf32, #tpu.memory_space<vmem>>
    tpu.enqueue_dma source(%dma_start3A_177 : memref<128x128xf32, #tpu.memory_space<vmem>>) target(%dma_start3A_174 : memref<128x128xf32, #tpu.memory_space<hbm>>) target_semaphore(%arg16 : memref<!tpu.dma_semaphore, #tpu.memory_space<semaphore_mem>>)
    %mul3A_178 = arith.constant 632 : i32
    %mul3A_179 = arith.muli %arg1, %mul3A_178 : i32
    %add3A_180 = arith.constant 512 : i32
    %add3A_181 = arith.addi %mul3A_179, %add3A_180 : i32
    %mul3A_182 = arith.constant 632 : i32
    %mul3A_183 = arith.muli %arg1, %mul3A_182 : i32
    %add3A_184 = arith.constant 256 : i32
    %add3A_185 = arith.addi %mul3A_183, %add3A_184 : i32
    %dma_wait3A_186 = arith.constant 0 : i32
    %dma_wait3A_187 = arith.constant 0 : i32
    %dma_wait3A_188 = tpu.memref_slice %arg8[%dma_wait3A_186, %dma_wait3A_187] : memref<128x128xf32, #tpu.memory_space<vmem>> -> memref<128x128xf32, #tpu.memory_space<vmem>>
    %dma_wait3A_189 = arith.constant 0 : i32
    %dma_wait3A_190 = tpu.memref_slice %arg5[%arg0, %add3A_185, %dma_wait3A_189] : memref<2x10240x128xf32, #tpu.memory_space<hbm>> -> memref<1x128x128xf32, #tpu.memory_space<hbm>>
    %dma_wait3A_191 = tpu.memref_squeeze %dma_wait3A_190 : memref<1x128x128xf32, #tpu.memory_space<hbm>> -> memref<128x128xf32, #tpu.memory_space<hbm>>
    %dma_wait3A_192 = arith.constant 0 : i32
    %dma_wait3A_193 = tpu.memref_slice %arg5[%arg0, %add3A_185, %dma_wait3A_192] : memref<2x10240x128xf32, #tpu.memory_space<hbm>> -> memref<1x128x128xf32, #tpu.memory_space<hbm>>
    %dma_wait3A_194 = tpu.memref_squeeze %dma_wait3A_193 : memref<1x128x128xf32, #tpu.memory_space<hbm>> -> memref<128x128xf32, #tpu.memory_space<hbm>>
    %dma_wait3A_195 = arith.constant 0 : i32
    %dma_wait3A_196 = arith.constant 0 : i32
    %dma_wait3A_197 = tpu.memref_slice %arg8[%dma_wait3A_195, %dma_wait3A_196] : memref<128x128xf32, #tpu.memory_space<vmem>> -> memref<128x128xf32, #tpu.memory_space<vmem>>
    tpu.wait_dma2 semaphore(%arg16 : memref<!tpu.dma_semaphore, #tpu.memory_space<semaphore_mem>>) src(%dma_wait3A_197 : memref<128x128xf32, #tpu.memory_space<vmem>>) dst(%dma_wait3A_194 : memref<128x128xf32, #tpu.memory_space<hbm>>)
    "tpu.region"() ({
      %run_scoped3A_242 = tpu.sem_alloc : memref<!tpu.dma_semaphore, #tpu.memory_space<semaphore_mem>>
      %dma_start3A_243 = arith.constant 0 : i32
      %dma_start3A_244 = arith.constant 0 : i32
      %dma_start3A_245 = tpu.memref_slice %arg8[%dma_start3A_243, %dma_start3A_244] : memref<128x128xf32, #tpu.memory_space<vmem>> -> memref<120x128xf32, #tpu.memory_space<vmem>>
      %dma_start3A_246 = arith.constant 0 : i32
      %dma_start3A_247 = tpu.memref_slice %arg11[%add3A_181, %dma_start3A_246] : memref<10112x128xf32, #tpu.memory_space<vmem_shared>> -> memref<120x128xf32, #tpu.memory_space<vmem_shared>>
      %dma_start3A_248 = arith.constant 0 : i32
      %dma_start3A_249 = arith.constant 0 : i32
      %dma_start3A_250 = tpu.memref_slice %arg8[%dma_start3A_248, %dma_start3A_249] : memref<128x128xf32, #tpu.memory_space<vmem>> -> memref<120x128xf32, #tpu.memory_space<vmem>>
      %dma_start3A_251 = arith.constant 0 : i32
      %dma_start3A_252 = tpu.memref_slice %arg11[%add3A_181, %dma_start3A_251] : memref<10112x128xf32, #tpu.memory_space<vmem_shared>> -> memref<120x128xf32, #tpu.memory_space<vmem_shared>>
      tpu.enqueue_dma source(%dma_start3A_252 : memref<120x128xf32, #tpu.memory_space<vmem_shared>>) target(%dma_start3A_250 : memref<120x128xf32, #tpu.memory_space<vmem>>) target_semaphore(%run_scoped3A_242 : memref<!tpu.dma_semaphore, #tpu.memory_space<semaphore_mem>>)
      %dma_wait3A_253 = arith.constant 0 : i32
      %dma_wait3A_254 = arith.constant 0 : i32
      %dma_wait3A_255 = tpu.memref_slice %arg8[%dma_wait3A_253, %dma_wait3A_254] : memref<128x128xf32, #tpu.memory_space<vmem>> -> memref<120x128xf32, #tpu.memory_space<vmem>>
      %dma_wait3A_256 = arith.constant 0 : i32
      %dma_wait3A_257 = tpu.memref_slice %arg11[%add3A_181, %dma_wait3A_256] : memref<10112x128xf32, #tpu.memory_space<vmem_shared>> -> memref<120x128xf32, #tpu.memory_space<vmem_shared>>
      %dma_wait3A_258 = arith.constant 0 : i32
      %dma_wait3A_259 = arith.constant 0 : i32
      %dma_wait3A_260 = tpu.memref_slice %arg8[%dma_wait3A_258, %dma_wait3A_259] : memref<128x128xf32, #tpu.memory_space<vmem>> -> memref<120x128xf32, #tpu.memory_space<vmem>>
      %dma_wait3A_261 = arith.constant 0 : i32
      %dma_wait3A_262 = tpu.memref_slice %arg11[%add3A_181, %dma_wait3A_261] : memref<10112x128xf32, #tpu.memory_space<vmem_shared>> -> memref<120x128xf32, #tpu.memory_space<vmem_shared>>
      tpu.wait_dma2 semaphore(%run_scoped3A_242 : memref<!tpu.dma_semaphore, #tpu.memory_space<semaphore_mem>>) src(%dma_wait3A_262 : memref<120x128xf32, #tpu.memory_space<vmem_shared>>) dst(%dma_wait3A_260 : memref<120x128xf32, #tpu.memory_space<vmem>>)
      tpu.yield
    }) : () -> ()
    %dma_start3A_198 = arith.constant 0 : i32
    %dma_start3A_199 = arith.constant 0 : i32
    %dma_start3A_200 = tpu.memref_slice %arg8[%dma_start3A_198, %dma_start3A_199] : memref<128x128xf32, #tpu.memory_space<vmem>> -> memref<120x128xf32, #tpu.memory_space<vmem>>
    %dma_start3A_201 = arith.constant 0 : i32
    %dma_start3A_202 = tpu.memref_slice %arg5[%arg0, %add3A_181, %dma_start3A_201] : memref<2x10240x128xf32, #tpu.memory_space<hbm>> -> memref<1x120x128xf32, #tpu.memory_space<hbm>>
    %dma_start3A_203 = tpu.memref_squeeze %dma_start3A_202 : memref<1x120x128xf32, #tpu.memory_space<hbm>> -> memref<120x128xf32, #tpu.memory_space<hbm>>
    %dma_start3A_204 = arith.constant 0 : i32
    %dma_start3A_205 = tpu.memref_slice %arg5[%arg0, %add3A_181, %dma_start3A_204] : memref<2x10240x128xf32, #tpu.memory_space<hbm>> -> memref<1x120x128xf32, #tpu.memory_space<hbm>>
    %dma_start3A_206 = tpu.memref_squeeze %dma_start3A_205 : memref<1x120x128xf32, #tpu.memory_space<hbm>> -> memref<120x128xf32, #tpu.memory_space<hbm>>
    %dma_start3A_207 = arith.constant 0 : i32
    %dma_start3A_208 = arith.constant 0 : i32
    %dma_start3A_209 = tpu.memref_slice %arg8[%dma_start3A_207, %dma_start3A_208] : memref<128x128xf32, #tpu.memory_space<vmem>> -> memref<120x128xf32, #tpu.memory_space<vmem>>
    tpu.enqueue_dma source(%dma_start3A_209 : memref<120x128xf32, #tpu.memory_space<vmem>>) target(%dma_start3A_206 : memref<120x128xf32, #tpu.memory_space<hbm>>) target_semaphore(%arg16 : memref<!tpu.dma_semaphore, #tpu.memory_space<semaphore_mem>>)
    %mul3A_210 = arith.constant 632 : i32
    %mul3A_211 = arith.muli %arg1, %mul3A_210 : i32
    %add3A_212 = arith.constant 384 : i32
    %add3A_213 = arith.addi %mul3A_211, %add3A_212 : i32
    %dma_wait3A_214 = arith.constant 0 : i32
    %dma_wait3A_215 = arith.constant 0 : i32
    %dma_wait3A_216 = tpu.memref_slice %arg9[%dma_wait3A_214, %dma_wait3A_215] : memref<128x128xf32, #tpu.memory_space<vmem>> -> memref<128x128xf32, #tpu.memory_space<vmem>>
    %dma_wait3A_217 = arith.constant 0 : i32
    %dma_wait3A_218 = tpu.memref_slice %arg5[%arg0, %add3A_213, %dma_wait3A_217] : memref<2x10240x128xf32, #tpu.memory_space<hbm>> -> memref<1x128x128xf32, #tpu.memory_space<hbm>>
    %dma_wait3A_219 = tpu.memref_squeeze %dma_wait3A_218 : memref<1x128x128xf32, #tpu.memory_space<hbm>> -> memref<128x128xf32, #tpu.memory_space<hbm>>
    %dma_wait3A_220 = arith.constant 0 : i32
    %dma_wait3A_221 = tpu.memref_slice %arg5[%arg0, %add3A_213, %dma_wait3A_220] : memref<2x10240x128xf32, #tpu.memory_space<hbm>> -> memref<1x128x128xf32, #tpu.memory_space<hbm>>
    %dma_wait3A_222 = tpu.memref_squeeze %dma_wait3A_221 : memref<1x128x128xf32, #tpu.memory_space<hbm>> -> memref<128x128xf32, #tpu.memory_space<hbm>>
    %dma_wait3A_223 = arith.constant 0 : i32
    %dma_wait3A_224 = arith.constant 0 : i32
    %dma_wait3A_225 = tpu.memref_slice %arg9[%dma_wait3A_223, %dma_wait3A_224] : memref<128x128xf32, #tpu.memory_space<vmem>> -> memref<128x128xf32, #tpu.memory_space<vmem>>
    tpu.wait_dma2 semaphore(%arg16 : memref<!tpu.dma_semaphore, #tpu.memory_space<semaphore_mem>>) src(%dma_wait3A_225 : memref<128x128xf32, #tpu.memory_space<vmem>>) dst(%dma_wait3A_222 : memref<128x128xf32, #tpu.memory_space<hbm>>)
    %mul3A_226 = arith.constant 632 : i32
    %mul3A_227 = arith.muli %arg1, %mul3A_226 : i32
    %add3A_228 = arith.constant 512 : i32
    %add3A_229 = arith.addi %mul3A_227, %add3A_228 : i32
    %dma_wait3A_230 = arith.constant 0 : i32
    %dma_wait3A_231 = arith.constant 0 : i32
    %dma_wait3A_232 = tpu.memref_slice %arg8[%dma_wait3A_230, %dma_wait3A_231] : memref<128x128xf32, #tpu.memory_space<vmem>> -> memref<120x128xf32, #tpu.memory_space<vmem>>
    %dma_wait3A_233 = arith.constant 0 : i32
    %dma_wait3A_234 = tpu.memref_slice %arg5[%arg0, %add3A_229, %dma_wait3A_233] : memref<2x10240x128xf32, #tpu.memory_space<hbm>> -> memref<1x120x128xf32, #tpu.memory_space<hbm>>
    %dma_wait3A_235 = tpu.memref_squeeze %dma_wait3A_234 : memref<1x120x128xf32, #tpu.memory_space<hbm>> -> memref<120x128xf32, #tpu.memory_space<hbm>>
    %dma_wait3A_236 = arith.constant 0 : i32
    %dma_wait3A_237 = tpu.memref_slice %arg5[%arg0, %add3A_229, %dma_wait3A_236] : memref<2x10240x128xf32, #tpu.memory_space<hbm>> -> memref<1x120x128xf32, #tpu.memory_space<hbm>>
    %dma_wait3A_238 = tpu.memref_squeeze %dma_wait3A_237 : memref<1x120x128xf32, #tpu.memory_space<hbm>> -> memref<120x128xf32, #tpu.memory_space<hbm>>
    %dma_wait3A_239 = arith.constant 0 : i32
    %dma_wait3A_240 = arith.constant 0 : i32
    %dma_wait3A_241 = tpu.memref_slice %arg8[%dma_wait3A_239, %dma_wait3A_240] : memref<128x128xf32, #tpu.memory_space<vmem>> -> memref<120x128xf32, #tpu.memory_space<vmem>>
    tpu.wait_dma2 semaphore(%arg16 : memref<!tpu.dma_semaphore, #tpu.memory_space<semaphore_mem>>) src(%dma_wait3A_241 : memref<120x128xf32, #tpu.memory_space<vmem>>) dst(%dma_wait3A_238 : memref<120x128xf32, #tpu.memory_space<hbm>>)
    return
  }
}

#map = affine_map<(d0, d1) -> (0, 0)>
#map1 = affine_map<(d0, d1) -> (0, 0, 0)>
module attributes {stable_mosaic.version = 14 : i64} {
  func.func @body(%arg0: i32, %arg1: i32, %arg2: memref<10240x128xf32, #tpu.memory_space<hbm>>, %arg3: memref<32x81x128xi32, #tpu.memory_space<hbm>>, %arg4: memref<32x81x128xi32, #tpu.memory_space<hbm>>, %arg5: memref<2x10240x128xf32, #tpu.memory_space<hbm>>, %arg6: memref<4x128xi32, #tpu.memory_space<vmem>>, %arg7: memref<4x128xi32, #tpu.memory_space<vmem>>, %arg8: memref<128x128xf32, #tpu.memory_space<vmem>>, %arg9: memref<128x128xf32, #tpu.memory_space<vmem>>, %arg10: memref<128x128xf32, #tpu.memory_space<vmem>>, %arg11: memref<10112x128xf32, #tpu.memory_space<vmem_shared>>, %arg12: memref<!tpu.dma_semaphore, #tpu.memory_space<semaphore_mem>>, %arg13: memref<!tpu.dma_semaphore, #tpu.memory_space<semaphore_mem>>, %arg14: memref<!tpu.dma_semaphore, #tpu.memory_space<semaphore_mem>>, %arg15: memref<!tpu.dma_semaphore, #tpu.memory_space<semaphore_mem>>, %arg16: memref<!tpu.dma_semaphore, #tpu.memory_space<semaphore_mem>>) attributes {dimension_semantics = [#tpu.dimension_semantics<core_parallel>, #tpu.dimension_semantics<subcore_parallel>], iteration_bounds = array<i64: 2, 16>, scalar_prefetch = 0 : i64, scratch_operands = 11 : i64, tpu.core_type = #tpu.core_type<sc_vector_subcore>, window_params = [{transform_indices = #map}, {transform_indices = #map1}, {transform_indices = #map1}, {transform_indices = #map1}]} {
    %mul3A = arith.constant 2 : i32
    %mul3A_0 = arith.muli %arg1, %mul3A : i32
    %add3A = arith.addi %mul3A_0, %arg0 : i32
    %scan3A = arith.constant 0 : i32
    %scan3A_1 = arith.constant 0 : i32
    %scan3A_2 = arith.constant 128 : i32
    %scan3A_3 = arith.addi %scan3A_1, %scan3A_2 : i32
    %scan3A_4 = arith.constant 1 : i32
    scf.for %scan3A_242 = %scan3A_1 to %scan3A_3 step %scan3A_4  : i32 {
      %broadcast_in_dim3A = arith.constant 0.000000e+00 : f32
      %broadcast_in_dim3A_243 = vector.broadcast %broadcast_in_dim3A : f32 to vector<16xf32>
      %swap3A = arith.index_cast %scan3A_242 : i32 to index
      %swap3A_244 = arith.constant 0 : index
      %swap3A_245 = tpu.vector_load %arg8[%swap3A, %swap3A_244] {strides = array<i32>} : memref<128x128xf32, #tpu.memory_space<vmem>>, vector<1x16xf32>,
      %swap3A_246 = vector.shape_cast %swap3A_245 : vector<1x16xf32> to vector<16xf32>
      %swap3A_247 = vector.shape_cast %broadcast_in_dim3A_243 : vector<16xf32> to vector<1x16xf32>
      tpu.vector_store %arg8[%swap3A, %swap3A_244], %swap3A_247 {strides = array<i32>} : memref<128x128xf32, #tpu.memory_space<vmem>>, vector<1x16xf32>,
      %broadcast_in_dim3A_248 = arith.constant 0.000000e+00 : f32
      %broadcast_in_dim3A_249 = vector.broadcast %broadcast_in_dim3A_248 : f32 to vector<16xf32>
      %swap3A_250 = arith.index_cast %scan3A_242 : i32 to index
      %swap3A_251 = arith.constant 16 : index
      %swap3A_252 = tpu.vector_load %arg8[%swap3A_250, %swap3A_251] {strides = array<i32>} : memref<128x128xf32, #tpu.memory_space<vmem>>, vector<1x16xf32>,
      %swap3A_253 = vector.shape_cast %swap3A_252 : vector<1x16xf32> to vector<16xf32>
      %swap3A_254 = vector.shape_cast %broadcast_in_dim3A_249 : vector<16xf32> to vector<1x16xf32>
      tpu.vector_store %arg8[%swap3A_250, %swap3A_251], %swap3A_254 {strides = array<i32>} : memref<128x128xf32, #tpu.memory_space<vmem>>, vector<1x16xf32>,
      %broadcast_in_dim3A_255 = arith.constant 0.000000e+00 : f32
      %broadcast_in_dim3A_256 = vector.broadcast %broadcast_in_dim3A_255 : f32 to vector<16xf32>
      %swap3A_257 = arith.index_cast %scan3A_242 : i32 to index
      %swap3A_258 = arith.constant 32 : index
      %swap3A_259 = tpu.vector_load %arg8[%swap3A_257, %swap3A_258] {strides = array<i32>} : memref<128x128xf32, #tpu.memory_space<vmem>>, vector<1x16xf32>,
      %swap3A_260 = vector.shape_cast %swap3A_259 : vector<1x16xf32> to vector<16xf32>
      %swap3A_261 = vector.shape_cast %broadcast_in_dim3A_256 : vector<16xf32> to vector<1x16xf32>
      tpu.vector_store %arg8[%swap3A_257, %swap3A_258], %swap3A_261 {strides = array<i32>} : memref<128x128xf32, #tpu.memory_space<vmem>>, vector<1x16xf32>,
      %broadcast_in_dim3A_262 = arith.constant 0.000000e+00 : f32
      %broadcast_in_dim3A_263 = vector.broadcast %broadcast_in_dim3A_262 : f32 to vector<16xf32>
      %swap3A_264 = arith.index_cast %scan3A_242 : i32 to index
      %swap3A_265 = arith.constant 48 : index
      %swap3A_266 = tpu.vector_load %arg8[%swap3A_264, %swap3A_265] {strides = array<i32>} : memref<128x128xf32, #tpu.memory_space<vmem>>, vector<1x16xf32>,
      %swap3A_267 = vector.shape_cast %swap3A_266 : vector<1x16xf32> to vector<16xf32>
      %swap3A_268 = vector.shape_cast %broadcast_in_dim3A_263 : vector<16xf32> to vector<1x16xf32>
      tpu.vector_store %arg8[%swap3A_264, %swap3A_265], %swap3A_268 {strides = array<i32>} : memref<128x128xf32, #tpu.memory_space<vmem>>, vector<1x16xf32>,
      %broadcast_in_dim3A_269 = arith.constant 0.000000e+00 : f32
      %broadcast_in_dim3A_270 = vector.broadcast %broadcast_in_dim3A_269 : f32 to vector<16xf32>
      %swap3A_271 = arith.index_cast %scan3A_242 : i32 to index
      %swap3A_272 = arith.constant 64 : index
      %swap3A_273 = tpu.vector_load %arg8[%swap3A_271, %swap3A_272] {strides = array<i32>} : memref<128x128xf32, #tpu.memory_space<vmem>>, vector<1x16xf32>,
      %swap3A_274 = vector.shape_cast %swap3A_273 : vector<1x16xf32> to vector<16xf32>
      %swap3A_275 = vector.shape_cast %broadcast_in_dim3A_270 : vector<16xf32> to vector<1x16xf32>
      tpu.vector_store %arg8[%swap3A_271, %swap3A_272], %swap3A_275 {strides = array<i32>} : memref<128x128xf32, #tpu.memory_space<vmem>>, vector<1x16xf32>,
      %broadcast_in_dim3A_276 = arith.constant 0.000000e+00 : f32
      %broadcast_in_dim3A_277 = vector.broadcast %broadcast_in_dim3A_276 : f32 to vector<16xf32>
      %swap3A_278 = arith.index_cast %scan3A_242 : i32 to index
      %swap3A_279 = arith.constant 80 : index
      %swap3A_280 = tpu.vector_load %arg8[%swap3A_278, %swap3A_279] {strides = array<i32>} : memref<128x128xf32, #tpu.memory_space<vmem>>, vector<1x16xf32>,
      %swap3A_281 = vector.shape_cast %swap3A_280 : vector<1x16xf32> to vector<16xf32>
      %swap3A_282 = vector.shape_cast %broadcast_in_dim3A_277 : vector<16xf32> to vector<1x16xf32>
      tpu.vector_store %arg8[%swap3A_278, %swap3A_279], %swap3A_282 {strides = array<i32>} : memref<128x128xf32, #tpu.memory_space<vmem>>, vector<1x16xf32>,
      %broadcast_in_dim3A_283 = arith.constant 0.000000e+00 : f32
      %broadcast_in_dim3A_284 = vector.broadcast %broadcast_in_dim3A_283 : f32 to vector<16xf32>
      %swap3A_285 = arith.index_cast %scan3A_242 : i32 to index
      %swap3A_286 = arith.constant 96 : index
      %swap3A_287 = tpu.vector_load %arg8[%swap3A_285, %swap3A_286] {strides = array<i32>} : memref<128x128xf32, #tpu.memory_space<vmem>>, vector<1x16xf32>,
      %swap3A_288 = vector.shape_cast %swap3A_287 : vector<1x16xf32> to vector<16xf32>
      %swap3A_289 = vector.shape_cast %broadcast_in_dim3A_284 : vector<16xf32> to vector<1x16xf32>
      tpu.vector_store %arg8[%swap3A_285, %swap3A_286], %swap3A_289 {strides = array<i32>} : memref<128x128xf32, #tpu.memory_space<vmem>>, vector<1x16xf32>,
      %broadcast_in_dim3A_290 = arith.constant 0.000000e+00 : f32
      %broadcast_in_dim3A_291 = vector.broadcast %broadcast_in_dim3A_290 : f32 to vector<16xf32>
      %swap3A_292 = arith.index_cast %scan3A_242 : i32 to index
      %swap3A_293 = arith.constant 112 : index
      %swap3A_294 = tpu.vector_load %arg8[%swap3A_292, %swap3A_293] {strides = array<i32>} : memref<128x128xf32, #tpu.memory_space<vmem>>, vector<1x16xf32>,
      %swap3A_295 = vector.shape_cast %swap3A_294 : vector<1x16xf32> to vector<16xf32>
      %swap3A_296 = vector.shape_cast %broadcast_in_dim3A_291 : vector<16xf32> to vector<1x16xf32>
      tpu.vector_store %arg8[%swap3A_292, %swap3A_293], %swap3A_296 {strides = array<i32>} : memref<128x128xf32, #tpu.memory_space<vmem>>, vector<1x16xf32>,
    }
    %scan3A_5 = arith.constant 128 : i32
    %mul3A_6 = arith.constant 632 : i32
    %mul3A_7 = arith.muli %arg1, %mul3A_6 : i32
    %add3A_8 = arith.constant 0 : i32
    %add3A_9 = arith.addi %mul3A_7, %add3A_8 : i32
    "tpu.region"() ({
      %run_scoped3A_242 = tpu.sem_alloc : memref<!tpu.dma_semaphore, #tpu.memory_space<semaphore_mem>>
      %dma_start3A_243 = arith.constant 0 : i32
      %dma_start3A_244 = arith.constant 0 : i32
      %dma_start3A_245 = tpu.memref_slice %arg8[%dma_start3A_243, %dma_start3A_244] : memref<128x128xf32, #tpu.memory_space<vmem>> -> memref<128x128xf32, #tpu.memory_space<vmem>>
      %dma_start3A_246 = arith.constant 0 : i32
      %dma_start3A_247 = tpu.memref_slice %arg11[%add3A_9, %dma_start3A_246] : memref<10112x128xf32, #tpu.memory_space<vmem_shared>> -> memref<128x128xf32, #tpu.memory_space<vmem_shared>>
      %dma_start3A_248 = arith.constant 0 : i32
      %dma_start3A_249 = tpu.memref_slice %arg11[%add3A_9, %dma_start3A_248] : memref<10112x128xf32, #tpu.memory_space<vmem_shared>> -> memref<128x128xf32, #tpu.memory_space<vmem_shared>>
      %dma_start3A_250 = arith.constant 0 : i32
      %dma_start3A_251 = arith.constant 0 : i32
      %dma_start3A_252 = tpu.memref_slice %arg8[%dma_start3A_250, %dma_start3A_251] : memref<128x128xf32, #tpu.memory_space<vmem>> -> memref<128x128xf32, #tpu.memory_space<vmem>>
      tpu.enqueue_dma source(%dma_start3A_252 : memref<128x128xf32, #tpu.memory_space<vmem>>) target(%dma_start3A_249 : memref<128x128xf32, #tpu.memory_space<vmem_shared>>) target_semaphore(%run_scoped3A_242 : memref<!tpu.dma_semaphore, #tpu.memory_space<semaphore_mem>>)
      %dma_wait3A_253 = arith.constant 0 : i32
      %dma_wait3A_254 = arith.constant 0 : i32
      %dma_wait3A_255 = tpu.memref_slice %arg8[%dma_wait3A_253, %dma_wait3A_254] : memref<128x128xf32, #tpu.memory_space<vmem>> -> memref<128x128xf32, #tpu.memory_space<vmem>>
      %dma_wait3A_256 = arith.constant 0 : i32
      %dma_wait3A_257 = tpu.memref_slice %arg11[%add3A_9, %dma_wait3A_256] : memref<10112x128xf32, #tpu.memory_space<vmem_shared>> -> memref<128x128xf32, #tpu.memory_space<vmem_shared>>
      %dma_wait3A_258 = arith.constant 0 : i32
      %dma_wait3A_259 = tpu.memref_slice %arg11[%add3A_9, %dma_wait3A_258] : memref<10112x128xf32, #tpu.memory_space<vmem_shared>> -> memref<128x128xf32, #tpu.memory_space<vmem_shared>>
      %dma_wait3A_260 = arith.constant 0 : i32
      %dma_wait3A_261 = arith.constant 0 : i32
      %dma_wait3A_262 = tpu.memref_slice %arg8[%dma_wait3A_260, %dma_wait3A_261] : memref<128x128xf32, #tpu.memory_space<vmem>> -> memref<128x128xf32, #tpu.memory_space<vmem>>
      tpu.wait_dma2 semaphore(%run_scoped3A_242 : memref<!tpu.dma_semaphore, #tpu.memory_space<semaphore_mem>>) src(%dma_wait3A_262 : memref<128x128xf32, #tpu.memory_space<vmem>>) dst(%dma_wait3A_259 : memref<128x128xf32, #tpu.memory_space<vmem_shared>>)
      tpu.yield
    }) : () -> ()
    %mul3A_10 = arith.constant 632 : i32
    %mul3A_11 = arith.muli %arg1, %mul3A_10 : i32
    %add3A_12 = arith.constant 128 : i32
    %add3A_13 = arith.addi %mul3A_11, %add3A_12 : i32
    "tpu.region"() ({
      %run_scoped3A_242 = tpu.sem_alloc : memref<!tpu.dma_semaphore, #tpu.memory_space<semaphore_mem>>
      %dma_start3A_243 = arith.constant 0 : i32
      %dma_start3A_244 = arith.constant 0 : i32
      %dma_start3A_245 = tpu.memref_slice %arg8[%dma_start3A_243, %dma_start3A_244] : memref<128x128xf32, #tpu.memory_space<vmem>> -> memref<128x128xf32, #tpu.memory_space<vmem>>
      %dma_start3A_246 = arith.constant 0 : i32
      %dma_start3A_247 = tpu.memref_slice %arg11[%add3A_13, %dma_start3A_246] : memref<10112x128xf32, #tpu.memory_space<vmem_shared>> -> memref<128x128xf32, #tpu.memory_space<vmem_shared>>
      %dma_start3A_248 = arith.constant 0 : i32
      %dma_start3A_249 = tpu.memref_slice %arg11[%add3A_13, %dma_start3A_248] : memref<10112x128xf32, #tpu.memory_space<vmem_shared>> -> memref<128x128xf32, #tpu.memory_space<vmem_shared>>
      %dma_start3A_250 = arith.constant 0 : i32
      %dma_start3A_251 = arith.constant 0 : i32
      %dma_start3A_252 = tpu.memref_slice %arg8[%dma_start3A_250, %dma_start3A_251] : memref<128x128xf32, #tpu.memory_space<vmem>> -> memref<128x128xf32, #tpu.memory_space<vmem>>
      tpu.enqueue_dma source(%dma_start3A_252 : memref<128x128xf32, #tpu.memory_space<vmem>>) target(%dma_start3A_249 : memref<128x128xf32, #tpu.memory_space<vmem_shared>>) target_semaphore(%run_scoped3A_242 : memref<!tpu.dma_semaphore, #tpu.memory_space<semaphore_mem>>)
      %dma_wait3A_253 = arith.constant 0 : i32
      %dma_wait3A_254 = arith.constant 0 : i32
      %dma_wait3A_255 = tpu.memref_slice %arg8[%dma_wait3A_253, %dma_wait3A_254] : memref<128x128xf32, #tpu.memory_space<vmem>> -> memref<128x128xf32, #tpu.memory_space<vmem>>
      %dma_wait3A_256 = arith.constant 0 : i32
      %dma_wait3A_257 = tpu.memref_slice %arg11[%add3A_13, %dma_wait3A_256] : memref<10112x128xf32, #tpu.memory_space<vmem_shared>> -> memref<128x128xf32, #tpu.memory_space<vmem_shared>>
      %dma_wait3A_258 = arith.constant 0 : i32
      %dma_wait3A_259 = tpu.memref_slice %arg11[%add3A_13, %dma_wait3A_258] : memref<10112x128xf32, #tpu.memory_space<vmem_shared>> -> memref<128x128xf32, #tpu.memory_space<vmem_shared>>
      %dma_wait3A_260 = arith.constant 0 : i32
      %dma_wait3A_261 = arith.constant 0 : i32
      %dma_wait3A_262 = tpu.memref_slice %arg8[%dma_wait3A_260, %dma_wait3A_261] : memref<128x128xf32, #tpu.memory_space<vmem>> -> memref<128x128xf32, #tpu.memory_space<vmem>>
      tpu.wait_dma2 semaphore(%run_scoped3A_242 : memref<!tpu.dma_semaphore, #tpu.memory_space<semaphore_mem>>) src(%dma_wait3A_262 : memref<128x128xf32, #tpu.memory_space<vmem>>) dst(%dma_wait3A_259 : memref<128x128xf32, #tpu.memory_space<vmem_shared>>)
      tpu.yield
    }) : () -> ()
    %mul3A_14 = arith.constant 632 : i32
    %mul3A_15 = arith.muli %arg1, %mul3A_14 : i32
    %add3A_16 = arith.constant 256 : i32
    %add3A_17 = arith.addi %mul3A_15, %add3A_16 : i32
    "tpu.region"() ({
      %run_scoped3A_242 = tpu.sem_alloc : memref<!tpu.dma_semaphore, #tpu.memory_space<semaphore_mem>>
      %dma_start3A_243 = arith.constant 0 : i32
      %dma_start3A_244 = arith.constant 0 : i32
      %dma_start3A_245 = tpu.memref_slice %arg8[%dma_start3A_243, %dma_start3A_244] : memref<128x128xf32, #tpu.memory_space<vmem>> -> memref<128x128xf32, #tpu.memory_space<vmem>>
      %dma_start3A_246 = arith.constant 0 : i32
      %dma_start3A_247 = tpu.memref_slice %arg11[%add3A_17, %dma_start3A_246] : memref<10112x128xf32, #tpu.memory_space<vmem_shared>> -> memref<128x128xf32, #tpu.memory_space<vmem_shared>>
      %dma_start3A_248 = arith.constant 0 : i32
      %dma_start3A_249 = tpu.memref_slice %arg11[%add3A_17, %dma_start3A_248] : memref<10112x128xf32, #tpu.memory_space<vmem_shared>> -> memref<128x128xf32, #tpu.memory_space<vmem_shared>>
      %dma_start3A_250 = arith.constant 0 : i32
      %dma_start3A_251 = arith.constant 0 : i32
      %dma_start3A_252 = tpu.memref_slice %arg8[%dma_start3A_250, %dma_start3A_251] : memref<128x128xf32, #tpu.memory_space<vmem>> -> memref<128x128xf32, #tpu.memory_space<vmem>>
      tpu.enqueue_dma source(%dma_start3A_252 : memref<128x128xf32, #tpu.memory_space<vmem>>) target(%dma_start3A_249 : memref<128x128xf32, #tpu.memory_space<vmem_shared>>) target_semaphore(%run_scoped3A_242 : memref<!tpu.dma_semaphore, #tpu.memory_space<semaphore_mem>>)
      %dma_wait3A_253 = arith.constant 0 : i32
      %dma_wait3A_254 = arith.constant 0 : i32
      %dma_wait3A_255 = tpu.memref_slice %arg8[%dma_wait3A_253, %dma_wait3A_254] : memref<128x128xf32, #tpu.memory_space<vmem>> -> memref<128x128xf32, #tpu.memory_space<vmem>>
      %dma_wait3A_256 = arith.constant 0 : i32
      %dma_wait3A_257 = tpu.memref_slice %arg11[%add3A_17, %dma_wait3A_256] : memref<10112x128xf32, #tpu.memory_space<vmem_shared>> -> memref<128x128xf32, #tpu.memory_space<vmem_shared>>
      %dma_wait3A_258 = arith.constant 0 : i32
      %dma_wait3A_259 = tpu.memref_slice %arg11[%add3A_17, %dma_wait3A_258] : memref<10112x128xf32, #tpu.memory_space<vmem_shared>> -> memref<128x128xf32, #tpu.memory_space<vmem_shared>>
      %dma_wait3A_260 = arith.constant 0 : i32
      %dma_wait3A_261 = arith.constant 0 : i32
      %dma_wait3A_262 = tpu.memref_slice %arg8[%dma_wait3A_260, %dma_wait3A_261] : memref<128x128xf32, #tpu.memory_space<vmem>> -> memref<128x128xf32, #tpu.memory_space<vmem>>
      tpu.wait_dma2 semaphore(%run_scoped3A_242 : memref<!tpu.dma_semaphore, #tpu.memory_space<semaphore_mem>>) src(%dma_wait3A_262 : memref<128x128xf32, #tpu.memory_space<vmem>>) dst(%dma_wait3A_259 : memref<128x128xf32, #tpu.memory_space<vmem_shared>>)
      tpu.yield
    }) : () -> ()
    %mul3A_18 = arith.constant 632 : i32
    %mul3A_19 = arith.muli %arg1, %mul3A_18 : i32
    %add3A_20 = arith.constant 384 : i32
    %add3A_21 = arith.addi %mul3A_19, %add3A_20 : i32
    "tpu.region"() ({
      %run_scoped3A_242 = tpu.sem_alloc : memref<!tpu.dma_semaphore, #tpu.memory_space<semaphore_mem>>
      %dma_start3A_243 = arith.constant 0 : i32
      %dma_start3A_244 = arith.constant 0 : i32
      %dma_start3A_245 = tpu.memref_slice %arg8[%dma_start3A_243, %dma_start3A_244] : memref<128x128xf32, #tpu.memory_space<vmem>> -> memref<128x128xf32, #tpu.memory_space<vmem>>
      %dma_start3A_246 = arith.constant 0 : i32
      %dma_start3A_247 = tpu.memref_slice %arg11[%add3A_21, %dma_start3A_246] : memref<10112x128xf32, #tpu.memory_space<vmem_shared>> -> memref<128x128xf32, #tpu.memory_space<vmem_shared>>
      %dma_start3A_248 = arith.constant 0 : i32
      %dma_start3A_249 = tpu.memref_slice %arg11[%add3A_21, %dma_start3A_248] : memref<10112x128xf32, #tpu.memory_space<vmem_shared>> -> memref<128x128xf32, #tpu.memory_space<vmem_shared>>
      %dma_start3A_250 = arith.constant 0 : i32
      %dma_start3A_251 = arith.constant 0 : i32
      %dma_start3A_252 = tpu.memref_slice %arg8[%dma_start3A_250, %dma_start3A_251] : memref<128x128xf32, #tpu.memory_space<vmem>> -> memref<128x128xf32, #tpu.memory_space<vmem>>
      tpu.enqueue_dma source(%dma_start3A_252 : memref<128x128xf32, #tpu.memory_space<vmem>>) target(%dma_start3A_249 : memref<128x128xf32, #tpu.memory_space<vmem_shared>>) target_semaphore(%run_scoped3A_242 : memref<!tpu.dma_semaphore, #tpu.memory_space<semaphore_mem>>)
      %dma_wait3A_253 = arith.constant 0 : i32
      %dma_wait3A_254 = arith.constant 0 : i32
      %dma_wait3A_255 = tpu.memref_slice %arg8[%dma_wait3A_253, %dma_wait3A_254] : memref<128x128xf32, #tpu.memory_space<vmem>> -> memref<128x128xf32, #tpu.memory_space<vmem>>
      %dma_wait3A_256 = arith.constant 0 : i32
      %dma_wait3A_257 = tpu.memref_slice %arg11[%add3A_21, %dma_wait3A_256] : memref<10112x128xf32, #tpu.memory_space<vmem_shared>> -> memref<128x128xf32, #tpu.memory_space<vmem_shared>>
      %dma_wait3A_258 = arith.constant 0 : i32
      %dma_wait3A_259 = tpu.memref_slice %arg11[%add3A_21, %dma_wait3A_258] : memref<10112x128xf32, #tpu.memory_space<vmem_shared>> -> memref<128x128xf32, #tpu.memory_space<vmem_shared>>
      %dma_wait3A_260 = arith.constant 0 : i32
      %dma_wait3A_261 = arith.constant 0 : i32
      %dma_wait3A_262 = tpu.memref_slice %arg8[%dma_wait3A_260, %dma_wait3A_261] : memref<128x128xf32, #tpu.memory_space<vmem>> -> memref<128x128xf32, #tpu.memory_space<vmem>>
      tpu.wait_dma2 semaphore(%run_scoped3A_242 : memref<!tpu.dma_semaphore, #tpu.memory_space<semaphore_mem>>) src(%dma_wait3A_262 : memref<128x128xf32, #tpu.memory_space<vmem>>) dst(%dma_wait3A_259 : memref<128x128xf32, #tpu.memory_space<vmem_shared>>)
      tpu.yield
    }) : () -> ()
    %mul3A_22 = arith.constant 632 : i32
    %mul3A_23 = arith.muli %arg1, %mul3A_22 : i32
    %add3A_24 = arith.constant 512 : i32
    %add3A_25 = arith.addi %mul3A_23, %add3A_24 : i32
    "tpu.region"() ({
      %run_scoped3A_242 = tpu.sem_alloc : memref<!tpu.dma_semaphore, #tpu.memory_space<semaphore_mem>>
      %dma_start3A_243 = arith.constant 0 : i32
      %dma_start3A_244 = arith.constant 0 : i32
      %dma_start3A_245 = tpu.memref_slice %arg8[%dma_start3A_243, %dma_start3A_244] : memref<128x128xf32, #tpu.memory_space<vmem>> -> memref<120x128xf32, #tpu.memory_space<vmem>>
      %dma_start3A_246 = arith.constant 0 : i32
      %dma_start3A_247 = tpu.memref_slice %arg11[%add3A_25, %dma_start3A_246] : memref<10112x128xf32, #tpu.memory_space<vmem_shared>> -> memref<120x128xf32, #tpu.memory_space<vmem_shared>>
      %dma_start3A_248 = arith.constant 0 : i32
      %dma_start3A_249 = tpu.memref_slice %arg11[%add3A_25, %dma_start3A_248] : memref<10112x128xf32, #tpu.memory_space<vmem_shared>> -> memref<120x128xf32, #tpu.memory_space<vmem_shared>>
      %dma_start3A_250 = arith.constant 0 : i32
      %dma_start3A_251 = arith.constant 0 : i32
      %dma_start3A_252 = tpu.memref_slice %arg8[%dma_start3A_250, %dma_start3A_251] : memref<128x128xf32, #tpu.memory_space<vmem>> -> memref<120x128xf32, #tpu.memory_space<vmem>>
      tpu.enqueue_dma source(%dma_start3A_252 : memref<120x128xf32, #tpu.memory_space<vmem>>) target(%dma_start3A_249 : memref<120x128xf32, #tpu.memory_space<vmem_shared>>) target_semaphore(%run_scoped3A_242 : memref<!tpu.dma_semaphore, #tpu.memory_space<semaphore_mem>>)
      %dma_wait3A_253 = arith.constant 0 : i32
      %dma_wait3A_254 = arith.constant 0 : i32
      %dma_wait3A_255 = tpu.memref_slice %arg8[%dma_wait3A_253, %dma_wait3A_254] : memref<128x128xf32, #tpu.memory_space<vmem>> -> memref<120x128xf32, #tpu.memory_space<vmem>>
      %dma_wait3A_256 = arith.constant 0 : i32
      %dma_wait3A_257 = tpu.memref_slice %arg11[%add3A_25, %dma_wait3A_256] : memref<10112x128xf32, #tpu.memory_space<vmem_shared>> -> memref<120x128xf32, #tpu.memory_space<vmem_shared>>
      %dma_wait3A_258 = arith.constant 0 : i32
      %dma_wait3A_259 = tpu.memref_slice %arg11[%add3A_25, %dma_wait3A_258] : memref<10112x128xf32, #tpu.memory_space<vmem_shared>> -> memref<120x128xf32, #tpu.memory_space<vmem_shared>>
      %dma_wait3A_260 = arith.constant 0 : i32
      %dma_wait3A_261 = arith.constant 0 : i32
      %dma_wait3A_262 = tpu.memref_slice %arg8[%dma_wait3A_260, %dma_wait3A_261] : memref<128x128xf32, #tpu.memory_space<vmem>> -> memref<120x128xf32, #tpu.memory_space<vmem>>
      tpu.wait_dma2 semaphore(%run_scoped3A_242 : memref<!tpu.dma_semaphore, #tpu.memory_space<semaphore_mem>>) src(%dma_wait3A_262 : memref<120x128xf32, #tpu.memory_space<vmem>>) dst(%dma_wait3A_259 : memref<120x128xf32, #tpu.memory_space<vmem_shared>>)
      tpu.yield
    }) : () -> ()
    %eq3A = arith.constant 0 : i32
    %eq3A_26 = arith.cmpi eq, %arg1, %eq3A : i32
    %convert_element_type3A = arith.extui %eq3A_26 : i1 to i32
    %cond3A = arith.constant 0 : i32
    %cond3A_27 = arith.cmpi ne, %convert_element_type3A, %cond3A : i32
    scf.if %cond3A_27 {
      "tpu.region"() ({
        %run_scoped3A_242 = tpu.sem_alloc : memref<!tpu.dma_semaphore, #tpu.memory_space<semaphore_mem>>
        %dma_start3A_243 = arith.constant 10112 : i32
        %dma_start3A_244 = arith.constant 0 : i32
        %dma_start3A_245 = tpu.memref_slice %arg5[%arg0, %dma_start3A_243, %dma_start3A_244] : memref<2x10240x128xf32, #tpu.memory_space<hbm>> -> memref<1x128x128xf32, #tpu.memory_space<hbm>>
        %dma_start3A_246 = tpu.memref_squeeze %dma_start3A_245 : memref<1x128x128xf32, #tpu.memory_space<hbm>> -> memref<128x128xf32, #tpu.memory_space<hbm>>
        %dma_start3A_247 = arith.constant 10112 : i32
        %dma_start3A_248 = arith.constant 0 : i32
        %dma_start3A_249 = tpu.memref_slice %arg5[%arg0, %dma_start3A_247, %dma_start3A_248] : memref<2x10240x128xf32, #tpu.memory_space<hbm>> -> memref<1x128x128xf32, #tpu.memory_space<hbm>>
        %dma_start3A_250 = tpu.memref_squeeze %dma_start3A_249 : memref<1x128x128xf32, #tpu.memory_space<hbm>> -> memref<128x128xf32, #tpu.memory_space<hbm>>
        tpu.enqueue_dma source(%arg8 : memref<128x128xf32, #tpu.memory_space<vmem>>) target(%dma_start3A_250 : memref<128x128xf32, #tpu.memory_space<hbm>>) target_semaphore(%run_scoped3A_242 : memref<!tpu.dma_semaphore, #tpu.memory_space<semaphore_mem>>)
        %dma_wait3A_251 = arith.constant 10112 : i32
        %dma_wait3A_252 = arith.constant 0 : i32
        %dma_wait3A_253 = tpu.memref_slice %arg5[%arg0, %dma_wait3A_251, %dma_wait3A_252] : memref<2x10240x128xf32, #tpu.memory_space<hbm>> -> memref<1x128x128xf32, #tpu.memory_space<hbm>>
        %dma_wait3A_254 = tpu.memref_squeeze %dma_wait3A_253 : memref<1x128x128xf32, #tpu.memory_space<hbm>> -> memref<128x128xf32, #tpu.memory_space<hbm>>
        %dma_wait3A_255 = arith.constant 10112 : i32
        %dma_wait3A_256 = arith.constant 0 : i32
        %dma_wait3A_257 = tpu.memref_slice %arg5[%arg0, %dma_wait3A_255, %dma_wait3A_256] : memref<2x10240x128xf32, #tpu.memory_space<hbm>> -> memref<1x128x128xf32, #tpu.memory_space<hbm>>
        %dma_wait3A_258 = tpu.memref_squeeze %dma_wait3A_257 : memref<1x128x128xf32, #tpu.memory_space<hbm>> -> memref<128x128xf32, #tpu.memory_space<hbm>>
        tpu.wait_dma2 semaphore(%run_scoped3A_242 : memref<!tpu.dma_semaphore, #tpu.memory_space<semaphore_mem>>) src(%arg8 : memref<128x128xf32, #tpu.memory_space<vmem>>) dst(%dma_wait3A_258 : memref<128x128xf32, #tpu.memory_space<hbm>>)
        tpu.yield
      }) : () -> ()
    } else {
    }
    %barrier3A = arith.constant 0 : index
    tpu.barrier barrier_id(%barrier3A)
    %run_scoped3A = arith.constant 0 : i32
    %run_scoped3A_28 = arith.constant 0 : i32
    "tpu.region"() ({
      %run_scoped3A_242 = tpu.sem_alloc : memref<!tpu.dma_semaphore, #tpu.memory_space<semaphore_mem>>
      %dma_start3A_243 = arith.constant 0 : i32
      %dma_start3A_244 = tpu.memref_slice %arg6[%run_scoped3A_28, %dma_start3A_243] : memref<4x128xi32, #tpu.memory_space<vmem>> -> memref<1x128xi32, #tpu.memory_space<vmem>>
      %dma_start3A_245 = tpu.memref_squeeze %dma_start3A_244 : memref<1x128xi32, #tpu.memory_space<vmem>> -> memref<128xi32, #tpu.memory_space<vmem>>
      %dma_start3A_246 = arith.constant 0 : i32
      %dma_start3A_247 = tpu.memref_slice %arg3[%add3A, %run_scoped3A, %dma_start3A_246] : memref<32x81x128xi32, #tpu.memory_space<hbm>> -> memref<1x1x128xi32, #tpu.memory_space<hbm>>
      %dma_start3A_248 = tpu.memref_squeeze %dma_start3A_247 : memref<1x1x128xi32, #tpu.memory_space<hbm>> -> memref<128xi32, #tpu.memory_space<hbm>>
      %dma_start3A_249 = arith.constant 0 : i32
      %dma_start3A_250 = tpu.memref_slice %arg6[%run_scoped3A_28, %dma_start3A_249] : memref<4x128xi32, #tpu.memory_space<vmem>> -> memref<1x128xi32, #tpu.memory_space<vmem>>
      %dma_start3A_251 = tpu.memref_squeeze %dma_start3A_250 : memref<1x128xi32, #tpu.memory_space<vmem>> -> memref<128xi32, #tpu.memory_space<vmem>>
      %dma_start3A_252 = arith.constant 0 : i32
      %dma_start3A_253 = tpu.memref_slice %arg3[%add3A, %run_scoped3A, %dma_start3A_252] : memref<32x81x128xi32, #tpu.memory_space<hbm>> -> memref<1x1x128xi32, #tpu.memory_space<hbm>>
      %dma_start3A_254 = tpu.memref_squeeze %dma_start3A_253 : memref<1x1x128xi32, #tpu.memory_space<hbm>> -> memref<128xi32, #tpu.memory_space<hbm>>
      tpu.enqueue_dma source(%dma_start3A_254 : memref<128xi32, #tpu.memory_space<hbm>>) target(%dma_start3A_251 : memref<128xi32, #tpu.memory_space<vmem>>) target_semaphore(%run_scoped3A_242 : memref<!tpu.dma_semaphore, #tpu.memory_space<semaphore_mem>>)
      %dma_wait3A_255 = arith.constant 0 : i32
      %dma_wait3A_256 = tpu.memref_slice %arg6[%run_scoped3A_28, %dma_wait3A_255] : memref<4x128xi32, #tpu.memory_space<vmem>> -> memref<1x128xi32, #tpu.memory_space<vmem>>
      %dma_wait3A_257 = tpu.memref_squeeze %dma_wait3A_256 : memref<1x128xi32, #tpu.memory_space<vmem>> -> memref<128xi32, #tpu.memory_space<vmem>>
      %dma_wait3A_258 = arith.constant 0 : i32
      %dma_wait3A_259 = tpu.memref_slice %arg3[%add3A, %run_scoped3A, %dma_wait3A_258] : memref<32x81x128xi32, #tpu.memory_space<hbm>> -> memref<1x1x128xi32, #tpu.memory_space<hbm>>
      %dma_wait3A_260 = tpu.memref_squeeze %dma_wait3A_259 : memref<1x1x128xi32, #tpu.memory_space<hbm>> -> memref<128xi32, #tpu.memory_space<hbm>>
      %dma_wait3A_261 = arith.constant 0 : i32
      %dma_wait3A_262 = tpu.memref_slice %arg6[%run_scoped3A_28, %dma_wait3A_261] : memref<4x128xi32, #tpu.memory_space<vmem>> -> memref<1x128xi32, #tpu.memory_space<vmem>>
      %dma_wait3A_263 = tpu.memref_squeeze %dma_wait3A_262 : memref<1x128xi32, #tpu.memory_space<vmem>> -> memref<128xi32, #tpu.memory_space<vmem>>
      %dma_wait3A_264 = arith.constant 0 : i32
      %dma_wait3A_265 = tpu.memref_slice %arg3[%add3A, %run_scoped3A, %dma_wait3A_264] : memref<32x81x128xi32, #tpu.memory_space<hbm>> -> memref<1x1x128xi32, #tpu.memory_space<hbm>>
      %dma_wait3A_266 = tpu.memref_squeeze %dma_wait3A_265 : memref<1x1x128xi32, #tpu.memory_space<hbm>> -> memref<128xi32, #tpu.memory_space<hbm>>
      tpu.wait_dma2 semaphore(%run_scoped3A_242 : memref<!tpu.dma_semaphore, #tpu.memory_space<semaphore_mem>>) src(%dma_wait3A_266 : memref<128xi32, #tpu.memory_space<hbm>>) dst(%dma_wait3A_263 : memref<128xi32, #tpu.memory_space<vmem>>)
      tpu.yield
    }) : () -> ()
    %run_scoped3A_29 = arith.constant 0 : i32
    %run_scoped3A_30 = arith.constant 0 : i32
    "tpu.region"() ({
      %run_scoped3A_242 = tpu.sem_alloc : memref<!tpu.dma_semaphore, #tpu.memory_space<semaphore_mem>>
      %dma_start3A_243 = arith.constant 0 : i32
      %dma_start3A_244 = tpu.memref_slice %arg7[%run_scoped3A_30, %dma_start3A_243] : memref<4x128xi32, #tpu.memory_space<vmem>> -> memref<1x128xi32, #tpu.memory_space<vmem>>
      %dma_start3A_245 = tpu.memref_squeeze %dma_start3A_244 : memref<1x128xi32, #tpu.memory_space<vmem>> -> memref<128xi32, #tpu.memory_space<vmem>>
      %dma_start3A_246 = arith.constant 0 : i32
      %dma_start3A_247 = tpu.memref_slice %arg4[%add3A, %run_scoped3A_29, %dma_start3A_246] : memref<32x81x128xi32, #tpu.memory_space<hbm>> -> memref<1x1x128xi32, #tpu.memory_space<hbm>>
      %dma_start3A_248 = tpu.memref_squeeze %dma_start3A_247 : memref<1x1x128xi32, #tpu.memory_space<hbm>> -> memref<128xi32, #tpu.memory_space<hbm>>
      %dma_start3A_249 = arith.constant 0 : i32
      %dma_start3A_250 = tpu.memref_slice %arg7[%run_scoped3A_30, %dma_start3A_249] : memref<4x128xi32, #tpu.memory_space<vmem>> -> memref<1x128xi32, #tpu.memory_space<vmem>>
      %dma_start3A_251 = tpu.memref_squeeze %dma_start3A_250 : memref<1x128xi32, #tpu.memory_space<vmem>> -> memref<128xi32, #tpu.memory_space<vmem>>
      %dma_start3A_252 = arith.constant 0 : i32
      %dma_start3A_253 = tpu.memref_slice %arg4[%add3A, %run_scoped3A_29, %dma_start3A_252] : memref<32x81x128xi32, #tpu.memory_space<hbm>> -> memref<1x1x128xi32, #tpu.memory_space<hbm>>
      %dma_start3A_254 = tpu.memref_squeeze %dma_start3A_253 : memref<1x1x128xi32, #tpu.memory_space<hbm>> -> memref<128xi32, #tpu.memory_space<hbm>>
      tpu.enqueue_dma source(%dma_start3A_254 : memref<128xi32, #tpu.memory_space<hbm>>) target(%dma_start3A_251 : memref<128xi32, #tpu.memory_space<vmem>>) target_semaphore(%run_scoped3A_242 : memref<!tpu.dma_semaphore, #tpu.memory_space<semaphore_mem>>)
      %dma_wait3A_255 = arith.constant 0 : i32
      %dma_wait3A_256 = tpu.memref_slice %arg7[%run_scoped3A_30, %dma_wait3A_255] : memref<4x128xi32, #tpu.memory_space<vmem>> -> memref<1x128xi32, #tpu.memory_space<vmem>>
      %dma_wait3A_257 = tpu.memref_squeeze %dma_wait3A_256 : memref<1x128xi32, #tpu.memory_space<vmem>> -> memref<128xi32, #tpu.memory_space<vmem>>
      %dma_wait3A_258 = arith.constant 0 : i32
      %dma_wait3A_259 = tpu.memref_slice %arg4[%add3A, %run_scoped3A_29, %dma_wait3A_258] : memref<32x81x128xi32, #tpu.memory_space<hbm>> -> memref<1x1x128xi32, #tpu.memory_space<hbm>>
      %dma_wait3A_260 = tpu.memref_squeeze %dma_wait3A_259 : memref<1x1x128xi32, #tpu.memory_space<hbm>> -> memref<128xi32, #tpu.memory_space<hbm>>
      %dma_wait3A_261 = arith.constant 0 : i32
      %dma_wait3A_262 = tpu.memref_slice %arg7[%run_scoped3A_30, %dma_wait3A_261] : memref<4x128xi32, #tpu.memory_space<vmem>> -> memref<1x128xi32, #tpu.memory_space<vmem>>
      %dma_wait3A_263 = tpu.memref_squeeze %dma_wait3A_262 : memref<1x128xi32, #tpu.memory_space<vmem>> -> memref<128xi32, #tpu.memory_space<vmem>>
      %dma_wait3A_264 = arith.constant 0 : i32
      %dma_wait3A_265 = tpu.memref_slice %arg4[%add3A, %run_scoped3A_29, %dma_wait3A_264] : memref<32x81x128xi32, #tpu.memory_space<hbm>> -> memref<1x1x128xi32, #tpu.memory_space<hbm>>
      %dma_wait3A_266 = tpu.memref_squeeze %dma_wait3A_265 : memref<1x1x128xi32, #tpu.memory_space<hbm>> -> memref<128xi32, #tpu.memory_space<hbm>>
      tpu.wait_dma2 semaphore(%run_scoped3A_242 : memref<!tpu.dma_semaphore, #tpu.memory_space<semaphore_mem>>) src(%dma_wait3A_266 : memref<128xi32, #tpu.memory_space<hbm>>) dst(%dma_wait3A_263 : memref<128xi32, #tpu.memory_space<vmem>>)
      tpu.yield
    }) : () -> ()
    %run_scoped3A_31 = arith.constant 1 : i32
    %run_scoped3A_32 = arith.constant 1 : i32
    "tpu.region"() ({
      %run_scoped3A_242 = tpu.sem_alloc : memref<!tpu.dma_semaphore, #tpu.memory_space<semaphore_mem>>
      %dma_start3A_243 = arith.constant 0 : i32
      %dma_start3A_244 = tpu.memref_slice %arg6[%run_scoped3A_32, %dma_start3A_243] : memref<4x128xi32, #tpu.memory_space<vmem>> -> memref<1x128xi32, #tpu.memory_space<vmem>>
      %dma_start3A_245 = tpu.memref_squeeze %dma_start3A_244 : memref<1x128xi32, #tpu.memory_space<vmem>> -> memref<128xi32, #tpu.memory_space<vmem>>
      %dma_start3A_246 = arith.constant 0 : i32
      %dma_start3A_247 = tpu.memref_slice %arg3[%add3A, %run_scoped3A_31, %dma_start3A_246] : memref<32x81x128xi32, #tpu.memory_space<hbm>> -> memref<1x1x128xi32, #tpu.memory_space<hbm>>
      %dma_start3A_248 = tpu.memref_squeeze %dma_start3A_247 : memref<1x1x128xi32, #tpu.memory_space<hbm>> -> memref<128xi32, #tpu.memory_space<hbm>>
      %dma_start3A_249 = arith.constant 0 : i32
      %dma_start3A_250 = tpu.memref_slice %arg6[%run_scoped3A_32, %dma_start3A_249] : memref<4x128xi32, #tpu.memory_space<vmem>> -> memref<1x128xi32, #tpu.memory_space<vmem>>
      %dma_start3A_251 = tpu.memref_squeeze %dma_start3A_250 : memref<1x128xi32, #tpu.memory_space<vmem>> -> memref<128xi32, #tpu.memory_space<vmem>>
      %dma_start3A_252 = arith.constant 0 : i32
      %dma_start3A_253 = tpu.memref_slice %arg3[%add3A, %run_scoped3A_31, %dma_start3A_252] : memref<32x81x128xi32, #tpu.memory_space<hbm>> -> memref<1x1x128xi32, #tpu.memory_space<hbm>>
      %dma_start3A_254 = tpu.memref_squeeze %dma_start3A_253 : memref<1x1x128xi32, #tpu.memory_space<hbm>> -> memref<128xi32, #tpu.memory_space<hbm>>
      tpu.enqueue_dma source(%dma_start3A_254 : memref<128xi32, #tpu.memory_space<hbm>>) target(%dma_start3A_251 : memref<128xi32, #tpu.memory_space<vmem>>) target_semaphore(%run_scoped3A_242 : memref<!tpu.dma_semaphore, #tpu.memory_space<semaphore_mem>>)
      %dma_wait3A_255 = arith.constant 0 : i32
      %dma_wait3A_256 = tpu.memref_slice %arg6[%run_scoped3A_32, %dma_wait3A_255] : memref<4x128xi32, #tpu.memory_space<vmem>> -> memref<1x128xi32, #tpu.memory_space<vmem>>
      %dma_wait3A_257 = tpu.memref_squeeze %dma_wait3A_256 : memref<1x128xi32, #tpu.memory_space<vmem>> -> memref<128xi32, #tpu.memory_space<vmem>>
      %dma_wait3A_258 = arith.constant 0 : i32
      %dma_wait3A_259 = tpu.memref_slice %arg3[%add3A, %run_scoped3A_31, %dma_wait3A_258] : memref<32x81x128xi32, #tpu.memory_space<hbm>> -> memref<1x1x128xi32, #tpu.memory_space<hbm>>
      %dma_wait3A_260 = tpu.memref_squeeze %dma_wait3A_259 : memref<1x1x128xi32, #tpu.memory_space<hbm>> -> memref<128xi32, #tpu.memory_space<hbm>>
      %dma_wait3A_261 = arith.constant 0 : i32
      %dma_wait3A_262 = tpu.memref_slice %arg6[%run_scoped3A_32, %dma_wait3A_261] : memref<4x128xi32, #tpu.memory_space<vmem>> -> memref<1x128xi32, #tpu.memory_space<vmem>>
      %dma_wait3A_263 = tpu.memref_squeeze %dma_wait3A_262 : memref<1x128xi32, #tpu.memory_space<vmem>> -> memref<128xi32, #tpu.memory_space<vmem>>
      %dma_wait3A_264 = arith.constant 0 : i32
      %dma_wait3A_265 = tpu.memref_slice %arg3[%add3A, %run_scoped3A_31, %dma_wait3A_264] : memref<32x81x128xi32, #tpu.memory_space<hbm>> -> memref<1x1x128xi32, #tpu.memory_space<hbm>>
      %dma_wait3A_266 = tpu.memref_squeeze %dma_wait3A_265 : memref<1x1x128xi32, #tpu.memory_space<hbm>> -> memref<128xi32, #tpu.memory_space<hbm>>
      tpu.wait_dma2 semaphore(%run_scoped3A_242 : memref<!tpu.dma_semaphore, #tpu.memory_space<semaphore_mem>>) src(%dma_wait3A_266 : memref<128xi32, #tpu.memory_space<hbm>>) dst(%dma_wait3A_263 : memref<128xi32, #tpu.memory_space<vmem>>)
      tpu.yield
    }) : () -> ()
    %run_scoped3A_33 = arith.constant 1 : i32
    %run_scoped3A_34 = arith.constant 1 : i32
    "tpu.region"() ({
      %run_scoped3A_242 = tpu.sem_alloc : memref<!tpu.dma_semaphore, #tpu.memory_space<semaphore_mem>>
      %dma_start3A_243 = arith.constant 0 : i32
      %dma_start3A_244 = tpu.memref_slice %arg7[%run_scoped3A_34, %dma_start3A_243] : memref<4x128xi32, #tpu.memory_space<vmem>> -> memref<1x128xi32, #tpu.memory_space<vmem>>
      %dma_start3A_245 = tpu.memref_squeeze %dma_start3A_244 : memref<1x128xi32, #tpu.memory_space<vmem>> -> memref<128xi32, #tpu.memory_space<vmem>>
      %dma_start3A_246 = arith.constant 0 : i32
      %dma_start3A_247 = tpu.memref_slice %arg4[%add3A, %run_scoped3A_33, %dma_start3A_246] : memref<32x81x128xi32, #tpu.memory_space<hbm>> -> memref<1x1x128xi32, #tpu.memory_space<hbm>>
      %dma_start3A_248 = tpu.memref_squeeze %dma_start3A_247 : memref<1x1x128xi32, #tpu.memory_space<hbm>> -> memref<128xi32, #tpu.memory_space<hbm>>
      %dma_start3A_249 = arith.constant 0 : i32
      %dma_start3A_250 = tpu.memref_slice %arg7[%run_scoped3A_34, %dma_start3A_249] : memref<4x128xi32, #tpu.memory_space<vmem>> -> memref<1x128xi32, #tpu.memory_space<vmem>>
      %dma_start3A_251 = tpu.memref_squeeze %dma_start3A_250 : memref<1x128xi32, #tpu.memory_space<vmem>> -> memref<128xi32, #tpu.memory_space<vmem>>
      %dma_start3A_252 = arith.constant 0 : i32
      %dma_start3A_253 = tpu.memref_slice %arg4[%add3A, %run_scoped3A_33, %dma_start3A_252] : memref<32x81x128xi32, #tpu.memory_space<hbm>> -> memref<1x1x128xi32, #tpu.memory_space<hbm>>
      %dma_start3A_254 = tpu.memref_squeeze %dma_start3A_253 : memref<1x1x128xi32, #tpu.memory_space<hbm>> -> memref<128xi32, #tpu.memory_space<hbm>>
      tpu.enqueue_dma source(%dma_start3A_254 : memref<128xi32, #tpu.memory_space<hbm>>) target(%dma_start3A_251 : memref<128xi32, #tpu.memory_space<vmem>>) target_semaphore(%run_scoped3A_242 : memref<!tpu.dma_semaphore, #tpu.memory_space<semaphore_mem>>)
      %dma_wait3A_255 = arith.constant 0 : i32
      %dma_wait3A_256 = tpu.memref_slice %arg7[%run_scoped3A_34, %dma_wait3A_255] : memref<4x128xi32, #tpu.memory_space<vmem>> -> memref<1x128xi32, #tpu.memory_space<vmem>>
      %dma_wait3A_257 = tpu.memref_squeeze %dma_wait3A_256 : memref<1x128xi32, #tpu.memory_space<vmem>> -> memref<128xi32, #tpu.memory_space<vmem>>
      %dma_wait3A_258 = arith.constant 0 : i32
      %dma_wait3A_259 = tpu.memref_slice %arg4[%add3A, %run_scoped3A_33, %dma_wait3A_258] : memref<32x81x128xi32, #tpu.memory_space<hbm>> -> memref<1x1x128xi32, #tpu.memory_space<hbm>>
      %dma_wait3A_260 = tpu.memref_squeeze %dma_wait3A_259 : memref<1x1x128xi32, #tpu.memory_space<hbm>> -> memref<128xi32, #tpu.memory_space<hbm>>
      %dma_wait3A_261 = arith.constant 0 : i32
      %dma_wait3A_262 = tpu.memref_slice %arg7[%run_scoped3A_34, %dma_wait3A_261] : memref<4x128xi32, #tpu.memory_space<vmem>> -> memref<1x128xi32, #tpu.memory_space<vmem>>
      %dma_wait3A_263 = tpu.memref_squeeze %dma_wait3A_262 : memref<1x128xi32, #tpu.memory_space<vmem>> -> memref<128xi32, #tpu.memory_space<vmem>>
      %dma_wait3A_264 = arith.constant 0 : i32
      %dma_wait3A_265 = tpu.memref_slice %arg4[%add3A, %run_scoped3A_33, %dma_wait3A_264] : memref<32x81x128xi32, #tpu.memory_space<hbm>> -> memref<1x1x128xi32, #tpu.memory_space<hbm>>
      %dma_wait3A_266 = tpu.memref_squeeze %dma_wait3A_265 : memref<1x1x128xi32, #tpu.memory_space<hbm>> -> memref<128xi32, #tpu.memory_space<hbm>>
      tpu.wait_dma2 semaphore(%run_scoped3A_242 : memref<!tpu.dma_semaphore, #tpu.memory_space<semaphore_mem>>) src(%dma_wait3A_266 : memref<128xi32, #tpu.memory_space<hbm>>) dst(%dma_wait3A_263 : memref<128xi32, #tpu.memory_space<vmem>>)
      tpu.yield
    }) : () -> ()
    %dma_start3A = arith.constant 2 : i32
    %dma_start3A_35 = arith.constant 2 : i32
    %dma_start3A_36 = arith.constant 0 : i32
    %dma_start3A_37 = tpu.memref_slice %arg6[%dma_start3A_35, %dma_start3A_36] : memref<4x128xi32, #tpu.memory_space<vmem>> -> memref<1x128xi32, #tpu.memory_space<vmem>>
    %dma_start3A_38 = tpu.memref_squeeze %dma_start3A_37 : memref<1x128xi32, #tpu.memory_space<vmem>> -> memref<128xi32, #tpu.memory_space<vmem>>
    %dma_start3A_39 = arith.constant 0 : i32
    %dma_start3A_40 = tpu.memref_slice %arg3[%add3A, %dma_start3A, %dma_start3A_39] : memref<32x81x128xi32, #tpu.memory_space<hbm>> -> memref<1x1x128xi32, #tpu.memory_space<hbm>>
    %dma_start3A_41 = tpu.memref_squeeze %dma_start3A_40 : memref<1x1x128xi32, #tpu.memory_space<hbm>> -> memref<128xi32, #tpu.memory_space<hbm>>
    %dma_start3A_42 = arith.constant 0 : i32
    %dma_start3A_43 = tpu.memref_slice %arg6[%dma_start3A_35, %dma_start3A_42] : memref<4x128xi32, #tpu.memory_space<vmem>> -> memref<1x128xi32, #tpu.memory_space<vmem>>
    %dma_start3A_44 = tpu.memref_squeeze %dma_start3A_43 : memref<1x128xi32, #tpu.memory_space<vmem>> -> memref<128xi32, #tpu.memory_space<vmem>>
    %dma_start3A_45 = arith.constant 0 : i32
    %dma_start3A_46 = tpu.memref_slice %arg3[%add3A, %dma_start3A, %dma_start3A_45] : memref<32x81x128xi32, #tpu.memory_space<hbm>> -> memref<1x1x128xi32, #tpu.memory_space<hbm>>
    %dma_start3A_47 = tpu.memref_squeeze %dma_start3A_46 : memref<1x1x128xi32, #tpu.memory_space<hbm>> -> memref<128xi32, #tpu.memory_space<hbm>>
    tpu.enqueue_dma source(%dma_start3A_47 : memref<128xi32, #tpu.memory_space<hbm>>) target(%dma_start3A_44 : memref<128xi32, #tpu.memory_space<vmem>>) target_semaphore(%arg15 : memref<!tpu.dma_semaphore, #tpu.memory_space<semaphore_mem>>)
    %dma_start3A_48 = arith.constant 2 : i32
    %dma_start3A_49 = arith.constant 2 : i32
    %dma_start3A_50 = arith.constant 0 : i32
    %dma_start3A_51 = tpu.memref_slice %arg7[%dma_start3A_49, %dma_start3A_50] : memref<4x128xi32, #tpu.memory_space<vmem>> -> memref<1x128xi32, #tpu.memory_space<vmem>>
    %dma_start3A_52 = tpu.memref_squeeze %dma_start3A_51 : memref<1x128xi32, #tpu.memory_space<vmem>> -> memref<128xi32, #tpu.memory_space<vmem>>
    %dma_start3A_53 = arith.constant 0 : i32
    %dma_start3A_54 = tpu.memref_slice %arg4[%add3A, %dma_start3A_48, %dma_start3A_53] : memref<32x81x128xi32, #tpu.memory_space<hbm>> -> memref<1x1x128xi32, #tpu.memory_space<hbm>>
    %dma_start3A_55 = tpu.memref_squeeze %dma_start3A_54 : memref<1x1x128xi32, #tpu.memory_space<hbm>> -> memref<128xi32, #tpu.memory_space<hbm>>
    %dma_start3A_56 = arith.constant 0 : i32
    %dma_start3A_57 = tpu.memref_slice %arg7[%dma_start3A_49, %dma_start3A_56] : memref<4x128xi32, #tpu.memory_space<vmem>> -> memref<1x128xi32, #tpu.memory_space<vmem>>
    %dma_start3A_58 = tpu.memref_squeeze %dma_start3A_57 : memref<1x128xi32, #tpu.memory_space<vmem>> -> memref<128xi32, #tpu.memory_space<vmem>>
    %dma_start3A_59 = arith.constant 0 : i32
    %dma_start3A_60 = tpu.memref_slice %arg4[%add3A, %dma_start3A_48, %dma_start3A_59] : memref<32x81x128xi32, #tpu.memory_space<hbm>> -> memref<1x1x128xi32, #tpu.memory_space<hbm>>
    %dma_start3A_61 = tpu.memref_squeeze %dma_start3A_60 : memref<1x1x128xi32, #tpu.memory_space<hbm>> -> memref<128xi32, #tpu.memory_space<hbm>>
    tpu.enqueue_dma source(%dma_start3A_61 : memref<128xi32, #tpu.memory_space<hbm>>) target(%dma_start3A_58 : memref<128xi32, #tpu.memory_space<vmem>>) target_semaphore(%arg15 : memref<!tpu.dma_semaphore, #tpu.memory_space<semaphore_mem>>)
    %dma_start3A_62 = arith.constant 0 : i32
    %dma_start3A_63 = arith.constant 0 : i32
    %dma_start3A_64 = tpu.memref_slice %arg6[%dma_start3A_62, %dma_start3A_63] : memref<4x128xi32, #tpu.memory_space<vmem>> -> memref<1x128xi32, #tpu.memory_space<vmem>>
    %dma_start3A_65 = tpu.memref_squeeze %dma_start3A_64 : memref<1x128xi32, #tpu.memory_space<vmem>> -> memref<128xi32, #tpu.memory_space<vmem>>
    %dma_start3A_66 = arith.constant 0 : i32
    %dma_start3A_67 = arith.constant 0 : i32
    %dma_start3A_68 = tpu.memref_slice %arg2[%dma_start3A_66, %dma_start3A_67] : memref<10240x128xf32, #tpu.memory_space<hbm>> -> memref<10240x128xf32, #tpu.memory_space<hbm>>
    tpu.enqueue_indirect_dma source(%dma_start3A_68 : memref<10240x128xf32, #tpu.memory_space<hbm>>) target(%arg8 : memref<128x128xf32, #tpu.memory_space<vmem>>) offsets(%dma_start3A_65 : memref<128xi32, #tpu.memory_space<vmem>>) semaphore(%arg12 : memref<!tpu.dma_semaphore, #tpu.memory_space<semaphore_mem>>)
    %dma_start3A_69 = arith.constant 1 : i32
    %dma_start3A_70 = arith.constant 0 : i32
    %dma_start3A_71 = tpu.memref_slice %arg6[%dma_start3A_69, %dma_start3A_70] : memref<4x128xi32, #tpu.memory_space<vmem>> -> memref<1x128xi32, #tpu.memory_space<vmem>>
    %dma_start3A_72 = tpu.memref_squeeze %dma_start3A_71 : memref<1x128xi32, #tpu.memory_space<vmem>> -> memref<128xi32, #tpu.memory_space<vmem>>
    %dma_start3A_73 = arith.constant 0 : i32
    %dma_start3A_74 = arith.constant 0 : i32
    %dma_start3A_75 = tpu.memref_slice %arg2[%dma_start3A_73, %dma_start3A_74] : memref<10240x128xf32, #tpu.memory_space<hbm>> -> memref<10240x128xf32, #tpu.memory_space<hbm>>
    tpu.enqueue_indirect_dma source(%dma_start3A_75 : memref<10240x128xf32, #tpu.memory_space<hbm>>) target(%arg9 : memref<128x128xf32, #tpu.memory_space<vmem>>) offsets(%dma_start3A_72 : memref<128xi32, #tpu.memory_space<vmem>>) semaphore(%arg13 : memref<!tpu.dma_semaphore, #tpu.memory_space<semaphore_mem>>)
    %scan3A_76 = arith.constant 0 : i32
    %scan3A_77 = arith.constant 0 : i32
    %scan3A_78 = arith.constant 27 : i32
    %scan3A_79 = arith.addi %scan3A_77, %scan3A_78 : i32
    %scan3A_80 = arith.constant 1 : i32
    scf.for %scan3A_242 = %scan3A_77 to %scan3A_79 step %scan3A_80  : i32 {
      %mul3A_243 = arith.constant 3 : i32
      %mul3A_244 = arith.muli %mul3A_243, %scan3A_242 : i32
      %add3A_245 = arith.constant 0 : i32
      %add3A_246 = arith.addi %mul3A_244, %add3A_245 : i32
      %rem3A = arith.constant 4 : i32
      %rem3A_247 = arith.remsi %add3A_246, %rem3A : i32
      %dma_wait3A_248 = arith.constant 0 : i32
      %dma_wait3A_249 = tpu.memref_slice %arg6[%rem3A_247, %dma_wait3A_248] : memref<4x128xi32, #tpu.memory_space<vmem>> -> memref<1x128xi32, #tpu.memory_space<vmem>>
      %dma_wait3A_250 = tpu.memref_squeeze %dma_wait3A_249 : memref<1x128xi32, #tpu.memory_space<vmem>> -> memref<128xi32, #tpu.memory_space<vmem>>
      %dma_wait3A_251 = arith.constant 0 : i32
      %dma_wait3A_252 = arith.constant 0 : i32
      %dma_wait3A_253 = tpu.memref_slice %arg2[%dma_wait3A_251, %dma_wait3A_252] : memref<10240x128xf32, #tpu.memory_space<hbm>> -> memref<10240x128xf32, #tpu.memory_space<hbm>>
      tpu.wait_indirect_dma semaphore(%arg12 : memref<!tpu.dma_semaphore, #tpu.memory_space<semaphore_mem>>) src(%dma_wait3A_253 : memref<10240x128xf32, #tpu.memory_space<hbm>>) dst(%arg8 : memref<128x128xf32, #tpu.memory_space<vmem>>)
      %add3A_254 = arith.constant 2 : i32
      %add3A_255 = arith.addi %add3A_246, %add3A_254 : i32
      %lt3A = arith.constant 81 : i32
      %lt3A_256 = arith.cmpi slt, %add3A_255, %lt3A : i32
      %convert_element_type3A_257 = arith.extui %lt3A_256 : i1 to i32
      %cond3A_258 = arith.constant 0 : i32
      %cond3A_259 = arith.cmpi ne, %convert_element_type3A_257, %cond3A_258 : i32
      scf.if %cond3A_259 {
        %add3A_319 = arith.constant 2 : i32
        %add3A_320 = arith.addi %add3A_246, %add3A_319 : i32
        %rem3A_321 = arith.constant 4 : i32
        %rem3A_322 = arith.remsi %add3A_320, %rem3A_321 : i32
        %add3A_323 = arith.constant 2 : i32
        %add3A_324 = arith.addi %add3A_246, %add3A_323 : i32
        %dma_wait3A_325 = arith.constant 0 : i32
        %dma_wait3A_326 = tpu.memref_slice %arg6[%rem3A_322, %dma_wait3A_325] : memref<4x128xi32, #tpu.memory_space<vmem>> -> memref<1x128xi32, #tpu.memory_space<vmem>>
        %dma_wait3A_327 = tpu.memref_squeeze %dma_wait3A_326 : memref<1x128xi32, #tpu.memory_space<vmem>> -> memref<128xi32, #tpu.memory_space<vmem>>
        %dma_wait3A_328 = arith.constant 0 : i32
        %dma_wait3A_329 = tpu.memref_slice %arg3[%add3A, %add3A_324, %dma_wait3A_328] : memref<32x81x128xi32, #tpu.memory_space<hbm>> -> memref<1x1x128xi32, #tpu.memory_space<hbm>>
        %dma_wait3A_330 = tpu.memref_squeeze %dma_wait3A_329 : memref<1x1x128xi32, #tpu.memory_space<hbm>> -> memref<128xi32, #tpu.memory_space<hbm>>
        %dma_wait3A_331 = arith.constant 0 : i32
        %dma_wait3A_332 = tpu.memref_slice %arg6[%rem3A_322, %dma_wait3A_331] : memref<4x128xi32, #tpu.memory_space<vmem>> -> memref<1x128xi32, #tpu.memory_space<vmem>>
        %dma_wait3A_333 = tpu.memref_squeeze %dma_wait3A_332 : memref<1x128xi32, #tpu.memory_space<vmem>> -> memref<128xi32, #tpu.memory_space<vmem>>
        %dma_wait3A_334 = arith.constant 0 : i32
        %dma_wait3A_335 = tpu.memref_slice %arg3[%add3A, %add3A_324, %dma_wait3A_334] : memref<32x81x128xi32, #tpu.memory_space<hbm>> -> memref<1x1x128xi32, #tpu.memory_space<hbm>>
        %dma_wait3A_336 = tpu.memref_squeeze %dma_wait3A_335 : memref<1x1x128xi32, #tpu.memory_space<hbm>> -> memref<128xi32, #tpu.memory_space<hbm>>
        tpu.wait_dma2 semaphore(%arg15 : memref<!tpu.dma_semaphore, #tpu.memory_space<semaphore_mem>>) src(%dma_wait3A_336 : memref<128xi32, #tpu.memory_space<hbm>>) dst(%dma_wait3A_333 : memref<128xi32, #tpu.memory_space<vmem>>)
        %add3A_337 = arith.constant 2 : i32
        %add3A_338 = arith.addi %add3A_246, %add3A_337 : i32
        %dma_wait3A_339 = arith.constant 0 : i32
        %dma_wait3A_340 = tpu.memref_slice %arg7[%rem3A_322, %dma_wait3A_339] : memref<4x128xi32, #tpu.memory_space<vmem>> -> memref<1x128xi32, #tpu.memory_space<vmem>>
        %dma_wait3A_341 = tpu.memref_squeeze %dma_wait3A_340 : memref<1x128xi32, #tpu.memory_space<vmem>> -> memref<128xi32, #tpu.memory_space<vmem>>
        %dma_wait3A_342 = arith.constant 0 : i32
        %dma_wait3A_343 = tpu.memref_slice %arg4[%add3A, %add3A_338, %dma_wait3A_342] : memref<32x81x128xi32, #tpu.memory_space<hbm>> -> memref<1x1x128xi32, #tpu.memory_space<hbm>>
        %dma_wait3A_344 = tpu.memref_squeeze %dma_wait3A_343 : memref<1x1x128xi32, #tpu.memory_space<hbm>> -> memref<128xi32, #tpu.memory_space<hbm>>
        %dma_wait3A_345 = arith.constant 0 : i32
        %dma_wait3A_346 = tpu.memref_slice %arg7[%rem3A_322, %dma_wait3A_345] : memref<4x128xi32, #tpu.memory_space<vmem>> -> memref<1x128xi32, #tpu.memory_space<vmem>>
        %dma_wait3A_347 = tpu.memref_squeeze %dma_wait3A_346 : memref<1x128xi32, #tpu.memory_space<vmem>> -> memref<128xi32, #tpu.memory_space<vmem>>
        %dma_wait3A_348 = arith.constant 0 : i32
        %dma_wait3A_349 = tpu.memref_slice %arg4[%add3A, %add3A_338, %dma_wait3A_348] : memref<32x81x128xi32, #tpu.memory_space<hbm>> -> memref<1x1x128xi32, #tpu.memory_space<hbm>>
        %dma_wait3A_350 = tpu.memref_squeeze %dma_wait3A_349 : memref<1x1x128xi32, #tpu.memory_space<hbm>> -> memref<128xi32, #tpu.memory_space<hbm>>
        tpu.wait_dma2 semaphore(%arg15 : memref<!tpu.dma_semaphore, #tpu.memory_space<semaphore_mem>>) src(%dma_wait3A_350 : memref<128xi32, #tpu.memory_space<hbm>>) dst(%dma_wait3A_347 : memref<128xi32, #tpu.memory_space<vmem>>)
        %dma_start3A_351 = arith.constant 0 : i32
        %dma_start3A_352 = tpu.memref_slice %arg6[%rem3A_322, %dma_start3A_351] : memref<4x128xi32, #tpu.memory_space<vmem>> -> memref<1x128xi32, #tpu.memory_space<vmem>>
        %dma_start3A_353 = tpu.memref_squeeze %dma_start3A_352 : memref<1x128xi32, #tpu.memory_space<vmem>> -> memref<128xi32, #tpu.memory_space<vmem>>
        %dma_start3A_354 = arith.constant 0 : i32
        %dma_start3A_355 = arith.constant 0 : i32
        %dma_start3A_356 = tpu.memref_slice %arg2[%dma_start3A_354, %dma_start3A_355] : memref<10240x128xf32, #tpu.memory_space<hbm>> -> memref<10240x128xf32, #tpu.memory_space<hbm>>
        tpu.enqueue_indirect_dma source(%dma_start3A_356 : memref<10240x128xf32, #tpu.memory_space<hbm>>) target(%arg10 : memref<128x128xf32, #tpu.memory_space<vmem>>) offsets(%dma_start3A_353 : memref<128xi32, #tpu.memory_space<vmem>>) semaphore(%arg14 : memref<!tpu.dma_semaphore, #tpu.memory_space<semaphore_mem>>)
      } else {
      }
      %add3A_260 = arith.constant 3 : i32
      %add3A_261 = arith.addi %add3A_246, %add3A_260 : i32
      %lt3A_262 = arith.constant 81 : i32
      %lt3A_263 = arith.cmpi slt, %add3A_261, %lt3A_262 : i32
      %convert_element_type3A_264 = arith.extui %lt3A_263 : i1 to i32
      %cond3A_265 = arith.constant 0 : i32
      %cond3A_266 = arith.cmpi ne, %convert_element_type3A_264, %cond3A_265 : i32
      scf.if %cond3A_266 {
        %add3A_319 = arith.constant 3 : i32
        %add3A_320 = arith.addi %add3A_246, %add3A_319 : i32
        %rem3A_321 = arith.constant 4 : i32
        %rem3A_322 = arith.remsi %add3A_320, %rem3A_321 : i32
        %add3A_323 = arith.constant 3 : i32
        %add3A_324 = arith.addi %add3A_246, %add3A_323 : i32
        %dma_start3A_325 = arith.constant 0 : i32
        %dma_start3A_326 = tpu.memref_slice %arg6[%rem3A_322, %dma_start3A_325] : memref<4x128xi32, #tpu.memory_space<vmem>> -> memref<1x128xi32, #tpu.memory_space<vmem>>
        %dma_start3A_327 = tpu.memref_squeeze %dma_start3A_326 : memref<1x128xi32, #tpu.memory_space<vmem>> -> memref<128xi32, #tpu.memory_space<vmem>>
        %dma_start3A_328 = arith.constant 0 : i32
        %dma_start3A_329 = tpu.memref_slice %arg3[%add3A, %add3A_324, %dma_start3A_328] : memref<32x81x128xi32, #tpu.memory_space<hbm>> -> memref<1x1x128xi32, #tpu.memory_space<hbm>>
        %dma_start3A_330 = tpu.memref_squeeze %dma_start3A_329 : memref<1x1x128xi32, #tpu.memory_space<hbm>> -> memref<128xi32, #tpu.memory_space<hbm>>
        %dma_start3A_331 = arith.constant 0 : i32
        %dma_start3A_332 = tpu.memref_slice %arg6[%rem3A_322, %dma_start3A_331] : memref<4x128xi32, #tpu.memory_space<vmem>> -> memref<1x128xi32, #tpu.memory_space<vmem>>
        %dma_start3A_333 = tpu.memref_squeeze %dma_start3A_332 : memref<1x128xi32, #tpu.memory_space<vmem>> -> memref<128xi32, #tpu.memory_space<vmem>>
        %dma_start3A_334 = arith.constant 0 : i32
        %dma_start3A_335 = tpu.memref_slice %arg3[%add3A, %add3A_324, %dma_start3A_334] : memref<32x81x128xi32, #tpu.memory_space<hbm>> -> memref<1x1x128xi32, #tpu.memory_space<hbm>>
        %dma_start3A_336 = tpu.memref_squeeze %dma_start3A_335 : memref<1x1x128xi32, #tpu.memory_space<hbm>> -> memref<128xi32, #tpu.memory_space<hbm>>
        tpu.enqueue_dma source(%dma_start3A_336 : memref<128xi32, #tpu.memory_space<hbm>>) target(%dma_start3A_333 : memref<128xi32, #tpu.memory_space<vmem>>) target_semaphore(%arg15 : memref<!tpu.dma_semaphore, #tpu.memory_space<semaphore_mem>>)
        %add3A_337 = arith.constant 3 : i32
        %add3A_338 = arith.addi %add3A_246, %add3A_337 : i32
        %dma_start3A_339 = arith.constant 0 : i32
        %dma_start3A_340 = tpu.memref_slice %arg7[%rem3A_322, %dma_start3A_339] : memref<4x128xi32, #tpu.memory_space<vmem>> -> memref<1x128xi32, #tpu.memory_space<vmem>>
        %dma_start3A_341 = tpu.memref_squeeze %dma_start3A_340 : memref<1x128xi32, #tpu.memory_space<vmem>> -> memref<128xi32, #tpu.memory_space<vmem>>
        %dma_start3A_342 = arith.constant 0 : i32
        %dma_start3A_343 = tpu.memref_slice %arg4[%add3A, %add3A_338, %dma_start3A_342] : memref<32x81x128xi32, #tpu.memory_space<hbm>> -> memref<1x1x128xi32, #tpu.memory_space<hbm>>
        %dma_start3A_344 = tpu.memref_squeeze %dma_start3A_343 : memref<1x1x128xi32, #tpu.memory_space<hbm>> -> memref<128xi32, #tpu.memory_space<hbm>>
        %dma_start3A_345 = arith.constant 0 : i32
        %dma_start3A_346 = tpu.memref_slice %arg7[%rem3A_322, %dma_start3A_345] : memref<4x128xi32, #tpu.memory_space<vmem>> -> memref<1x128xi32, #tpu.memory_space<vmem>>
        %dma_start3A_347 = tpu.memref_squeeze %dma_start3A_346 : memref<1x128xi32, #tpu.memory_space<vmem>> -> memref<128xi32, #tpu.memory_space<vmem>>
        %dma_start3A_348 = arith.constant 0 : i32
        %dma_start3A_349 = tpu.memref_slice %arg4[%add3A, %add3A_338, %dma_start3A_348] : memref<32x81x128xi32, #tpu.memory_space<hbm>> -> memref<1x1x128xi32, #tpu.memory_space<hbm>>
        %dma_start3A_350 = tpu.memref_squeeze %dma_start3A_349 : memref<1x1x128xi32, #tpu.memory_space<hbm>> -> memref<128xi32, #tpu.memory_space<hbm>>
        tpu.enqueue_dma source(%dma_start3A_350 : memref<128xi32, #tpu.memory_space<hbm>>) target(%dma_start3A_347 : memref<128xi32, #tpu.memory_space<vmem>>) target_semaphore(%arg15 : memref<!tpu.dma_semaphore, #tpu.memory_space<semaphore_mem>>)
      } else {
      }
      "tpu.region"() ({
        %run_scoped3A_319 = tpu.sem_alloc : memref<!tpu.dma_semaphore, #tpu.memory_space<semaphore_mem>>
        %dma_start3A_320 = arith.constant 0 : i32
        %dma_start3A_321 = tpu.memref_slice %arg7[%rem3A_247, %dma_start3A_320] : memref<4x128xi32, #tpu.memory_space<vmem>> -> memref<1x128xi32, #tpu.memory_space<vmem>>
        %dma_start3A_322 = tpu.memref_squeeze %dma_start3A_321 : memref<1x128xi32, #tpu.memory_space<vmem>> -> memref<128xi32, #tpu.memory_space<vmem>>
        %dma_start3A_323 = arith.constant 0 : i32
        %dma_start3A_324 = arith.constant 0 : i32
        %dma_start3A_325 = tpu.memref_slice %arg11[%dma_start3A_323, %dma_start3A_324] : memref<10112x128xf32, #tpu.memory_space<vmem_shared>> -> memref<10112x128xf32, #tpu.memory_space<vmem_shared>>
        tpu.enqueue_indirect_dma source(%arg8 : memref<128x128xf32, #tpu.memory_space<vmem>>) target(%dma_start3A_325 : memref<10112x128xf32, #tpu.memory_space<vmem_shared>>) offsets(%dma_start3A_322 : memref<128xi32, #tpu.memory_space<vmem>>) semaphore(%run_scoped3A_319 : memref<!tpu.dma_semaphore, #tpu.memory_space<semaphore_mem>>) {add = true}
        %dma_wait3A_326 = arith.constant 0 : i32
        %dma_wait3A_327 = tpu.memref_slice %arg7[%rem3A_247, %dma_wait3A_326] : memref<4x128xi32, #tpu.memory_space<vmem>> -> memref<1x128xi32, #tpu.memory_space<vmem>>
        %dma_wait3A_328 = tpu.memref_squeeze %dma_wait3A_327 : memref<1x128xi32, #tpu.memory_space<vmem>> -> memref<128xi32, #tpu.memory_space<vmem>>
        %dma_wait3A_329 = arith.constant 0 : i32
        %dma_wait3A_330 = arith.constant 0 : i32
        %dma_wait3A_331 = tpu.memref_slice %arg11[%dma_wait3A_329, %dma_wait3A_330] : memref<10112x128xf32, #tpu.memory_space<vmem_shared>> -> memref<10112x128xf32, #tpu.memory_space<vmem_shared>>
        tpu.wait_indirect_dma semaphore(%run_scoped3A_319 : memref<!tpu.dma_semaphore, #tpu.memory_space<semaphore_mem>>) src(%arg8 : memref<128x128xf32, #tpu.memory_space<vmem>>) dst(%dma_wait3A_331 : memref<10112x128xf32, #tpu.memory_space<vmem_shared>>)
        tpu.yield
      }) : () -> ()
      %mul3A_267 = arith.constant 3 : i32
      %mul3A_268 = arith.muli %mul3A_267, %scan3A_242 : i32
      %add3A_269 = arith.constant 1 : i32
      %add3A_270 = arith.addi %mul3A_268, %add3A_269 : i32
      %rem3A_271 = arith.constant 4 : i32
      %rem3A_272 = arith.remsi %add3A_270, %rem3A_271 : i32
      %dma_wait3A_273 = arith.constant 0 : i32
      %dma_wait3A_274 = tpu.memref_slice %arg6[%rem3A_272, %dma_wait3A_273] : memref<4x128xi32, #tpu.memory_space<vmem>> -> memref<1x128xi32, #tpu.memory_space<vmem>>
      %dma_wait3A_275 = tpu.memref_squeeze %dma_wait3A_274 : memref<1x128xi32, #tpu.memory_space<vmem>> -> memref<128xi32, #tpu.memory_space<vmem>>
      %dma_wait3A_276 = arith.constant 0 : i32
      %dma_wait3A_277 = arith.constant 0 : i32
      %dma_wait3A_278 = tpu.memref_slice %arg2[%dma_wait3A_276, %dma_wait3A_277] : memref<10240x128xf32, #tpu.memory_space<hbm>> -> memref<10240x128xf32, #tpu.memory_space<hbm>>
      tpu.wait_indirect_dma semaphore(%arg13 : memref<!tpu.dma_semaphore, #tpu.memory_space<semaphore_mem>>) src(%dma_wait3A_278 : memref<10240x128xf32, #tpu.memory_space<hbm>>) dst(%arg9 : memref<128x128xf32, #tpu.memory_space<vmem>>)
      %add3A_279 = arith.constant 2 : i32
      %add3A_280 = arith.addi %add3A_270, %add3A_279 : i32
      %lt3A_281 = arith.constant 81 : i32
      %lt3A_282 = arith.cmpi slt, %add3A_280, %lt3A_281 : i32
      %convert_element_type3A_283 = arith.extui %lt3A_282 : i1 to i32
      %cond3A_284 = arith.constant 0 : i32
      %cond3A_285 = arith.cmpi ne, %convert_element_type3A_283, %cond3A_284 : i32
      scf.if %cond3A_285 {
        %add3A_319 = arith.constant 2 : i32
        %add3A_320 = arith.addi %add3A_270, %add3A_319 : i32
        %rem3A_321 = arith.constant 4 : i32
        %rem3A_322 = arith.remsi %add3A_320, %rem3A_321 : i32
        %add3A_323 = arith.constant 2 : i32
        %add3A_324 = arith.addi %add3A_270, %add3A_323 : i32
        %dma_wait3A_325 = arith.constant 0 : i32
        %dma_wait3A_326 = tpu.memref_slice %arg6[%rem3A_322, %dma_wait3A_325] : memref<4x128xi32, #tpu.memory_space<vmem>> -> memref<1x128xi32, #tpu.memory_space<vmem>>
        %dma_wait3A_327 = tpu.memref_squeeze %dma_wait3A_326 : memref<1x128xi32, #tpu.memory_space<vmem>> -> memref<128xi32, #tpu.memory_space<vmem>>
        %dma_wait3A_328 = arith.constant 0 : i32
        %dma_wait3A_329 = tpu.memref_slice %arg3[%add3A, %add3A_324, %dma_wait3A_328] : memref<32x81x128xi32, #tpu.memory_space<hbm>> -> memref<1x1x128xi32, #tpu.memory_space<hbm>>
        %dma_wait3A_330 = tpu.memref_squeeze %dma_wait3A_329 : memref<1x1x128xi32, #tpu.memory_space<hbm>> -> memref<128xi32, #tpu.memory_space<hbm>>
        %dma_wait3A_331 = arith.constant 0 : i32
        %dma_wait3A_332 = tpu.memref_slice %arg6[%rem3A_322, %dma_wait3A_331] : memref<4x128xi32, #tpu.memory_space<vmem>> -> memref<1x128xi32, #tpu.memory_space<vmem>>
        %dma_wait3A_333 = tpu.memref_squeeze %dma_wait3A_332 : memref<1x128xi32, #tpu.memory_space<vmem>> -> memref<128xi32, #tpu.memory_space<vmem>>
        %dma_wait3A_334 = arith.constant 0 : i32
        %dma_wait3A_335 = tpu.memref_slice %arg3[%add3A, %add3A_324, %dma_wait3A_334] : memref<32x81x128xi32, #tpu.memory_space<hbm>> -> memref<1x1x128xi32, #tpu.memory_space<hbm>>
        %dma_wait3A_336 = tpu.memref_squeeze %dma_wait3A_335 : memref<1x1x128xi32, #tpu.memory_space<hbm>> -> memref<128xi32, #tpu.memory_space<hbm>>
        tpu.wait_dma2 semaphore(%arg15 : memref<!tpu.dma_semaphore, #tpu.memory_space<semaphore_mem>>) src(%dma_wait3A_336 : memref<128xi32, #tpu.memory_space<hbm>>) dst(%dma_wait3A_333 : memref<128xi32, #tpu.memory_space<vmem>>)
        %add3A_337 = arith.constant 2 : i32
        %add3A_338 = arith.addi %add3A_270, %add3A_337 : i32
        %dma_wait3A_339 = arith.constant 0 : i32
        %dma_wait3A_340 = tpu.memref_slice %arg7[%rem3A_322, %dma_wait3A_339] : memref<4x128xi32, #tpu.memory_space<vmem>> -> memref<1x128xi32, #tpu.memory_space<vmem>>
        %dma_wait3A_341 = tpu.memref_squeeze %dma_wait3A_340 : memref<1x128xi32, #tpu.memory_space<vmem>> -> memref<128xi32, #tpu.memory_space<vmem>>
        %dma_wait3A_342 = arith.constant 0 : i32
        %dma_wait3A_343 = tpu.memref_slice %arg4[%add3A, %add3A_338, %dma_wait3A_342] : memref<32x81x128xi32, #tpu.memory_space<hbm>> -> memref<1x1x128xi32, #tpu.memory_space<hbm>>
        %dma_wait3A_344 = tpu.memref_squeeze %dma_wait3A_343 : memref<1x1x128xi32, #tpu.memory_space<hbm>> -> memref<128xi32, #tpu.memory_space<hbm>>
        %dma_wait3A_345 = arith.constant 0 : i32
        %dma_wait3A_346 = tpu.memref_slice %arg7[%rem3A_322, %dma_wait3A_345] : memref<4x128xi32, #tpu.memory_space<vmem>> -> memref<1x128xi32, #tpu.memory_space<vmem>>
        %dma_wait3A_347 = tpu.memref_squeeze %dma_wait3A_346 : memref<1x128xi32, #tpu.memory_space<vmem>> -> memref<128xi32, #tpu.memory_space<vmem>>
        %dma_wait3A_348 = arith.constant 0 : i32
        %dma_wait3A_349 = tpu.memref_slice %arg4[%add3A, %add3A_338, %dma_wait3A_348] : memref<32x81x128xi32, #tpu.memory_space<hbm>> -> memref<1x1x128xi32, #tpu.memory_space<hbm>>
        %dma_wait3A_350 = tpu.memref_squeeze %dma_wait3A_349 : memref<1x1x128xi32, #tpu.memory_space<hbm>> -> memref<128xi32, #tpu.memory_space<hbm>>
        tpu.wait_dma2 semaphore(%arg15 : memref<!tpu.dma_semaphore, #tpu.memory_space<semaphore_mem>>) src(%dma_wait3A_350 : memref<128xi32, #tpu.memory_space<hbm>>) dst(%dma_wait3A_347 : memref<128xi32, #tpu.memory_space<vmem>>)
        %dma_start3A_351 = arith.constant 0 : i32
        %dma_start3A_352 = tpu.memref_slice %arg6[%rem3A_322, %dma_start3A_351] : memref<4x128xi32, #tpu.memory_space<vmem>> -> memref<1x128xi32, #tpu.memory_space<vmem>>
        %dma_start3A_353 = tpu.memref_squeeze %dma_start3A_352 : memref<1x128xi32, #tpu.memory_space<vmem>> -> memref<128xi32, #tpu.memory_space<vmem>>
        %dma_start3A_354 = arith.constant 0 : i32
        %dma_start3A_355 = arith.constant 0 : i32
        %dma_start3A_356 = tpu.memref_slice %arg2[%dma_start3A_354, %dma_start3A_355] : memref<10240x128xf32, #tpu.memory_space<hbm>> -> memref<10240x128xf32, #tpu.memory_space<hbm>>
        tpu.enqueue_indirect_dma source(%dma_start3A_356 : memref<10240x128xf32, #tpu.memory_space<hbm>>) target(%arg8 : memref<128x128xf32, #tpu.memory_space<vmem>>) offsets(%dma_start3A_353 : memref<128xi32, #tpu.memory_space<vmem>>) semaphore(%arg12 : memref<!tpu.dma_semaphore, #tpu.memory_space<semaphore_mem>>)
      } else {
      }
      %add3A_286 = arith.constant 3 : i32
      %add3A_287 = arith.addi %add3A_270, %add3A_286 : i32
      %lt3A_288 = arith.constant 81 : i32
      %lt3A_289 = arith.cmpi slt, %add3A_287, %lt3A_288 : i32
      %convert_element_type3A_290 = arith.extui %lt3A_289 : i1 to i32
      %cond3A_291 = arith.constant 0 : i32
      %cond3A_292 = arith.cmpi ne, %convert_element_type3A_290, %cond3A_291 : i32
      scf.if %cond3A_292 {
        %add3A_319 = arith.constant 3 : i32
        %add3A_320 = arith.addi %add3A_270, %add3A_319 : i32
        %rem3A_321 = arith.constant 4 : i32
        %rem3A_322 = arith.remsi %add3A_320, %rem3A_321 : i32
        %add3A_323 = arith.constant 3 : i32
        %add3A_324 = arith.addi %add3A_270, %add3A_323 : i32
        %dma_start3A_325 = arith.constant 0 : i32
        %dma_start3A_326 = tpu.memref_slice %arg6[%rem3A_322, %dma_start3A_325] : memref<4x128xi32, #tpu.memory_space<vmem>> -> memref<1x128xi32, #tpu.memory_space<vmem>>
        %dma_start3A_327 = tpu.memref_squeeze %dma_start3A_326 : memref<1x128xi32, #tpu.memory_space<vmem>> -> memref<128xi32, #tpu.memory_space<vmem>>
        %dma_start3A_328 = arith.constant 0 : i32
        %dma_start3A_329 = tpu.memref_slice %arg3[%add3A, %add3A_324, %dma_start3A_328] : memref<32x81x128xi32, #tpu.memory_space<hbm>> -> memref<1x1x128xi32, #tpu.memory_space<hbm>>
        %dma_start3A_330 = tpu.memref_squeeze %dma_start3A_329 : memref<1x1x128xi32, #tpu.memory_space<hbm>> -> memref<128xi32, #tpu.memory_space<hbm>>
        %dma_start3A_331 = arith.constant 0 : i32
        %dma_start3A_332 = tpu.memref_slice %arg6[%rem3A_322, %dma_start3A_331] : memref<4x128xi32, #tpu.memory_space<vmem>> -> memref<1x128xi32, #tpu.memory_space<vmem>>
        %dma_start3A_333 = tpu.memref_squeeze %dma_start3A_332 : memref<1x128xi32, #tpu.memory_space<vmem>> -> memref<128xi32, #tpu.memory_space<vmem>>
        %dma_start3A_334 = arith.constant 0 : i32
        %dma_start3A_335 = tpu.memref_slice %arg3[%add3A, %add3A_324, %dma_start3A_334] : memref<32x81x128xi32, #tpu.memory_space<hbm>> -> memref<1x1x128xi32, #tpu.memory_space<hbm>>
        %dma_start3A_336 = tpu.memref_squeeze %dma_start3A_335 : memref<1x1x128xi32, #tpu.memory_space<hbm>> -> memref<128xi32, #tpu.memory_space<hbm>>
        tpu.enqueue_dma source(%dma_start3A_336 : memref<128xi32, #tpu.memory_space<hbm>>) target(%dma_start3A_333 : memref<128xi32, #tpu.memory_space<vmem>>) target_semaphore(%arg15 : memref<!tpu.dma_semaphore, #tpu.memory_space<semaphore_mem>>)
        %add3A_337 = arith.constant 3 : i32
        %add3A_338 = arith.addi %add3A_270, %add3A_337 : i32
        %dma_start3A_339 = arith.constant 0 : i32
        %dma_start3A_340 = tpu.memref_slice %arg7[%rem3A_322, %dma_start3A_339] : memref<4x128xi32, #tpu.memory_space<vmem>> -> memref<1x128xi32, #tpu.memory_space<vmem>>
        %dma_start3A_341 = tpu.memref_squeeze %dma_start3A_340 : memref<1x128xi32, #tpu.memory_space<vmem>> -> memref<128xi32, #tpu.memory_space<vmem>>
        %dma_start3A_342 = arith.constant 0 : i32
        %dma_start3A_343 = tpu.memref_slice %arg4[%add3A, %add3A_338, %dma_start3A_342] : memref<32x81x128xi32, #tpu.memory_space<hbm>> -> memref<1x1x128xi32, #tpu.memory_space<hbm>>
        %dma_start3A_344 = tpu.memref_squeeze %dma_start3A_343 : memref<1x1x128xi32, #tpu.memory_space<hbm>> -> memref<128xi32, #tpu.memory_space<hbm>>
        %dma_start3A_345 = arith.constant 0 : i32
        %dma_start3A_346 = tpu.memref_slice %arg7[%rem3A_322, %dma_start3A_345] : memref<4x128xi32, #tpu.memory_space<vmem>> -> memref<1x128xi32, #tpu.memory_space<vmem>>
        %dma_start3A_347 = tpu.memref_squeeze %dma_start3A_346 : memref<1x128xi32, #tpu.memory_space<vmem>> -> memref<128xi32, #tpu.memory_space<vmem>>
        %dma_start3A_348 = arith.constant 0 : i32
        %dma_start3A_349 = tpu.memref_slice %arg4[%add3A, %add3A_338, %dma_start3A_348] : memref<32x81x128xi32, #tpu.memory_space<hbm>> -> memref<1x1x128xi32, #tpu.memory_space<hbm>>
        %dma_start3A_350 = tpu.memref_squeeze %dma_start3A_349 : memref<1x1x128xi32, #tpu.memory_space<hbm>> -> memref<128xi32, #tpu.memory_space<hbm>>
        tpu.enqueue_dma source(%dma_start3A_350 : memref<128xi32, #tpu.memory_space<hbm>>) target(%dma_start3A_347 : memref<128xi32, #tpu.memory_space<vmem>>) target_semaphore(%arg15 : memref<!tpu.dma_semaphore, #tpu.memory_space<semaphore_mem>>)
      } else {
      }
      "tpu.region"() ({
        %run_scoped3A_319 = tpu.sem_alloc : memref<!tpu.dma_semaphore, #tpu.memory_space<semaphore_mem>>
        %dma_start3A_320 = arith.constant 0 : i32
        %dma_start3A_321 = tpu.memref_slice %arg7[%rem3A_272, %dma_start3A_320] : memref<4x128xi32, #tpu.memory_space<vmem>> -> memref<1x128xi32, #tpu.memory_space<vmem>>
        %dma_start3A_322 = tpu.memref_squeeze %dma_start3A_321 : memref<1x128xi32, #tpu.memory_space<vmem>> -> memref<128xi32, #tpu.memory_space<vmem>>
        %dma_start3A_323 = arith.constant 0 : i32
        %dma_start3A_324 = arith.constant 0 : i32
        %dma_start3A_325 = tpu.memref_slice %arg11[%dma_start3A_323, %dma_start3A_324] : memref<10112x128xf32, #tpu.memory_space<vmem_shared>> -> memref<10112x128xf32, #tpu.memory_space<vmem_shared>>
        tpu.enqueue_indirect_dma source(%arg9 : memref<128x128xf32, #tpu.memory_space<vmem>>) target(%dma_start3A_325 : memref<10112x128xf32, #tpu.memory_space<vmem_shared>>) offsets(%dma_start3A_322 : memref<128xi32, #tpu.memory_space<vmem>>) semaphore(%run_scoped3A_319 : memref<!tpu.dma_semaphore, #tpu.memory_space<semaphore_mem>>) {add = true}
        %dma_wait3A_326 = arith.constant 0 : i32
        %dma_wait3A_327 = tpu.memref_slice %arg7[%rem3A_272, %dma_wait3A_326] : memref<4x128xi32, #tpu.memory_space<vmem>> -> memref<1x128xi32, #tpu.memory_space<vmem>>
        %dma_wait3A_328 = tpu.memref_squeeze %dma_wait3A_327 : memref<1x128xi32, #tpu.memory_space<vmem>> -> memref<128xi32, #tpu.memory_space<vmem>>
        %dma_wait3A_329 = arith.constant 0 : i32
        %dma_wait3A_330 = arith.constant 0 : i32
        %dma_wait3A_331 = tpu.memref_slice %arg11[%dma_wait3A_329, %dma_wait3A_330] : memref<10112x128xf32, #tpu.memory_space<vmem_shared>> -> memref<10112x128xf32, #tpu.memory_space<vmem_shared>>
        tpu.wait_indirect_dma semaphore(%run_scoped3A_319 : memref<!tpu.dma_semaphore, #tpu.memory_space<semaphore_mem>>) src(%arg9 : memref<128x128xf32, #tpu.memory_space<vmem>>) dst(%dma_wait3A_331 : memref<10112x128xf32, #tpu.memory_space<vmem_shared>>)
        tpu.yield
      }) : () -> ()
      %mul3A_293 = arith.constant 3 : i32
      %mul3A_294 = arith.muli %mul3A_293, %scan3A_242 : i32
      %add3A_295 = arith.constant 2 : i32
      %add3A_296 = arith.addi %mul3A_294, %add3A_295 : i32
      %rem3A_297 = arith.constant 4 : i32
      %rem3A_298 = arith.remsi %add3A_296, %rem3A_297 : i32
      %dma_wait3A_299 = arith.constant 0 : i32
      %dma_wait3A_300 = tpu.memref_slice %arg6[%rem3A_298, %dma_wait3A_299] : memref<4x128xi32, #tpu.memory_space<vmem>> -> memref<1x128xi32, #tpu.memory_space<vmem>>
      %dma_wait3A_301 = tpu.memref_squeeze %dma_wait3A_300 : memref<1x128xi32, #tpu.memory_space<vmem>> -> memref<128xi32, #tpu.memory_space<vmem>>
      %dma_wait3A_302 = arith.constant 0 : i32
      %dma_wait3A_303 = arith.constant 0 : i32
      %dma_wait3A_304 = tpu.memref_slice %arg2[%dma_wait3A_302, %dma_wait3A_303] : memref<10240x128xf32, #tpu.memory_space<hbm>> -> memref<10240x128xf32, #tpu.memory_space<hbm>>
      tpu.wait_indirect_dma semaphore(%arg14 : memref<!tpu.dma_semaphore, #tpu.memory_space<semaphore_mem>>) src(%dma_wait3A_304 : memref<10240x128xf32, #tpu.memory_space<hbm>>) dst(%arg10 : memref<128x128xf32, #tpu.memory_space<vmem>>)
      %add3A_305 = arith.constant 2 : i32
      %add3A_306 = arith.addi %add3A_296, %add3A_305 : i32
      %lt3A_307 = arith.constant 81 : i32
      %lt3A_308 = arith.cmpi slt, %add3A_306, %lt3A_307 : i32
      %convert_element_type3A_309 = arith.extui %lt3A_308 : i1 to i32
      %cond3A_310 = arith.constant 0 : i32
      %cond3A_311 = arith.cmpi ne, %convert_element_type3A_309, %cond3A_310 : i32
      scf.if %cond3A_311 {
        %add3A_319 = arith.constant 2 : i32
        %add3A_320 = arith.addi %add3A_296, %add3A_319 : i32
        %rem3A_321 = arith.constant 4 : i32
        %rem3A_322 = arith.remsi %add3A_320, %rem3A_321 : i32
        %add3A_323 = arith.constant 2 : i32
        %add3A_324 = arith.addi %add3A_296, %add3A_323 : i32
        %dma_wait3A_325 = arith.constant 0 : i32
        %dma_wait3A_326 = tpu.memref_slice %arg6[%rem3A_322, %dma_wait3A_325] : memref<4x128xi32, #tpu.memory_space<vmem>> -> memref<1x128xi32, #tpu.memory_space<vmem>>
        %dma_wait3A_327 = tpu.memref_squeeze %dma_wait3A_326 : memref<1x128xi32, #tpu.memory_space<vmem>> -> memref<128xi32, #tpu.memory_space<vmem>>
        %dma_wait3A_328 = arith.constant 0 : i32
        %dma_wait3A_329 = tpu.memref_slice %arg3[%add3A, %add3A_324, %dma_wait3A_328] : memref<32x81x128xi32, #tpu.memory_space<hbm>> -> memref<1x1x128xi32, #tpu.memory_space<hbm>>
        %dma_wait3A_330 = tpu.memref_squeeze %dma_wait3A_329 : memref<1x1x128xi32, #tpu.memory_space<hbm>> -> memref<128xi32, #tpu.memory_space<hbm>>
        %dma_wait3A_331 = arith.constant 0 : i32
        %dma_wait3A_332 = tpu.memref_slice %arg6[%rem3A_322, %dma_wait3A_331] : memref<4x128xi32, #tpu.memory_space<vmem>> -> memref<1x128xi32, #tpu.memory_space<vmem>>
        %dma_wait3A_333 = tpu.memref_squeeze %dma_wait3A_332 : memref<1x128xi32, #tpu.memory_space<vmem>> -> memref<128xi32, #tpu.memory_space<vmem>>
        %dma_wait3A_334 = arith.constant 0 : i32
        %dma_wait3A_335 = tpu.memref_slice %arg3[%add3A, %add3A_324, %dma_wait3A_334] : memref<32x81x128xi32, #tpu.memory_space<hbm>> -> memref<1x1x128xi32, #tpu.memory_space<hbm>>
        %dma_wait3A_336 = tpu.memref_squeeze %dma_wait3A_335 : memref<1x1x128xi32, #tpu.memory_space<hbm>> -> memref<128xi32, #tpu.memory_space<hbm>>
        tpu.wait_dma2 semaphore(%arg15 : memref<!tpu.dma_semaphore, #tpu.memory_space<semaphore_mem>>) src(%dma_wait3A_336 : memref<128xi32, #tpu.memory_space<hbm>>) dst(%dma_wait3A_333 : memref<128xi32, #tpu.memory_space<vmem>>)
        %add3A_337 = arith.constant 2 : i32
        %add3A_338 = arith.addi %add3A_296, %add3A_337 : i32
        %dma_wait3A_339 = arith.constant 0 : i32
        %dma_wait3A_340 = tpu.memref_slice %arg7[%rem3A_322, %dma_wait3A_339] : memref<4x128xi32, #tpu.memory_space<vmem>> -> memref<1x128xi32, #tpu.memory_space<vmem>>
        %dma_wait3A_341 = tpu.memref_squeeze %dma_wait3A_340 : memref<1x128xi32, #tpu.memory_space<vmem>> -> memref<128xi32, #tpu.memory_space<vmem>>
        %dma_wait3A_342 = arith.constant 0 : i32
        %dma_wait3A_343 = tpu.memref_slice %arg4[%add3A, %add3A_338, %dma_wait3A_342] : memref<32x81x128xi32, #tpu.memory_space<hbm>> -> memref<1x1x128xi32, #tpu.memory_space<hbm>>
        %dma_wait3A_344 = tpu.memref_squeeze %dma_wait3A_343 : memref<1x1x128xi32, #tpu.memory_space<hbm>> -> memref<128xi32, #tpu.memory_space<hbm>>
        %dma_wait3A_345 = arith.constant 0 : i32
        %dma_wait3A_346 = tpu.memref_slice %arg7[%rem3A_322, %dma_wait3A_345] : memref<4x128xi32, #tpu.memory_space<vmem>> -> memref<1x128xi32, #tpu.memory_space<vmem>>
        %dma_wait3A_347 = tpu.memref_squeeze %dma_wait3A_346 : memref<1x128xi32, #tpu.memory_space<vmem>> -> memref<128xi32, #tpu.memory_space<vmem>>
        %dma_wait3A_348 = arith.constant 0 : i32
        %dma_wait3A_349 = tpu.memref_slice %arg4[%add3A, %add3A_338, %dma_wait3A_348] : memref<32x81x128xi32, #tpu.memory_space<hbm>> -> memref<1x1x128xi32, #tpu.memory_space<hbm>>
        %dma_wait3A_350 = tpu.memref_squeeze %dma_wait3A_349 : memref<1x1x128xi32, #tpu.memory_space<hbm>> -> memref<128xi32, #tpu.memory_space<hbm>>
        tpu.wait_dma2 semaphore(%arg15 : memref<!tpu.dma_semaphore, #tpu.memory_space<semaphore_mem>>) src(%dma_wait3A_350 : memref<128xi32, #tpu.memory_space<hbm>>) dst(%dma_wait3A_347 : memref<128xi32, #tpu.memory_space<vmem>>)
        %dma_start3A_351 = arith.constant 0 : i32
        %dma_start3A_352 = tpu.memref_slice %arg6[%rem3A_322, %dma_start3A_351] : memref<4x128xi32, #tpu.memory_space<vmem>> -> memref<1x128xi32, #tpu.memory_space<vmem>>
        %dma_start3A_353 = tpu.memref_squeeze %dma_start3A_352 : memref<1x128xi32, #tpu.memory_space<vmem>> -> memref<128xi32, #tpu.memory_space<vmem>>
        %dma_start3A_354 = arith.constant 0 : i32
        %dma_start3A_355 = arith.constant 0 : i32
        %dma_start3A_356 = tpu.memref_slice %arg2[%dma_start3A_354, %dma_start3A_355] : memref<10240x128xf32, #tpu.memory_space<hbm>> -> memref<10240x128xf32, #tpu.memory_space<hbm>>
        tpu.enqueue_indirect_dma source(%dma_start3A_356 : memref<10240x128xf32, #tpu.memory_space<hbm>>) target(%arg9 : memref<128x128xf32, #tpu.memory_space<vmem>>) offsets(%dma_start3A_353 : memref<128xi32, #tpu.memory_space<vmem>>) semaphore(%arg13 : memref<!tpu.dma_semaphore, #tpu.memory_space<semaphore_mem>>)
      } else {
      }
      %add3A_312 = arith.constant 3 : i32
      %add3A_313 = arith.addi %add3A_296, %add3A_312 : i32
      %lt3A_314 = arith.constant 81 : i32
      %lt3A_315 = arith.cmpi slt, %add3A_313, %lt3A_314 : i32
      %convert_element_type3A_316 = arith.extui %lt3A_315 : i1 to i32
      %cond3A_317 = arith.constant 0 : i32
      %cond3A_318 = arith.cmpi ne, %convert_element_type3A_316, %cond3A_317 : i32
      scf.if %cond3A_318 {
        %add3A_319 = arith.constant 3 : i32
        %add3A_320 = arith.addi %add3A_296, %add3A_319 : i32
        %rem3A_321 = arith.constant 4 : i32
        %rem3A_322 = arith.remsi %add3A_320, %rem3A_321 : i32
        %add3A_323 = arith.constant 3 : i32
        %add3A_324 = arith.addi %add3A_296, %add3A_323 : i32
        %dma_start3A_325 = arith.constant 0 : i32
        %dma_start3A_326 = tpu.memref_slice %arg6[%rem3A_322, %dma_start3A_325] : memref<4x128xi32, #tpu.memory_space<vmem>> -> memref<1x128xi32, #tpu.memory_space<vmem>>
        %dma_start3A_327 = tpu.memref_squeeze %dma_start3A_326 : memref<1x128xi32, #tpu.memory_space<vmem>> -> memref<128xi32, #tpu.memory_space<vmem>>
        %dma_start3A_328 = arith.constant 0 : i32
        %dma_start3A_329 = tpu.memref_slice %arg3[%add3A, %add3A_324, %dma_start3A_328] : memref<32x81x128xi32, #tpu.memory_space<hbm>> -> memref<1x1x128xi32, #tpu.memory_space<hbm>>
        %dma_start3A_330 = tpu.memref_squeeze %dma_start3A_329 : memref<1x1x128xi32, #tpu.memory_space<hbm>> -> memref<128xi32, #tpu.memory_space<hbm>>
        %dma_start3A_331 = arith.constant 0 : i32
        %dma_start3A_332 = tpu.memref_slice %arg6[%rem3A_322, %dma_start3A_331] : memref<4x128xi32, #tpu.memory_space<vmem>> -> memref<1x128xi32, #tpu.memory_space<vmem>>
        %dma_start3A_333 = tpu.memref_squeeze %dma_start3A_332 : memref<1x128xi32, #tpu.memory_space<vmem>> -> memref<128xi32, #tpu.memory_space<vmem>>
        %dma_start3A_334 = arith.constant 0 : i32
        %dma_start3A_335 = tpu.memref_slice %arg3[%add3A, %add3A_324, %dma_start3A_334] : memref<32x81x128xi32, #tpu.memory_space<hbm>> -> memref<1x1x128xi32, #tpu.memory_space<hbm>>
        %dma_start3A_336 = tpu.memref_squeeze %dma_start3A_335 : memref<1x1x128xi32, #tpu.memory_space<hbm>> -> memref<128xi32, #tpu.memory_space<hbm>>
        tpu.enqueue_dma source(%dma_start3A_336 : memref<128xi32, #tpu.memory_space<hbm>>) target(%dma_start3A_333 : memref<128xi32, #tpu.memory_space<vmem>>) target_semaphore(%arg15 : memref<!tpu.dma_semaphore, #tpu.memory_space<semaphore_mem>>)
        %add3A_337 = arith.constant 3 : i32
        %add3A_338 = arith.addi %add3A_296, %add3A_337 : i32
        %dma_start3A_339 = arith.constant 0 : i32
        %dma_start3A_340 = tpu.memref_slice %arg7[%rem3A_322, %dma_start3A_339] : memref<4x128xi32, #tpu.memory_space<vmem>> -> memref<1x128xi32, #tpu.memory_space<vmem>>
        %dma_start3A_341 = tpu.memref_squeeze %dma_start3A_340 : memref<1x128xi32, #tpu.memory_space<vmem>> -> memref<128xi32, #tpu.memory_space<vmem>>
        %dma_start3A_342 = arith.constant 0 : i32
        %dma_start3A_343 = tpu.memref_slice %arg4[%add3A, %add3A_338, %dma_start3A_342] : memref<32x81x128xi32, #tpu.memory_space<hbm>> -> memref<1x1x128xi32, #tpu.memory_space<hbm>>
        %dma_start3A_344 = tpu.memref_squeeze %dma_start3A_343 : memref<1x1x128xi32, #tpu.memory_space<hbm>> -> memref<128xi32, #tpu.memory_space<hbm>>
        %dma_start3A_345 = arith.constant 0 : i32
        %dma_start3A_346 = tpu.memref_slice %arg7[%rem3A_322, %dma_start3A_345] : memref<4x128xi32, #tpu.memory_space<vmem>> -> memref<1x128xi32, #tpu.memory_space<vmem>>
        %dma_start3A_347 = tpu.memref_squeeze %dma_start3A_346 : memref<1x128xi32, #tpu.memory_space<vmem>> -> memref<128xi32, #tpu.memory_space<vmem>>
        %dma_start3A_348 = arith.constant 0 : i32
        %dma_start3A_349 = tpu.memref_slice %arg4[%add3A, %add3A_338, %dma_start3A_348] : memref<32x81x128xi32, #tpu.memory_space<hbm>> -> memref<1x1x128xi32, #tpu.memory_space<hbm>>
        %dma_start3A_350 = tpu.memref_squeeze %dma_start3A_349 : memref<1x1x128xi32, #tpu.memory_space<hbm>> -> memref<128xi32, #tpu.memory_space<hbm>>
        tpu.enqueue_dma source(%dma_start3A_350 : memref<128xi32, #tpu.memory_space<hbm>>) target(%dma_start3A_347 : memref<128xi32, #tpu.memory_space<vmem>>) target_semaphore(%arg15 : memref<!tpu.dma_semaphore, #tpu.memory_space<semaphore_mem>>)
      } else {
      }
      "tpu.region"() ({
        %run_scoped3A_319 = tpu.sem_alloc : memref<!tpu.dma_semaphore, #tpu.memory_space<semaphore_mem>>
        %dma_start3A_320 = arith.constant 0 : i32
        %dma_start3A_321 = tpu.memref_slice %arg7[%rem3A_298, %dma_start3A_320] : memref<4x128xi32, #tpu.memory_space<vmem>> -> memref<1x128xi32, #tpu.memory_space<vmem>>
        %dma_start3A_322 = tpu.memref_squeeze %dma_start3A_321 : memref<1x128xi32, #tpu.memory_space<vmem>> -> memref<128xi32, #tpu.memory_space<vmem>>
        %dma_start3A_323 = arith.constant 0 : i32
        %dma_start3A_324 = arith.constant 0 : i32
        %dma_start3A_325 = tpu.memref_slice %arg11[%dma_start3A_323, %dma_start3A_324] : memref<10112x128xf32, #tpu.memory_space<vmem_shared>> -> memref<10112x128xf32, #tpu.memory_space<vmem_shared>>
        tpu.enqueue_indirect_dma source(%arg10 : memref<128x128xf32, #tpu.memory_space<vmem>>) target(%dma_start3A_325 : memref<10112x128xf32, #tpu.memory_space<vmem_shared>>) offsets(%dma_start3A_322 : memref<128xi32, #tpu.memory_space<vmem>>) semaphore(%run_scoped3A_319 : memref<!tpu.dma_semaphore, #tpu.memory_space<semaphore_mem>>) {add = true}
        %dma_wait3A_326 = arith.constant 0 : i32
        %dma_wait3A_327 = tpu.memref_slice %arg7[%rem3A_298, %dma_wait3A_326] : memref<4x128xi32, #tpu.memory_space<vmem>> -> memref<1x128xi32, #tpu.memory_space<vmem>>
        %dma_wait3A_328 = tpu.memref_squeeze %dma_wait3A_327 : memref<1x128xi32, #tpu.memory_space<vmem>> -> memref<128xi32, #tpu.memory_space<vmem>>
        %dma_wait3A_329 = arith.constant 0 : i32
        %dma_wait3A_330 = arith.constant 0 : i32
        %dma_wait3A_331 = tpu.memref_slice %arg11[%dma_wait3A_329, %dma_wait3A_330] : memref<10112x128xf32, #tpu.memory_space<vmem_shared>> -> memref<10112x128xf32, #tpu.memory_space<vmem_shared>>
        tpu.wait_indirect_dma semaphore(%run_scoped3A_319 : memref<!tpu.dma_semaphore, #tpu.memory_space<semaphore_mem>>) src(%arg10 : memref<128x128xf32, #tpu.memory_space<vmem>>) dst(%dma_wait3A_331 : memref<10112x128xf32, #tpu.memory_space<vmem_shared>>)
        tpu.yield
      }) : () -> ()
    }
    %scan3A_81 = arith.constant 27 : i32
    %barrier3A_82 = arith.constant 0 : index
    tpu.barrier barrier_id(%barrier3A_82)
    %mul3A_83 = arith.constant 632 : i32
    %mul3A_84 = arith.muli %arg1, %mul3A_83 : i32
    %add3A_85 = arith.constant 0 : i32
    %add3A_86 = arith.addi %mul3A_84, %add3A_85 : i32
    "tpu.region"() ({
      %run_scoped3A_242 = tpu.sem_alloc : memref<!tpu.dma_semaphore, #tpu.memory_space<semaphore_mem>>
      %dma_start3A_243 = arith.constant 0 : i32
      %dma_start3A_244 = arith.constant 0 : i32
      %dma_start3A_245 = tpu.memref_slice %arg8[%dma_start3A_243, %dma_start3A_244] : memref<128x128xf32, #tpu.memory_space<vmem>> -> memref<128x128xf32, #tpu.memory_space<vmem>>
      %dma_start3A_246 = arith.constant 0 : i32
      %dma_start3A_247 = tpu.memref_slice %arg11[%add3A_86, %dma_start3A_246] : memref<10112x128xf32, #tpu.memory_space<vmem_shared>> -> memref<128x128xf32, #tpu.memory_space<vmem_shared>>
      %dma_start3A_248 = arith.constant 0 : i32
      %dma_start3A_249 = arith.constant 0 : i32
      %dma_start3A_250 = tpu.memref_slice %arg8[%dma_start3A_248, %dma_start3A_249] : memref<128x128xf32, #tpu.memory_space<vmem>> -> memref<128x128xf32, #tpu.memory_space<vmem>>
      %dma_start3A_251 = arith.constant 0 : i32
      %dma_start3A_252 = tpu.memref_slice %arg11[%add3A_86, %dma_start3A_251] : memref<10112x128xf32, #tpu.memory_space<vmem_shared>> -> memref<128x128xf32, #tpu.memory_space<vmem_shared>>
      tpu.enqueue_dma source(%dma_start3A_252 : memref<128x128xf32, #tpu.memory_space<vmem_shared>>) target(%dma_start3A_250 : memref<128x128xf32, #tpu.memory_space<vmem>>) target_semaphore(%run_scoped3A_242 : memref<!tpu.dma_semaphore, #tpu.memory_space<semaphore_mem>>)
      %dma_wait3A_253 = arith.constant 0 : i32
      %dma_wait3A_254 = arith.constant 0 : i32
      %dma_wait3A_255 = tpu.memref_slice %arg8[%dma_wait3A_253, %dma_wait3A_254] : memref<128x128xf32, #tpu.memory_space<vmem>> -> memref<128x128xf32, #tpu.memory_space<vmem>>
      %dma_wait3A_256 = arith.constant 0 : i32
      %dma_wait3A_257 = tpu.memref_slice %arg11[%add3A_86, %dma_wait3A_256] : memref<10112x128xf32, #tpu.memory_space<vmem_shared>> -> memref<128x128xf32, #tpu.memory_space<vmem_shared>>
      %dma_wait3A_258 = arith.constant 0 : i32
      %dma_wait3A_259 = arith.constant 0 : i32
      %dma_wait3A_260 = tpu.memref_slice %arg8[%dma_wait3A_258, %dma_wait3A_259] : memref<128x128xf32, #tpu.memory_space<vmem>> -> memref<128x128xf32, #tpu.memory_space<vmem>>
      %dma_wait3A_261 = arith.constant 0 : i32
      %dma_wait3A_262 = tpu.memref_slice %arg11[%add3A_86, %dma_wait3A_261] : memref<10112x128xf32, #tpu.memory_space<vmem_shared>> -> memref<128x128xf32, #tpu.memory_space<vmem_shared>>
      tpu.wait_dma2 semaphore(%run_scoped3A_242 : memref<!tpu.dma_semaphore, #tpu.memory_space<semaphore_mem>>) src(%dma_wait3A_262 : memref<128x128xf32, #tpu.memory_space<vmem_shared>>) dst(%dma_wait3A_260 : memref<128x128xf32, #tpu.memory_space<vmem>>)
      tpu.yield
    }) : () -> ()
    %dma_start3A_87 = arith.constant 0 : i32
    %dma_start3A_88 = arith.constant 0 : i32
    %dma_start3A_89 = tpu.memref_slice %arg8[%dma_start3A_87, %dma_start3A_88] : memref<128x128xf32, #tpu.memory_space<vmem>> -> memref<128x128xf32, #tpu.memory_space<vmem>>
    %dma_start3A_90 = arith.constant 0 : i32
    %dma_start3A_91 = tpu.memref_slice %arg5[%arg0, %add3A_86, %dma_start3A_90] : memref<2x10240x128xf32, #tpu.memory_space<hbm>> -> memref<1x128x128xf32, #tpu.memory_space<hbm>>
    %dma_start3A_92 = tpu.memref_squeeze %dma_start3A_91 : memref<1x128x128xf32, #tpu.memory_space<hbm>> -> memref<128x128xf32, #tpu.memory_space<hbm>>
    %dma_start3A_93 = arith.constant 0 : i32
    %dma_start3A_94 = tpu.memref_slice %arg5[%arg0, %add3A_86, %dma_start3A_93] : memref<2x10240x128xf32, #tpu.memory_space<hbm>> -> memref<1x128x128xf32, #tpu.memory_space<hbm>>
    %dma_start3A_95 = tpu.memref_squeeze %dma_start3A_94 : memref<1x128x128xf32, #tpu.memory_space<hbm>> -> memref<128x128xf32, #tpu.memory_space<hbm>>
    %dma_start3A_96 = arith.constant 0 : i32
    %dma_start3A_97 = arith.constant 0 : i32
    %dma_start3A_98 = tpu.memref_slice %arg8[%dma_start3A_96, %dma_start3A_97] : memref<128x128xf32, #tpu.memory_space<vmem>> -> memref<128x128xf32, #tpu.memory_space<vmem>>
    tpu.enqueue_dma source(%dma_start3A_98 : memref<128x128xf32, #tpu.memory_space<vmem>>) target(%dma_start3A_95 : memref<128x128xf32, #tpu.memory_space<hbm>>) target_semaphore(%arg16 : memref<!tpu.dma_semaphore, #tpu.memory_space<semaphore_mem>>)
    %mul3A_99 = arith.constant 632 : i32
    %mul3A_100 = arith.muli %arg1, %mul3A_99 : i32
    %add3A_101 = arith.constant 128 : i32
    %add3A_102 = arith.addi %mul3A_100, %add3A_101 : i32
    "tpu.region"() ({
      %run_scoped3A_242 = tpu.sem_alloc : memref<!tpu.dma_semaphore, #tpu.memory_space<semaphore_mem>>
      %dma_start3A_243 = arith.constant 0 : i32
      %dma_start3A_244 = arith.constant 0 : i32
      %dma_start3A_245 = tpu.memref_slice %arg9[%dma_start3A_243, %dma_start3A_244] : memref<128x128xf32, #tpu.memory_space<vmem>> -> memref<128x128xf32, #tpu.memory_space<vmem>>
      %dma_start3A_246 = arith.constant 0 : i32
      %dma_start3A_247 = tpu.memref_slice %arg11[%add3A_102, %dma_start3A_246] : memref<10112x128xf32, #tpu.memory_space<vmem_shared>> -> memref<128x128xf32, #tpu.memory_space<vmem_shared>>
      %dma_start3A_248 = arith.constant 0 : i32
      %dma_start3A_249 = arith.constant 0 : i32
      %dma_start3A_250 = tpu.memref_slice %arg9[%dma_start3A_248, %dma_start3A_249] : memref<128x128xf32, #tpu.memory_space<vmem>> -> memref<128x128xf32, #tpu.memory_space<vmem>>
      %dma_start3A_251 = arith.constant 0 : i32
      %dma_start3A_252 = tpu.memref_slice %arg11[%add3A_102, %dma_start3A_251] : memref<10112x128xf32, #tpu.memory_space<vmem_shared>> -> memref<128x128xf32, #tpu.memory_space<vmem_shared>>
      tpu.enqueue_dma source(%dma_start3A_252 : memref<128x128xf32, #tpu.memory_space<vmem_shared>>) target(%dma_start3A_250 : memref<128x128xf32, #tpu.memory_space<vmem>>) target_semaphore(%run_scoped3A_242 : memref<!tpu.dma_semaphore, #tpu.memory_space<semaphore_mem>>)
      %dma_wait3A_253 = arith.constant 0 : i32
      %dma_wait3A_254 = arith.constant 0 : i32
      %dma_wait3A_255 = tpu.memref_slice %arg9[%dma_wait3A_253, %dma_wait3A_254] : memref<128x128xf32, #tpu.memory_space<vmem>> -> memref<128x128xf32, #tpu.memory_space<vmem>>
      %dma_wait3A_256 = arith.constant 0 : i32
      %dma_wait3A_257 = tpu.memref_slice %arg11[%add3A_102, %dma_wait3A_256] : memref<10112x128xf32, #tpu.memory_space<vmem_shared>> -> memref<128x128xf32, #tpu.memory_space<vmem_shared>>
      %dma_wait3A_258 = arith.constant 0 : i32
      %dma_wait3A_259 = arith.constant 0 : i32
      %dma_wait3A_260 = tpu.memref_slice %arg9[%dma_wait3A_258, %dma_wait3A_259] : memref<128x128xf32, #tpu.memory_space<vmem>> -> memref<128x128xf32, #tpu.memory_space<vmem>>
      %dma_wait3A_261 = arith.constant 0 : i32
      %dma_wait3A_262 = tpu.memref_slice %arg11[%add3A_102, %dma_wait3A_261] : memref<10112x128xf32, #tpu.memory_space<vmem_shared>> -> memref<128x128xf32, #tpu.memory_space<vmem_shared>>
      tpu.wait_dma2 semaphore(%run_scoped3A_242 : memref<!tpu.dma_semaphore, #tpu.memory_space<semaphore_mem>>) src(%dma_wait3A_262 : memref<128x128xf32, #tpu.memory_space<vmem_shared>>) dst(%dma_wait3A_260 : memref<128x128xf32, #tpu.memory_space<vmem>>)
      tpu.yield
    }) : () -> ()
    %dma_start3A_103 = arith.constant 0 : i32
    %dma_start3A_104 = arith.constant 0 : i32
    %dma_start3A_105 = tpu.memref_slice %arg9[%dma_start3A_103, %dma_start3A_104] : memref<128x128xf32, #tpu.memory_space<vmem>> -> memref<128x128xf32, #tpu.memory_space<vmem>>
    %dma_start3A_106 = arith.constant 0 : i32
    %dma_start3A_107 = tpu.memref_slice %arg5[%arg0, %add3A_102, %dma_start3A_106] : memref<2x10240x128xf32, #tpu.memory_space<hbm>> -> memref<1x128x128xf32, #tpu.memory_space<hbm>>
    %dma_start3A_108 = tpu.memref_squeeze %dma_start3A_107 : memref<1x128x128xf32, #tpu.memory_space<hbm>> -> memref<128x128xf32, #tpu.memory_space<hbm>>
    %dma_start3A_109 = arith.constant 0 : i32
    %dma_start3A_110 = tpu.memref_slice %arg5[%arg0, %add3A_102, %dma_start3A_109] : memref<2x10240x128xf32, #tpu.memory_space<hbm>> -> memref<1x128x128xf32, #tpu.memory_space<hbm>>
    %dma_start3A_111 = tpu.memref_squeeze %dma_start3A_110 : memref<1x128x128xf32, #tpu.memory_space<hbm>> -> memref<128x128xf32, #tpu.memory_space<hbm>>
    %dma_start3A_112 = arith.constant 0 : i32
    %dma_start3A_113 = arith.constant 0 : i32
    %dma_start3A_114 = tpu.memref_slice %arg9[%dma_start3A_112, %dma_start3A_113] : memref<128x128xf32, #tpu.memory_space<vmem>> -> memref<128x128xf32, #tpu.memory_space<vmem>>
    tpu.enqueue_dma source(%dma_start3A_114 : memref<128x128xf32, #tpu.memory_space<vmem>>) target(%dma_start3A_111 : memref<128x128xf32, #tpu.memory_space<hbm>>) target_semaphore(%arg16 : memref<!tpu.dma_semaphore, #tpu.memory_space<semaphore_mem>>)
    %mul3A_115 = arith.constant 632 : i32
    %mul3A_116 = arith.muli %arg1, %mul3A_115 : i32
    %add3A_117 = arith.constant 256 : i32
    %add3A_118 = arith.addi %mul3A_116, %add3A_117 : i32
    %mul3A_119 = arith.constant 632 : i32
    %mul3A_120 = arith.muli %arg1, %mul3A_119 : i32
    %add3A_121 = arith.constant 0 : i32
    %add3A_122 = arith.addi %mul3A_120, %add3A_121 : i32
    %dma_wait3A = arith.constant 0 : i32
    %dma_wait3A_123 = arith.constant 0 : i32
    %dma_wait3A_124 = tpu.memref_slice %arg8[%dma_wait3A, %dma_wait3A_123] : memref<128x128xf32, #tpu.memory_space<vmem>> -> memref<128x128xf32, #tpu.memory_space<vmem>>
    %dma_wait3A_125 = arith.constant 0 : i32
    %dma_wait3A_126 = tpu.memref_slice %arg5[%arg0, %add3A_122, %dma_wait3A_125] : memref<2x10240x128xf32, #tpu.memory_space<hbm>> -> memref<1x128x128xf32, #tpu.memory_space<hbm>>
    %dma_wait3A_127 = tpu.memref_squeeze %dma_wait3A_126 : memref<1x128x128xf32, #tpu.memory_space<hbm>> -> memref<128x128xf32, #tpu.memory_space<hbm>>
    %dma_wait3A_128 = arith.constant 0 : i32
    %dma_wait3A_129 = tpu.memref_slice %arg5[%arg0, %add3A_122, %dma_wait3A_128] : memref<2x10240x128xf32, #tpu.memory_space<hbm>> -> memref<1x128x128xf32, #tpu.memory_space<hbm>>
    %dma_wait3A_130 = tpu.memref_squeeze %dma_wait3A_129 : memref<1x128x128xf32, #tpu.memory_space<hbm>> -> memref<128x128xf32, #tpu.memory_space<hbm>>
    %dma_wait3A_131 = arith.constant 0 : i32
    %dma_wait3A_132 = arith.constant 0 : i32
    %dma_wait3A_133 = tpu.memref_slice %arg8[%dma_wait3A_131, %dma_wait3A_132] : memref<128x128xf32, #tpu.memory_space<vmem>> -> memref<128x128xf32, #tpu.memory_space<vmem>>
    tpu.wait_dma2 semaphore(%arg16 : memref<!tpu.dma_semaphore, #tpu.memory_space<semaphore_mem>>) src(%dma_wait3A_133 : memref<128x128xf32, #tpu.memory_space<vmem>>) dst(%dma_wait3A_130 : memref<128x128xf32, #tpu.memory_space<hbm>>)
    "tpu.region"() ({
      %run_scoped3A_242 = tpu.sem_alloc : memref<!tpu.dma_semaphore, #tpu.memory_space<semaphore_mem>>
      %dma_start3A_243 = arith.constant 0 : i32
      %dma_start3A_244 = arith.constant 0 : i32
      %dma_start3A_245 = tpu.memref_slice %arg8[%dma_start3A_243, %dma_start3A_244] : memref<128x128xf32, #tpu.memory_space<vmem>> -> memref<128x128xf32, #tpu.memory_space<vmem>>
      %dma_start3A_246 = arith.constant 0 : i32
      %dma_start3A_247 = tpu.memref_slice %arg11[%add3A_118, %dma_start3A_246] : memref<10112x128xf32, #tpu.memory_space<vmem_shared>> -> memref<128x128xf32, #tpu.memory_space<vmem_shared>>
      %dma_start3A_248 = arith.constant 0 : i32
      %dma_start3A_249 = arith.constant 0 : i32
      %dma_start3A_250 = tpu.memref_slice %arg8[%dma_start3A_248, %dma_start3A_249] : memref<128x128xf32, #tpu.memory_space<vmem>> -> memref<128x128xf32, #tpu.memory_space<vmem>>
      %dma_start3A_251 = arith.constant 0 : i32
      %dma_start3A_252 = tpu.memref_slice %arg11[%add3A_118, %dma_start3A_251] : memref<10112x128xf32, #tpu.memory_space<vmem_shared>> -> memref<128x128xf32, #tpu.memory_space<vmem_shared>>
      tpu.enqueue_dma source(%dma_start3A_252 : memref<128x128xf32, #tpu.memory_space<vmem_shared>>) target(%dma_start3A_250 : memref<128x128xf32, #tpu.memory_space<vmem>>) target_semaphore(%run_scoped3A_242 : memref<!tpu.dma_semaphore, #tpu.memory_space<semaphore_mem>>)
      %dma_wait3A_253 = arith.constant 0 : i32
      %dma_wait3A_254 = arith.constant 0 : i32
      %dma_wait3A_255 = tpu.memref_slice %arg8[%dma_wait3A_253, %dma_wait3A_254] : memref<128x128xf32, #tpu.memory_space<vmem>> -> memref<128x128xf32, #tpu.memory_space<vmem>>
      %dma_wait3A_256 = arith.constant 0 : i32
      %dma_wait3A_257 = tpu.memref_slice %arg11[%add3A_118, %dma_wait3A_256] : memref<10112x128xf32, #tpu.memory_space<vmem_shared>> -> memref<128x128xf32, #tpu.memory_space<vmem_shared>>
      %dma_wait3A_258 = arith.constant 0 : i32
      %dma_wait3A_259 = arith.constant 0 : i32
      %dma_wait3A_260 = tpu.memref_slice %arg8[%dma_wait3A_258, %dma_wait3A_259] : memref<128x128xf32, #tpu.memory_space<vmem>> -> memref<128x128xf32, #tpu.memory_space<vmem>>
      %dma_wait3A_261 = arith.constant 0 : i32
      %dma_wait3A_262 = tpu.memref_slice %arg11[%add3A_118, %dma_wait3A_261] : memref<10112x128xf32, #tpu.memory_space<vmem_shared>> -> memref<128x128xf32, #tpu.memory_space<vmem_shared>>
      tpu.wait_dma2 semaphore(%run_scoped3A_242 : memref<!tpu.dma_semaphore, #tpu.memory_space<semaphore_mem>>) src(%dma_wait3A_262 : memref<128x128xf32, #tpu.memory_space<vmem_shared>>) dst(%dma_wait3A_260 : memref<128x128xf32, #tpu.memory_space<vmem>>)
      tpu.yield
    }) : () -> ()
    %dma_start3A_134 = arith.constant 0 : i32
    %dma_start3A_135 = arith.constant 0 : i32
    %dma_start3A_136 = tpu.memref_slice %arg8[%dma_start3A_134, %dma_start3A_135] : memref<128x128xf32, #tpu.memory_space<vmem>> -> memref<128x128xf32, #tpu.memory_space<vmem>>
    %dma_start3A_137 = arith.constant 0 : i32
    %dma_start3A_138 = tpu.memref_slice %arg5[%arg0, %add3A_118, %dma_start3A_137] : memref<2x10240x128xf32, #tpu.memory_space<hbm>> -> memref<1x128x128xf32, #tpu.memory_space<hbm>>
    %dma_start3A_139 = tpu.memref_squeeze %dma_start3A_138 : memref<1x128x128xf32, #tpu.memory_space<hbm>> -> memref<128x128xf32, #tpu.memory_space<hbm>>
    %dma_start3A_140 = arith.constant 0 : i32
    %dma_start3A_141 = tpu.memref_slice %arg5[%arg0, %add3A_118, %dma_start3A_140] : memref<2x10240x128xf32, #tpu.memory_space<hbm>> -> memref<1x128x128xf32, #tpu.memory_space<hbm>>
    %dma_start3A_142 = tpu.memref_squeeze %dma_start3A_141 : memref<1x128x128xf32, #tpu.memory_space<hbm>> -> memref<128x128xf32, #tpu.memory_space<hbm>>
    %dma_start3A_143 = arith.constant 0 : i32
    %dma_start3A_144 = arith.constant 0 : i32
    %dma_start3A_145 = tpu.memref_slice %arg8[%dma_start3A_143, %dma_start3A_144] : memref<128x128xf32, #tpu.memory_space<vmem>> -> memref<128x128xf32, #tpu.memory_space<vmem>>
    tpu.enqueue_dma source(%dma_start3A_145 : memref<128x128xf32, #tpu.memory_space<vmem>>) target(%dma_start3A_142 : memref<128x128xf32, #tpu.memory_space<hbm>>) target_semaphore(%arg16 : memref<!tpu.dma_semaphore, #tpu.memory_space<semaphore_mem>>)
    %mul3A_146 = arith.constant 632 : i32
    %mul3A_147 = arith.muli %arg1, %mul3A_146 : i32
    %add3A_148 = arith.constant 384 : i32
    %add3A_149 = arith.addi %mul3A_147, %add3A_148 : i32
    %mul3A_150 = arith.constant 632 : i32
    %mul3A_151 = arith.muli %arg1, %mul3A_150 : i32
    %add3A_152 = arith.constant 128 : i32
    %add3A_153 = arith.addi %mul3A_151, %add3A_152 : i32
    %dma_wait3A_154 = arith.constant 0 : i32
    %dma_wait3A_155 = arith.constant 0 : i32
    %dma_wait3A_156 = tpu.memref_slice %arg9[%dma_wait3A_154, %dma_wait3A_155] : memref<128x128xf32, #tpu.memory_space<vmem>> -> memref<128x128xf32, #tpu.memory_space<vmem>>
    %dma_wait3A_157 = arith.constant 0 : i32
    %dma_wait3A_158 = tpu.memref_slice %arg5[%arg0, %add3A_153, %dma_wait3A_157] : memref<2x10240x128xf32, #tpu.memory_space<hbm>> -> memref<1x128x128xf32, #tpu.memory_space<hbm>>
    %dma_wait3A_159 = tpu.memref_squeeze %dma_wait3A_158 : memref<1x128x128xf32, #tpu.memory_space<hbm>> -> memref<128x128xf32, #tpu.memory_space<hbm>>
    %dma_wait3A_160 = arith.constant 0 : i32
    %dma_wait3A_161 = tpu.memref_slice %arg5[%arg0, %add3A_153, %dma_wait3A_160] : memref<2x10240x128xf32, #tpu.memory_space<hbm>> -> memref<1x128x128xf32, #tpu.memory_space<hbm>>
    %dma_wait3A_162 = tpu.memref_squeeze %dma_wait3A_161 : memref<1x128x128xf32, #tpu.memory_space<hbm>> -> memref<128x128xf32, #tpu.memory_space<hbm>>
    %dma_wait3A_163 = arith.constant 0 : i32
    %dma_wait3A_164 = arith.constant 0 : i32
    %dma_wait3A_165 = tpu.memref_slice %arg9[%dma_wait3A_163, %dma_wait3A_164] : memref<128x128xf32, #tpu.memory_space<vmem>> -> memref<128x128xf32, #tpu.memory_space<vmem>>
    tpu.wait_dma2 semaphore(%arg16 : memref<!tpu.dma_semaphore, #tpu.memory_space<semaphore_mem>>) src(%dma_wait3A_165 : memref<128x128xf32, #tpu.memory_space<vmem>>) dst(%dma_wait3A_162 : memref<128x128xf32, #tpu.memory_space<hbm>>)
    "tpu.region"() ({
      %run_scoped3A_242 = tpu.sem_alloc : memref<!tpu.dma_semaphore, #tpu.memory_space<semaphore_mem>>
      %dma_start3A_243 = arith.constant 0 : i32
      %dma_start3A_244 = arith.constant 0 : i32
      %dma_start3A_245 = tpu.memref_slice %arg9[%dma_start3A_243, %dma_start3A_244] : memref<128x128xf32, #tpu.memory_space<vmem>> -> memref<128x128xf32, #tpu.memory_space<vmem>>
      %dma_start3A_246 = arith.constant 0 : i32
      %dma_start3A_247 = tpu.memref_slice %arg11[%add3A_149, %dma_start3A_246] : memref<10112x128xf32, #tpu.memory_space<vmem_shared>> -> memref<128x128xf32, #tpu.memory_space<vmem_shared>>
      %dma_start3A_248 = arith.constant 0 : i32
      %dma_start3A_249 = arith.constant 0 : i32
      %dma_start3A_250 = tpu.memref_slice %arg9[%dma_start3A_248, %dma_start3A_249] : memref<128x128xf32, #tpu.memory_space<vmem>> -> memref<128x128xf32, #tpu.memory_space<vmem>>
      %dma_start3A_251 = arith.constant 0 : i32
      %dma_start3A_252 = tpu.memref_slice %arg11[%add3A_149, %dma_start3A_251] : memref<10112x128xf32, #tpu.memory_space<vmem_shared>> -> memref<128x128xf32, #tpu.memory_space<vmem_shared>>
      tpu.enqueue_dma source(%dma_start3A_252 : memref<128x128xf32, #tpu.memory_space<vmem_shared>>) target(%dma_start3A_250 : memref<128x128xf32, #tpu.memory_space<vmem>>) target_semaphore(%run_scoped3A_242 : memref<!tpu.dma_semaphore, #tpu.memory_space<semaphore_mem>>)
      %dma_wait3A_253 = arith.constant 0 : i32
      %dma_wait3A_254 = arith.constant 0 : i32
      %dma_wait3A_255 = tpu.memref_slice %arg9[%dma_wait3A_253, %dma_wait3A_254] : memref<128x128xf32, #tpu.memory_space<vmem>> -> memref<128x128xf32, #tpu.memory_space<vmem>>
      %dma_wait3A_256 = arith.constant 0 : i32
      %dma_wait3A_257 = tpu.memref_slice %arg11[%add3A_149, %dma_wait3A_256] : memref<10112x128xf32, #tpu.memory_space<vmem_shared>> -> memref<128x128xf32, #tpu.memory_space<vmem_shared>>
      %dma_wait3A_258 = arith.constant 0 : i32
      %dma_wait3A_259 = arith.constant 0 : i32
      %dma_wait3A_260 = tpu.memref_slice %arg9[%dma_wait3A_258, %dma_wait3A_259] : memref<128x128xf32, #tpu.memory_space<vmem>> -> memref<128x128xf32, #tpu.memory_space<vmem>>
      %dma_wait3A_261 = arith.constant 0 : i32
      %dma_wait3A_262 = tpu.memref_slice %arg11[%add3A_149, %dma_wait3A_261] : memref<10112x128xf32, #tpu.memory_space<vmem_shared>> -> memref<128x128xf32, #tpu.memory_space<vmem_shared>>
      tpu.wait_dma2 semaphore(%run_scoped3A_242 : memref<!tpu.dma_semaphore, #tpu.memory_space<semaphore_mem>>) src(%dma_wait3A_262 : memref<128x128xf32, #tpu.memory_space<vmem_shared>>) dst(%dma_wait3A_260 : memref<128x128xf32, #tpu.memory_space<vmem>>)
      tpu.yield
    }) : () -> ()
    %dma_start3A_166 = arith.constant 0 : i32
    %dma_start3A_167 = arith.constant 0 : i32
    %dma_start3A_168 = tpu.memref_slice %arg9[%dma_start3A_166, %dma_start3A_167] : memref<128x128xf32, #tpu.memory_space<vmem>> -> memref<128x128xf32, #tpu.memory_space<vmem>>
    %dma_start3A_169 = arith.constant 0 : i32
    %dma_start3A_170 = tpu.memref_slice %arg5[%arg0, %add3A_149, %dma_start3A_169] : memref<2x10240x128xf32, #tpu.memory_space<hbm>> -> memref<1x128x128xf32, #tpu.memory_space<hbm>>
    %dma_start3A_171 = tpu.memref_squeeze %dma_start3A_170 : memref<1x128x128xf32, #tpu.memory_space<hbm>> -> memref<128x128xf32, #tpu.memory_space<hbm>>
    %dma_start3A_172 = arith.constant 0 : i32
    %dma_start3A_173 = tpu.memref_slice %arg5[%arg0, %add3A_149, %dma_start3A_172] : memref<2x10240x128xf32, #tpu.memory_space<hbm>> -> memref<1x128x128xf32, #tpu.memory_space<hbm>>
    %dma_start3A_174 = tpu.memref_squeeze %dma_start3A_173 : memref<1x128x128xf32, #tpu.memory_space<hbm>> -> memref<128x128xf32, #tpu.memory_space<hbm>>
    %dma_start3A_175 = arith.constant 0 : i32
    %dma_start3A_176 = arith.constant 0 : i32
    %dma_start3A_177 = tpu.memref_slice %arg9[%dma_start3A_175, %dma_start3A_176] : memref<128x128xf32, #tpu.memory_space<vmem>> -> memref<128x128xf32, #tpu.memory_space<vmem>>
    tpu.enqueue_dma source(%dma_start3A_177 : memref<128x128xf32, #tpu.memory_space<vmem>>) target(%dma_start3A_174 : memref<128x128xf32, #tpu.memory_space<hbm>>) target_semaphore(%arg16 : memref<!tpu.dma_semaphore, #tpu.memory_space<semaphore_mem>>)
    %mul3A_178 = arith.constant 632 : i32
    %mul3A_179 = arith.muli %arg1, %mul3A_178 : i32
    %add3A_180 = arith.constant 512 : i32
    %add3A_181 = arith.addi %mul3A_179, %add3A_180 : i32
    %mul3A_182 = arith.constant 632 : i32
    %mul3A_183 = arith.muli %arg1, %mul3A_182 : i32
    %add3A_184 = arith.constant 256 : i32
    %add3A_185 = arith.addi %mul3A_183, %add3A_184 : i32
    %dma_wait3A_186 = arith.constant 0 : i32
    %dma_wait3A_187 = arith.constant 0 : i32
    %dma_wait3A_188 = tpu.memref_slice %arg8[%dma_wait3A_186, %dma_wait3A_187] : memref<128x128xf32, #tpu.memory_space<vmem>> -> memref<128x128xf32, #tpu.memory_space<vmem>>
    %dma_wait3A_189 = arith.constant 0 : i32
    %dma_wait3A_190 = tpu.memref_slice %arg5[%arg0, %add3A_185, %dma_wait3A_189] : memref<2x10240x128xf32, #tpu.memory_space<hbm>> -> memref<1x128x128xf32, #tpu.memory_space<hbm>>
    %dma_wait3A_191 = tpu.memref_squeeze %dma_wait3A_190 : memref<1x128x128xf32, #tpu.memory_space<hbm>> -> memref<128x128xf32, #tpu.memory_space<hbm>>
    %dma_wait3A_192 = arith.constant 0 : i32
    %dma_wait3A_193 = tpu.memref_slice %arg5[%arg0, %add3A_185, %dma_wait3A_192] : memref<2x10240x128xf32, #tpu.memory_space<hbm>> -> memref<1x128x128xf32, #tpu.memory_space<hbm>>
    %dma_wait3A_194 = tpu.memref_squeeze %dma_wait3A_193 : memref<1x128x128xf32, #tpu.memory_space<hbm>> -> memref<128x128xf32, #tpu.memory_space<hbm>>
    %dma_wait3A_195 = arith.constant 0 : i32
    %dma_wait3A_196 = arith.constant 0 : i32
    %dma_wait3A_197 = tpu.memref_slice %arg8[%dma_wait3A_195, %dma_wait3A_196] : memref<128x128xf32, #tpu.memory_space<vmem>> -> memref<128x128xf32, #tpu.memory_space<vmem>>
    tpu.wait_dma2 semaphore(%arg16 : memref<!tpu.dma_semaphore, #tpu.memory_space<semaphore_mem>>) src(%dma_wait3A_197 : memref<128x128xf32, #tpu.memory_space<vmem>>) dst(%dma_wait3A_194 : memref<128x128xf32, #tpu.memory_space<hbm>>)
    "tpu.region"() ({
      %run_scoped3A_242 = tpu.sem_alloc : memref<!tpu.dma_semaphore, #tpu.memory_space<semaphore_mem>>
      %dma_start3A_243 = arith.constant 0 : i32
      %dma_start3A_244 = arith.constant 0 : i32
      %dma_start3A_245 = tpu.memref_slice %arg8[%dma_start3A_243, %dma_start3A_244] : memref<128x128xf32, #tpu.memory_space<vmem>> -> memref<120x128xf32, #tpu.memory_space<vmem>>
      %dma_start3A_246 = arith.constant 0 : i32
      %dma_start3A_247 = tpu.memref_slice %arg11[%add3A_181, %dma_start3A_246] : memref<10112x128xf32, #tpu.memory_space<vmem_shared>> -> memref<120x128xf32, #tpu.memory_space<vmem_shared>>
      %dma_start3A_248 = arith.constant 0 : i32
      %dma_start3A_249 = arith.constant 0 : i32
      %dma_start3A_250 = tpu.memref_slice %arg8[%dma_start3A_248, %dma_start3A_249] : memref<128x128xf32, #tpu.memory_space<vmem>> -> memref<120x128xf32, #tpu.memory_space<vmem>>
      %dma_start3A_251 = arith.constant 0 : i32
      %dma_start3A_252 = tpu.memref_slice %arg11[%add3A_181, %dma_start3A_251] : memref<10112x128xf32, #tpu.memory_space<vmem_shared>> -> memref<120x128xf32, #tpu.memory_space<vmem_shared>>
      tpu.enqueue_dma source(%dma_start3A_252 : memref<120x128xf32, #tpu.memory_space<vmem_shared>>) target(%dma_start3A_250 : memref<120x128xf32, #tpu.memory_space<vmem>>) target_semaphore(%run_scoped3A_242 : memref<!tpu.dma_semaphore, #tpu.memory_space<semaphore_mem>>)
      %dma_wait3A_253 = arith.constant 0 : i32
      %dma_wait3A_254 = arith.constant 0 : i32
      %dma_wait3A_255 = tpu.memref_slice %arg8[%dma_wait3A_253, %dma_wait3A_254] : memref<128x128xf32, #tpu.memory_space<vmem>> -> memref<120x128xf32, #tpu.memory_space<vmem>>
      %dma_wait3A_256 = arith.constant 0 : i32
      %dma_wait3A_257 = tpu.memref_slice %arg11[%add3A_181, %dma_wait3A_256] : memref<10112x128xf32, #tpu.memory_space<vmem_shared>> -> memref<120x128xf32, #tpu.memory_space<vmem_shared>>
      %dma_wait3A_258 = arith.constant 0 : i32
      %dma_wait3A_259 = arith.constant 0 : i32
      %dma_wait3A_260 = tpu.memref_slice %arg8[%dma_wait3A_258, %dma_wait3A_259] : memref<128x128xf32, #tpu.memory_space<vmem>> -> memref<120x128xf32, #tpu.memory_space<vmem>>
      %dma_wait3A_261 = arith.constant 0 : i32
      %dma_wait3A_262 = tpu.memref_slice %arg11[%add3A_181, %dma_wait3A_261] : memref<10112x128xf32, #tpu.memory_space<vmem_shared>> -> memref<120x128xf32, #tpu.memory_space<vmem_shared>>
      tpu.wait_dma2 semaphore(%run_scoped3A_242 : memref<!tpu.dma_semaphore, #tpu.memory_space<semaphore_mem>>) src(%dma_wait3A_262 : memref<120x128xf32, #tpu.memory_space<vmem_shared>>) dst(%dma_wait3A_260 : memref<120x128xf32, #tpu.memory_space<vmem>>)
      tpu.yield
    }) : () -> ()
    %dma_start3A_198 = arith.constant 0 : i32
    %dma_start3A_199 = arith.constant 0 : i32
    %dma_start3A_200 = tpu.memref_slice %arg8[%dma_start3A_198, %dma_start3A_199] : memref<128x128xf32, #tpu.memory_space<vmem>> -> memref<120x128xf32, #tpu.memory_space<vmem>>
    %dma_start3A_201 = arith.constant 0 : i32
    %dma_start3A_202 = tpu.memref_slice %arg5[%arg0, %add3A_181, %dma_start3A_201] : memref<2x10240x128xf32, #tpu.memory_space<hbm>> -> memref<1x120x128xf32, #tpu.memory_space<hbm>>
    %dma_start3A_203 = tpu.memref_squeeze %dma_start3A_202 : memref<1x120x128xf32, #tpu.memory_space<hbm>> -> memref<120x128xf32, #tpu.memory_space<hbm>>
    %dma_start3A_204 = arith.constant 0 : i32
    %dma_start3A_205 = tpu.memref_slice %arg5[%arg0, %add3A_181, %dma_start3A_204] : memref<2x10240x128xf32, #tpu.memory_space<hbm>> -> memref<1x120x128xf32, #tpu.memory_space<hbm>>
    %dma_start3A_206 = tpu.memref_squeeze %dma_start3A_205 : memref<1x120x128xf32, #tpu.memory_space<hbm>> -> memref<120x128xf32, #tpu.memory_space<hbm>>
    %dma_start3A_207 = arith.constant 0 : i32
    %dma_start3A_208 = arith.constant 0 : i32
    %dma_start3A_209 = tpu.memref_slice %arg8[%dma_start3A_207, %dma_start3A_208] : memref<128x128xf32, #tpu.memory_space<vmem>> -> memref<120x128xf32, #tpu.memory_space<vmem>>
    tpu.enqueue_dma source(%dma_start3A_209 : memref<120x128xf32, #tpu.memory_space<vmem>>) target(%dma_start3A_206 : memref<120x128xf32, #tpu.memory_space<hbm>>) target_semaphore(%arg16 : memref<!tpu.dma_semaphore, #tpu.memory_space<semaphore_mem>>)
    %mul3A_210 = arith.constant 632 : i32
    %mul3A_211 = arith.muli %arg1, %mul3A_210 : i32
    %add3A_212 = arith.constant 384 : i32
    %add3A_213 = arith.addi %mul3A_211, %add3A_212 : i32
    %dma_wait3A_214 = arith.constant 0 : i32
    %dma_wait3A_215 = arith.constant 0 : i32
    %dma_wait3A_216 = tpu.memref_slice %arg9[%dma_wait3A_214, %dma_wait3A_215] : memref<128x128xf32, #tpu.memory_space<vmem>> -> memref<128x128xf32, #tpu.memory_space<vmem>>
    %dma_wait3A_217 = arith.constant 0 : i32
    %dma_wait3A_218 = tpu.memref_slice %arg5[%arg0, %add3A_213, %dma_wait3A_217] : memref<2x10240x128xf32, #tpu.memory_space<hbm>> -> memref<1x128x128xf32, #tpu.memory_space<hbm>>
    %dma_wait3A_219 = tpu.memref_squeeze %dma_wait3A_218 : memref<1x128x128xf32, #tpu.memory_space<hbm>> -> memref<128x128xf32, #tpu.memory_space<hbm>>
    %dma_wait3A_220 = arith.constant 0 : i32
    %dma_wait3A_221 = tpu.memref_slice %arg5[%arg0, %add3A_213, %dma_wait3A_220] : memref<2x10240x128xf32, #tpu.memory_space<hbm>> -> memref<1x128x128xf32, #tpu.memory_space<hbm>>
    %dma_wait3A_222 = tpu.memref_squeeze %dma_wait3A_221 : memref<1x128x128xf32, #tpu.memory_space<hbm>> -> memref<128x128xf32, #tpu.memory_space<hbm>>
    %dma_wait3A_223 = arith.constant 0 : i32
    %dma_wait3A_224 = arith.constant 0 : i32
    %dma_wait3A_225 = tpu.memref_slice %arg9[%dma_wait3A_223, %dma_wait3A_224] : memref<128x128xf32, #tpu.memory_space<vmem>> -> memref<128x128xf32, #tpu.memory_space<vmem>>
    tpu.wait_dma2 semaphore(%arg16 : memref<!tpu.dma_semaphore, #tpu.memory_space<semaphore_mem>>) src(%dma_wait3A_225 : memref<128x128xf32, #tpu.memory_space<vmem>>) dst(%dma_wait3A_222 : memref<128x128xf32, #tpu.memory_space<hbm>>)
    %mul3A_226 = arith.constant 632 : i32
    %mul3A_227 = arith.muli %arg1, %mul3A_226 : i32
    %add3A_228 = arith.constant 512 : i32
    %add3A_229 = arith.addi %mul3A_227, %add3A_228 : i32
    %dma_wait3A_230 = arith.constant 0 : i32
    %dma_wait3A_231 = arith.constant 0 : i32
    %dma_wait3A_232 = tpu.memref_slice %arg8[%dma_wait3A_230, %dma_wait3A_231] : memref<128x128xf32, #tpu.memory_space<vmem>> -> memref<120x128xf32, #tpu.memory_space<vmem>>
    %dma_wait3A_233 = arith.constant 0 : i32
    %dma_wait3A_234 = tpu.memref_slice %arg5[%arg0, %add3A_229, %dma_wait3A_233] : memref<2x10240x128xf32, #tpu.memory_space<hbm>> -> memref<1x120x128xf32, #tpu.memory_space<hbm>>
    %dma_wait3A_235 = tpu.memref_squeeze %dma_wait3A_234 : memref<1x120x128xf32, #tpu.memory_space<hbm>> -> memref<120x128xf32, #tpu.memory_space<hbm>>
    %dma_wait3A_236 = arith.constant 0 : i32
    %dma_wait3A_237 = tpu.memref_slice %arg5[%arg0, %add3A_229, %dma_wait3A_236] : memref<2x10240x128xf32, #tpu.memory_space<hbm>> -> memref<1x120x128xf32, #tpu.memory_space<hbm>>
    %dma_wait3A_238 = tpu.memref_squeeze %dma_wait3A_237 : memref<1x120x128xf32, #tpu.memory_space<hbm>> -> memref<120x128xf32, #tpu.memory_space<hbm>>
    %dma_wait3A_239 = arith.constant 0 : i32
    %dma_wait3A_240 = arith.constant 0 : i32
    %dma_wait3A_241 = tpu.memref_slice %arg8[%dma_wait3A_239, %dma_wait3A_240] : memref<128x128xf32, #tpu.memory_space<vmem>> -> memref<120x128xf32, #tpu.memory_space<vmem>>
    tpu.wait_dma2 semaphore(%arg16 : memref<!tpu.dma_semaphore, #tpu.memory_space<semaphore_mem>>) src(%dma_wait3A_241 : memref<120x128xf32, #tpu.memory_space<vmem>>) dst(%dma_wait3A_238 : memref<120x128xf32, #tpu.memory_space<hbm>>)
    return
  }
}

#map = affine_map<(d0, d1) -> (0)>
#map1 = affine_map<(d0, d1) -> (0, 0, 0)>
#map2 = affine_map<(d0, d1) -> (0, 0)>
module attributes {stable_mosaic.version = 14 : i64} {
  func.func @body(%arg0: i32, %arg1: i32, %arg2: memref<10240xi32, #tpu.memory_space<hbm>>, %arg3: memref<32x81x128xi32, #tpu.memory_space<hbm>>, %arg4: memref<100000x128xf32, #tpu.memory_space<hbm>>, %arg5: memref<10240x128xf32, #tpu.memory_space<hbm>>, %arg6: memref<2x10240xf32, #tpu.memory_space<hbm>>, %arg7: memref<320xi32, #tpu.memory_space<vmem>>, %arg8: memref<81x128xi32, #tpu.memory_space<vmem>>, %arg9: memref<128xf32, #tpu.memory_space<vmem>>, %arg10: memref<640xf32, #tpu.memory_space<vmem>>, %arg11: memref<80x128xf32, #tpu.memory_space<vmem>>, %arg12: memref<80x128xf32, #tpu.memory_space<vmem>>, %arg13: memref<10240xf32, #tpu.memory_space<vmem_shared>>, %arg14: memref<!tpu.dma_semaphore, #tpu.memory_space<semaphore_mem>>, %arg15: memref<!tpu.dma_semaphore, #tpu.memory_space<semaphore_mem>>) attributes {dimension_semantics = [#tpu.dimension_semantics<core_parallel>, #tpu.dimension_semantics<subcore_parallel>], iteration_bounds = array<i64: 2, 16>, scalar_prefetch = 0 : i64, scratch_operands = 9 : i64, tpu.core_type = #tpu.core_type<sc_vector_subcore>, window_params = [{transform_indices = #map}, {transform_indices = #map1}, {transform_indices = #map2}, {transform_indices = #map2}, {transform_indices = #map2}]} {
    %mul3A = arith.constant 2 : i32
    %mul3A_0 = arith.muli %arg1, %mul3A : i32
    %add3A = arith.addi %mul3A_0, %arg0 : i32
    %broadcast_in_dim3A = arith.constant 1.000000e+00 : f32
    %broadcast_in_dim3A_1 = vector.broadcast %broadcast_in_dim3A : f32 to vector<16xf32>
    %swap3A = arith.constant 0 : index
    %swap3A_2 = tpu.vector_load %arg9[%swap3A] {strides = array<i32>} : memref<128xf32, #tpu.memory_space<vmem>>, vector<16xf32>,
    %swap3A_3 = vector.shape_cast %swap3A_2 : vector<16xf32> to vector<16xf32>
    %swap3A_4 = vector.shape_cast %broadcast_in_dim3A_1 : vector<16xf32> to vector<16xf32>
    tpu.vector_store %arg9[%swap3A], %swap3A_4 {strides = array<i32>} : memref<128xf32, #tpu.memory_space<vmem>>, vector<16xf32>,
    %broadcast_in_dim3A_5 = arith.constant 1.000000e+00 : f32
    %broadcast_in_dim3A_6 = vector.broadcast %broadcast_in_dim3A_5 : f32 to vector<16xf32>
    %swap3A_7 = arith.constant 16 : index
    %swap3A_8 = tpu.vector_load %arg9[%swap3A_7] {strides = array<i32>} : memref<128xf32, #tpu.memory_space<vmem>>, vector<16xf32>,
    %swap3A_9 = vector.shape_cast %swap3A_8 : vector<16xf32> to vector<16xf32>
    %swap3A_10 = vector.shape_cast %broadcast_in_dim3A_6 : vector<16xf32> to vector<16xf32>
    tpu.vector_store %arg9[%swap3A_7], %swap3A_10 {strides = array<i32>} : memref<128xf32, #tpu.memory_space<vmem>>, vector<16xf32>,
    %broadcast_in_dim3A_11 = arith.constant 1.000000e+00 : f32
    %broadcast_in_dim3A_12 = vector.broadcast %broadcast_in_dim3A_11 : f32 to vector<16xf32>
    %swap3A_13 = arith.constant 32 : index
    %swap3A_14 = tpu.vector_load %arg9[%swap3A_13] {strides = array<i32>} : memref<128xf32, #tpu.memory_space<vmem>>, vector<16xf32>,
    %swap3A_15 = vector.shape_cast %swap3A_14 : vector<16xf32> to vector<16xf32>
    %swap3A_16 = vector.shape_cast %broadcast_in_dim3A_12 : vector<16xf32> to vector<16xf32>
    tpu.vector_store %arg9[%swap3A_13], %swap3A_16 {strides = array<i32>} : memref<128xf32, #tpu.memory_space<vmem>>, vector<16xf32>,
    %broadcast_in_dim3A_17 = arith.constant 1.000000e+00 : f32
    %broadcast_in_dim3A_18 = vector.broadcast %broadcast_in_dim3A_17 : f32 to vector<16xf32>
    %swap3A_19 = arith.constant 48 : index
    %swap3A_20 = tpu.vector_load %arg9[%swap3A_19] {strides = array<i32>} : memref<128xf32, #tpu.memory_space<vmem>>, vector<16xf32>,
    %swap3A_21 = vector.shape_cast %swap3A_20 : vector<16xf32> to vector<16xf32>
    %swap3A_22 = vector.shape_cast %broadcast_in_dim3A_18 : vector<16xf32> to vector<16xf32>
    tpu.vector_store %arg9[%swap3A_19], %swap3A_22 {strides = array<i32>} : memref<128xf32, #tpu.memory_space<vmem>>, vector<16xf32>,
    %broadcast_in_dim3A_23 = arith.constant 1.000000e+00 : f32
    %broadcast_in_dim3A_24 = vector.broadcast %broadcast_in_dim3A_23 : f32 to vector<16xf32>
    %swap3A_25 = arith.constant 64 : index
    %swap3A_26 = tpu.vector_load %arg9[%swap3A_25] {strides = array<i32>} : memref<128xf32, #tpu.memory_space<vmem>>, vector<16xf32>,
    %swap3A_27 = vector.shape_cast %swap3A_26 : vector<16xf32> to vector<16xf32>
    %swap3A_28 = vector.shape_cast %broadcast_in_dim3A_24 : vector<16xf32> to vector<16xf32>
    tpu.vector_store %arg9[%swap3A_25], %swap3A_28 {strides = array<i32>} : memref<128xf32, #tpu.memory_space<vmem>>, vector<16xf32>,
    %broadcast_in_dim3A_29 = arith.constant 1.000000e+00 : f32
    %broadcast_in_dim3A_30 = vector.broadcast %broadcast_in_dim3A_29 : f32 to vector<16xf32>
    %swap3A_31 = arith.constant 80 : index
    %swap3A_32 = tpu.vector_load %arg9[%swap3A_31] {strides = array<i32>} : memref<128xf32, #tpu.memory_space<vmem>>, vector<16xf32>,
    %swap3A_33 = vector.shape_cast %swap3A_32 : vector<16xf32> to vector<16xf32>
    %swap3A_34 = vector.shape_cast %broadcast_in_dim3A_30 : vector<16xf32> to vector<16xf32>
    tpu.vector_store %arg9[%swap3A_31], %swap3A_34 {strides = array<i32>} : memref<128xf32, #tpu.memory_space<vmem>>, vector<16xf32>,
    %broadcast_in_dim3A_35 = arith.constant 1.000000e+00 : f32
    %broadcast_in_dim3A_36 = vector.broadcast %broadcast_in_dim3A_35 : f32 to vector<16xf32>
    %swap3A_37 = arith.constant 96 : index
    %swap3A_38 = tpu.vector_load %arg9[%swap3A_37] {strides = array<i32>} : memref<128xf32, #tpu.memory_space<vmem>>, vector<16xf32>,
    %swap3A_39 = vector.shape_cast %swap3A_38 : vector<16xf32> to vector<16xf32>
    %swap3A_40 = vector.shape_cast %broadcast_in_dim3A_36 : vector<16xf32> to vector<16xf32>
    tpu.vector_store %arg9[%swap3A_37], %swap3A_40 {strides = array<i32>} : memref<128xf32, #tpu.memory_space<vmem>>, vector<16xf32>,
    %broadcast_in_dim3A_41 = arith.constant 1.000000e+00 : f32
    %broadcast_in_dim3A_42 = vector.broadcast %broadcast_in_dim3A_41 : f32 to vector<16xf32>
    %swap3A_43 = arith.constant 112 : index
    %swap3A_44 = tpu.vector_load %arg9[%swap3A_43] {strides = array<i32>} : memref<128xf32, #tpu.memory_space<vmem>>, vector<16xf32>,
    %swap3A_45 = vector.shape_cast %swap3A_44 : vector<16xf32> to vector<16xf32>
    %swap3A_46 = vector.shape_cast %broadcast_in_dim3A_42 : vector<16xf32> to vector<16xf32>
    tpu.vector_store %arg9[%swap3A_43], %swap3A_46 {strides = array<i32>} : memref<128xf32, #tpu.memory_space<vmem>>, vector<16xf32>,
    %broadcast_in_dim3A_47 = arith.constant 0.000000e+00 : f32
    %broadcast_in_dim3A_48 = vector.broadcast %broadcast_in_dim3A_47 : f32 to vector<16xf32>
    %swap3A_49 = arith.constant 0 : index
    %swap3A_50 = tpu.vector_load %arg10[%swap3A_49] {strides = array<i32>} : memref<640xf32, #tpu.memory_space<vmem>>, vector<16xf32>,
    %swap3A_51 = vector.shape_cast %swap3A_50 : vector<16xf32> to vector<16xf32>
    %swap3A_52 = vector.shape_cast %broadcast_in_dim3A_48 : vector<16xf32> to vector<16xf32>
    tpu.vector_store %arg10[%swap3A_49], %swap3A_52 {strides = array<i32>} : memref<640xf32, #tpu.memory_space<vmem>>, vector<16xf32>,
    %broadcast_in_dim3A_53 = arith.constant 0.000000e+00 : f32
    %broadcast_in_dim3A_54 = vector.broadcast %broadcast_in_dim3A_53 : f32 to vector<16xf32>
    %swap3A_55 = arith.constant 16 : index
    %swap3A_56 = tpu.vector_load %arg10[%swap3A_55] {strides = array<i32>} : memref<640xf32, #tpu.memory_space<vmem>>, vector<16xf32>,
    %swap3A_57 = vector.shape_cast %swap3A_56 : vector<16xf32> to vector<16xf32>
    %swap3A_58 = vector.shape_cast %broadcast_in_dim3A_54 : vector<16xf32> to vector<16xf32>
    tpu.vector_store %arg10[%swap3A_55], %swap3A_58 {strides = array<i32>} : memref<640xf32, #tpu.memory_space<vmem>>, vector<16xf32>,
    %broadcast_in_dim3A_59 = arith.constant 0.000000e+00 : f32
    %broadcast_in_dim3A_60 = vector.broadcast %broadcast_in_dim3A_59 : f32 to vector<16xf32>
    %swap3A_61 = arith.constant 32 : index
    %swap3A_62 = tpu.vector_load %arg10[%swap3A_61] {strides = array<i32>} : memref<640xf32, #tpu.memory_space<vmem>>, vector<16xf32>,
    %swap3A_63 = vector.shape_cast %swap3A_62 : vector<16xf32> to vector<16xf32>
    %swap3A_64 = vector.shape_cast %broadcast_in_dim3A_60 : vector<16xf32> to vector<16xf32>
    tpu.vector_store %arg10[%swap3A_61], %swap3A_64 {strides = array<i32>} : memref<640xf32, #tpu.memory_space<vmem>>, vector<16xf32>,
    %broadcast_in_dim3A_65 = arith.constant 0.000000e+00 : f32
    %broadcast_in_dim3A_66 = vector.broadcast %broadcast_in_dim3A_65 : f32 to vector<16xf32>
    %swap3A_67 = arith.constant 48 : index
    %swap3A_68 = tpu.vector_load %arg10[%swap3A_67] {strides = array<i32>} : memref<640xf32, #tpu.memory_space<vmem>>, vector<16xf32>,
    %swap3A_69 = vector.shape_cast %swap3A_68 : vector<16xf32> to vector<16xf32>
    %swap3A_70 = vector.shape_cast %broadcast_in_dim3A_66 : vector<16xf32> to vector<16xf32>
    tpu.vector_store %arg10[%swap3A_67], %swap3A_70 {strides = array<i32>} : memref<640xf32, #tpu.memory_space<vmem>>, vector<16xf32>,
    %broadcast_in_dim3A_71 = arith.constant 0.000000e+00 : f32
    %broadcast_in_dim3A_72 = vector.broadcast %broadcast_in_dim3A_71 : f32 to vector<16xf32>
    %swap3A_73 = arith.constant 64 : index
    %swap3A_74 = tpu.vector_load %arg10[%swap3A_73] {strides = array<i32>} : memref<640xf32, #tpu.memory_space<vmem>>, vector<16xf32>,
    %swap3A_75 = vector.shape_cast %swap3A_74 : vector<16xf32> to vector<16xf32>
    %swap3A_76 = vector.shape_cast %broadcast_in_dim3A_72 : vector<16xf32> to vector<16xf32>
    tpu.vector_store %arg10[%swap3A_73], %swap3A_76 {strides = array<i32>} : memref<640xf32, #tpu.memory_space<vmem>>, vector<16xf32>,
    %broadcast_in_dim3A_77 = arith.constant 0.000000e+00 : f32
    %broadcast_in_dim3A_78 = vector.broadcast %broadcast_in_dim3A_77 : f32 to vector<16xf32>
    %swap3A_79 = arith.constant 80 : index
    %swap3A_80 = tpu.vector_load %arg10[%swap3A_79] {strides = array<i32>} : memref<640xf32, #tpu.memory_space<vmem>>, vector<16xf32>,
    %swap3A_81 = vector.shape_cast %swap3A_80 : vector<16xf32> to vector<16xf32>
    %swap3A_82 = vector.shape_cast %broadcast_in_dim3A_78 : vector<16xf32> to vector<16xf32>
    tpu.vector_store %arg10[%swap3A_79], %swap3A_82 {strides = array<i32>} : memref<640xf32, #tpu.memory_space<vmem>>, vector<16xf32>,
    %broadcast_in_dim3A_83 = arith.constant 0.000000e+00 : f32
    %broadcast_in_dim3A_84 = vector.broadcast %broadcast_in_dim3A_83 : f32 to vector<16xf32>
    %swap3A_85 = arith.constant 96 : index
    %swap3A_86 = tpu.vector_load %arg10[%swap3A_85] {strides = array<i32>} : memref<640xf32, #tpu.memory_space<vmem>>, vector<16xf32>,
    %swap3A_87 = vector.shape_cast %swap3A_86 : vector<16xf32> to vector<16xf32>
    %swap3A_88 = vector.shape_cast %broadcast_in_dim3A_84 : vector<16xf32> to vector<16xf32>
    tpu.vector_store %arg10[%swap3A_85], %swap3A_88 {strides = array<i32>} : memref<640xf32, #tpu.memory_space<vmem>>, vector<16xf32>,
    %broadcast_in_dim3A_89 = arith.constant 0.000000e+00 : f32
    %broadcast_in_dim3A_90 = vector.broadcast %broadcast_in_dim3A_89 : f32 to vector<16xf32>
    %swap3A_91 = arith.constant 112 : index
    %swap3A_92 = tpu.vector_load %arg10[%swap3A_91] {strides = array<i32>} : memref<640xf32, #tpu.memory_space<vmem>>, vector<16xf32>,
    %swap3A_93 = vector.shape_cast %swap3A_92 : vector<16xf32> to vector<16xf32>
    %swap3A_94 = vector.shape_cast %broadcast_in_dim3A_90 : vector<16xf32> to vector<16xf32>
    tpu.vector_store %arg10[%swap3A_91], %swap3A_94 {strides = array<i32>} : memref<640xf32, #tpu.memory_space<vmem>>, vector<16xf32>,
    %broadcast_in_dim3A_95 = arith.constant 0.000000e+00 : f32
    %broadcast_in_dim3A_96 = vector.broadcast %broadcast_in_dim3A_95 : f32 to vector<16xf32>
    %swap3A_97 = arith.constant 128 : index
    %swap3A_98 = tpu.vector_load %arg10[%swap3A_97] {strides = array<i32>} : memref<640xf32, #tpu.memory_space<vmem>>, vector<16xf32>,
    %swap3A_99 = vector.shape_cast %swap3A_98 : vector<16xf32> to vector<16xf32>
    %swap3A_100 = vector.shape_cast %broadcast_in_dim3A_96 : vector<16xf32> to vector<16xf32>
    tpu.vector_store %arg10[%swap3A_97], %swap3A_100 {strides = array<i32>} : memref<640xf32, #tpu.memory_space<vmem>>, vector<16xf32>,
    %broadcast_in_dim3A_101 = arith.constant 0.000000e+00 : f32
    %broadcast_in_dim3A_102 = vector.broadcast %broadcast_in_dim3A_101 : f32 to vector<16xf32>
    %swap3A_103 = arith.constant 144 : index
    %swap3A_104 = tpu.vector_load %arg10[%swap3A_103] {strides = array<i32>} : memref<640xf32, #tpu.memory_space<vmem>>, vector<16xf32>,
    %swap3A_105 = vector.shape_cast %swap3A_104 : vector<16xf32> to vector<16xf32>
    %swap3A_106 = vector.shape_cast %broadcast_in_dim3A_102 : vector<16xf32> to vector<16xf32>
    tpu.vector_store %arg10[%swap3A_103], %swap3A_106 {strides = array<i32>} : memref<640xf32, #tpu.memory_space<vmem>>, vector<16xf32>,
    %broadcast_in_dim3A_107 = arith.constant 0.000000e+00 : f32
    %broadcast_in_dim3A_108 = vector.broadcast %broadcast_in_dim3A_107 : f32 to vector<16xf32>
    %swap3A_109 = arith.constant 160 : index
    %swap3A_110 = tpu.vector_load %arg10[%swap3A_109] {strides = array<i32>} : memref<640xf32, #tpu.memory_space<vmem>>, vector<16xf32>,
    %swap3A_111 = vector.shape_cast %swap3A_110 : vector<16xf32> to vector<16xf32>
    %swap3A_112 = vector.shape_cast %broadcast_in_dim3A_108 : vector<16xf32> to vector<16xf32>
    tpu.vector_store %arg10[%swap3A_109], %swap3A_112 {strides = array<i32>} : memref<640xf32, #tpu.memory_space<vmem>>, vector<16xf32>,
    %broadcast_in_dim3A_113 = arith.constant 0.000000e+00 : f32
    %broadcast_in_dim3A_114 = vector.broadcast %broadcast_in_dim3A_113 : f32 to vector<16xf32>
    %swap3A_115 = arith.constant 176 : index
    %swap3A_116 = tpu.vector_load %arg10[%swap3A_115] {strides = array<i32>} : memref<640xf32, #tpu.memory_space<vmem>>, vector<16xf32>,
    %swap3A_117 = vector.shape_cast %swap3A_116 : vector<16xf32> to vector<16xf32>
    %swap3A_118 = vector.shape_cast %broadcast_in_dim3A_114 : vector<16xf32> to vector<16xf32>
    tpu.vector_store %arg10[%swap3A_115], %swap3A_118 {strides = array<i32>} : memref<640xf32, #tpu.memory_space<vmem>>, vector<16xf32>,
    %broadcast_in_dim3A_119 = arith.constant 0.000000e+00 : f32
    %broadcast_in_dim3A_120 = vector.broadcast %broadcast_in_dim3A_119 : f32 to vector<16xf32>
    %swap3A_121 = arith.constant 192 : index
    %swap3A_122 = tpu.vector_load %arg10[%swap3A_121] {strides = array<i32>} : memref<640xf32, #tpu.memory_space<vmem>>, vector<16xf32>,
    %swap3A_123 = vector.shape_cast %swap3A_122 : vector<16xf32> to vector<16xf32>
    %swap3A_124 = vector.shape_cast %broadcast_in_dim3A_120 : vector<16xf32> to vector<16xf32>
    tpu.vector_store %arg10[%swap3A_121], %swap3A_124 {strides = array<i32>} : memref<640xf32, #tpu.memory_space<vmem>>, vector<16xf32>,
    %broadcast_in_dim3A_125 = arith.constant 0.000000e+00 : f32
    %broadcast_in_dim3A_126 = vector.broadcast %broadcast_in_dim3A_125 : f32 to vector<16xf32>
    %swap3A_127 = arith.constant 208 : index
    %swap3A_128 = tpu.vector_load %arg10[%swap3A_127] {strides = array<i32>} : memref<640xf32, #tpu.memory_space<vmem>>, vector<16xf32>,
    %swap3A_129 = vector.shape_cast %swap3A_128 : vector<16xf32> to vector<16xf32>
    %swap3A_130 = vector.shape_cast %broadcast_in_dim3A_126 : vector<16xf32> to vector<16xf32>
    tpu.vector_store %arg10[%swap3A_127], %swap3A_130 {strides = array<i32>} : memref<640xf32, #tpu.memory_space<vmem>>, vector<16xf32>,
    %broadcast_in_dim3A_131 = arith.constant 0.000000e+00 : f32
    %broadcast_in_dim3A_132 = vector.broadcast %broadcast_in_dim3A_131 : f32 to vector<16xf32>
    %swap3A_133 = arith.constant 224 : index
    %swap3A_134 = tpu.vector_load %arg10[%swap3A_133] {strides = array<i32>} : memref<640xf32, #tpu.memory_space<vmem>>, vector<16xf32>,
    %swap3A_135 = vector.shape_cast %swap3A_134 : vector<16xf32> to vector<16xf32>
    %swap3A_136 = vector.shape_cast %broadcast_in_dim3A_132 : vector<16xf32> to vector<16xf32>
    tpu.vector_store %arg10[%swap3A_133], %swap3A_136 {strides = array<i32>} : memref<640xf32, #tpu.memory_space<vmem>>, vector<16xf32>,
    %broadcast_in_dim3A_137 = arith.constant 0.000000e+00 : f32
    %broadcast_in_dim3A_138 = vector.broadcast %broadcast_in_dim3A_137 : f32 to vector<16xf32>
    %swap3A_139 = arith.constant 240 : index
    %swap3A_140 = tpu.vector_load %arg10[%swap3A_139] {strides = array<i32>} : memref<640xf32, #tpu.memory_space<vmem>>, vector<16xf32>,
    %swap3A_141 = vector.shape_cast %swap3A_140 : vector<16xf32> to vector<16xf32>
    %swap3A_142 = vector.shape_cast %broadcast_in_dim3A_138 : vector<16xf32> to vector<16xf32>
    tpu.vector_store %arg10[%swap3A_139], %swap3A_142 {strides = array<i32>} : memref<640xf32, #tpu.memory_space<vmem>>, vector<16xf32>,
    %broadcast_in_dim3A_143 = arith.constant 0.000000e+00 : f32
    %broadcast_in_dim3A_144 = vector.broadcast %broadcast_in_dim3A_143 : f32 to vector<16xf32>
    %swap3A_145 = arith.constant 256 : index
    %swap3A_146 = tpu.vector_load %arg10[%swap3A_145] {strides = array<i32>} : memref<640xf32, #tpu.memory_space<vmem>>, vector<16xf32>,
    %swap3A_147 = vector.shape_cast %swap3A_146 : vector<16xf32> to vector<16xf32>
    %swap3A_148 = vector.shape_cast %broadcast_in_dim3A_144 : vector<16xf32> to vector<16xf32>
    tpu.vector_store %arg10[%swap3A_145], %swap3A_148 {strides = array<i32>} : memref<640xf32, #tpu.memory_space<vmem>>, vector<16xf32>,
    %broadcast_in_dim3A_149 = arith.constant 0.000000e+00 : f32
    %broadcast_in_dim3A_150 = vector.broadcast %broadcast_in_dim3A_149 : f32 to vector<16xf32>
    %swap3A_151 = arith.constant 272 : index
    %swap3A_152 = tpu.vector_load %arg10[%swap3A_151] {strides = array<i32>} : memref<640xf32, #tpu.memory_space<vmem>>, vector<16xf32>,
    %swap3A_153 = vector.shape_cast %swap3A_152 : vector<16xf32> to vector<16xf32>
    %swap3A_154 = vector.shape_cast %broadcast_in_dim3A_150 : vector<16xf32> to vector<16xf32>
    tpu.vector_store %arg10[%swap3A_151], %swap3A_154 {strides = array<i32>} : memref<640xf32, #tpu.memory_space<vmem>>, vector<16xf32>,
    %broadcast_in_dim3A_155 = arith.constant 0.000000e+00 : f32
    %broadcast_in_dim3A_156 = vector.broadcast %broadcast_in_dim3A_155 : f32 to vector<16xf32>
    %swap3A_157 = arith.constant 288 : index
    %swap3A_158 = tpu.vector_load %arg10[%swap3A_157] {strides = array<i32>} : memref<640xf32, #tpu.memory_space<vmem>>, vector<16xf32>,
    %swap3A_159 = vector.shape_cast %swap3A_158 : vector<16xf32> to vector<16xf32>
    %swap3A_160 = vector.shape_cast %broadcast_in_dim3A_156 : vector<16xf32> to vector<16xf32>
    tpu.vector_store %arg10[%swap3A_157], %swap3A_160 {strides = array<i32>} : memref<640xf32, #tpu.memory_space<vmem>>, vector<16xf32>,
    %broadcast_in_dim3A_161 = arith.constant 0.000000e+00 : f32
    %broadcast_in_dim3A_162 = vector.broadcast %broadcast_in_dim3A_161 : f32 to vector<16xf32>
    %swap3A_163 = arith.constant 304 : index
    %swap3A_164 = tpu.vector_load %arg10[%swap3A_163] {strides = array<i32>} : memref<640xf32, #tpu.memory_space<vmem>>, vector<16xf32>,
    %swap3A_165 = vector.shape_cast %swap3A_164 : vector<16xf32> to vector<16xf32>
    %swap3A_166 = vector.shape_cast %broadcast_in_dim3A_162 : vector<16xf32> to vector<16xf32>
    tpu.vector_store %arg10[%swap3A_163], %swap3A_166 {strides = array<i32>} : memref<640xf32, #tpu.memory_space<vmem>>, vector<16xf32>,
    %broadcast_in_dim3A_167 = arith.constant 0.000000e+00 : f32
    %broadcast_in_dim3A_168 = vector.broadcast %broadcast_in_dim3A_167 : f32 to vector<16xf32>
    %swap3A_169 = arith.constant 320 : index
    %swap3A_170 = tpu.vector_load %arg10[%swap3A_169] {strides = array<i32>} : memref<640xf32, #tpu.memory_space<vmem>>, vector<16xf32>,
    %swap3A_171 = vector.shape_cast %swap3A_170 : vector<16xf32> to vector<16xf32>
    %swap3A_172 = vector.shape_cast %broadcast_in_dim3A_168 : vector<16xf32> to vector<16xf32>
    tpu.vector_store %arg10[%swap3A_169], %swap3A_172 {strides = array<i32>} : memref<640xf32, #tpu.memory_space<vmem>>, vector<16xf32>,
    %broadcast_in_dim3A_173 = arith.constant 0.000000e+00 : f32
    %broadcast_in_dim3A_174 = vector.broadcast %broadcast_in_dim3A_173 : f32 to vector<16xf32>
    %swap3A_175 = arith.constant 336 : index
    %swap3A_176 = tpu.vector_load %arg10[%swap3A_175] {strides = array<i32>} : memref<640xf32, #tpu.memory_space<vmem>>, vector<16xf32>,
    %swap3A_177 = vector.shape_cast %swap3A_176 : vector<16xf32> to vector<16xf32>
    %swap3A_178 = vector.shape_cast %broadcast_in_dim3A_174 : vector<16xf32> to vector<16xf32>
    tpu.vector_store %arg10[%swap3A_175], %swap3A_178 {strides = array<i32>} : memref<640xf32, #tpu.memory_space<vmem>>, vector<16xf32>,
    %broadcast_in_dim3A_179 = arith.constant 0.000000e+00 : f32
    %broadcast_in_dim3A_180 = vector.broadcast %broadcast_in_dim3A_179 : f32 to vector<16xf32>
    %swap3A_181 = arith.constant 352 : index
    %swap3A_182 = tpu.vector_load %arg10[%swap3A_181] {strides = array<i32>} : memref<640xf32, #tpu.memory_space<vmem>>, vector<16xf32>,
    %swap3A_183 = vector.shape_cast %swap3A_182 : vector<16xf32> to vector<16xf32>
    %swap3A_184 = vector.shape_cast %broadcast_in_dim3A_180 : vector<16xf32> to vector<16xf32>
    tpu.vector_store %arg10[%swap3A_181], %swap3A_184 {strides = array<i32>} : memref<640xf32, #tpu.memory_space<vmem>>, vector<16xf32>,
    %broadcast_in_dim3A_185 = arith.constant 0.000000e+00 : f32
    %broadcast_in_dim3A_186 = vector.broadcast %broadcast_in_dim3A_185 : f32 to vector<16xf32>
    %swap3A_187 = arith.constant 368 : index
    %swap3A_188 = tpu.vector_load %arg10[%swap3A_187] {strides = array<i32>} : memref<640xf32, #tpu.memory_space<vmem>>, vector<16xf32>,
    %swap3A_189 = vector.shape_cast %swap3A_188 : vector<16xf32> to vector<16xf32>
    %swap3A_190 = vector.shape_cast %broadcast_in_dim3A_186 : vector<16xf32> to vector<16xf32>
    tpu.vector_store %arg10[%swap3A_187], %swap3A_190 {strides = array<i32>} : memref<640xf32, #tpu.memory_space<vmem>>, vector<16xf32>,
    %broadcast_in_dim3A_191 = arith.constant 0.000000e+00 : f32
    %broadcast_in_dim3A_192 = vector.broadcast %broadcast_in_dim3A_191 : f32 to vector<16xf32>
    %swap3A_193 = arith.constant 384 : index
    %swap3A_194 = tpu.vector_load %arg10[%swap3A_193] {strides = array<i32>} : memref<640xf32, #tpu.memory_space<vmem>>, vector<16xf32>,
    %swap3A_195 = vector.shape_cast %swap3A_194 : vector<16xf32> to vector<16xf32>
    %swap3A_196 = vector.shape_cast %broadcast_in_dim3A_192 : vector<16xf32> to vector<16xf32>
    tpu.vector_store %arg10[%swap3A_193], %swap3A_196 {strides = array<i32>} : memref<640xf32, #tpu.memory_space<vmem>>, vector<16xf32>,
    %broadcast_in_dim3A_197 = arith.constant 0.000000e+00 : f32
    %broadcast_in_dim3A_198 = vector.broadcast %broadcast_in_dim3A_197 : f32 to vector<16xf32>
    %swap3A_199 = arith.constant 400 : index
    %swap3A_200 = tpu.vector_load %arg10[%swap3A_199] {strides = array<i32>} : memref<640xf32, #tpu.memory_space<vmem>>, vector<16xf32>,
    %swap3A_201 = vector.shape_cast %swap3A_200 : vector<16xf32> to vector<16xf32>
    %swap3A_202 = vector.shape_cast %broadcast_in_dim3A_198 : vector<16xf32> to vector<16xf32>
    tpu.vector_store %arg10[%swap3A_199], %swap3A_202 {strides = array<i32>} : memref<640xf32, #tpu.memory_space<vmem>>, vector<16xf32>,
    %broadcast_in_dim3A_203 = arith.constant 0.000000e+00 : f32
    %broadcast_in_dim3A_204 = vector.broadcast %broadcast_in_dim3A_203 : f32 to vector<16xf32>
    %swap3A_205 = arith.constant 416 : index
    %swap3A_206 = tpu.vector_load %arg10[%swap3A_205] {strides = array<i32>} : memref<640xf32, #tpu.memory_space<vmem>>, vector<16xf32>,
    %swap3A_207 = vector.shape_cast %swap3A_206 : vector<16xf32> to vector<16xf32>
    %swap3A_208 = vector.shape_cast %broadcast_in_dim3A_204 : vector<16xf32> to vector<16xf32>
    tpu.vector_store %arg10[%swap3A_205], %swap3A_208 {strides = array<i32>} : memref<640xf32, #tpu.memory_space<vmem>>, vector<16xf32>,
    %broadcast_in_dim3A_209 = arith.constant 0.000000e+00 : f32
    %broadcast_in_dim3A_210 = vector.broadcast %broadcast_in_dim3A_209 : f32 to vector<16xf32>
    %swap3A_211 = arith.constant 432 : index
    %swap3A_212 = tpu.vector_load %arg10[%swap3A_211] {strides = array<i32>} : memref<640xf32, #tpu.memory_space<vmem>>, vector<16xf32>,
    %swap3A_213 = vector.shape_cast %swap3A_212 : vector<16xf32> to vector<16xf32>
    %swap3A_214 = vector.shape_cast %broadcast_in_dim3A_210 : vector<16xf32> to vector<16xf32>
    tpu.vector_store %arg10[%swap3A_211], %swap3A_214 {strides = array<i32>} : memref<640xf32, #tpu.memory_space<vmem>>, vector<16xf32>,
    %broadcast_in_dim3A_215 = arith.constant 0.000000e+00 : f32
    %broadcast_in_dim3A_216 = vector.broadcast %broadcast_in_dim3A_215 : f32 to vector<16xf32>
    %swap3A_217 = arith.constant 448 : index
    %swap3A_218 = tpu.vector_load %arg10[%swap3A_217] {strides = array<i32>} : memref<640xf32, #tpu.memory_space<vmem>>, vector<16xf32>,
    %swap3A_219 = vector.shape_cast %swap3A_218 : vector<16xf32> to vector<16xf32>
    %swap3A_220 = vector.shape_cast %broadcast_in_dim3A_216 : vector<16xf32> to vector<16xf32>
    tpu.vector_store %arg10[%swap3A_217], %swap3A_220 {strides = array<i32>} : memref<640xf32, #tpu.memory_space<vmem>>, vector<16xf32>,
    %broadcast_in_dim3A_221 = arith.constant 0.000000e+00 : f32
    %broadcast_in_dim3A_222 = vector.broadcast %broadcast_in_dim3A_221 : f32 to vector<16xf32>
    %swap3A_223 = arith.constant 464 : index
    %swap3A_224 = tpu.vector_load %arg10[%swap3A_223] {strides = array<i32>} : memref<640xf32, #tpu.memory_space<vmem>>, vector<16xf32>,
    %swap3A_225 = vector.shape_cast %swap3A_224 : vector<16xf32> to vector<16xf32>
    %swap3A_226 = vector.shape_cast %broadcast_in_dim3A_222 : vector<16xf32> to vector<16xf32>
    tpu.vector_store %arg10[%swap3A_223], %swap3A_226 {strides = array<i32>} : memref<640xf32, #tpu.memory_space<vmem>>, vector<16xf32>,
    %broadcast_in_dim3A_227 = arith.constant 0.000000e+00 : f32
    %broadcast_in_dim3A_228 = vector.broadcast %broadcast_in_dim3A_227 : f32 to vector<16xf32>
    %swap3A_229 = arith.constant 480 : index
    %swap3A_230 = tpu.vector_load %arg10[%swap3A_229] {strides = array<i32>} : memref<640xf32, #tpu.memory_space<vmem>>, vector<16xf32>,
    %swap3A_231 = vector.shape_cast %swap3A_230 : vector<16xf32> to vector<16xf32>
    %swap3A_232 = vector.shape_cast %broadcast_in_dim3A_228 : vector<16xf32> to vector<16xf32>
    tpu.vector_store %arg10[%swap3A_229], %swap3A_232 {strides = array<i32>} : memref<640xf32, #tpu.memory_space<vmem>>, vector<16xf32>,
    %broadcast_in_dim3A_233 = arith.constant 0.000000e+00 : f32
    %broadcast_in_dim3A_234 = vector.broadcast %broadcast_in_dim3A_233 : f32 to vector<16xf32>
    %swap3A_235 = arith.constant 496 : index
    %swap3A_236 = tpu.vector_load %arg10[%swap3A_235] {strides = array<i32>} : memref<640xf32, #tpu.memory_space<vmem>>, vector<16xf32>,
    %swap3A_237 = vector.shape_cast %swap3A_236 : vector<16xf32> to vector<16xf32>
    %swap3A_238 = vector.shape_cast %broadcast_in_dim3A_234 : vector<16xf32> to vector<16xf32>
    tpu.vector_store %arg10[%swap3A_235], %swap3A_238 {strides = array<i32>} : memref<640xf32, #tpu.memory_space<vmem>>, vector<16xf32>,
    %broadcast_in_dim3A_239 = arith.constant 0.000000e+00 : f32
    %broadcast_in_dim3A_240 = vector.broadcast %broadcast_in_dim3A_239 : f32 to vector<16xf32>
    %swap3A_241 = arith.constant 512 : index
    %swap3A_242 = tpu.vector_load %arg10[%swap3A_241] {strides = array<i32>} : memref<640xf32, #tpu.memory_space<vmem>>, vector<16xf32>,
    %swap3A_243 = vector.shape_cast %swap3A_242 : vector<16xf32> to vector<16xf32>
    %swap3A_244 = vector.shape_cast %broadcast_in_dim3A_240 : vector<16xf32> to vector<16xf32>
    tpu.vector_store %arg10[%swap3A_241], %swap3A_244 {strides = array<i32>} : memref<640xf32, #tpu.memory_space<vmem>>, vector<16xf32>,
    %broadcast_in_dim3A_245 = arith.constant 0.000000e+00 : f32
    %broadcast_in_dim3A_246 = vector.broadcast %broadcast_in_dim3A_245 : f32 to vector<16xf32>
    %swap3A_247 = arith.constant 528 : index
    %swap3A_248 = tpu.vector_load %arg10[%swap3A_247] {strides = array<i32>} : memref<640xf32, #tpu.memory_space<vmem>>, vector<16xf32>,
    %swap3A_249 = vector.shape_cast %swap3A_248 : vector<16xf32> to vector<16xf32>
    %swap3A_250 = vector.shape_cast %broadcast_in_dim3A_246 : vector<16xf32> to vector<16xf32>
    tpu.vector_store %arg10[%swap3A_247], %swap3A_250 {strides = array<i32>} : memref<640xf32, #tpu.memory_space<vmem>>, vector<16xf32>,
    %broadcast_in_dim3A_251 = arith.constant 0.000000e+00 : f32
    %broadcast_in_dim3A_252 = vector.broadcast %broadcast_in_dim3A_251 : f32 to vector<16xf32>
    %swap3A_253 = arith.constant 544 : index
    %swap3A_254 = tpu.vector_load %arg10[%swap3A_253] {strides = array<i32>} : memref<640xf32, #tpu.memory_space<vmem>>, vector<16xf32>,
    %swap3A_255 = vector.shape_cast %swap3A_254 : vector<16xf32> to vector<16xf32>
    %swap3A_256 = vector.shape_cast %broadcast_in_dim3A_252 : vector<16xf32> to vector<16xf32>
    tpu.vector_store %arg10[%swap3A_253], %swap3A_256 {strides = array<i32>} : memref<640xf32, #tpu.memory_space<vmem>>, vector<16xf32>,
    %broadcast_in_dim3A_257 = arith.constant 0.000000e+00 : f32
    %broadcast_in_dim3A_258 = vector.broadcast %broadcast_in_dim3A_257 : f32 to vector<16xf32>
    %swap3A_259 = arith.constant 560 : index
    %swap3A_260 = tpu.vector_load %arg10[%swap3A_259] {strides = array<i32>} : memref<640xf32, #tpu.memory_space<vmem>>, vector<16xf32>,
    %swap3A_261 = vector.shape_cast %swap3A_260 : vector<16xf32> to vector<16xf32>
    %swap3A_262 = vector.shape_cast %broadcast_in_dim3A_258 : vector<16xf32> to vector<16xf32>
    tpu.vector_store %arg10[%swap3A_259], %swap3A_262 {strides = array<i32>} : memref<640xf32, #tpu.memory_space<vmem>>, vector<16xf32>,
    %broadcast_in_dim3A_263 = arith.constant 0.000000e+00 : f32
    %broadcast_in_dim3A_264 = vector.broadcast %broadcast_in_dim3A_263 : f32 to vector<16xf32>
    %swap3A_265 = arith.constant 576 : index
    %swap3A_266 = tpu.vector_load %arg10[%swap3A_265] {strides = array<i32>} : memref<640xf32, #tpu.memory_space<vmem>>, vector<16xf32>,
    %swap3A_267 = vector.shape_cast %swap3A_266 : vector<16xf32> to vector<16xf32>
    %swap3A_268 = vector.shape_cast %broadcast_in_dim3A_264 : vector<16xf32> to vector<16xf32>
    tpu.vector_store %arg10[%swap3A_265], %swap3A_268 {strides = array<i32>} : memref<640xf32, #tpu.memory_space<vmem>>, vector<16xf32>,
    %broadcast_in_dim3A_269 = arith.constant 0.000000e+00 : f32
    %broadcast_in_dim3A_270 = vector.broadcast %broadcast_in_dim3A_269 : f32 to vector<16xf32>
    %swap3A_271 = arith.constant 592 : index
    %swap3A_272 = tpu.vector_load %arg10[%swap3A_271] {strides = array<i32>} : memref<640xf32, #tpu.memory_space<vmem>>, vector<16xf32>,
    %swap3A_273 = vector.shape_cast %swap3A_272 : vector<16xf32> to vector<16xf32>
    %swap3A_274 = vector.shape_cast %broadcast_in_dim3A_270 : vector<16xf32> to vector<16xf32>
    tpu.vector_store %arg10[%swap3A_271], %swap3A_274 {strides = array<i32>} : memref<640xf32, #tpu.memory_space<vmem>>, vector<16xf32>,
    %broadcast_in_dim3A_275 = arith.constant 0.000000e+00 : f32
    %broadcast_in_dim3A_276 = vector.broadcast %broadcast_in_dim3A_275 : f32 to vector<16xf32>
    %swap3A_277 = arith.constant 608 : index
    %swap3A_278 = tpu.vector_load %arg10[%swap3A_277] {strides = array<i32>} : memref<640xf32, #tpu.memory_space<vmem>>, vector<16xf32>,
    %swap3A_279 = vector.shape_cast %swap3A_278 : vector<16xf32> to vector<16xf32>
    %swap3A_280 = vector.shape_cast %broadcast_in_dim3A_276 : vector<16xf32> to vector<16xf32>
    tpu.vector_store %arg10[%swap3A_277], %swap3A_280 {strides = array<i32>} : memref<640xf32, #tpu.memory_space<vmem>>, vector<16xf32>,
    %broadcast_in_dim3A_281 = arith.constant 0.000000e+00 : f32
    %broadcast_in_dim3A_282 = vector.broadcast %broadcast_in_dim3A_281 : f32 to vector<16xf32>
    %swap3A_283 = arith.constant 624 : index
    %swap3A_284 = tpu.vector_load %arg10[%swap3A_283] {strides = array<i32>} : memref<640xf32, #tpu.memory_space<vmem>>, vector<16xf32>,
    %swap3A_285 = vector.shape_cast %swap3A_284 : vector<16xf32> to vector<16xf32>
    %swap3A_286 = vector.shape_cast %broadcast_in_dim3A_282 : vector<16xf32> to vector<16xf32>
    tpu.vector_store %arg10[%swap3A_283], %swap3A_286 {strides = array<i32>} : memref<640xf32, #tpu.memory_space<vmem>>, vector<16xf32>,
    %mul3A_287 = arith.constant 640 : i32
    %mul3A_288 = arith.muli %arg1, %mul3A_287 : i32
    "tpu.region"() ({
      %run_scoped3A = tpu.sem_alloc : memref<!tpu.dma_semaphore, #tpu.memory_space<semaphore_mem>>
      %dma_start3A_367 = tpu.memref_slice %arg13[%mul3A_288] : memref<10240xf32, #tpu.memory_space<vmem_shared>> -> memref<640xf32, #tpu.memory_space<vmem_shared>>
      %dma_start3A_368 = tpu.memref_slice %arg13[%mul3A_288] : memref<10240xf32, #tpu.memory_space<vmem_shared>> -> memref<640xf32, #tpu.memory_space<vmem_shared>>
      tpu.enqueue_dma source(%arg10 : memref<640xf32, #tpu.memory_space<vmem>>) target(%dma_start3A_368 : memref<640xf32, #tpu.memory_space<vmem_shared>>) target_semaphore(%run_scoped3A : memref<!tpu.dma_semaphore, #tpu.memory_space<semaphore_mem>>)
      %dma_wait3A_369 = tpu.memref_slice %arg13[%mul3A_288] : memref<10240xf32, #tpu.memory_space<vmem_shared>> -> memref<640xf32, #tpu.memory_space<vmem_shared>>
      %dma_wait3A_370 = tpu.memref_slice %arg13[%mul3A_288] : memref<10240xf32, #tpu.memory_space<vmem_shared>> -> memref<640xf32, #tpu.memory_space<vmem_shared>>
      tpu.wait_dma2 semaphore(%run_scoped3A : memref<!tpu.dma_semaphore, #tpu.memory_space<semaphore_mem>>) src(%arg10 : memref<640xf32, #tpu.memory_space<vmem>>) dst(%dma_wait3A_370 : memref<640xf32, #tpu.memory_space<vmem_shared>>)
      tpu.yield
    }) : () -> ()
    "tpu.region"() ({
      %run_scoped3A = tpu.sem_alloc : memref<!tpu.dma_semaphore, #tpu.memory_space<semaphore_mem>>
      %dma_start3A_367 = arith.constant 0 : i32
      %dma_start3A_368 = arith.constant 0 : i32
      %dma_start3A_369 = tpu.memref_slice %arg3[%add3A, %dma_start3A_367, %dma_start3A_368] : memref<32x81x128xi32, #tpu.memory_space<hbm>> -> memref<1x81x128xi32, #tpu.memory_space<hbm>>
      %dma_start3A_370 = tpu.memref_squeeze %dma_start3A_369 : memref<1x81x128xi32, #tpu.memory_space<hbm>> -> memref<81x128xi32, #tpu.memory_space<hbm>>
      %dma_start3A_371 = arith.constant 0 : i32
      %dma_start3A_372 = arith.constant 0 : i32
      %dma_start3A_373 = tpu.memref_slice %arg3[%add3A, %dma_start3A_371, %dma_start3A_372] : memref<32x81x128xi32, #tpu.memory_space<hbm>> -> memref<1x81x128xi32, #tpu.memory_space<hbm>>
      %dma_start3A_374 = tpu.memref_squeeze %dma_start3A_373 : memref<1x81x128xi32, #tpu.memory_space<hbm>> -> memref<81x128xi32, #tpu.memory_space<hbm>>
      tpu.enqueue_dma source(%dma_start3A_374 : memref<81x128xi32, #tpu.memory_space<hbm>>) target(%arg8 : memref<81x128xi32, #tpu.memory_space<vmem>>) target_semaphore(%run_scoped3A : memref<!tpu.dma_semaphore, #tpu.memory_space<semaphore_mem>>)
      %dma_wait3A_375 = arith.constant 0 : i32
      %dma_wait3A_376 = arith.constant 0 : i32
      %dma_wait3A_377 = tpu.memref_slice %arg3[%add3A, %dma_wait3A_375, %dma_wait3A_376] : memref<32x81x128xi32, #tpu.memory_space<hbm>> -> memref<1x81x128xi32, #tpu.memory_space<hbm>>
      %dma_wait3A_378 = tpu.memref_squeeze %dma_wait3A_377 : memref<1x81x128xi32, #tpu.memory_space<hbm>> -> memref<81x128xi32, #tpu.memory_space<hbm>>
      %dma_wait3A_379 = arith.constant 0 : i32
      %dma_wait3A_380 = arith.constant 0 : i32
      %dma_wait3A_381 = tpu.memref_slice %arg3[%add3A, %dma_wait3A_379, %dma_wait3A_380] : memref<32x81x128xi32, #tpu.memory_space<hbm>> -> memref<1x81x128xi32, #tpu.memory_space<hbm>>
      %dma_wait3A_382 = tpu.memref_squeeze %dma_wait3A_381 : memref<1x81x128xi32, #tpu.memory_space<hbm>> -> memref<81x128xi32, #tpu.memory_space<hbm>>
      tpu.wait_dma2 semaphore(%run_scoped3A : memref<!tpu.dma_semaphore, #tpu.memory_space<semaphore_mem>>) src(%dma_wait3A_382 : memref<81x128xi32, #tpu.memory_space<hbm>>) dst(%arg8 : memref<81x128xi32, #tpu.memory_space<vmem>>)
      tpu.yield
    }) : () -> ()
    %barrier3A = arith.constant 0 : index
    tpu.barrier barrier_id(%barrier3A)
    %mul3A_289 = arith.constant 320 : i32
    %mul3A_290 = arith.muli %add3A, %mul3A_289 : i32
    "tpu.region"() ({
      %run_scoped3A = tpu.sem_alloc : memref<!tpu.dma_semaphore, #tpu.memory_space<semaphore_mem>>
      %dma_start3A_367 = tpu.memref_slice %arg2[%mul3A_290] : memref<10240xi32, #tpu.memory_space<hbm>> -> memref<320xi32, #tpu.memory_space<hbm>>
      %dma_start3A_368 = tpu.memref_slice %arg2[%mul3A_290] : memref<10240xi32, #tpu.memory_space<hbm>> -> memref<320xi32, #tpu.memory_space<hbm>>
      tpu.enqueue_dma source(%dma_start3A_368 : memref<320xi32, #tpu.memory_space<hbm>>) target(%arg7 : memref<320xi32, #tpu.memory_space<vmem>>) target_semaphore(%run_scoped3A : memref<!tpu.dma_semaphore, #tpu.memory_space<semaphore_mem>>)
      %dma_wait3A_369 = tpu.memref_slice %arg2[%mul3A_290] : memref<10240xi32, #tpu.memory_space<hbm>> -> memref<320xi32, #tpu.memory_space<hbm>>
      %dma_wait3A_370 = tpu.memref_slice %arg2[%mul3A_290] : memref<10240xi32, #tpu.memory_space<hbm>> -> memref<320xi32, #tpu.memory_space<hbm>>
      tpu.wait_dma2 semaphore(%run_scoped3A : memref<!tpu.dma_semaphore, #tpu.memory_space<semaphore_mem>>) src(%dma_wait3A_370 : memref<320xi32, #tpu.memory_space<hbm>>) dst(%arg7 : memref<320xi32, #tpu.memory_space<vmem>>)
      tpu.yield
    }) : () -> ()
    %dma_start3A = arith.constant 0 : i32
    %dma_start3A_291 = tpu.memref_slice %arg7[%dma_start3A] : memref<320xi32, #tpu.memory_space<vmem>> -> memref<80xi32, #tpu.memory_space<vmem>>
    %dma_start3A_292 = arith.constant 0 : i32
    %dma_start3A_293 = arith.constant 0 : i32
    %dma_start3A_294 = tpu.memref_slice %arg4[%dma_start3A_292, %dma_start3A_293] : memref<100000x128xf32, #tpu.memory_space<hbm>> -> memref<100000x128xf32, #tpu.memory_space<hbm>>
    tpu.enqueue_indirect_dma source(%dma_start3A_294 : memref<100000x128xf32, #tpu.memory_space<hbm>>) target(%arg11 : memref<80x128xf32, #tpu.memory_space<vmem>>) offsets(%dma_start3A_291 : memref<80xi32, #tpu.memory_space<vmem>>) semaphore(%arg14 : memref<!tpu.dma_semaphore, #tpu.memory_space<semaphore_mem>>)
    %dma_wait3A = arith.constant 0 : i32
    %dma_wait3A_295 = tpu.memref_slice %arg7[%dma_wait3A] : memref<320xi32, #tpu.memory_space<vmem>> -> memref<80xi32, #tpu.memory_space<vmem>>
    %dma_wait3A_296 = arith.constant 0 : i32
    %dma_wait3A_297 = arith.constant 0 : i32
    %dma_wait3A_298 = tpu.memref_slice %arg4[%dma_wait3A_296, %dma_wait3A_297] : memref<100000x128xf32, #tpu.memory_space<hbm>> -> memref<100000x128xf32, #tpu.memory_space<hbm>>
    tpu.wait_indirect_dma semaphore(%arg14 : memref<!tpu.dma_semaphore, #tpu.memory_space<semaphore_mem>>) src(%dma_wait3A_298 : memref<100000x128xf32, #tpu.memory_space<hbm>>) dst(%arg11 : memref<80x128xf32, #tpu.memory_space<vmem>>)
    %dma_start3A_299 = arith.constant 80 : i32
    %dma_start3A_300 = tpu.memref_slice %arg7[%dma_start3A_299] : memref<320xi32, #tpu.memory_space<vmem>> -> memref<80xi32, #tpu.memory_space<vmem>>
    %dma_start3A_301 = arith.constant 0 : i32
    %dma_start3A_302 = arith.constant 0 : i32
    %dma_start3A_303 = tpu.memref_slice %arg4[%dma_start3A_301, %dma_start3A_302] : memref<100000x128xf32, #tpu.memory_space<hbm>> -> memref<100000x128xf32, #tpu.memory_space<hbm>>
    tpu.enqueue_indirect_dma source(%dma_start3A_303 : memref<100000x128xf32, #tpu.memory_space<hbm>>) target(%arg12 : memref<80x128xf32, #tpu.memory_space<vmem>>) offsets(%dma_start3A_300 : memref<80xi32, #tpu.memory_space<vmem>>) semaphore(%arg14 : memref<!tpu.dma_semaphore, #tpu.memory_space<semaphore_mem>>)
    %mul3A_304 = arith.constant 320 : i32
    %mul3A_305 = arith.muli %add3A, %mul3A_304 : i32
    %add3A_306 = arith.constant 0 : i32
    %add3A_307 = arith.addi %mul3A_305, %add3A_306 : i32
    "tpu.region"() ({
      %run_scoped3A = tpu.sem_alloc : memref<!tpu.dma_semaphore, #tpu.memory_space<semaphore_mem>>
      %dma_start3A_367 = arith.constant 0 : i32
      %dma_start3A_368 = tpu.memref_slice %arg5[%add3A_307, %dma_start3A_367] : memref<10240x128xf32, #tpu.memory_space<hbm>> -> memref<80x128xf32, #tpu.memory_space<hbm>>
      %dma_start3A_369 = arith.constant 0 : i32
      %dma_start3A_370 = tpu.memref_slice %arg5[%add3A_307, %dma_start3A_369] : memref<10240x128xf32, #tpu.memory_space<hbm>> -> memref<80x128xf32, #tpu.memory_space<hbm>>
      tpu.enqueue_dma source(%arg11 : memref<80x128xf32, #tpu.memory_space<vmem>>) target(%dma_start3A_370 : memref<80x128xf32, #tpu.memory_space<hbm>>) target_semaphore(%run_scoped3A : memref<!tpu.dma_semaphore, #tpu.memory_space<semaphore_mem>>)
      %dma_wait3A_371 = arith.constant 0 : i32
      %dma_wait3A_372 = tpu.memref_slice %arg5[%add3A_307, %dma_wait3A_371] : memref<10240x128xf32, #tpu.memory_space<hbm>> -> memref<80x128xf32, #tpu.memory_space<hbm>>
      %dma_wait3A_373 = arith.constant 0 : i32
      %dma_wait3A_374 = tpu.memref_slice %arg5[%add3A_307, %dma_wait3A_373] : memref<10240x128xf32, #tpu.memory_space<hbm>> -> memref<80x128xf32, #tpu.memory_space<hbm>>
      tpu.wait_dma2 semaphore(%run_scoped3A : memref<!tpu.dma_semaphore, #tpu.memory_space<semaphore_mem>>) src(%arg11 : memref<80x128xf32, #tpu.memory_space<vmem>>) dst(%dma_wait3A_374 : memref<80x128xf32, #tpu.memory_space<hbm>>)
      tpu.yield
    }) : () -> ()
    %dma_wait3A_308 = arith.constant 80 : i32
    %dma_wait3A_309 = tpu.memref_slice %arg7[%dma_wait3A_308] : memref<320xi32, #tpu.memory_space<vmem>> -> memref<80xi32, #tpu.memory_space<vmem>>
    %dma_wait3A_310 = arith.constant 0 : i32
    %dma_wait3A_311 = arith.constant 0 : i32
    %dma_wait3A_312 = tpu.memref_slice %arg4[%dma_wait3A_310, %dma_wait3A_311] : memref<100000x128xf32, #tpu.memory_space<hbm>> -> memref<100000x128xf32, #tpu.memory_space<hbm>>
    tpu.wait_indirect_dma semaphore(%arg14 : memref<!tpu.dma_semaphore, #tpu.memory_space<semaphore_mem>>) src(%dma_wait3A_312 : memref<100000x128xf32, #tpu.memory_space<hbm>>) dst(%arg12 : memref<80x128xf32, #tpu.memory_space<vmem>>)
    %dma_start3A_313 = arith.constant 160 : i32
    %dma_start3A_314 = tpu.memref_slice %arg7[%dma_start3A_313] : memref<320xi32, #tpu.memory_space<vmem>> -> memref<80xi32, #tpu.memory_space<vmem>>
    %dma_start3A_315 = arith.constant 0 : i32
    %dma_start3A_316 = arith.constant 0 : i32
    %dma_start3A_317 = tpu.memref_slice %arg4[%dma_start3A_315, %dma_start3A_316] : memref<100000x128xf32, #tpu.memory_space<hbm>> -> memref<100000x128xf32, #tpu.memory_space<hbm>>
    tpu.enqueue_indirect_dma source(%dma_start3A_317 : memref<100000x128xf32, #tpu.memory_space<hbm>>) target(%arg11 : memref<80x128xf32, #tpu.memory_space<vmem>>) offsets(%dma_start3A_314 : memref<80xi32, #tpu.memory_space<vmem>>) semaphore(%arg14 : memref<!tpu.dma_semaphore, #tpu.memory_space<semaphore_mem>>)
    %mul3A_318 = arith.constant 320 : i32
    %mul3A_319 = arith.muli %add3A, %mul3A_318 : i32
    %add3A_320 = arith.constant 80 : i32
    %add3A_321 = arith.addi %mul3A_319, %add3A_320 : i32
    "tpu.region"() ({
      %run_scoped3A = tpu.sem_alloc : memref<!tpu.dma_semaphore, #tpu.memory_space<semaphore_mem>>
      %dma_start3A_367 = arith.constant 0 : i32
      %dma_start3A_368 = tpu.memref_slice %arg5[%add3A_321, %dma_start3A_367] : memref<10240x128xf32, #tpu.memory_space<hbm>> -> memref<80x128xf32, #tpu.memory_space<hbm>>
      %dma_start3A_369 = arith.constant 0 : i32
      %dma_start3A_370 = tpu.memref_slice %arg5[%add3A_321, %dma_start3A_369] : memref<10240x128xf32, #tpu.memory_space<hbm>> -> memref<80x128xf32, #tpu.memory_space<hbm>>
      tpu.enqueue_dma source(%arg12 : memref<80x128xf32, #tpu.memory_space<vmem>>) target(%dma_start3A_370 : memref<80x128xf32, #tpu.memory_space<hbm>>) target_semaphore(%run_scoped3A : memref<!tpu.dma_semaphore, #tpu.memory_space<semaphore_mem>>)
      %dma_wait3A_371 = arith.constant 0 : i32
      %dma_wait3A_372 = tpu.memref_slice %arg5[%add3A_321, %dma_wait3A_371] : memref<10240x128xf32, #tpu.memory_space<hbm>> -> memref<80x128xf32, #tpu.memory_space<hbm>>
      %dma_wait3A_373 = arith.constant 0 : i32
      %dma_wait3A_374 = tpu.memref_slice %arg5[%add3A_321, %dma_wait3A_373] : memref<10240x128xf32, #tpu.memory_space<hbm>> -> memref<80x128xf32, #tpu.memory_space<hbm>>
      tpu.wait_dma2 semaphore(%run_scoped3A : memref<!tpu.dma_semaphore, #tpu.memory_space<semaphore_mem>>) src(%arg12 : memref<80x128xf32, #tpu.memory_space<vmem>>) dst(%dma_wait3A_374 : memref<80x128xf32, #tpu.memory_space<hbm>>)
      tpu.yield
    }) : () -> ()
    %dma_wait3A_322 = arith.constant 160 : i32
    %dma_wait3A_323 = tpu.memref_slice %arg7[%dma_wait3A_322] : memref<320xi32, #tpu.memory_space<vmem>> -> memref<80xi32, #tpu.memory_space<vmem>>
    %dma_wait3A_324 = arith.constant 0 : i32
    %dma_wait3A_325 = arith.constant 0 : i32
    %dma_wait3A_326 = tpu.memref_slice %arg4[%dma_wait3A_324, %dma_wait3A_325] : memref<100000x128xf32, #tpu.memory_space<hbm>> -> memref<100000x128xf32, #tpu.memory_space<hbm>>
    tpu.wait_indirect_dma semaphore(%arg14 : memref<!tpu.dma_semaphore, #tpu.memory_space<semaphore_mem>>) src(%dma_wait3A_326 : memref<100000x128xf32, #tpu.memory_space<hbm>>) dst(%arg11 : memref<80x128xf32, #tpu.memory_space<vmem>>)
    %dma_start3A_327 = arith.constant 240 : i32
    %dma_start3A_328 = tpu.memref_slice %arg7[%dma_start3A_327] : memref<320xi32, #tpu.memory_space<vmem>> -> memref<80xi32, #tpu.memory_space<vmem>>
    %dma_start3A_329 = arith.constant 0 : i32
    %dma_start3A_330 = arith.constant 0 : i32
    %dma_start3A_331 = tpu.memref_slice %arg4[%dma_start3A_329, %dma_start3A_330] : memref<100000x128xf32, #tpu.memory_space<hbm>> -> memref<100000x128xf32, #tpu.memory_space<hbm>>
    tpu.enqueue_indirect_dma source(%dma_start3A_331 : memref<100000x128xf32, #tpu.memory_space<hbm>>) target(%arg12 : memref<80x128xf32, #tpu.memory_space<vmem>>) offsets(%dma_start3A_328 : memref<80xi32, #tpu.memory_space<vmem>>) semaphore(%arg14 : memref<!tpu.dma_semaphore, #tpu.memory_space<semaphore_mem>>)
    %mul3A_332 = arith.constant 320 : i32
    %mul3A_333 = arith.muli %add3A, %mul3A_332 : i32
    %add3A_334 = arith.constant 160 : i32
    %add3A_335 = arith.addi %mul3A_333, %add3A_334 : i32
    "tpu.region"() ({
      %run_scoped3A = tpu.sem_alloc : memref<!tpu.dma_semaphore, #tpu.memory_space<semaphore_mem>>
      %dma_start3A_367 = arith.constant 0 : i32
      %dma_start3A_368 = tpu.memref_slice %arg5[%add3A_335, %dma_start3A_367] : memref<10240x128xf32, #tpu.memory_space<hbm>> -> memref<80x128xf32, #tpu.memory_space<hbm>>
      %dma_start3A_369 = arith.constant 0 : i32
      %dma_start3A_370 = tpu.memref_slice %arg5[%add3A_335, %dma_start3A_369] : memref<10240x128xf32, #tpu.memory_space<hbm>> -> memref<80x128xf32, #tpu.memory_space<hbm>>
      tpu.enqueue_dma source(%arg11 : memref<80x128xf32, #tpu.memory_space<vmem>>) target(%dma_start3A_370 : memref<80x128xf32, #tpu.memory_space<hbm>>) target_semaphore(%run_scoped3A : memref<!tpu.dma_semaphore, #tpu.memory_space<semaphore_mem>>)
      %dma_wait3A_371 = arith.constant 0 : i32
      %dma_wait3A_372 = tpu.memref_slice %arg5[%add3A_335, %dma_wait3A_371] : memref<10240x128xf32, #tpu.memory_space<hbm>> -> memref<80x128xf32, #tpu.memory_space<hbm>>
      %dma_wait3A_373 = arith.constant 0 : i32
      %dma_wait3A_374 = tpu.memref_slice %arg5[%add3A_335, %dma_wait3A_373] : memref<10240x128xf32, #tpu.memory_space<hbm>> -> memref<80x128xf32, #tpu.memory_space<hbm>>
      tpu.wait_dma2 semaphore(%run_scoped3A : memref<!tpu.dma_semaphore, #tpu.memory_space<semaphore_mem>>) src(%arg11 : memref<80x128xf32, #tpu.memory_space<vmem>>) dst(%dma_wait3A_374 : memref<80x128xf32, #tpu.memory_space<hbm>>)
      tpu.yield
    }) : () -> ()
    %dma_wait3A_336 = arith.constant 240 : i32
    %dma_wait3A_337 = tpu.memref_slice %arg7[%dma_wait3A_336] : memref<320xi32, #tpu.memory_space<vmem>> -> memref<80xi32, #tpu.memory_space<vmem>>
    %dma_wait3A_338 = arith.constant 0 : i32
    %dma_wait3A_339 = arith.constant 0 : i32
    %dma_wait3A_340 = tpu.memref_slice %arg4[%dma_wait3A_338, %dma_wait3A_339] : memref<100000x128xf32, #tpu.memory_space<hbm>> -> memref<100000x128xf32, #tpu.memory_space<hbm>>
    tpu.wait_indirect_dma semaphore(%arg14 : memref<!tpu.dma_semaphore, #tpu.memory_space<semaphore_mem>>) src(%dma_wait3A_340 : memref<100000x128xf32, #tpu.memory_space<hbm>>) dst(%arg12 : memref<80x128xf32, #tpu.memory_space<vmem>>)
    %mul3A_341 = arith.constant 320 : i32
    %mul3A_342 = arith.muli %add3A, %mul3A_341 : i32
    %add3A_343 = arith.constant 240 : i32
    %add3A_344 = arith.addi %mul3A_342, %add3A_343 : i32
    "tpu.region"() ({
      %run_scoped3A = tpu.sem_alloc : memref<!tpu.dma_semaphore, #tpu.memory_space<semaphore_mem>>
      %dma_start3A_367 = arith.constant 0 : i32
      %dma_start3A_368 = tpu.memref_slice %arg5[%add3A_344, %dma_start3A_367] : memref<10240x128xf32, #tpu.memory_space<hbm>> -> memref<80x128xf32, #tpu.memory_space<hbm>>
      %dma_start3A_369 = arith.constant 0 : i32
      %dma_start3A_370 = tpu.memref_slice %arg5[%add3A_344, %dma_start3A_369] : memref<10240x128xf32, #tpu.memory_space<hbm>> -> memref<80x128xf32, #tpu.memory_space<hbm>>
      tpu.enqueue_dma source(%arg12 : memref<80x128xf32, #tpu.memory_space<vmem>>) target(%dma_start3A_370 : memref<80x128xf32, #tpu.memory_space<hbm>>) target_semaphore(%run_scoped3A : memref<!tpu.dma_semaphore, #tpu.memory_space<semaphore_mem>>)
      %dma_wait3A_371 = arith.constant 0 : i32
      %dma_wait3A_372 = tpu.memref_slice %arg5[%add3A_344, %dma_wait3A_371] : memref<10240x128xf32, #tpu.memory_space<hbm>> -> memref<80x128xf32, #tpu.memory_space<hbm>>
      %dma_wait3A_373 = arith.constant 0 : i32
      %dma_wait3A_374 = tpu.memref_slice %arg5[%add3A_344, %dma_wait3A_373] : memref<10240x128xf32, #tpu.memory_space<hbm>> -> memref<80x128xf32, #tpu.memory_space<hbm>>
      tpu.wait_dma2 semaphore(%run_scoped3A : memref<!tpu.dma_semaphore, #tpu.memory_space<semaphore_mem>>) src(%arg12 : memref<80x128xf32, #tpu.memory_space<vmem>>) dst(%dma_wait3A_374 : memref<80x128xf32, #tpu.memory_space<hbm>>)
      tpu.yield
    }) : () -> ()
    %scan3A = arith.constant 0 : i32
    %scan3A_345 = arith.constant 0 : i32
    %scan3A_346 = arith.constant 10 : i32
    %scan3A_347 = arith.addi %scan3A_345, %scan3A_346 : i32
    %scan3A_348 = arith.constant 1 : i32
    scf.for %scan3A_367 = %scan3A_345 to %scan3A_347 step %scan3A_348  : i32 {
      %mul3A_368 = arith.constant 8 : i32
      %mul3A_369 = arith.muli %scan3A_367, %mul3A_368 : i32
      %add3A_370 = arith.constant 0 : i32
      %add3A_371 = arith.addi %mul3A_369, %add3A_370 : i32
      %dma_start3A_372 = arith.constant 0 : i32
      %dma_start3A_373 = tpu.memref_slice %arg8[%add3A_371, %dma_start3A_372] : memref<81x128xi32, #tpu.memory_space<vmem>> -> memref<1x128xi32, #tpu.memory_space<vmem>>
      %dma_start3A_374 = tpu.memref_squeeze %dma_start3A_373 : memref<1x128xi32, #tpu.memory_space<vmem>> -> memref<128xi32, #tpu.memory_space<vmem>>
      %dma_start3A_375 = arith.constant 0 : i32
      %dma_start3A_376 = tpu.memref_slice %arg13[%dma_start3A_375] : memref<10240xf32, #tpu.memory_space<vmem_shared>> -> memref<10240xf32, #tpu.memory_space<vmem_shared>>
      tpu.enqueue_indirect_dma source(%arg9 : memref<128xf32, #tpu.memory_space<vmem>>) target(%dma_start3A_376 : memref<10240xf32, #tpu.memory_space<vmem_shared>>) offsets(%dma_start3A_374 : memref<128xi32, #tpu.memory_space<vmem>>) semaphore(%arg15 : memref<!tpu.dma_semaphore, #tpu.memory_space<semaphore_mem>>) {add = true}
      %mul3A_377 = arith.constant 8 : i32
      %mul3A_378 = arith.muli %scan3A_367, %mul3A_377 : i32
      %add3A_379 = arith.constant 1 : i32
      %add3A_380 = arith.addi %mul3A_378, %add3A_379 : i32
      %dma_start3A_381 = arith.constant 0 : i32
      %dma_start3A_382 = tpu.memref_slice %arg8[%add3A_380, %dma_start3A_381] : memref<81x128xi32, #tpu.memory_space<vmem>> -> memref<1x128xi32, #tpu.memory_space<vmem>>
      %dma_start3A_383 = tpu.memref_squeeze %dma_start3A_382 : memref<1x128xi32, #tpu.memory_space<vmem>> -> memref<128xi32, #tpu.memory_space<vmem>>
      %dma_start3A_384 = arith.constant 0 : i32
      %dma_start3A_385 = tpu.memref_slice %arg13[%dma_start3A_384] : memref<10240xf32, #tpu.memory_space<vmem_shared>> -> memref<10240xf32, #tpu.memory_space<vmem_shared>>
      tpu.enqueue_indirect_dma source(%arg9 : memref<128xf32, #tpu.memory_space<vmem>>) target(%dma_start3A_385 : memref<10240xf32, #tpu.memory_space<vmem_shared>>) offsets(%dma_start3A_383 : memref<128xi32, #tpu.memory_space<vmem>>) semaphore(%arg15 : memref<!tpu.dma_semaphore, #tpu.memory_space<semaphore_mem>>) {add = true}
      %mul3A_386 = arith.constant 8 : i32
      %mul3A_387 = arith.muli %scan3A_367, %mul3A_386 : i32
      %add3A_388 = arith.constant 2 : i32
      %add3A_389 = arith.addi %mul3A_387, %add3A_388 : i32
      %dma_start3A_390 = arith.constant 0 : i32
      %dma_start3A_391 = tpu.memref_slice %arg8[%add3A_389, %dma_start3A_390] : memref<81x128xi32, #tpu.memory_space<vmem>> -> memref<1x128xi32, #tpu.memory_space<vmem>>
      %dma_start3A_392 = tpu.memref_squeeze %dma_start3A_391 : memref<1x128xi32, #tpu.memory_space<vmem>> -> memref<128xi32, #tpu.memory_space<vmem>>
      %dma_start3A_393 = arith.constant 0 : i32
      %dma_start3A_394 = tpu.memref_slice %arg13[%dma_start3A_393] : memref<10240xf32, #tpu.memory_space<vmem_shared>> -> memref<10240xf32, #tpu.memory_space<vmem_shared>>
      tpu.enqueue_indirect_dma source(%arg9 : memref<128xf32, #tpu.memory_space<vmem>>) target(%dma_start3A_394 : memref<10240xf32, #tpu.memory_space<vmem_shared>>) offsets(%dma_start3A_392 : memref<128xi32, #tpu.memory_space<vmem>>) semaphore(%arg15 : memref<!tpu.dma_semaphore, #tpu.memory_space<semaphore_mem>>) {add = true}
      %mul3A_395 = arith.constant 8 : i32
      %mul3A_396 = arith.muli %scan3A_367, %mul3A_395 : i32
      %add3A_397 = arith.constant 3 : i32
      %add3A_398 = arith.addi %mul3A_396, %add3A_397 : i32
      %dma_start3A_399 = arith.constant 0 : i32
      %dma_start3A_400 = tpu.memref_slice %arg8[%add3A_398, %dma_start3A_399] : memref<81x128xi32, #tpu.memory_space<vmem>> -> memref<1x128xi32, #tpu.memory_space<vmem>>
      %dma_start3A_401 = tpu.memref_squeeze %dma_start3A_400 : memref<1x128xi32, #tpu.memory_space<vmem>> -> memref<128xi32, #tpu.memory_space<vmem>>
      %dma_start3A_402 = arith.constant 0 : i32
      %dma_start3A_403 = tpu.memref_slice %arg13[%dma_start3A_402] : memref<10240xf32, #tpu.memory_space<vmem_shared>> -> memref<10240xf32, #tpu.memory_space<vmem_shared>>
      tpu.enqueue_indirect_dma source(%arg9 : memref<128xf32, #tpu.memory_space<vmem>>) target(%dma_start3A_403 : memref<10240xf32, #tpu.memory_space<vmem_shared>>) offsets(%dma_start3A_401 : memref<128xi32, #tpu.memory_space<vmem>>) semaphore(%arg15 : memref<!tpu.dma_semaphore, #tpu.memory_space<semaphore_mem>>) {add = true}
      %mul3A_404 = arith.constant 8 : i32
      %mul3A_405 = arith.muli %scan3A_367, %mul3A_404 : i32
      %add3A_406 = arith.constant 4 : i32
      %add3A_407 = arith.addi %mul3A_405, %add3A_406 : i32
      %dma_start3A_408 = arith.constant 0 : i32
      %dma_start3A_409 = tpu.memref_slice %arg8[%add3A_407, %dma_start3A_408] : memref<81x128xi32, #tpu.memory_space<vmem>> -> memref<1x128xi32, #tpu.memory_space<vmem>>
      %dma_start3A_410 = tpu.memref_squeeze %dma_start3A_409 : memref<1x128xi32, #tpu.memory_space<vmem>> -> memref<128xi32, #tpu.memory_space<vmem>>
      %dma_start3A_411 = arith.constant 0 : i32
      %dma_start3A_412 = tpu.memref_slice %arg13[%dma_start3A_411] : memref<10240xf32, #tpu.memory_space<vmem_shared>> -> memref<10240xf32, #tpu.memory_space<vmem_shared>>
      tpu.enqueue_indirect_dma source(%arg9 : memref<128xf32, #tpu.memory_space<vmem>>) target(%dma_start3A_412 : memref<10240xf32, #tpu.memory_space<vmem_shared>>) offsets(%dma_start3A_410 : memref<128xi32, #tpu.memory_space<vmem>>) semaphore(%arg15 : memref<!tpu.dma_semaphore, #tpu.memory_space<semaphore_mem>>) {add = true}
      %mul3A_413 = arith.constant 8 : i32
      %mul3A_414 = arith.muli %scan3A_367, %mul3A_413 : i32
      %add3A_415 = arith.constant 5 : i32
      %add3A_416 = arith.addi %mul3A_414, %add3A_415 : i32
      %dma_start3A_417 = arith.constant 0 : i32
      %dma_start3A_418 = tpu.memref_slice %arg8[%add3A_416, %dma_start3A_417] : memref<81x128xi32, #tpu.memory_space<vmem>> -> memref<1x128xi32, #tpu.memory_space<vmem>>
      %dma_start3A_419 = tpu.memref_squeeze %dma_start3A_418 : memref<1x128xi32, #tpu.memory_space<vmem>> -> memref<128xi32, #tpu.memory_space<vmem>>
      %dma_start3A_420 = arith.constant 0 : i32
      %dma_start3A_421 = tpu.memref_slice %arg13[%dma_start3A_420] : memref<10240xf32, #tpu.memory_space<vmem_shared>> -> memref<10240xf32, #tpu.memory_space<vmem_shared>>
      tpu.enqueue_indirect_dma source(%arg9 : memref<128xf32, #tpu.memory_space<vmem>>) target(%dma_start3A_421 : memref<10240xf32, #tpu.memory_space<vmem_shared>>) offsets(%dma_start3A_419 : memref<128xi32, #tpu.memory_space<vmem>>) semaphore(%arg15 : memref<!tpu.dma_semaphore, #tpu.memory_space<semaphore_mem>>) {add = true}
      %mul3A_422 = arith.constant 8 : i32
      %mul3A_423 = arith.muli %scan3A_367, %mul3A_422 : i32
      %add3A_424 = arith.constant 6 : i32
      %add3A_425 = arith.addi %mul3A_423, %add3A_424 : i32
      %dma_start3A_426 = arith.constant 0 : i32
      %dma_start3A_427 = tpu.memref_slice %arg8[%add3A_425, %dma_start3A_426] : memref<81x128xi32, #tpu.memory_space<vmem>> -> memref<1x128xi32, #tpu.memory_space<vmem>>
      %dma_start3A_428 = tpu.memref_squeeze %dma_start3A_427 : memref<1x128xi32, #tpu.memory_space<vmem>> -> memref<128xi32, #tpu.memory_space<vmem>>
      %dma_start3A_429 = arith.constant 0 : i32
      %dma_start3A_430 = tpu.memref_slice %arg13[%dma_start3A_429] : memref<10240xf32, #tpu.memory_space<vmem_shared>> -> memref<10240xf32, #tpu.memory_space<vmem_shared>>
      tpu.enqueue_indirect_dma source(%arg9 : memref<128xf32, #tpu.memory_space<vmem>>) target(%dma_start3A_430 : memref<10240xf32, #tpu.memory_space<vmem_shared>>) offsets(%dma_start3A_428 : memref<128xi32, #tpu.memory_space<vmem>>) semaphore(%arg15 : memref<!tpu.dma_semaphore, #tpu.memory_space<semaphore_mem>>) {add = true}
      %mul3A_431 = arith.constant 8 : i32
      %mul3A_432 = arith.muli %scan3A_367, %mul3A_431 : i32
      %add3A_433 = arith.constant 7 : i32
      %add3A_434 = arith.addi %mul3A_432, %add3A_433 : i32
      %dma_start3A_435 = arith.constant 0 : i32
      %dma_start3A_436 = tpu.memref_slice %arg8[%add3A_434, %dma_start3A_435] : memref<81x128xi32, #tpu.memory_space<vmem>> -> memref<1x128xi32, #tpu.memory_space<vmem>>
      %dma_start3A_437 = tpu.memref_squeeze %dma_start3A_436 : memref<1x128xi32, #tpu.memory_space<vmem>> -> memref<128xi32, #tpu.memory_space<vmem>>
      %dma_start3A_438 = arith.constant 0 : i32
      %dma_start3A_439 = tpu.memref_slice %arg13[%dma_start3A_438] : memref<10240xf32, #tpu.memory_space<vmem_shared>> -> memref<10240xf32, #tpu.memory_space<vmem_shared>>
      tpu.enqueue_indirect_dma source(%arg9 : memref<128xf32, #tpu.memory_space<vmem>>) target(%dma_start3A_439 : memref<10240xf32, #tpu.memory_space<vmem_shared>>) offsets(%dma_start3A_437 : memref<128xi32, #tpu.memory_space<vmem>>) semaphore(%arg15 : memref<!tpu.dma_semaphore, #tpu.memory_space<semaphore_mem>>) {add = true}
      %mul3A_440 = arith.constant 8 : i32
      %mul3A_441 = arith.muli %scan3A_367, %mul3A_440 : i32
      %add3A_442 = arith.constant 0 : i32
      %add3A_443 = arith.addi %mul3A_441, %add3A_442 : i32
      %dma_wait3A_444 = arith.constant 0 : i32
      %dma_wait3A_445 = tpu.memref_slice %arg8[%add3A_443, %dma_wait3A_444] : memref<81x128xi32, #tpu.memory_space<vmem>> -> memref<1x128xi32, #tpu.memory_space<vmem>>
      %dma_wait3A_446 = tpu.memref_squeeze %dma_wait3A_445 : memref<1x128xi32, #tpu.memory_space<vmem>> -> memref<128xi32, #tpu.memory_space<vmem>>
      %dma_wait3A_447 = arith.constant 0 : i32
      %dma_wait3A_448 = tpu.memref_slice %arg13[%dma_wait3A_447] : memref<10240xf32, #tpu.memory_space<vmem_shared>> -> memref<10240xf32, #tpu.memory_space<vmem_shared>>
      tpu.wait_indirect_dma semaphore(%arg15 : memref<!tpu.dma_semaphore, #tpu.memory_space<semaphore_mem>>) src(%arg9 : memref<128xf32, #tpu.memory_space<vmem>>) dst(%dma_wait3A_448 : memref<10240xf32, #tpu.memory_space<vmem_shared>>)
      %mul3A_449 = arith.constant 8 : i32
      %mul3A_450 = arith.muli %scan3A_367, %mul3A_449 : i32
      %add3A_451 = arith.constant 1 : i32
      %add3A_452 = arith.addi %mul3A_450, %add3A_451 : i32
      %dma_wait3A_453 = arith.constant 0 : i32
      %dma_wait3A_454 = tpu.memref_slice %arg8[%add3A_452, %dma_wait3A_453] : memref<81x128xi32, #tpu.memory_space<vmem>> -> memref<1x128xi32, #tpu.memory_space<vmem>>
      %dma_wait3A_455 = tpu.memref_squeeze %dma_wait3A_454 : memref<1x128xi32, #tpu.memory_space<vmem>> -> memref<128xi32, #tpu.memory_space<vmem>>
      %dma_wait3A_456 = arith.constant 0 : i32
      %dma_wait3A_457 = tpu.memref_slice %arg13[%dma_wait3A_456] : memref<10240xf32, #tpu.memory_space<vmem_shared>> -> memref<10240xf32, #tpu.memory_space<vmem_shared>>
      tpu.wait_indirect_dma semaphore(%arg15 : memref<!tpu.dma_semaphore, #tpu.memory_space<semaphore_mem>>) src(%arg9 : memref<128xf32, #tpu.memory_space<vmem>>) dst(%dma_wait3A_457 : memref<10240xf32, #tpu.memory_space<vmem_shared>>)
      %mul3A_458 = arith.constant 8 : i32
      %mul3A_459 = arith.muli %scan3A_367, %mul3A_458 : i32
      %add3A_460 = arith.constant 2 : i32
      %add3A_461 = arith.addi %mul3A_459, %add3A_460 : i32
      %dma_wait3A_462 = arith.constant 0 : i32
      %dma_wait3A_463 = tpu.memref_slice %arg8[%add3A_461, %dma_wait3A_462] : memref<81x128xi32, #tpu.memory_space<vmem>> -> memref<1x128xi32, #tpu.memory_space<vmem>>
      %dma_wait3A_464 = tpu.memref_squeeze %dma_wait3A_463 : memref<1x128xi32, #tpu.memory_space<vmem>> -> memref<128xi32, #tpu.memory_space<vmem>>
      %dma_wait3A_465 = arith.constant 0 : i32
      %dma_wait3A_466 = tpu.memref_slice %arg13[%dma_wait3A_465] : memref<10240xf32, #tpu.memory_space<vmem_shared>> -> memref<10240xf32, #tpu.memory_space<vmem_shared>>
      tpu.wait_indirect_dma semaphore(%arg15 : memref<!tpu.dma_semaphore, #tpu.memory_space<semaphore_mem>>) src(%arg9 : memref<128xf32, #tpu.memory_space<vmem>>) dst(%dma_wait3A_466 : memref<10240xf32, #tpu.memory_space<vmem_shared>>)
      %mul3A_467 = arith.constant 8 : i32
      %mul3A_468 = arith.muli %scan3A_367, %mul3A_467 : i32
      %add3A_469 = arith.constant 3 : i32
      %add3A_470 = arith.addi %mul3A_468, %add3A_469 : i32
      %dma_wait3A_471 = arith.constant 0 : i32
      %dma_wait3A_472 = tpu.memref_slice %arg8[%add3A_470, %dma_wait3A_471] : memref<81x128xi32, #tpu.memory_space<vmem>> -> memref<1x128xi32, #tpu.memory_space<vmem>>
      %dma_wait3A_473 = tpu.memref_squeeze %dma_wait3A_472 : memref<1x128xi32, #tpu.memory_space<vmem>> -> memref<128xi32, #tpu.memory_space<vmem>>
      %dma_wait3A_474 = arith.constant 0 : i32
      %dma_wait3A_475 = tpu.memref_slice %arg13[%dma_wait3A_474] : memref<10240xf32, #tpu.memory_space<vmem_shared>> -> memref<10240xf32, #tpu.memory_space<vmem_shared>>
      tpu.wait_indirect_dma semaphore(%arg15 : memref<!tpu.dma_semaphore, #tpu.memory_space<semaphore_mem>>) src(%arg9 : memref<128xf32, #tpu.memory_space<vmem>>) dst(%dma_wait3A_475 : memref<10240xf32, #tpu.memory_space<vmem_shared>>)
      %mul3A_476 = arith.constant 8 : i32
      %mul3A_477 = arith.muli %scan3A_367, %mul3A_476 : i32
      %add3A_478 = arith.constant 4 : i32
      %add3A_479 = arith.addi %mul3A_477, %add3A_478 : i32
      %dma_wait3A_480 = arith.constant 0 : i32
      %dma_wait3A_481 = tpu.memref_slice %arg8[%add3A_479, %dma_wait3A_480] : memref<81x128xi32, #tpu.memory_space<vmem>> -> memref<1x128xi32, #tpu.memory_space<vmem>>
      %dma_wait3A_482 = tpu.memref_squeeze %dma_wait3A_481 : memref<1x128xi32, #tpu.memory_space<vmem>> -> memref<128xi32, #tpu.memory_space<vmem>>
      %dma_wait3A_483 = arith.constant 0 : i32
      %dma_wait3A_484 = tpu.memref_slice %arg13[%dma_wait3A_483] : memref<10240xf32, #tpu.memory_space<vmem_shared>> -> memref<10240xf32, #tpu.memory_space<vmem_shared>>
      tpu.wait_indirect_dma semaphore(%arg15 : memref<!tpu.dma_semaphore, #tpu.memory_space<semaphore_mem>>) src(%arg9 : memref<128xf32, #tpu.memory_space<vmem>>) dst(%dma_wait3A_484 : memref<10240xf32, #tpu.memory_space<vmem_shared>>)
      %mul3A_485 = arith.constant 8 : i32
      %mul3A_486 = arith.muli %scan3A_367, %mul3A_485 : i32
      %add3A_487 = arith.constant 5 : i32
      %add3A_488 = arith.addi %mul3A_486, %add3A_487 : i32
      %dma_wait3A_489 = arith.constant 0 : i32
      %dma_wait3A_490 = tpu.memref_slice %arg8[%add3A_488, %dma_wait3A_489] : memref<81x128xi32, #tpu.memory_space<vmem>> -> memref<1x128xi32, #tpu.memory_space<vmem>>
      %dma_wait3A_491 = tpu.memref_squeeze %dma_wait3A_490 : memref<1x128xi32, #tpu.memory_space<vmem>> -> memref<128xi32, #tpu.memory_space<vmem>>
      %dma_wait3A_492 = arith.constant 0 : i32
      %dma_wait3A_493 = tpu.memref_slice %arg13[%dma_wait3A_492] : memref<10240xf32, #tpu.memory_space<vmem_shared>> -> memref<10240xf32, #tpu.memory_space<vmem_shared>>
      tpu.wait_indirect_dma semaphore(%arg15 : memref<!tpu.dma_semaphore, #tpu.memory_space<semaphore_mem>>) src(%arg9 : memref<128xf32, #tpu.memory_space<vmem>>) dst(%dma_wait3A_493 : memref<10240xf32, #tpu.memory_space<vmem_shared>>)
      %mul3A_494 = arith.constant 8 : i32
      %mul3A_495 = arith.muli %scan3A_367, %mul3A_494 : i32
      %add3A_496 = arith.constant 6 : i32
      %add3A_497 = arith.addi %mul3A_495, %add3A_496 : i32
      %dma_wait3A_498 = arith.constant 0 : i32
      %dma_wait3A_499 = tpu.memref_slice %arg8[%add3A_497, %dma_wait3A_498] : memref<81x128xi32, #tpu.memory_space<vmem>> -> memref<1x128xi32, #tpu.memory_space<vmem>>
      %dma_wait3A_500 = tpu.memref_squeeze %dma_wait3A_499 : memref<1x128xi32, #tpu.memory_space<vmem>> -> memref<128xi32, #tpu.memory_space<vmem>>
      %dma_wait3A_501 = arith.constant 0 : i32
      %dma_wait3A_502 = tpu.memref_slice %arg13[%dma_wait3A_501] : memref<10240xf32, #tpu.memory_space<vmem_shared>> -> memref<10240xf32, #tpu.memory_space<vmem_shared>>
      tpu.wait_indirect_dma semaphore(%arg15 : memref<!tpu.dma_semaphore, #tpu.memory_space<semaphore_mem>>) src(%arg9 : memref<128xf32, #tpu.memory_space<vmem>>) dst(%dma_wait3A_502 : memref<10240xf32, #tpu.memory_space<vmem_shared>>)
      %mul3A_503 = arith.constant 8 : i32
      %mul3A_504 = arith.muli %scan3A_367, %mul3A_503 : i32
      %add3A_505 = arith.constant 7 : i32
      %add3A_506 = arith.addi %mul3A_504, %add3A_505 : i32
      %dma_wait3A_507 = arith.constant 0 : i32
      %dma_wait3A_508 = tpu.memref_slice %arg8[%add3A_506, %dma_wait3A_507] : memref<81x128xi32, #tpu.memory_space<vmem>> -> memref<1x128xi32, #tpu.memory_space<vmem>>
      %dma_wait3A_509 = tpu.memref_squeeze %dma_wait3A_508 : memref<1x128xi32, #tpu.memory_space<vmem>> -> memref<128xi32, #tpu.memory_space<vmem>>
      %dma_wait3A_510 = arith.constant 0 : i32
      %dma_wait3A_511 = tpu.memref_slice %arg13[%dma_wait3A_510] : memref<10240xf32, #tpu.memory_space<vmem_shared>> -> memref<10240xf32, #tpu.memory_space<vmem_shared>>
      tpu.wait_indirect_dma semaphore(%arg15 : memref<!tpu.dma_semaphore, #tpu.memory_space<semaphore_mem>>) src(%arg9 : memref<128xf32, #tpu.memory_space<vmem>>) dst(%dma_wait3A_511 : memref<10240xf32, #tpu.memory_space<vmem_shared>>)
    }
    %scan3A_349 = arith.constant 10 : i32
    %dma_start3A_350 = arith.constant 80 : i32
    %dma_start3A_351 = arith.constant 0 : i32
    %dma_start3A_352 = tpu.memref_slice %arg8[%dma_start3A_350, %dma_start3A_351] : memref<81x128xi32, #tpu.memory_space<vmem>> -> memref<1x128xi32, #tpu.memory_space<vmem>>
    %dma_start3A_353 = tpu.memref_squeeze %dma_start3A_352 : memref<1x128xi32, #tpu.memory_space<vmem>> -> memref<128xi32, #tpu.memory_space<vmem>>
    %dma_start3A_354 = arith.constant 0 : i32
    %dma_start3A_355 = tpu.memref_slice %arg13[%dma_start3A_354] : memref<10240xf32, #tpu.memory_space<vmem_shared>> -> memref<10240xf32, #tpu.memory_space<vmem_shared>>
    tpu.enqueue_indirect_dma source(%arg9 : memref<128xf32, #tpu.memory_space<vmem>>) target(%dma_start3A_355 : memref<10240xf32, #tpu.memory_space<vmem_shared>>) offsets(%dma_start3A_353 : memref<128xi32, #tpu.memory_space<vmem>>) semaphore(%arg15 : memref<!tpu.dma_semaphore, #tpu.memory_space<semaphore_mem>>) {add = true}
    %dma_wait3A_356 = arith.constant 80 : i32
    %dma_wait3A_357 = arith.constant 0 : i32
    %dma_wait3A_358 = tpu.memref_slice %arg8[%dma_wait3A_356, %dma_wait3A_357] : memref<81x128xi32, #tpu.memory_space<vmem>> -> memref<1x128xi32, #tpu.memory_space<vmem>>
    %dma_wait3A_359 = tpu.memref_squeeze %dma_wait3A_358 : memref<1x128xi32, #tpu.memory_space<vmem>> -> memref<128xi32, #tpu.memory_space<vmem>>
    %dma_wait3A_360 = arith.constant 0 : i32
    %dma_wait3A_361 = tpu.memref_slice %arg13[%dma_wait3A_360] : memref<10240xf32, #tpu.memory_space<vmem_shared>> -> memref<10240xf32, #tpu.memory_space<vmem_shared>>
    tpu.wait_indirect_dma semaphore(%arg15 : memref<!tpu.dma_semaphore, #tpu.memory_space<semaphore_mem>>) src(%arg9 : memref<128xf32, #tpu.memory_space<vmem>>) dst(%dma_wait3A_361 : memref<10240xf32, #tpu.memory_space<vmem_shared>>)
    %barrier3A_362 = arith.constant 0 : index
    tpu.barrier barrier_id(%barrier3A_362)
    %mul3A_363 = arith.constant 640 : i32
    %mul3A_364 = arith.muli %arg1, %mul3A_363 : i32
    "tpu.region"() ({
      %run_scoped3A = tpu.sem_alloc : memref<!tpu.dma_semaphore, #tpu.memory_space<semaphore_mem>>
      %dma_start3A_367 = tpu.memref_slice %arg13[%mul3A_364] : memref<10240xf32, #tpu.memory_space<vmem_shared>> -> memref<640xf32, #tpu.memory_space<vmem_shared>>
      %dma_start3A_368 = tpu.memref_slice %arg13[%mul3A_364] : memref<10240xf32, #tpu.memory_space<vmem_shared>> -> memref<640xf32, #tpu.memory_space<vmem_shared>>
      tpu.enqueue_dma source(%dma_start3A_368 : memref<640xf32, #tpu.memory_space<vmem_shared>>) target(%arg10 : memref<640xf32, #tpu.memory_space<vmem>>) target_semaphore(%run_scoped3A : memref<!tpu.dma_semaphore, #tpu.memory_space<semaphore_mem>>)
      %dma_wait3A_369 = tpu.memref_slice %arg13[%mul3A_364] : memref<10240xf32, #tpu.memory_space<vmem_shared>> -> memref<640xf32, #tpu.memory_space<vmem_shared>>
      %dma_wait3A_370 = tpu.memref_slice %arg13[%mul3A_364] : memref<10240xf32, #tpu.memory_space<vmem_shared>> -> memref<640xf32, #tpu.memory_space<vmem_shared>>
      tpu.wait_dma2 semaphore(%run_scoped3A : memref<!tpu.dma_semaphore, #tpu.memory_space<semaphore_mem>>) src(%dma_wait3A_370 : memref<640xf32, #tpu.memory_space<vmem_shared>>) dst(%arg10 : memref<640xf32, #tpu.memory_space<vmem>>)
      tpu.yield
    }) : () -> ()
    %mul3A_365 = arith.constant 640 : i32
    %mul3A_366 = arith.muli %arg1, %mul3A_365 : i32
    "tpu.region"() ({
      %run_scoped3A = tpu.sem_alloc : memref<!tpu.dma_semaphore, #tpu.memory_space<semaphore_mem>>
      %dma_start3A_367 = tpu.memref_slice %arg6[%arg0, %mul3A_366] : memref<2x10240xf32, #tpu.memory_space<hbm>> -> memref<1x640xf32, #tpu.memory_space<hbm>>
      %dma_start3A_368 = tpu.memref_squeeze %dma_start3A_367 : memref<1x640xf32, #tpu.memory_space<hbm>> -> memref<640xf32, #tpu.memory_space<hbm>>
      %dma_start3A_369 = tpu.memref_slice %arg6[%arg0, %mul3A_366] : memref<2x10240xf32, #tpu.memory_space<hbm>> -> memref<1x640xf32, #tpu.memory_space<hbm>>
      %dma_start3A_370 = tpu.memref_squeeze %dma_start3A_369 : memref<1x640xf32, #tpu.memory_space<hbm>> -> memref<640xf32, #tpu.memory_space<hbm>>
      tpu.enqueue_dma source(%arg10 : memref<640xf32, #tpu.memory_space<vmem>>) target(%dma_start3A_370 : memref<640xf32, #tpu.memory_space<hbm>>) target_semaphore(%run_scoped3A : memref<!tpu.dma_semaphore, #tpu.memory_space<semaphore_mem>>)
      %dma_wait3A_371 = tpu.memref_slice %arg6[%arg0, %mul3A_366] : memref<2x10240xf32, #tpu.memory_space<hbm>> -> memref<1x640xf32, #tpu.memory_space<hbm>>
      %dma_wait3A_372 = tpu.memref_squeeze %dma_wait3A_371 : memref<1x640xf32, #tpu.memory_space<hbm>> -> memref<640xf32, #tpu.memory_space<hbm>>
      %dma_wait3A_373 = tpu.memref_slice %arg6[%arg0, %mul3A_366] : memref<2x10240xf32, #tpu.memory_space<hbm>> -> memref<1x640xf32, #tpu.memory_space<hbm>>
      %dma_wait3A_374 = tpu.memref_squeeze %dma_wait3A_373 : memref<1x640xf32, #tpu.memory_space<hbm>> -> memref<640xf32, #tpu.memory_space<hbm>>
      tpu.wait_dma2 semaphore(%run_scoped3A : memref<!tpu.dma_semaphore, #tpu.memory_space<semaphore_mem>>) src(%arg10 : memref<640xf32, #tpu.memory_space<vmem>>) dst(%dma_wait3A_374 : memref<640xf32, #tpu.memory_space<hbm>>)
      tpu.yield
    }) : () -> ()
    return
  }
}

module attributes {stable_mosaic.version = 14 : i64} {
  func.func @body(%arg0: i32, %arg1: memref<1024x2xf32, #tpu.memory_space<vmem>>, %arg2: memref<1024x128xf32, #tpu.memory_space<vmem>>, %arg3: memref<128x128xf32, #tpu.memory_space<vmem>>, %arg4: memref<1024x128xf32, #tpu.memory_space<vmem>>, %arg5: memref<1024x1xf32, #tpu.memory_space<vmem>>) attributes {dimension_semantics = [#tpu.dimension_semantics<arbitrary>], iteration_bounds = array<i64: 10>, scalar_prefetch = 0 : i64, scratch_operands = 0 : i64, tpu.core_type = #tpu.core_type<tc>, window_params = [{transform_indices = @transform_0, window_bounds = array<i64: 1024, 2>}, {transform_indices = @transform_1, window_bounds = array<i64: 1024, 128>}, {pipeline_mode = #tpu.pipeline_mode<synchronous>, transform_indices = @transform_2, window_bounds = array<i64: 128, 128>}, {transform_indices = @transform_3, window_bounds = array<i64: 1024, 128>}, {transform_indices = @transform_4, window_bounds = array<i64: 1024, 1>}]} {
    %get3A = arith.constant 0 : index
    %get3A_0 = arith.constant 0 : index
    %get3A_1 = vector.load %arg1[%get3A, %get3A_0] : memref<1024x2xf32, #tpu.memory_space<vmem>>, vector<1024x1xf32>
    %get3A_2 = arith.constant 0 : index
    %get3A_3 = arith.constant 1 : index
    %get3A_4 = vector.load %arg1[%get3A_2, %get3A_3] : memref<1024x2xf32, #tpu.memory_space<vmem>>, vector<1024x1xf32>
    %add3A = arith.addf %get3A_1, %get3A_4 : vector<1024x1xf32>
    %add3A_5 = arith.constant 1.000000e+00 : f32
    %add3A_6 = vector.broadcast %add3A_5 : f32 to vector<1024x1xf32>
    %add3A_7 = arith.addf %add3A, %add3A_6 : vector<1024x1xf32>
    %rsqrt3A = math.rsqrt %add3A_7 : vector<1024x1xf32>
    %swap3A = arith.constant 0 : index
    %swap3A_8 = arith.constant 0 : index
    %swap3A_9 = vector.load %arg5[%swap3A, %swap3A_8] : memref<1024x1xf32, #tpu.memory_space<vmem>>, vector<1024x1xf32>
    tpu.vector_store %arg5[%swap3A, %swap3A_8], %rsqrt3A {strides = array<i32>} : memref<1024x1xf32, #tpu.memory_space<vmem>>, vector<1024x1xf32>,
    %get3A_10 = arith.constant 0 : index
    %get3A_11 = arith.constant 0 : index
    %get3A_12 = vector.load %arg2[%get3A_10, %get3A_11] : memref<1024x128xf32, #tpu.memory_space<vmem>>, vector<1024x128xf32>
    %get3A_13 = arith.constant 0 : index
    %get3A_14 = arith.constant 0 : index
    %get3A_15 = vector.load %arg3[%get3A_13, %get3A_14] : memref<128x128xf32, #tpu.memory_space<vmem>>, vector<128x128xf32>
    %dot_general3A = arith.constant dense<0.000000e+00> : vector<1024x128xf32>
    %dot_general3A_16 = tpu.matmul %get3A_12, %get3A_15, %dot_general3A {dimension_numbers = #tpu.dot_dimension_numbers<[1], [0], [0], [1], [0, 0, 1, 1], [], []>, transpose_lhs_hint = false} : vector<1024x128xf32>, vector<128x128xf32>, vector<1024x128xf32> -> vector<1024x128xf32>
    %mul3A = vector.broadcast %rsqrt3A : vector<1024x1xf32> to vector<1024x128xf32>
    %mul3A_17 = arith.mulf %dot_general3A_16, %mul3A : vector<1024x128xf32>
    %swap3A_18 = arith.constant 0 : index
    %swap3A_19 = arith.constant 0 : index
    %swap3A_20 = vector.load %arg4[%swap3A_18, %swap3A_19] : memref<1024x128xf32, #tpu.memory_space<vmem>>, vector<1024x128xf32>
    tpu.vector_store %arg4[%swap3A_18, %swap3A_19], %mul3A_17 {strides = array<i32>} : memref<1024x128xf32, #tpu.memory_space<vmem>>, vector<1024x128xf32>,
    return
  }
  func.func @transform_0(%arg0: i32) -> (i32, i32) {
    %c0_i32 = arith.constant 0 : i32
    %c0_i32_0 = arith.constant 0 : i32
    return %arg0, %c0_i32 : i32, i32
  }
  func.func @transform_1(%arg0: i32) -> (i32, i32) {
    %c0_i32 = arith.constant 0 : i32
    %c0_i32_0 = arith.constant 0 : i32
    return %arg0, %c0_i32 : i32, i32
  }
  func.func @transform_2(%arg0: i32) -> (i32, i32) {
    %c0_i32 = arith.constant 0 : i32
    %c0_i32_0 = arith.constant 0 : i32
    %c0_i32_1 = arith.constant 0 : i32
    return %c0_i32, %c0_i32_0 : i32, i32
  }
  func.func @transform_3(%arg0: i32) -> (i32, i32) {
    %c0_i32 = arith.constant 0 : i32
    %c0_i32_0 = arith.constant 0 : i32
    return %arg0, %c0_i32 : i32, i32
  }
  func.func @transform_4(%arg0: i32) -> (i32, i32) {
    %c0_i32 = arith.constant 0 : i32
    %c0_i32_0 = arith.constant 0 : i32
    return %arg0, %c0_i32 : i32, i32
  }
}

module attributes {stable_mosaic.version = 14 : i64} {
  func.func @body(%arg0: i32, %arg1: memref<2x1024x128xf32, #tpu.memory_space<vmem>>, %arg2: memref<1024x128xf32, #tpu.memory_space<vmem>>, %arg3: memref<1024x1xf32, #tpu.memory_space<vmem>>, %arg4: memref<1x128xf32, #tpu.memory_space<vmem>>, %arg5: memref<1x128xf32, #tpu.memory_space<vmem>>, %arg6: memref<1x128xf32, #tpu.memory_space<vmem>>, %arg7: memref<128x128xf32, #tpu.memory_space<vmem>>, %arg8: memref<1024x128xf32, #tpu.memory_space<vmem>>) attributes {dimension_semantics = [#tpu.dimension_semantics<arbitrary>], iteration_bounds = array<i64: 10>, scalar_prefetch = 0 : i64, scratch_operands = 0 : i64, tpu.core_type = #tpu.core_type<tc>, window_params = [{transform_indices = @transform_0, window_bounds = array<i64: 2, 1024, 128>}, {transform_indices = @transform_1, window_bounds = array<i64: 1024, 128>}, {transform_indices = @transform_2, window_bounds = array<i64: 1024, 1>}, {pipeline_mode = #tpu.pipeline_mode<synchronous>, transform_indices = @transform_3, window_bounds = array<i64: 1, 128>}, {pipeline_mode = #tpu.pipeline_mode<synchronous>, transform_indices = @transform_4, window_bounds = array<i64: 1, 128>}, {pipeline_mode = #tpu.pipeline_mode<synchronous>, transform_indices = @transform_5, window_bounds = array<i64: 1, 128>}, {pipeline_mode = #tpu.pipeline_mode<synchronous>, transform_indices = @transform_6, window_bounds = array<i64: 128, 128>}, {transform_indices = @transform_7, window_bounds = array<i64: 1024, 128>}]} {
    %get3A = arith.constant 0 : index
    %get3A_0 = arith.constant 0 : index
    %get3A_1 = arith.constant 0 : index
    %get3A_2 = vector.load %arg1[%get3A, %get3A_0, %get3A_1] : memref<2x1024x128xf32, #tpu.memory_space<vmem>>, vector<2x1024x128xf32>
    %get3A_3 = arith.constant 0 : index
    %get3A_4 = arith.constant 0 : index
    %get3A_5 = vector.load %arg2[%get3A_3, %get3A_4] : memref<1024x128xf32, #tpu.memory_space<vmem>>, vector<1024x128xf32>
    %get3A_6 = arith.constant 0 : index
    %get3A_7 = arith.constant 0 : index
    %get3A_8 = vector.load %arg3[%get3A_6, %get3A_7] : memref<1024x1xf32, #tpu.memory_space<vmem>>, vector<1024x1xf32>
    %get3A_9 = arith.constant 0 : index
    %get3A_10 = arith.constant 0 : index
    %get3A_11 = vector.load %arg4[%get3A_9, %get3A_10] : memref<1x128xf32, #tpu.memory_space<vmem>>, vector<1x128xf32>
    %get3A_12 = arith.constant 0 : index
    %get3A_13 = arith.constant 0 : index
    %get3A_14 = vector.load %arg5[%get3A_12, %get3A_13] : memref<1x128xf32, #tpu.memory_space<vmem>>, vector<1x128xf32>
    %get3A_15 = arith.constant 0 : index
    %get3A_16 = arith.constant 0 : index
    %get3A_17 = vector.load %arg6[%get3A_15, %get3A_16] : memref<1x128xf32, #tpu.memory_space<vmem>>, vector<1x128xf32>
    %slice3A = vector.extract_strided_slice %get3A_2 {offsets = [0, 0, 0], sizes = [1, 1024, 128], strides = [1, 1, 1]} : vector<2x1024x128xf32> to vector<1x1024x128xf32>
    %squeeze3A = vector.shape_cast %slice3A : vector<1x1024x128xf32> to vector<1024x128xf32>
    %slice3A_18 = vector.extract_strided_slice %get3A_2 {offsets = [1, 0, 0], sizes = [1, 1024, 128], strides = [1, 1, 1]} : vector<2x1024x128xf32> to vector<1x1024x128xf32>
    %squeeze3A_19 = vector.shape_cast %slice3A_18 : vector<1x1024x128xf32> to vector<1024x128xf32>
    %add3A = arith.addf %squeeze3A, %squeeze3A_19 : vector<1024x128xf32>
    %add3A_20 = arith.addf %add3A, %get3A_5 : vector<1024x128xf32>
    %mul3A = vector.broadcast %get3A_8 : vector<1024x1xf32> to vector<1024x128xf32>
    %mul3A_21 = arith.mulf %mul3A, %add3A_20 : vector<1024x128xf32>
    %add3A_22 = vector.broadcast %get3A_11 : vector<1x128xf32> to vector<1024x128xf32>
    %add3A_23 = arith.addf %mul3A_21, %add3A_22 : vector<1024x128xf32>
    %reduce_sum3A = arith.constant dense<0.000000e+00> : vector<1024xf32>
    %reduce_sum3A_24 = vector.multi_reduction <add>, %add3A_23, %reduce_sum3A [1] : vector<1024x128xf32> to vector<1024xf32>
    %broadcast_in_dim3A = vector.shape_cast %reduce_sum3A_24 : vector<1024xf32> to vector<1024x1xf32>
    %div3A = arith.constant 1.280000e+02 : f32
    %div3A_25 = vector.broadcast %div3A : f32 to vector<1024x1xf32>
    %div3A_26 = arith.divf %broadcast_in_dim3A, %div3A_25 : vector<1024x1xf32>
    %sub3A = vector.broadcast %div3A_26 : vector<1024x1xf32> to vector<1024x128xf32>
    %sub3A_27 = arith.subf %add3A_23, %sub3A : vector<1024x128xf32>
    %mul3A_28 = arith.mulf %sub3A_27, %sub3A_27 : vector<1024x128xf32>
    %reduce_sum3A_29 = arith.constant dense<0.000000e+00> : vector<1024xf32>
    %reduce_sum3A_30 = vector.multi_reduction <add>, %mul3A_28, %reduce_sum3A_29 [1] : vector<1024x128xf32> to vector<1024xf32>
    %broadcast_in_dim3A_31 = vector.shape_cast %reduce_sum3A_30 : vector<1024xf32> to vector<1024x1xf32>
    %div3A_32 = arith.constant 1.280000e+02 : f32
    %div3A_33 = vector.broadcast %div3A_32 : f32 to vector<1024x1xf32>
    %div3A_34 = arith.divf %broadcast_in_dim3A_31, %div3A_33 : vector<1024x1xf32>
    %add3A_35 = arith.constant 9.99999974E-6 : f32
    %add3A_36 = vector.broadcast %add3A_35 : f32 to vector<1024x1xf32>
    %add3A_37 = arith.addf %div3A_34, %add3A_36 : vector<1024x1xf32>
    %rsqrt3A = math.rsqrt %add3A_37 : vector<1024x1xf32>
    %mul3A_38 = vector.broadcast %rsqrt3A : vector<1024x1xf32> to vector<1024x128xf32>
    %mul3A_39 = arith.mulf %sub3A_27, %mul3A_38 : vector<1024x128xf32>
    %mul3A_40 = vector.broadcast %get3A_14 : vector<1x128xf32> to vector<1024x128xf32>
    %mul3A_41 = arith.mulf %mul3A_39, %mul3A_40 : vector<1024x128xf32>
    %add3A_42 = vector.broadcast %get3A_17 : vector<1x128xf32> to vector<1024x128xf32>
    %add3A_43 = arith.addf %mul3A_41, %add3A_42 : vector<1024x128xf32>
    %max3A = arith.constant 0.000000e+00 : f32
    %max3A_44 = vector.broadcast %max3A : f32 to vector<1024x128xf32>
    %max3A_45 = arith.maximumf %add3A_43, %max3A_44 : vector<1024x128xf32>
    %get3A_46 = arith.constant 0 : index
    %get3A_47 = arith.constant 0 : index
    %get3A_48 = vector.load %arg7[%get3A_46, %get3A_47] : memref<128x128xf32, #tpu.memory_space<vmem>>, vector<128x128xf32>
    %dot_general3A = arith.constant dense<0.000000e+00> : vector<1024x128xf32>
    %dot_general3A_49 = tpu.matmul %max3A_45, %get3A_48, %dot_general3A {dimension_numbers = #tpu.dot_dimension_numbers<[1], [0], [0], [1], [0, 0, 1, 1], [], []>, transpose_lhs_hint = false} : vector<1024x128xf32>, vector<128x128xf32>, vector<1024x128xf32> -> vector<1024x128xf32>
    %get3A_50 = arith.constant 0 : index
    %get3A_51 = arith.constant 0 : index
    %get3A_52 = vector.load %arg3[%get3A_50, %get3A_51] : memref<1024x1xf32, #tpu.memory_space<vmem>>, vector<1024x1xf32>
    %mul3A_53 = vector.broadcast %get3A_52 : vector<1024x1xf32> to vector<1024x128xf32>
    %mul3A_54 = arith.mulf %dot_general3A_49, %mul3A_53 : vector<1024x128xf32>
    %swap3A = arith.constant 0 : index
    %swap3A_55 = arith.constant 0 : index
    %swap3A_56 = vector.load %arg8[%swap3A, %swap3A_55] : memref<1024x128xf32, #tpu.memory_space<vmem>>, vector<1024x128xf32>
    tpu.vector_store %arg8[%swap3A, %swap3A_55], %mul3A_54 {strides = array<i32>} : memref<1024x128xf32, #tpu.memory_space<vmem>>, vector<1024x128xf32>,
    return
  }
  func.func @transform_0(%arg0: i32) -> (i32, i32, i32) {
    %c0_i32 = arith.constant 0 : i32
    %c0_i32_0 = arith.constant 0 : i32
    %c0_i32_1 = arith.constant 0 : i32
    return %c0_i32, %arg0, %c0_i32_0 : i32, i32, i32
  }
  func.func @transform_1(%arg0: i32) -> (i32, i32) {
    %c0_i32 = arith.constant 0 : i32
    %c0_i32_0 = arith.constant 0 : i32
    return %arg0, %c0_i32 : i32, i32
  }
  func.func @transform_2(%arg0: i32) -> (i32, i32) {
    %c0_i32 = arith.constant 0 : i32
    %c0_i32_0 = arith.constant 0 : i32
    return %arg0, %c0_i32 : i32, i32
  }
  func.func @transform_3(%arg0: i32) -> (i32, i32) {
    %c0_i32 = arith.constant 0 : i32
    %c0_i32_0 = arith.constant 0 : i32
    %c0_i32_1 = arith.constant 0 : i32
    return %c0_i32, %c0_i32_0 : i32, i32
  }
  func.func @transform_4(%arg0: i32) -> (i32, i32) {
    %c0_i32 = arith.constant 0 : i32
    %c0_i32_0 = arith.constant 0 : i32
    %c0_i32_1 = arith.constant 0 : i32
    return %c0_i32, %c0_i32_0 : i32, i32
  }
  func.func @transform_5(%arg0: i32) -> (i32, i32) {
    %c0_i32 = arith.constant 0 : i32
    %c0_i32_0 = arith.constant 0 : i32
    %c0_i32_1 = arith.constant 0 : i32
    return %c0_i32, %c0_i32_0 : i32, i32
  }
  func.func @transform_6(%arg0: i32) -> (i32, i32) {
    %c0_i32 = arith.constant 0 : i32
    %c0_i32_0 = arith.constant 0 : i32
    %c0_i32_1 = arith.constant 0 : i32
    return %c0_i32, %c0_i32_0 : i32, i32
  }
  func.func @transform_7(%arg0: i32) -> (i32, i32) {
    %c0_i32 = arith.constant 0 : i32
    %c0_i32_0 = arith.constant 0 : i32
    return %arg0, %c0_i32 : i32, i32
  }
}

module attributes {stable_mosaic.version = 14 : i64} {
  func.func @body(%arg0: i32, %arg1: memref<2x1024x128xf32, #tpu.memory_space<vmem>>, %arg2: memref<1024x128xf32, #tpu.memory_space<vmem>>, %arg3: memref<1024x1xf32, #tpu.memory_space<vmem>>, %arg4: memref<1x128xf32, #tpu.memory_space<vmem>>, %arg5: memref<1x128xf32, #tpu.memory_space<vmem>>, %arg6: memref<1x128xf32, #tpu.memory_space<vmem>>, %arg7: memref<1024x1xi32, #tpu.memory_space<vmem>>, %arg8: memref<128x1xf32, #tpu.memory_space<vmem>>, %arg9: memref<1x1xf32, #tpu.memory_space<vmem>>, %arg10: memref<64x1xf32, #tpu.memory_space<vmem>>, %arg11: memref<64x128xf32, #tpu.memory_space<vmem>>, %arg12: memref<64x128xf32, #tpu.memory_space<vmem>>) attributes {dimension_semantics = [#tpu.dimension_semantics<arbitrary>], iteration_bounds = array<i64: 10>, scalar_prefetch = 0 : i64, scratch_operands = 2 : i64, tpu.core_type = #tpu.core_type<tc>, window_params = [{transform_indices = @transform_0, window_bounds = array<i64: 2, 1024, 128>}, {transform_indices = @transform_1, window_bounds = array<i64: 1024, 128>}, {transform_indices = @transform_2, window_bounds = array<i64: 1024, 1>}, {pipeline_mode = #tpu.pipeline_mode<synchronous>, transform_indices = @transform_3, window_bounds = array<i64: 1, 128>}, {pipeline_mode = #tpu.pipeline_mode<synchronous>, transform_indices = @transform_4, window_bounds = array<i64: 1, 128>}, {pipeline_mode = #tpu.pipeline_mode<synchronous>, transform_indices = @transform_5, window_bounds = array<i64: 1, 128>}, {transform_indices = @transform_6, window_bounds = array<i64: 1024, 1>}, {pipeline_mode = #tpu.pipeline_mode<synchronous>, transform_indices = @transform_7, window_bounds = array<i64: 128, 1>}, {pipeline_mode = #tpu.pipeline_mode<synchronous>, transform_indices = @transform_8, window_bounds = array<i64: 1, 1>}, {pipeline_mode = #tpu.pipeline_mode<synchronous>, transform_indices = @transform_9, window_bounds = array<i64: 64, 1>}]} {
    %get3A = arith.constant 0 : index
    %get3A_0 = arith.constant 0 : index
    %get3A_1 = arith.constant 0 : index
    %get3A_2 = vector.load %arg1[%get3A, %get3A_0, %get3A_1] : memref<2x1024x128xf32, #tpu.memory_space<vmem>>, vector<2x1024x128xf32>
    %get3A_3 = arith.constant 0 : index
    %get3A_4 = arith.constant 0 : index
    %get3A_5 = vector.load %arg2[%get3A_3, %get3A_4] : memref<1024x128xf32, #tpu.memory_space<vmem>>, vector<1024x128xf32>
    %get3A_6 = arith.constant 0 : index
    %get3A_7 = arith.constant 0 : index
    %get3A_8 = vector.load %arg3[%get3A_6, %get3A_7] : memref<1024x1xf32, #tpu.memory_space<vmem>>, vector<1024x1xf32>
    %get3A_9 = arith.constant 0 : index
    %get3A_10 = arith.constant 0 : index
    %get3A_11 = vector.load %arg4[%get3A_9, %get3A_10] : memref<1x128xf32, #tpu.memory_space<vmem>>, vector<1x128xf32>
    %get3A_12 = arith.constant 0 : index
    %get3A_13 = arith.constant 0 : index
    %get3A_14 = vector.load %arg5[%get3A_12, %get3A_13] : memref<1x128xf32, #tpu.memory_space<vmem>>, vector<1x128xf32>
    %get3A_15 = arith.constant 0 : index
    %get3A_16 = arith.constant 0 : index
    %get3A_17 = vector.load %arg6[%get3A_15, %get3A_16] : memref<1x128xf32, #tpu.memory_space<vmem>>, vector<1x128xf32>
    %slice3A = vector.extract_strided_slice %get3A_2 {offsets = [0, 0, 0], sizes = [1, 1024, 128], strides = [1, 1, 1]} : vector<2x1024x128xf32> to vector<1x1024x128xf32>
    %squeeze3A = vector.shape_cast %slice3A : vector<1x1024x128xf32> to vector<1024x128xf32>
    %slice3A_18 = vector.extract_strided_slice %get3A_2 {offsets = [1, 0, 0], sizes = [1, 1024, 128], strides = [1, 1, 1]} : vector<2x1024x128xf32> to vector<1x1024x128xf32>
    %squeeze3A_19 = vector.shape_cast %slice3A_18 : vector<1x1024x128xf32> to vector<1024x128xf32>
    %add3A = arith.addf %squeeze3A, %squeeze3A_19 : vector<1024x128xf32>
    %add3A_20 = arith.addf %add3A, %get3A_5 : vector<1024x128xf32>
    %mul3A = vector.broadcast %get3A_8 : vector<1024x1xf32> to vector<1024x128xf32>
    %mul3A_21 = arith.mulf %mul3A, %add3A_20 : vector<1024x128xf32>
    %add3A_22 = vector.broadcast %get3A_11 : vector<1x128xf32> to vector<1024x128xf32>
    %add3A_23 = arith.addf %mul3A_21, %add3A_22 : vector<1024x128xf32>
    %reduce_sum3A = arith.constant dense<0.000000e+00> : vector<1024xf32>
    %reduce_sum3A_24 = vector.multi_reduction <add>, %add3A_23, %reduce_sum3A [1] : vector<1024x128xf32> to vector<1024xf32>
    %broadcast_in_dim3A = vector.shape_cast %reduce_sum3A_24 : vector<1024xf32> to vector<1024x1xf32>
    %div3A = arith.constant 1.280000e+02 : f32
    %div3A_25 = vector.broadcast %div3A : f32 to vector<1024x1xf32>
    %div3A_26 = arith.divf %broadcast_in_dim3A, %div3A_25 : vector<1024x1xf32>
    %sub3A = vector.broadcast %div3A_26 : vector<1024x1xf32> to vector<1024x128xf32>
    %sub3A_27 = arith.subf %add3A_23, %sub3A : vector<1024x128xf32>
    %mul3A_28 = arith.mulf %sub3A_27, %sub3A_27 : vector<1024x128xf32>
    %reduce_sum3A_29 = arith.constant dense<0.000000e+00> : vector<1024xf32>
    %reduce_sum3A_30 = vector.multi_reduction <add>, %mul3A_28, %reduce_sum3A_29 [1] : vector<1024x128xf32> to vector<1024xf32>
    %broadcast_in_dim3A_31 = vector.shape_cast %reduce_sum3A_30 : vector<1024xf32> to vector<1024x1xf32>
    %div3A_32 = arith.constant 1.280000e+02 : f32
    %div3A_33 = vector.broadcast %div3A_32 : f32 to vector<1024x1xf32>
    %div3A_34 = arith.divf %broadcast_in_dim3A_31, %div3A_33 : vector<1024x1xf32>
    %add3A_35 = arith.constant 9.99999974E-6 : f32
    %add3A_36 = vector.broadcast %add3A_35 : f32 to vector<1024x1xf32>
    %add3A_37 = arith.addf %div3A_34, %add3A_36 : vector<1024x1xf32>
    %rsqrt3A = math.rsqrt %add3A_37 : vector<1024x1xf32>
    %mul3A_38 = vector.broadcast %rsqrt3A : vector<1024x1xf32> to vector<1024x128xf32>
    %mul3A_39 = arith.mulf %sub3A_27, %mul3A_38 : vector<1024x128xf32>
    %mul3A_40 = vector.broadcast %get3A_14 : vector<1x128xf32> to vector<1024x128xf32>
    %mul3A_41 = arith.mulf %mul3A_39, %mul3A_40 : vector<1024x128xf32>
    %add3A_42 = vector.broadcast %get3A_17 : vector<1x128xf32> to vector<1024x128xf32>
    %add3A_43 = arith.addf %mul3A_41, %add3A_42 : vector<1024x128xf32>
    %max3A = arith.constant 0.000000e+00 : f32
    %max3A_44 = vector.broadcast %max3A : f32 to vector<1024x128xf32>
    %max3A_45 = arith.maximumf %add3A_43, %max3A_44 : vector<1024x128xf32>
    %get3A_46 = arith.constant 0 : index
    %get3A_47 = arith.constant 0 : index
    %get3A_48 = vector.load %arg7[%get3A_46, %get3A_47] : memref<1024x1xi32, #tpu.memory_space<vmem>>, vector<1024x1xi32>
    %iota3A = tpu.iota {dimensions = array<i32: 1>} : vector<1024x64xi32>
    %eq3A = vector.broadcast %get3A_48 : vector<1024x1xi32> to vector<1024x64xi32>
    %eq3A_49 = arith.cmpi eq, %eq3A, %iota3A : vector<1024x64xi32>
    %convert_element_type3A = arith.extui %eq3A_49 : vector<1024x64xi1> to vector<1024x64xi32>
    %convert_element_type3A_50 = arith.sitofp %convert_element_type3A : vector<1024x64xi32> to vector<1024x64xf32>
    %dot_general3A = arith.constant dense<0.000000e+00> : vector<64x128xf32>
    %dot_general3A_51 = tpu.matmul %convert_element_type3A_50, %max3A_45, %dot_general3A {dimension_numbers = #tpu.dot_dimension_numbers<[0], [0], [1], [1], [0, 1, 1, 1], [], []>, transpose_lhs_hint = false} : vector<1024x64xf32>, vector<1024x128xf32>, vector<64x128xf32> -> vector<64x128xf32>
    %broadcast_in_dim3A_52 = arith.constant 1.000000e+00 : f32
    %broadcast_in_dim3A_53 = vector.broadcast %broadcast_in_dim3A_52 : f32 to vector<1024x128xf32>
    %dot_general3A_54 = arith.constant dense<0.000000e+00> : vector<64x128xf32>
    %dot_general3A_55 = tpu.matmul %convert_element_type3A_50, %broadcast_in_dim3A_53, %dot_general3A_54 {dimension_numbers = #tpu.dot_dimension_numbers<[0], [0], [1], [1], [0, 1, 1, 1], [], []>, transpose_lhs_hint = false} : vector<1024x64xf32>, vector<1024x128xf32>, vector<64x128xf32> -> vector<64x128xf32>
    %eq3A_56 = arith.constant 0 : i32
    %eq3A_57 = arith.cmpi eq, %arg0, %eq3A_56 : i32
    %convert_element_type3A_58 = arith.extui %eq3A_57 : i1 to i32
    %cond3A = arith.constant 0 : i32
    %cond3A_59 = arith.cmpi ne, %convert_element_type3A_58, %cond3A : i32
    scf.if %cond3A_59 {
      %swap3A = arith.constant 0 : index
      %swap3A_69 = arith.constant 0 : index
      %swap3A_70 = vector.load %arg11[%swap3A, %swap3A_69] : memref<64x128xf32, #tpu.memory_space<vmem>>, vector<64x128xf32>
      tpu.vector_store %arg11[%swap3A, %swap3A_69], %dot_general3A_51 {strides = array<i32>} : memref<64x128xf32, #tpu.memory_space<vmem>>, vector<64x128xf32>,
      %swap3A_71 = arith.constant 0 : index
      %swap3A_72 = arith.constant 0 : index
      %swap3A_73 = vector.load %arg12[%swap3A_71, %swap3A_72] : memref<64x128xf32, #tpu.memory_space<vmem>>, vector<64x128xf32>
      tpu.vector_store %arg12[%swap3A_71, %swap3A_72], %dot_general3A_55 {strides = array<i32>} : memref<64x128xf32, #tpu.memory_space<vmem>>, vector<64x128xf32>,
      %broadcast_in_dim3A_74 = arith.constant 0.000000e+00 : f32
      %broadcast_in_dim3A_75 = vector.broadcast %broadcast_in_dim3A_74 : f32 to vector<64x1xf32>
      %swap3A_76 = arith.constant 0 : index
      %swap3A_77 = arith.constant 0 : index
      %swap3A_78 = vector.load %arg10[%swap3A_76, %swap3A_77] : memref<64x1xf32, #tpu.memory_space<vmem>>, vector<64x1xf32>
      tpu.vector_store %arg10[%swap3A_76, %swap3A_77], %broadcast_in_dim3A_75 {strides = array<i32>} : memref<64x1xf32, #tpu.memory_space<vmem>>, vector<64x1xf32>,
    } else {
    }
    %gt3A = arith.constant 0 : i32
    %gt3A_60 = arith.cmpi sgt, %arg0, %gt3A : i32
    %convert_element_type3A_61 = arith.extui %gt3A_60 : i1 to i32
    %cond3A_62 = arith.constant 0 : i32
    %cond3A_63 = arith.cmpi ne, %convert_element_type3A_61, %cond3A_62 : i32
    scf.if %cond3A_63 {
      %get3A_69 = arith.constant 0 : index
      %get3A_70 = arith.constant 0 : index
      %get3A_71 = vector.load %arg11[%get3A_69, %get3A_70] : memref<64x128xf32, #tpu.memory_space<vmem>>, vector<64x128xf32>
      %add3A_72 = arith.addf %get3A_71, %dot_general3A_51 : vector<64x128xf32>
      %swap3A = arith.constant 0 : index
      %swap3A_73 = arith.constant 0 : index
      %swap3A_74 = vector.load %arg11[%swap3A, %swap3A_73] : memref<64x128xf32, #tpu.memory_space<vmem>>, vector<64x128xf32>
      tpu.vector_store %arg11[%swap3A, %swap3A_73], %add3A_72 {strides = array<i32>} : memref<64x128xf32, #tpu.memory_space<vmem>>, vector<64x128xf32>,
      %get3A_75 = arith.constant 0 : index
      %get3A_76 = arith.constant 0 : index
      %get3A_77 = vector.load %arg12[%get3A_75, %get3A_76] : memref<64x128xf32, #tpu.memory_space<vmem>>, vector<64x128xf32>
      %add3A_78 = arith.addf %get3A_77, %dot_general3A_55 : vector<64x128xf32>
      %swap3A_79 = arith.constant 0 : index
      %swap3A_80 = arith.constant 0 : index
      %swap3A_81 = vector.load %arg12[%swap3A_79, %swap3A_80] : memref<64x128xf32, #tpu.memory_space<vmem>>, vector<64x128xf32>
      tpu.vector_store %arg12[%swap3A_79, %swap3A_80], %add3A_78 {strides = array<i32>} : memref<64x128xf32, #tpu.memory_space<vmem>>, vector<64x128xf32>,
    } else {
    }
    %eq3A_64 = arith.constant 9 : i32
    %eq3A_65 = arith.cmpi eq, %arg0, %eq3A_64 : i32
    %convert_element_type3A_66 = arith.extui %eq3A_65 : i1 to i32
    %cond3A_67 = arith.constant 0 : i32
    %cond3A_68 = arith.cmpi ne, %convert_element_type3A_66, %cond3A_67 : i32
    scf.if %cond3A_68 {
      %get3A_69 = arith.constant 0 : index
      %get3A_70 = arith.constant 0 : index
      %get3A_71 = vector.load %arg11[%get3A_69, %get3A_70] : memref<64x128xf32, #tpu.memory_space<vmem>>, vector<64x128xf32>
      %get3A_72 = arith.constant 0 : index
      %get3A_73 = arith.constant 0 : index
      %get3A_74 = vector.load %arg12[%get3A_72, %get3A_73] : memref<64x128xf32, #tpu.memory_space<vmem>>, vector<64x128xf32>
      %max3A_75 = arith.constant 1.000000e+00 : f32
      %max3A_76 = vector.broadcast %max3A_75 : f32 to vector<64x128xf32>
      %max3A_77 = arith.maximumf %get3A_74, %max3A_76 : vector<64x128xf32>
      %div3A_78 = arith.divf %get3A_71, %max3A_77 : vector<64x128xf32>
      %get3A_79 = arith.constant 0 : index
      %get3A_80 = arith.constant 0 : index
      %get3A_81 = vector.load %arg8[%get3A_79, %get3A_80] : memref<128x1xf32, #tpu.memory_space<vmem>>, vector<128x1xf32>
      %dot_general3A_82 = arith.constant dense<0.000000e+00> : vector<64x1xf32>
      %dot_general3A_83 = tpu.matmul %div3A_78, %get3A_81, %dot_general3A_82 {dimension_numbers = #tpu.dot_dimension_numbers<[1], [0], [0], [1], [0, 0, 1, 1], [], []>, transpose_lhs_hint = false} : vector<64x128xf32>, vector<128x1xf32>, vector<64x1xf32> -> vector<64x1xf32>
      %get3A_84 = arith.constant 0 : index
      %get3A_85 = arith.constant 0 : index
      %get3A_86 = vector.load %arg9[%get3A_84, %get3A_85] : memref<1x1xf32, #tpu.memory_space<vmem>>, vector<1x1xf32>
      %add3A_87 = vector.broadcast %get3A_86 : vector<1x1xf32> to vector<64x1xf32>
      %add3A_88 = arith.addf %dot_general3A_83, %add3A_87 : vector<64x1xf32>
      %swap3A = arith.constant 0 : index
      %swap3A_89 = arith.constant 0 : index
      %swap3A_90 = vector.load %arg10[%swap3A, %swap3A_89] : memref<64x1xf32, #tpu.memory_space<vmem>>, vector<64x1xf32>
      tpu.vector_store %arg10[%swap3A, %swap3A_89], %add3A_88 {strides = array<i32>} : memref<64x1xf32, #tpu.memory_space<vmem>>, vector<64x1xf32>,
    } else {
    }
    return
  }
  func.func @transform_0(%arg0: i32) -> (i32, i32, i32) {
    %c0_i32 = arith.constant 0 : i32
    %c0_i32_0 = arith.constant 0 : i32
    %c0_i32_1 = arith.constant 0 : i32
    return %c0_i32, %arg0, %c0_i32_0 : i32, i32, i32
  }
  func.func @transform_1(%arg0: i32) -> (i32, i32) {
    %c0_i32 = arith.constant 0 : i32
    %c0_i32_0 = arith.constant 0 : i32
    return %arg0, %c0_i32 : i32, i32
  }
  func.func @transform_2(%arg0: i32) -> (i32, i32) {
    %c0_i32 = arith.constant 0 : i32
    %c0_i32_0 = arith.constant 0 : i32
    return %arg0, %c0_i32 : i32, i32
  }
  func.func @transform_3(%arg0: i32) -> (i32, i32) {
    %c0_i32 = arith.constant 0 : i32
    %c0_i32_0 = arith.constant 0 : i32
    %c0_i32_1 = arith.constant 0 : i32
    return %c0_i32, %c0_i32_0 : i32, i32
  }
  func.func @transform_4(%arg0: i32) -> (i32, i32) {
    %c0_i32 = arith.constant 0 : i32
    %c0_i32_0 = arith.constant 0 : i32
    %c0_i32_1 = arith.constant 0 : i32
    return %c0_i32, %c0_i32_0 : i32, i32
  }
  func.func @transform_5(%arg0: i32) -> (i32, i32) {
    %c0_i32 = arith.constant 0 : i32
    %c0_i32_0 = arith.constant 0 : i32
    %c0_i32_1 = arith.constant 0 : i32
    return %c0_i32, %c0_i32_0 : i32, i32
  }
  func.func @transform_6(%arg0: i32) -> (i32, i32) {
    %c0_i32 = arith.constant 0 : i32
    %c0_i32_0 = arith.constant 0 : i32
    return %arg0, %c0_i32 : i32, i32
  }
  func.func @transform_7(%arg0: i32) -> (i32, i32) {
    %c0_i32 = arith.constant 0 : i32
    %c0_i32_0 = arith.constant 0 : i32
    %c0_i32_1 = arith.constant 0 : i32
    return %c0_i32, %c0_i32_0 : i32, i32
  }
  func.func @transform_8(%arg0: i32) -> (i32, i32) {
    %c0_i32 = arith.constant 0 : i32
    %c0_i32_0 = arith.constant 0 : i32
    %c0_i32_1 = arith.constant 0 : i32
    return %c0_i32, %c0_i32_0 : i32, i32
  }
  func.func @transform_9(%arg0: i32) -> (i32, i32) {
    %c0_i32 = arith.constant 0 : i32
    %c0_i32_0 = arith.constant 0 : i32
    %c0_i32_1 = arith.constant 0 : i32
    return %c0_i32, %c0_i32_0 : i32, i32
  }
}

</mosaic_0001>

<sc_bundles>
// kernel: kernel.11.cloned.1.call-start
scs
__scs_entry_jumppad:
0x0: {  	(pc) =	sbr.rel $0x88, $3  }
0x1: {  	(tag) =	ssettag $0x0;
	lr =	simm.s32 $0x1  }
0x2: {  	[smem:$0x3F93] =	sst lr;
	_ =	strace $0xD0000000  }
0x3: {  	_ = 	snop  }
0x4: {  	_ = 	snop  }
0x5: {  	_ = 	snop  }
0x6: {  	_ = 	snop  }
0x7: {  	_ = 	snop  }
__scs_overlays_trampoline_lowered:
0x8: {  	[smem:$0x3FA2] =	sst s0  }
0x9: {  	[smem:$0x3FA3] =	sst s1  }
0xa: {  	[smem:$0x3FA4] =	sst s2  }
0xb: {  	[smem:$0x3FA5] =	sst s3  }
0xc: {  	[smem:$0x3FA6] =	sst s4  }
0xd: {  	[smem:$0x3FA7] =	sst s5  }
0xe: {  	[smem:$0x3FA8] =	sst s6  }
0xf: {  	[smem:$0x3FA9] =	sst s7  }
0x10: {  	[smem:$0x3FAA] =	sst s8  }
0x11: {  	[smem:$0x3FAB] =	sst s9;
	s0 =	simm.s32 @!p0 $0x0  }
0x12: {  	s1 =	sld [smem:$0x3F91];
	s0 =	simm.s32 @p0 $0x1  }
0x13: {  	[smem:$0x3FAC] =	sst s0;
	s0 =	simm.s32 @!p1 $0x0  }
0x14: {  	s2 =	sld [smem:$0x3F90];
	s0 =	simm.s32 @p1 $0x1  }
0x15: {  	[smem:$0x3FAD] =	sst s0;
	s0 =	simm.s32 @!p2 $0x0  }
0x16: {  	s3 =	sld [smem:$0x3FDB];
	s0 =	simm.s32 @p2 $0x1  }
0x17: {  	s4 =	simm.s32 $0x1BF5;
	[smem:$0x3FAF] =	sst s0  }
0x18: {  	s0 =	sld [smem:$0x3F92];
	_ =	swait.ge [sflag:s4], $0x0  }
0x19: {  	s7 =	sld [smem:$0x3F93]  }
0x1a: {  	s8 =	sadd.s32 $0xFFFFE003, lr  }
0x1b: {  	s9 =	sadd.s32 $0xFFFFFEF7, lr;
	s5 =	simm.s32 $0xFFFFFFFF;
	p2 =	slt.u32 s8, $0xFFFFF086  }
0x1c: {  	p1 =	slt.u32 s9, $0xF7A;
	s5 =	simm.s32 @!p2 $0x0  }
0x1d: {  	s5 =	simm.s32 @p1 $0x1;
	p0 =	seq.s32 s7, s2  }
0x1e: {  	s7 =	smul.u32 @!p0 $0xF7A, s2;
	p2 =	seq.s32 @!p0 s5, $0x0  }
0x1f: {  	s9 =	smul.u32 $0xF7A, s1;
	s8 =	simm.s32 @!p0 $0x1BF5;
	p2 =	por !p2, p0  }
0x20: {  	[sflag:s8] =	ssyncset.s32 @!p0 $0xFFFFF086;
	s6 =	sadd.s32 @!p0 s3, s7;
	s7 =	simm.s32 @!p0 $0x108  }
0x21: {  	s3 =	sadd.s32 s3, s9;
	s6 =	sadd.s32 @!p0 $0x88, s6;
	s7 =	simm.s32 @p2 $0x1082  }
0x22: {  	[simem:s7], [sflag:s8] =	dma.local @!p0 [hbm:s6], $0xF7A  }
0x23: {  	s9 =	sor.u32 $0xD0000000, s2;
	s6 =	simm.s32 $0x108;
	_ =	swait.ge @!p0 [sflag:s8], $0x0  }
0x24: {  	s3 =	sadd.s32 $0x88, s3;
	s6 =	simm.s32 @!p1 $0x1082;
	[sflag:s4] =	ssyncset.s32 $0xFFFFF086  }
0x25: {  	[simem:s6], [sflag:s4] =	dma.local [hbm:s3], $0xF7A  }
0x26: {  	[smem:$0x3F93] =	sst s1;
	(tag) =	ssettag s2;
	_ =	strace s9  }
0x27: {  	s1 =	sld [smem:$0x3FA3]  }
0x28: {  	s2 =	sld [smem:$0x3FA4]  }
0x29: {  	s4 =	sld [smem:$0x3FA6]  }
0x2a: {  	p0 =	seq.s32 s5, $0x0;
	s5 =	sld [smem:$0x3FA7]  }
0x2b: {  	s6 =	sld [smem:$0x3FA8]  }
0x2c: {  	s7 =	sld [smem:$0x3FA9]  }
0x2d: {  	s3 =	simm.s32 $0x108;
	s8 =	sld [smem:$0x3FAA]  }
0x2e: {  	s3 =	simm.s32 @!p0 $0x1082;
	s9 =	sld [smem:$0x3FAB]  }
0x2f: {  	lr =	sadd.s32 s0, s3;
	s0 =	sld [smem:$0x3FA2]  }
0x30: {  	s3 =	sld [smem:$0x3FA5]  }
0x31: {  	[smem:$0x3FAE] =	sst s10  }
0x32: {  	s10 =	sld [smem:$0x3FAC];
	_ =	sdelay $0x3  }
0x33: {  	p0 =	seq.s32 s10, $0x1;
	s10 =	sld [smem:$0x3FAE];
	_ =	sdelay $0x3  }
0x34: {  	[smem:$0x3FAE] =	sst s10  }
0x35: {  	s10 =	sld [smem:$0x3FAD];
	_ =	sdelay $0x3  }
0x36: {  	p1 =	seq.s32 s10, $0x1;
	s10 =	sld [smem:$0x3FAE];
	_ =	sdelay $0x3  }
0x37: {  	[smem:$0x3FAE] =	sst s10  }
0x38: {  	s10 =	sld [smem:$0x3FAF]  }
0x39: {  	_ = 	snop;
	(pc) =	sbr.ind lr, $3  }
0x3a: {  	_ = 	snop  }
0x3b: {  	_ = 	snop  }
0x3c: {  	p2 =	seq.s32 s10, $0x1;
	s10 =	sld [smem:$0x3FAE]  }
0x3d: {  	_ =	shalt  }
0x3e: {  	_ =	shalt  }
0x3f: {  	_ =	shalt  }
0x40: {  	_ =	shalt  }
0x41: {  	_ =	shalt  }
0x42: {  	_ =	shalt  }
0x43: {  	_ =	shalt  }
0x44: {  	_ =	shalt  }
0x45: {  	_ =	shalt  }
0x46: {  	_ =	shalt  }
0x47: {  	_ =	shalt  }
0x48: {  	_ =	shalt  }
0x49: {  	_ =	shalt  }
0x4a: {  	_ =	shalt  }
0x4b: {  	_ =	shalt  }
0x4c: {  	_ =	shalt  }
0x4d: {  	_ =	shalt  }
0x4e: {  	_ =	shalt  }
0x4f: {  	_ =	shalt  }
0x50: {  	_ =	shalt  }
0x51: {  	_ =	shalt  }
0x52: {  	_ =	shalt  }
0x53: {  	_ =	shalt  }
0x54: {  	_ =	shalt  }
0x55: {  	_ =	shalt  }
0x56: {  	_ =	shalt  }
0x57: {  	_ =	shalt  }
0x58: {  	_ =	shalt  }
0x59: {  	_ =	shalt  }
0x5a: {  	_ =	shalt  }
0x5b: {  	_ =	shalt  }
0x5c: {  	_ =	shalt  }
0x5d: {  	_ =	shalt  }
0x5e: {  	_ =	shalt  }
0x5f: {  	_ =	shalt  }
0x60: {  	_ =	shalt  }
0x61: {  	_ =	shalt  }
0x62: {  	_ =	shalt  }
0x63: {  	_ =	shalt  }
0x64: {  	_ =	shalt  }
0x65: {  	_ =	shalt  }
0x66: {  	_ =	shalt  }
0x67: {  	_ =	shalt  }
0x68: {  	_ =	shalt  }
0x69: {  	_ =	shalt  }
0x6a: {  	_ =	shalt  }
0x6b: {  	_ =	shalt  }
0x6c: {  	_ =	shalt  }
0x6d: {  	_ =	shalt  }
0x6e: {  	_ =	shalt  }
0x6f: {  	_ =	shalt  }
0x70: {  	_ =	shalt  }
0x71: {  	_ =	shalt  }
0x72: {  	_ =	shalt  }
0x73: {  	_ =	shalt  }
0x74: {  	_ =	shalt  }
0x75: {  	_ =	shalt  }
0x76: {  	_ =	shalt  }
0x77: {  	_ =	shalt  }
0x78: {  	_ =	shalt  }
0x79: {  	_ =	shalt  }
0x7a: {  	_ =	shalt  }
0x7b: {  	_ =	shalt  }
0x7c: {  	_ =	shalt  }
0x7d: {  	_ =	shalt  }
0x7e: {  	_ =	shalt  }
0x7f: {  	_ =	shalt  }
0x80: {  	_ =	shalt  }
0x81: {  	_ =	shalt  }
0x82: {  	_ =	shalt  }
0x83: {  	_ =	shalt  }
0x84: {  	_ =	shalt  }
0x85: {  	_ =	shalt  }
0x86: {  	_ =	shalt  }
0x87: {  	_ =	shalt  }
.Lfunc_end0:
.L_simem_size_0:
called_computation.1_lowered:
.L_overlay_start_0:
0x88: {  	s2 =	sld [smem:$0x3FD9]  }
0x89: {  	s3 =	sld [smem:$0x3FFE];
	_ =	sdelay $0x1  }
0x8a: {  	s1 =	srdreg.scid  }
0x8b: {  	s0 =	sand.u32 $0x1, s1  }
0x8c: {  	s16 =	sshll.u32 s0, $0xA;
	s2 =	sadd.s32 s3, s2  }
0x8d: {  	s2 =	sadd.s32 s2, s16  }
0x8e: {  	[smem:$0x3FBA] =	sst s2  }
0x8f: {  	_ = 	snop  }
0x90: {  	(tm) =	ssettm $0x1  }
0x91: {  	s17 =	sld [smem:$0x3FFB];
	_ =	sdelay $0x3  }
0x92: {  	_ =	strace s17  }
0x93: {  	s2 =	sld [smem:$0x3FFC];
	_ =	sdelay $0x3  }
0x94: {  	_ =	strace s2  }
0x95: {  	s2 =	sld [smem:$0x3FFD];
	_ =	sdelay $0x3  }
0x96: {  	_ =	strace s2  }
0x97: {  	_ =	strace $0x8FFFFFFF  }
0x98: {  	s18 =	sld [smem:$0x3FDB];
	_ =	sdelay $0x1  }
0x99: {  	s19 =	simm.s32 $_scs_section_size  }
0x9a: {  	s4 =	simm.s32 $_size__tile_overlayer_lowered;
	s5 =	simm.s32 $_tile_overlayer_lowered  }
0x9b: {  	s22 =	simm.s32 $0x1BFF;
	s21 =	sshll.u32 s5, $0x1;
	s2 =	sadd.s32 s19, s18  }
0x9c: {  	s6 =	simm.s32 $0x0;
	s20 =	sshll.u32 s4, $0x1;
	s4 =	sadd.s32 s21, s2  }
0x9d: {  	[timem:s6], [sflag:s22] =	dma.local [hbm:s4], s20  }
0x9e: {  	_ =	swait.ge [sflag:s22], s20  }
0x9f: {  	s3 =	ssub.s32 $0x0, s20;
	[sflag:s22] =	ssyncset.done $0x0  }
0xa0: {  	[sflag:s22] =	ssyncadd.s32 s3;
	_ =	sdelay $0x1  }
0xa1: {  	s23 =	simm.s32 $0x1B8B  }
0xa2: {  	_ =	swait.ge [sflag:s23], $0x1  }
0xa3: {  	[sflag:s23] =	ssyncset.done $0x0  }
0xa4: {  	s25 =	simm.s32 $0x1B8E;
	s24 =	sld [smem:$0x3FFE];
	[sflag:s23] =	ssyncadd.s32 $0xFFFFFFFF  }
0xa5: {  	s26 =	simm.s32 $execute0_lowered;
	[smem:$0x3FD2] =	sst s25  }
0xa6: {  	s4 =	sshll.u32 s26, $0x1;
	_ =	strace $0x80000049;
	[dreg:$0x1] =	wrdreg $0xFFFFFFFF  }
0xa7: {  	s28 =	simm.s32 $_size_execute0_lowered;
	s2 =	sadd.s32 s2, s4;
	[dreg:$0x0] =	wrdreg $0x0  }
0xa8: {  	s4 =	sshll.u32 s28, $0x1;
	[dreg:$0x2] =	wrdreg s2  }
0xa9: {  	[dreg:$0x3] =	wrdreg s4  }
0xaa: {  	[dreg:$0x4] =	wrdreg $0xC0  }
0xab: {  	_ =	task [dreg:s6], $0x5FFFF  }
0xac: {  	[dreg:$0x1] =	wrdreg $0xFFFFFFFF  }
0xad: {  	[dreg:$0x0] =	wrdreg $0x60  }
0xae: {  	[dreg:$0x2] =	wrdreg s24  }
0xaf: {  	[dreg:$0x3] =	wrdreg $0xC4000  }
0xb0: {  	[dreg:$0x4] =	wrdreg $0x9  }
0xb1: {  	_ =	task.clear_ibuf [dreg:s6], $0x5FFFF;
	_ =	strace $0x90000049  }
0xb2: {  	s29 =	simm.s32 $0x9;
	_ =	strace $0x8000004B  }
0xb3: {  	_ =	swait.ge [sflag:s29], $0x1  }
0xb4: {  	[sflag:s29] =	ssyncadd.s32 $0xFFFFFFFF  }
0xb5: {  	_ =	strace $0x9000004B  }
0xb6: {  	_ =	sfence  }
0xb7: {  	s30 =	sld [smem:$0x0];
	_ =	sdelay $0x2  }
0xb8: {  	s31 =	sshll.u32 s1, $0xD;
	s1 =	sshrl.u32 s1, $0x2  }
0xb9: {  	s3 =	sand.u32 $0x4000, s31;
	s1 =	sadd.s32 s1, s30  }
0xba: {  	s0 =	sor.u32 s3, s0;
	s1 =	sshll.u32 s1, $0x11  }
0xbb: {  	s0 =	sor.u32 s1, s0  }
0xbc: {  	s0 =	sadd.s32 $0x8F2B, s0  }
0xbd: {  	[sflag:s0] =	ssyncadd.remote.s32 $0x1  }
0xbe: {  	_ =	sfence.sel $0xFFFF  }
0xbf: {  	[dreg:$0x0] =	wrdreg $0xFFFFFFFF;
	(pc) =	sbr.abs _section_cstart, $3  }
0xc0: {  	[dreg:$0x1] =	wrdreg $0xFFFFFFFF  }
0xc1: {  	_ =	task.clear_ibuf [dreg:s6], $0x2FFFF;
	_ =	strace $0x9FFFFFFF  }
0xc2: {  	(tm) =	ssettm $0x7FFFFFFF  }
0xc3: {  	_ =	shalt  }
tec
execute0_lowered:
.L_overlay_start_1:
0x0: {  	(tag) =	ssettag $0x1  }
0x1: {  	s0 =	rddreg [dreg:$0x0]  }
0x2: {  	s1 =	rddreg [dreg:$0x1];
	s2 =	simm.s32 $0x0  }
0x3: {  	s5 =	srdreg.scid;
	s12 =	stileid.u32;
	s29 =	simm.s32 $0x80  }
0x4: {  	s28 =	simm.s32 $0x1;
	s30 =	simm.s32 $0x4;
	s31 =	simm.s32 $0x8400  }
0x5: {  	[smem:$0x7FF] =	sst s2;
	s3 =	sadd.s32 $0xDC00, s0;
	s4 =	sadd.s32 $0x36C00, s0  }
0x6: {  	s8 =	sand.u32 $0x1, s5;
	s5 =	sadd.s32 $0x2C00, s0;
	s7 =	smul.u32 $0x4F000, s12  }
0x7: {  	s0 =	sadd.s32 $0x41C00, s0;
	s13 =	smul.u32 $0x13C00, s12;
	s22 =	sshll.u32 s12, $0x1  }
0x8: {  	p0 =	sne.s32 s12, $0x0;
	s12 =	simm.s32 $0x3;
	_ =	strace $0x8000004A  }
0x9: {  	s6 =	ssub.s32 $0x2, s8;
	s23 =	sor.u32 s8, s22;
	s17 =	smul.u32 $0x140000, s8  }
0xa: {  	s9 =	sshrl.u32 s6, $0x1;
	s7 =	sshrl.u32 s7, $0x2;
	s15 =	sadd.s32 $0x4000, s13  }
0xb: {  	s16 =	sadd.s32 $0x8000, s13;
	s18 =	sadd.s32 $0xC000, s13;
	s19 =	sadd.s32 $0x10000, s13  }
0xc: {  	s14 =	ssub.s32 s6, s9;
	s6 =	sadd.s32 s7, s1;
	s7 =	sadd.s32 s15, s1  }
0xd: {  	s8 =	sadd.s32 s16, s1;
	s9 =	smul.u32 $0x2C00, s23;
	s10 =	sadd.s32 s18, s1  }
0xe: {  	s20 =	sshrl.u32 s17, $0x3;
	s22 =	sadd.s32 s19, s1;
	[dreg:$0x3] =	wrdreg s7  }
0xf: {  	s13 =	sadd.s32 s13, s17;
	s15 =	sadd.s32 s17, s15;
	[dreg:$0x4] =	wrdreg s8  }
0x10: {  	s16 =	sadd.s32 s17, s16;
	s20 =	sadd.s32 s0, s20;
	[dreg:$0x5] =	wrdreg s10  }
0x11: {  	s16 =	sshrl.u32 s16, $0x3;
	[dreg:$0x6] =	wrdreg s22;
	s11 =	sadd.s32 $0x27800, s20  }
0x12: {  	s21 =	sshrl.u32 s9, $0x3;
	s20 =	sadd.s32 s0, s16;
	[dreg:$0x7] =	wrdreg s11  }
0x13: {  	s18 =	sadd.s32 s17, s18;
	s24 =	sadd.s32 s4, s21;
	[dreg:$0xe] =	wrdreg s20  }
0x14: {  	s25 =	sadd.s32 s5, s21;
	s26 =	sor.u32 $0x10, s21;
	[dreg:$0x8] =	wrdreg s24  }
0x15: {  	s17 =	sadd.s32 s17, s19;
	[dreg:$0x9] =	wrdreg s25;
	s23 =	sadd.s32 s4, s26  }
0x16: {  	s13 =	sshrl.u32 s13, $0x3;
	s24 =	sadd.s32 s5, s26;
	[dreg:$0xa] =	wrdreg s23  }
0x17: {  	s11 =	sshrl.u32 s15, $0x3;
	s26 =	sadd.s32 s0, s13;
	[dreg:$0xb] =	wrdreg s24  }
0x18: {  	s18 =	sshrl.u32 s18, $0x3;
	s15 =	sadd.s32 s0, s11;
	[dreg:$0xc] =	wrdreg s26  }
0x19: {  	s25 =	sor.u32 $0x20, s21;
	s21 =	sadd.s32 s0, s18;
	[dreg:$0xd] =	wrdreg s15  }
0x1a: {  	s13 =	simm.s32 $0x5;
	[dreg:$0xf] =	wrdreg s21;
	s24 =	sadd.s32 s4, s25  }
0x1b: {  	s23 =	sshrl.u32 s17, $0x3;
	s25 =	sadd.s32 s5, s25;
	[dreg:$0x11] =	wrdreg s24  }
0x1c: {  	s26 =	smax.u32 s14, $0x1;
	s14 =	simm.s32 $0x0;
	[dreg:$0x12] =	wrdreg s25  }
0x1d: {  	s0 =	sadd.s32 s0, s23;
	[dreg:$0x13] =	wrdreg s26;
	s25 =	simm.s32 $0x400  }
0x1e: {  	v0 =	vimm.f32 $0.0e+00;
	s26 =	simm.s32 $0x6;
	[dreg:$0x10] =	wrdreg s0;
	s0 =	simm.s32 $0x4400  }
.LBB2_1:
0x1f: {  	s15 =	simm.s32 $0x0;
	s16 =	simm.s32 $0x200  }
.LBB2_2:
0x20: {  	p1 =	sne.s32 s16, $0xFE00;
	[tilespmem:s15+$0x470] =	vst v0  }
0x21: {  	[tilespmem:s15+$0x400] =	vst v0  }
0x22: {  	[tilespmem:s15+$0x410] =	vst v0  }
.Ltmp0:
0x23: {  	[tilespmem:s15+$0x420] =	vst v0;
	(pc) =	sbr.rel @p1 .LBB2_2-.Ltmp0, $4  }
0x24: {  	[tilespmem:s15+$0x430] =	vst v0  }
0x25: {  	[tilespmem:s15+$0x440] =	vst v0  }
0x26: {  	[tilespmem:s15+$0x450] =	vst v0  }
0x27: {  	[tilespmem:s15+$0x460] =	vst v0;
	s15 =	sshra.s32 s16, $0x2;
	s16 =	sadd.s32 $0x200, s16  }
0x28: {  	[tilespmem:s15+$0x470] =	vst v0  }
0x29: {  	[tilespmem:s15+$0x400] =	vst v0  }
0x2a: {  	[tilespmem:s15+$0x410] =	vst v0  }
0x2b: {  	[tilespmem:s15+$0x420] =	vst v0  }
0x2c: {  	[tilespmem:s15+$0x430] =	vst v0  }
0x2d: {  	[tilespmem:s15+$0x440] =	vst v0  }
0x2e: {  	[tilespmem:s15+$0x450] =	vst v0  }
0x2f: {  	[tilespmem:s15+$0x460] =	vst v0  }
0x30: {  	[spmem:s6] =	stream.linear.scatter [tilespmem:s25], [sflag:$0x6], $0x4000, $0x38;
	v63 =	vld [tilespmem:$0x0]  }
0x31: {  	_ =	swait.ge [sflag:s26], $0x4000  }
0x32: {  	[sflag:s26] =	ssyncset.done $0x0  }
0x33: {  	[sflag:s26] =	ssyncadd.s32 $0xFFFFC000  }
0x34: {  	[spmem:s7] =	stream.linear.scatter [tilespmem:s25], [sflag:$0x6], $0x4000, $0x38;
	v63 =	vld [tilespmem:$0x0]  }
0x35: {  	_ =	swait.ge [sflag:s26], $0x4000  }
0x36: {  	[sflag:s26] =	ssyncset.done $0x0  }
0x37: {  	[sflag:s26] =	ssyncadd.s32 $0xFFFFC000  }
0x38: {  	[spmem:s8] =	stream.linear.scatter [tilespmem:s25], [sflag:$0x6], $0x4000, $0x38;
	v63 =	vld [tilespmem:$0x0]  }
0x39: {  	_ =	swait.ge [sflag:s26], $0x4000  }
0x3a: {  	[sflag:s26] =	ssyncset.done $0x0  }
0x3b: {  	[sflag:s26] =	ssyncadd.s32 $0xFFFFC000  }
0x3c: {  	[spmem:s10] =	stream.linear.scatter [tilespmem:s25], [sflag:$0x6], $0x4000, $0x38;
	v63 =	vld [tilespmem:$0x0]  }
0x3d: {  	_ =	swait.ge [sflag:s26], $0x4000  }
0x3e: {  	[sflag:s26] =	ssyncset.done $0x0  }
0x3f: {  	[sflag:s26] =	ssyncadd.s32 $0xFFFFC000  }
0x40: {  	[spmem:s22] =	stream.linear.scatter [tilespmem:s25], [sflag:$0x6], $0x3C00, $0x38;
	v63 =	vld [tilespmem:$0x0]  }
0x41: {  	_ =	swait.ge [sflag:s26], $0x3C00  }
0x42: {  	s11 =	smov.u32 s6;
	s15 =	simm.s32 @!p0 $0x0;
	[sflag:s26] =	ssyncset.done $0x0  }
0x43: {  	s16 =	simm.s32 @!p0 $0x400;
	s6 =	rddreg [dreg:$0x7];
	[sflag:s26] =	ssyncadd.s32 $0xFFFFC400  }
0x44: {  	[hbm4b:s6+s15] =	stream.linear.scatter @!p0 [tilespmem:s16], [sflag:$0x6], $0x4000, $0x38;
	v63 =	vld [tilespmem:$0x0]  }
0x45: {  	s15 =	simm.s32 @!p0 $0x6  }
0x46: {  	_ =	swait.ge @!p0 [sflag:s15], $0x4000  }
0x47: {  	[sflag:s15] =	ssyncset.done @!p0 $0x0  }
0x48: {  	[sflag:s15] =	ssyncadd.s32 @!p0 $0xFFFFC000  }
0x49: {  	[bflag:$0x0] =	sbarrier.arrive $0xFFFF  }
0x4a: {  	s21 =	rddreg [dreg:$0x8]  }
0x4b: {  	[tilespmem:s2], [sflag:$0x6] =	stream.linear.gather [hbm4b:s21+s2], $0x80, $0x38;
	v63 =	vld [tilespmem:$0x0]  }
0x4c: {  	_ =	swait.ge [sflag:s26], $0x80  }
0x4d: {  	[sflag:s26] =	ssyncset.done $0x0  }
0x4e: {  	s23 =	simm.s32 $0x200;
	s22 =	rddreg [dreg:$0x9];
	[sflag:s26] =	ssyncadd.s32 $0xFFFFFF80  }
0x4f: {  	[tilespmem:s23], [sflag:$0x6] =	stream.linear.gather [hbm4b:s22+s2], $0x80, $0x38;
	v63 =	vld [tilespmem:$0x0]  }
0x50: {  	_ =	swait.ge [sflag:s26], $0x80  }
0x51: {  	[sflag:s26] =	ssyncset.done $0x0  }
0x52: {  	s24 =	rddreg [dreg:$0xa];
	[sflag:s26] =	ssyncadd.s32 $0xFFFFFF80  }
0x53: {  	[tilespmem:s29], [sflag:$0x6] =	stream.linear.gather [hbm4b:s24+s2], $0x80, $0x38;
	v63 =	vld [tilespmem:$0x0]  }
0x54: {  	_ =	swait.ge [sflag:s26], $0x80  }
0x55: {  	[sflag:s26] =	ssyncset.done $0x0  }
0x56: {  	s16 =	simm.s32 $0x280;
	s7 =	rddreg [dreg:$0xb];
	[sflag:s26] =	ssyncadd.s32 $0xFFFFFF80  }
0x57: {  	[tilespmem:s16], [sflag:$0x6] =	stream.linear.gather [hbm4b:s7+s2], $0x80, $0x38;
	v63 =	vld [tilespmem:$0x0]  }
0x58: {  	_ =	swait.ge [sflag:s26], $0x80  }
0x59: {  	[sflag:s26] =	ssyncset.done $0x0  }
0x5a: {  	s10 =	simm.s32 $0x100;
	s8 =	rddreg [dreg:$0x11];
	[sflag:s26] =	ssyncadd.s32 $0xFFFFFF80  }
0x5b: {  	[tilespmem:s10], [sflag:$0x4] =	stream.linear.gather [hbm4b:s8+s2], $0x80, $0x38;
	v63 =	vld [tilespmem:$0x0]  }
0x5c: {  	s17 =	simm.s32 $0x300;
	s15 =	rddreg [dreg:$0x12]  }
0x5d: {  	[tilespmem:s17], [sflag:$0x4] =	stream.linear.gather [hbm4b:s15+s2], $0x80, $0x38;
	v63 =	vld [tilespmem:$0x0]  }
0x5e: {  	_ = 	snop  }
0x5f: {  	[tilespmem:s25], [sflag:$0x1] =	stream.indirect.gather [hbm4b:s3+s29], $0x80, s2, s29, $0xb8;
	v63 =	vld [tilespmem:$0x0]  }
0x60: {  	_ = 	snop  }
0x61: {  	[tilespmem:s0], [sflag:$0x2] =	stream.indirect.gather [hbm4b:s3+s29], $0x80, s29, s29, $0xb8;
	v63 =	vld [tilespmem:$0x0]  }
0x62: {  	_ =	swait.ge [sflag:s28], $0x4000  }
0x63: {  	[sflag:s28] =	ssyncset.done $0x0  }
0x64: {  	[sflag:s28] =	ssyncadd.s32 $0xFFFFC000  }
0x65: {  	p1 =	por $0x1, $0x1;
	s18 =	simm.s32 $0x0;
	_ =	swait.ge [sflag:s30], $0x80  }
0x66: {  	s18 =	sand.u32 $0x600, s18;
	s17 =	simm.s32 @p1 $0x180;
	[sflag:s30] =	ssyncset.done $0x0  }
0x67: {  	s21 =	sxor.u32 $0x400, s18;
	s19 =	sand.u32 @p1 $0x7C00, s17;
	[sflag:s30] =	ssyncadd.s32 $0xFFFFFF80  }
0x68: {  	s20 =	sand.u32 @p1 $0x380, s17;
	s15 =	sadd.s32 @p1 s9, s19;
	_ =	swait.ge [sflag:s30], $0x80  }
0x69: {  	s19 =	sand.u32 @p1 $0x180, s17;
	s15 =	sor.u32 @p1 s20, s15;
	[sflag:s30] =	ssyncset.done $0x0  }
0x6a: {  	s17 =	sshrl.u32 s21, $0x2;
	s15 =	sshrl.u32 @p1 s15, $0x3;
	[sflag:s30] =	ssyncadd.s32 $0xFFFFFF80  }
0x6b: {  	[tilespmem:s31], [sflag:$0x3] =	stream.indirect.gather [hbm4b:s3+s29], $0x80, s17, s29, $0xb8;
	v63 =	vld [tilespmem:$0x0]  }
0x6c: {  	s20 =	simm.s32 @p1 $0x0;
	s22 =	sor.u32 @p1 $0x200, s19;
	s21 =	sadd.s32 @p1 s4, s15  }
0x6d: {  	[tilespmem:s19], [sflag:$0x4] =	stream.linear.gather @p1 [hbm4b:s21+s20], $0x80, $0x38;
	v63 =	vld [tilespmem:$0x0]  }
0x6e: {  	s15 =	sadd.s32 @p1 s5, s15;
	s19 =	sshrl.u32 @p1 s18, $0x2;
	s21 =	simm.s32 @p1 $0x6  }
0x6f: {  	[tilespmem:s22], [sflag:$0x4] =	stream.linear.gather @p1 [hbm4b:s15+s20], $0x80, $0x38;
	v63 =	vld [tilespmem:$0x0]  }
0x70: {  	s15 =	sor.u32 @p1 $0x200, s19;
	s19 =	simm.s32 @p1 $0x80;
	s22 =	simm.s32 @p1 $0x400  }
0x71: {  	[spmem:s1] =	stream.indirect.scatter.add.f32 @p1 [tilespmem:s22], [sflag:$0x6], $0x80, s15, s19, $0xb8;
	v63 =	vld [tilespmem:$0x0]  }
0x72: {  	_ =	swait.ge @p1 [sflag:s21], $0x4000  }
0x73: {  	[sflag:s21] =	ssyncset.done @p1 $0x0  }
0x74: {  	s15 =	simm.s32 @p1 $0x2;
	[sflag:s21] =	ssyncadd.s32 @p1 $0xFFFFC000  }
0x75: {  	_ =	swait.ge @p1 [sflag:s15], $0x4000  }
0x76: {  	[sflag:s15] =	ssyncset.done @p1 $0x0  }
0x77: {  	s21 =	simm.s32 @p1 $0x4;
	[sflag:s15] =	ssyncadd.s32 @p1 $0xFFFFC000  }
0x78: {  	_ =	swait.ge @p1 [sflag:s21], $0x80  }
0x79: {  	[sflag:s21] =	ssyncset.done @p1 $0x0  }
0x7a: {  	[sflag:s21] =	ssyncadd.s32 @p1 $0xFFFFFF80  }
0x7b: {  	s15 =	simm.s32 $0x600;
	_ =	swait.ge @p1 [sflag:s21], $0x80  }
0x7c: {  	s23 =	sand.u32 @p1 $0x600, s15;
	[sflag:s21] =	ssyncset.done @p1 $0x0  }
0x7d: {  	[sflag:s21] =	ssyncadd.s32 @p1 $0xFFFFFF80;
	s21 =	sshrl.u32 @p1 s23, $0x2  }
0x7e: {  	[tilespmem:s22], [sflag:$0x1] =	stream.indirect.gather @p1 [hbm4b:s3+s19], $0x80, s21, s19, $0xb8;
	v63 =	vld [tilespmem:$0x0]  }
0x7f: {  	s19 =	simm.s32 @p1 $0x200  }
0x80: {  	s21 =	sand.u32 @p1 $0x7C00, s19  }
0x81: {  	s19 =	sand.u32 @p1 $0x380, s19;
	s21 =	sadd.s32 @p1 s9, s21  }
0x82: {  	s19 =	sor.u32 @p1 s19, s21  }
0x83: {  	s21 =	simm.s32 @p1 $0x0;
	s19 =	sshrl.u32 @p1 s19, $0x3  }
0x84: {  	s21 =	sand.u32 @p1 $0x180, s21;
	s22 =	sadd.s32 @p1 s4, s19  }
0x85: {  	[tilespmem:s21], [sflag:$0x4] =	stream.linear.gather @p1 [hbm4b:s22+s20], $0x80, $0x38;
	v63 =	vld [tilespmem:$0x0]  }
0x86: {  	s19 =	sadd.s32 @p1 s5, s19;
	s21 =	sor.u32 @p1 $0x200, s21  }
0x87: {  	[tilespmem:s21], [sflag:$0x4] =	stream.linear.gather @p1 [hbm4b:s19+s20], $0x80, $0x38;
	v63 =	vld [tilespmem:$0x0]  }
0x88: {  	s19 =	simm.s32 @!p1 $0x80;
	s20 =	simm.s32 @!p1 $0x300;
	s21 =	simm.s32 @!p1 $0x400  }
0x89: {  	[spmem:s1] =	stream.indirect.scatter.add.f32 @!p1 [tilespmem:s21], [sflag:$0x6], $0x80, s20, s19, $0xb8;
	v63 =	vld [tilespmem:$0x0]  }
0x8a: {  	s19 =	simm.s32 @!p1 $0x6  }
0x8b: {  	_ =	swait.ge @!p1 [sflag:s19], $0x4000  }
0x8c: {  	[sflag:s19] =	ssyncset.done @!p1 $0x0  }
0x8d: {  	s22 =	simm.s32 $0x200;
	[sflag:s19] =	ssyncadd.s32 @!p1 $0xFFFFC000;
	s19 =	simm.s32 @!p1 $0x2  }
0x8e: {  	s20 =	sand.u32 $0x600, s22;
	_ =	swait.ge @!p1 [sflag:s19], $0x4000  }
0x8f: {  	s20 =	sshrl.u32 s20, $0x2;
	[sflag:s19] =	ssyncset.done @!p1 $0x0  }
0x90: {  	s23 =	sor.u32 $0x200, s20;
	[sflag:s19] =	ssyncadd.s32 @!p1 $0xFFFFC000  }
0x91: {  	[spmem:s1] =	stream.indirect.scatter.add.f32 [tilespmem:s0], [sflag:$0x6], $0x80, s23, s29, $0xb8;
	v63 =	vld [tilespmem:$0x0]  }
0x92: {  	_ =	swait.ge [sflag:s26], $0x4000  }
0x93: {  	[sflag:s26] =	ssyncset.done $0x0  }
0x94: {  	[sflag:s26] =	ssyncadd.s32 $0xFFFFC000  }
0x95: {  	_ =	swait.ge [sflag:s12], $0x4000  }
0x96: {  	p1 =	por $0x0, $0x0;
	[sflag:s12] =	ssyncset.done $0x0  }
0x97: {  	s19 =	simm.s32 @!p1 $0x4;
	[sflag:s12] =	ssyncadd.s32 $0xFFFFC000  }
0x98: {  	_ =	swait.ge @!p1 [sflag:s19], $0x80  }
0x99: {  	[sflag:s19] =	ssyncset.done @!p1 $0x0  }
0x9a: {  	[sflag:s19] =	ssyncadd.s32 @!p1 $0xFFFFFF80  }
0x9b: {  	_ =	swait.ge @!p1 [sflag:s19], $0x80  }
0x9c: {  	s20 =	simm.s32 @!p1 $0x4400;
	[sflag:s19] =	ssyncset.done @!p1 $0x0  }
0x9d: {  	s18 =	sshrl.u32 @!p1 s18, $0x2;
	[sflag:s19] =	ssyncadd.s32 @!p1 $0xFFFFFF80;
	s19 =	simm.s32 @!p1 $0x80  }
0x9e: {  	[tilespmem:s20], [sflag:$0x2] =	stream.indirect.gather @!p1 [hbm4b:s3+s19], $0x80, s18, s19, $0xb8;
	v63 =	vld [tilespmem:$0x0]  }
0x9f: {  	s18 =	sand.u32 @!p1 $0x7C00, s16  }
0xa0: {  	s19 =	sand.u32 @!p1 $0x380, s16;
	s18 =	sadd.s32 @!p1 s9, s18  }
0xa1: {  	s18 =	sor.u32 @!p1 s19, s18  }
0xa2: {  	s18 =	sshrl.u32 @!p1 s18, $0x3  }
0xa3: {  	s16 =	sand.u32 @!p1 $0x180, s16;
	s20 =	simm.s32 @!p1 $0x0;
	s19 =	sadd.s32 @!p1 s4, s18  }
0xa4: {  	[tilespmem:s16], [sflag:$0x4] =	stream.linear.gather @!p1 [hbm4b:s19+s20], $0x80, $0x38;
	v63 =	vld [tilespmem:$0x0]  }
0xa5: {  	s18 =	sadd.s32 @!p1 s5, s18;
	s16 =	sor.u32 @!p1 $0x200, s16  }
0xa6: {  	[tilespmem:s16], [sflag:$0x4] =	stream.linear.gather @!p1 [hbm4b:s18+s20], $0x80, $0x38;
	v63 =	vld [tilespmem:$0x0]  }
0xa7: {  	s24 =	sor.u32 $0x200, s17  }
0xa8: {  	[spmem:s1] =	stream.indirect.scatter.add.f32 [tilespmem:s31], [sflag:$0x6], $0x80, s24, s29, $0xb8;
	v63 =	vld [tilespmem:$0x0]  }
0xa9: {  	s16 =	simm.s32 $0x400;
	_ =	swait.ge [sflag:s26], $0x4000  }
.LBB2_4:
0xaa: {  	[sflag:s26] =	ssyncset.done $0x0  }
0xab: {  	s15 =	sadd.s32 $0x600, s15;
	s17 =	smov.u32 s16;
	s16 =	sadd.s32 $0x180, s16  }
0xac: {  	p1 =	sne.s32 s16, $0x2B00;
	[sflag:s26] =	ssyncadd.s32 $0xFFFFC000  }
0xad: {  	_ =	swait.ge [sflag:s28], $0x4000  }
0xae: {  	[sflag:s28] =	ssyncset.done $0x0  }
0xaf: {  	[sflag:s28] =	ssyncadd.s32 $0xFFFFC000  }
0xb0: {  	_ =	swait.ge [sflag:s30], $0x80  }
0xb1: {  	s18 =	sadd.s32 $0xFFFFFA00, s15;
	p2 =	sne.s32 s17, $0x2980;
	[sflag:s30] =	ssyncset.done $0x0  }
0xb2: {  	s21 =	sadd.s32 @p2 $0xFFFFFF00, s17;
	s20 =	simm.s32 @p2 $0x0;
	[sflag:s30] =	ssyncadd.s32 $0xFFFFFF80  }
0xb3: {  	s22 =	sand.u32 @p2 $0x7C00, s21;
	s23 =	sand.u32 @p2 $0x380, s21;
	_ =	swait.ge [sflag:s30], $0x80  }
0xb4: {  	s19 =	sand.u32 $0x600, s18;
	s21 =	sand.u32 @p2 $0x180, s21;
	s18 =	sadd.s32 @p2 s9, s22  }
0xb5: {  	s22 =	sxor.u32 $0x400, s19;
	s23 =	sor.u32 @p2 s23, s18;
	[sflag:s30] =	ssyncset.done $0x0  }
0xb6: {  	s18 =	sshrl.u32 s22, $0x2;
	s22 =	sshrl.u32 @p2 s23, $0x3;
	[sflag:s30] =	ssyncadd.s32 $0xFFFFFF80  }
0xb7: {  	[tilespmem:s31], [sflag:$0x3] =	stream.indirect.gather [hbm4b:s3+s29], $0x80, s18, s29, $0xb8;
	v63 =	vld [tilespmem:$0x0]  }
0xb8: {  	s24 =	sor.u32 @p2 $0x200, s21;
	s23 =	sadd.s32 @p2 s4, s22;
	s22 =	sadd.s32 @p2 s5, s22  }
0xb9: {  	[tilespmem:s21], [sflag:$0x4] =	stream.linear.gather @p2 [hbm4b:s23+s20], $0x80, $0x38;
	v63 =	vld [tilespmem:$0x0]  }
0xba: {  	s6 =	sadd.s32 @p2 $0xFFFFFF80, s17;
	s21 =	sshrl.u32 @p2 s19, $0x2;
	s23 =	simm.s32 @p2 $0x6  }
0xbb: {  	[tilespmem:s24], [sflag:$0x4] =	stream.linear.gather @p2 [hbm4b:s22+s20], $0x80, $0x38;
	v63 =	vld [tilespmem:$0x0]  }
0xbc: {  	s21 =	sor.u32 @p2 $0x200, s21;
	s22 =	simm.s32 @p2 $0x80;
	s24 =	simm.s32 @p2 $0x400  }
0xbd: {  	[spmem:s1] =	stream.indirect.scatter.add.f32 @p2 [tilespmem:s24], [sflag:$0x6], $0x80, s21, s22, $0xb8;
	v63 =	vld [tilespmem:$0x0]  }
0xbe: {  	s21 =	sand.u32 @p2 $0x7C00, s6;
	s6 =	sand.u32 @p2 $0x380, s6;
	_ =	swait.ge @p2 [sflag:s23], $0x4000  }
0xbf: {  	s7 =	sand.u32 @p2 $0x600, s15;
	s21 =	sadd.s32 @p2 s9, s21;
	[sflag:s23] =	ssyncset.done @p2 $0x0  }
0xc0: {  	s6 =	sor.u32 @p2 s6, s21;
	[sflag:s23] =	ssyncadd.s32 @p2 $0xFFFFC000;
	s23 =	simm.s32 @p2 $0x2  }
0xc1: {  	s7 =	sshrl.u32 @p2 s7, $0x2;
	s6 =	sshrl.u32 @p2 s6, $0x3;
	_ =	swait.ge @p2 [sflag:s23], $0x4000  }
0xc2: {  	s21 =	sadd.s32 @p2 s4, s6;
	s6 =	sadd.s32 @p2 s5, s6;
	[sflag:s23] =	ssyncset.done @p2 $0x0  }
0xc3: {  	s8 =	sadd.s32 @p2 $0xFFFFFD80, s17;
	[sflag:s23] =	ssyncadd.s32 @p2 $0xFFFFC000;
	s23 =	simm.s32 @p2 $0x4  }
0xc4: {  	s8 =	sand.u32 @p2 $0x180, s8;
	_ =	swait.ge @p2 [sflag:s23], $0x80  }
0xc5: {  	s10 =	sor.u32 @p2 $0x200, s8;
	[sflag:s23] =	ssyncset.done @p2 $0x0  }
0xc6: {  	[sflag:s23] =	ssyncadd.s32 @p2 $0xFFFFFF80  }
0xc7: {  	_ =	swait.ge @p2 [sflag:s23], $0x80  }
0xc8: {  	[sflag:s23] =	ssyncset.done @p2 $0x0  }
0xc9: {  	[sflag:s23] =	ssyncadd.s32 @p2 $0xFFFFFF80  }
0xca: {  	[tilespmem:s24], [sflag:$0x1] =	stream.indirect.gather @p2 [hbm4b:s3+s22], $0x80, s7, s22, $0xb8;
	v63 =	vld [tilespmem:$0x0]  }
0xcb: {  	_ = 	snop  }
0xcc: {  	[tilespmem:s8], [sflag:$0x4] =	stream.linear.gather @p2 [hbm4b:s21+s20], $0x80, $0x38;
	v63 =	vld [tilespmem:$0x0]  }
0xcd: {  	s7 =	simm.s32 @!p2 $0x6  }
0xce: {  	[tilespmem:s10], [sflag:$0x4] =	stream.linear.gather @p2 [hbm4b:s6+s20], $0x80, $0x38;
	v63 =	vld [tilespmem:$0x0]  }
0xcf: {  	s8 =	simm.s32 @!p2 $0x300;
	s6 =	simm.s32 @!p2 $0x80;
	s10 =	simm.s32 @!p2 $0x400  }
0xd0: {  	[spmem:s1] =	stream.indirect.scatter.add.f32 @!p2 [tilespmem:s10], [sflag:$0x6], $0x80, s8, s6, $0xb8;
	v63 =	vld [tilespmem:$0x0]  }
0xd1: {  	_ =	swait.ge @!p2 [sflag:s7], $0x4000  }
0xd2: {  	[sflag:s7] =	ssyncset.done @!p2 $0x0  }
0xd3: {  	s6 =	simm.s32 @!p2 $0x2;
	[sflag:s7] =	ssyncadd.s32 @!p2 $0xFFFFC000;
	s7 =	sadd.s32 $0xFFFFFC00, s15  }
0xd4: {  	_ =	swait.ge @!p2 [sflag:s6], $0x4000;
	s7 =	sand.u32 $0x600, s7  }
0xd5: {  	[sflag:s6] =	ssyncset.done @!p2 $0x0;
	s7 =	sshrl.u32 s7, $0x2  }
0xd6: {  	[sflag:s6] =	ssyncadd.s32 @!p2 $0xFFFFC000;
	s6 =	sor.u32 $0x200, s7  }
0xd7: {  	[spmem:s1] =	stream.indirect.scatter.add.f32 [tilespmem:s0], [sflag:$0x6], $0x80, s6, s29, $0xb8;
	v63 =	vld [tilespmem:$0x0]  }
0xd8: {  	_ =	swait.ge [sflag:s26], $0x4000  }
0xd9: {  	[sflag:s26] =	ssyncset.done $0x0  }
0xda: {  	[sflag:s26] =	ssyncadd.s32 $0xFFFFC000  }
0xdb: {  	_ =	swait.ge [sflag:s12], $0x4000  }
0xdc: {  	p2 =	seq.s32 s17, $0x2980;
	[sflag:s12] =	ssyncset.done $0x0  }
0xdd: {  	s6 =	simm.s32 @!p2 $0x4;
	s7 =	sand.u32 @!p2 $0x7C00, s17;
	[sflag:s12] =	ssyncadd.s32 $0xFFFFC000  }
0xde: {  	s8 =	sand.u32 @!p2 $0x380, s17;
	s7 =	sadd.s32 @!p2 s9, s7;
	_ =	swait.ge @!p2 [sflag:s6], $0x80  }
0xdf: {  	s7 =	sor.u32 @!p2 s8, s7;
	[sflag:s6] =	ssyncset.done @!p2 $0x0  }
0xe0: {  	[sflag:s6] =	ssyncadd.s32 @!p2 $0xFFFFFF80  }
0xe1: {  	_ =	swait.ge @!p2 [sflag:s6], $0x80  }
0xe2: {  	s8 =	simm.s32 @!p2 $0x4400;
	s7 =	sshrl.u32 @!p2 s7, $0x3;
	[sflag:s6] =	ssyncset.done @!p2 $0x0  }
0xe3: {  	s10 =	sshrl.u32 @!p2 s19, $0x2;
	[sflag:s6] =	ssyncadd.s32 @!p2 $0xFFFFFF80;
	s6 =	simm.s32 @!p2 $0x80  }
0xe4: {  	[tilespmem:s8], [sflag:$0x2] =	stream.indirect.gather @!p2 [hbm4b:s3+s6], $0x80, s10, s6, $0xb8;
	v63 =	vld [tilespmem:$0x0]  }
0xe5: {  	s6 =	sand.u32 @!p2 $0x180, s17;
	s8 =	sadd.s32 @!p2 s4, s7;
	s10 =	simm.s32 @!p2 $0x0  }
0xe6: {  	[tilespmem:s6], [sflag:$0x4] =	stream.linear.gather @!p2 [hbm4b:s8+s10], $0x80, $0x38;
	v63 =	vld [tilespmem:$0x0]  }
.Ltmp1:
0xe7: {  	s7 =	sadd.s32 @!p2 s5, s7;
	s6 =	sor.u32 @!p2 $0x200, s6;
	(pc) =	sbr.rel @p1 .LBB2_4-.Ltmp1, $4  }
0xe8: {  	[tilespmem:s6], [sflag:$0x4] =	stream.linear.gather @!p2 [hbm4b:s7+s10], $0x80, $0x38;
	v63 =	vld [tilespmem:$0x0]  }
0xe9: {  	s6 =	sor.u32 $0x200, s18  }
0xea: {  	[spmem:s1] =	stream.indirect.scatter.add.f32 [tilespmem:s31], [sflag:$0x6], $0x80, s6, s29, $0xb8;
	v63 =	vld [tilespmem:$0x0]  }
0xeb: {  	_ =	swait.ge [sflag:s26], $0x4000  }
0xec: {  	[sflag:s26] =	ssyncset.done $0x0  }
0xed: {  	[sflag:s26] =	ssyncadd.s32 $0xFFFFC000  }
0xee: {  	[bflag:$0x0] =	sbarrier.arrive $0xFFFF  }
0xef: {  	[tilespmem:s25], [sflag:$0x6] =	stream.linear.gather [spmem:s11], $0x4000, $0x38;
	v63 =	vld [tilespmem:$0x0]  }
0xf0: {  	_ =	swait.ge [sflag:s26], $0x4000  }
0xf1: {  	[sflag:s26] =	ssyncset.done $0x0  }
0xf2: {  	s7 =	rddreg [dreg:$0xc];
	[sflag:s26] =	ssyncadd.s32 $0xFFFFC000  }
0xf3: {  	[hbm4b:s7+s2] =	stream.linear.scatter [tilespmem:s25], [sflag:$0x5], $0x4000, $0x38;
	v63 =	vld [tilespmem:$0x0]  }
0xf4: {  	s7 =	rddreg [dreg:$0x3]  }
0xf5: {  	[tilespmem:s0], [sflag:$0x6] =	stream.linear.gather [spmem:s7], $0x4000, $0x38;
	v63 =	vld [tilespmem:$0x0]  }
0xf6: {  	_ =	swait.ge [sflag:s26], $0x4000  }
0xf7: {  	[sflag:s26] =	ssyncset.done $0x0  }
0xf8: {  	s8 =	rddreg [dreg:$0xd];
	[sflag:s26] =	ssyncadd.s32 $0xFFFFC000  }
0xf9: {  	[hbm4b:s8+s2] =	stream.linear.scatter [tilespmem:s0], [sflag:$0x5], $0x4000, $0x38;
	v63 =	vld [tilespmem:$0x0]  }
0xfa: {  	_ =	swait.ge [sflag:s13], $0x4000  }
0xfb: {  	[sflag:s13] =	ssyncset.done $0x0  }
0xfc: {  	s8 =	rddreg [dreg:$0x4];
	[sflag:s13] =	ssyncadd.s32 $0xFFFFC000  }
0xfd: {  	[tilespmem:s25], [sflag:$0x6] =	stream.linear.gather [spmem:s8], $0x4000, $0x38;
	v63 =	vld [tilespmem:$0x0]  }
0xfe: {  	_ =	swait.ge [sflag:s26], $0x4000  }
0xff: {  	[sflag:s26] =	ssyncset.done $0x0  }
0x100: {  	s10 =	rddreg [dreg:$0xe];
	[sflag:s26] =	ssyncadd.s32 $0xFFFFC000  }
0x101: {  	[hbm4b:s10+s2] =	stream.linear.scatter [tilespmem:s25], [sflag:$0x5], $0x4000, $0x38;
	v63 =	vld [tilespmem:$0x0]  }
0x102: {  	_ =	swait.ge [sflag:s13], $0x4000  }
0x103: {  	[sflag:s13] =	ssyncset.done $0x0  }
0x104: {  	s10 =	rddreg [dreg:$0x5];
	[sflag:s13] =	ssyncadd.s32 $0xFFFFC000  }
0x105: {  	[tilespmem:s0], [sflag:$0x6] =	stream.linear.gather [spmem:s10], $0x4000, $0x38;
	v63 =	vld [tilespmem:$0x0]  }
0x106: {  	_ =	swait.ge [sflag:s26], $0x4000  }
0x107: {  	[sflag:s26] =	ssyncset.done $0x0  }
0x108: {  	s22 =	rddreg [dreg:$0xf];
	[sflag:s26] =	ssyncadd.s32 $0xFFFFC000  }
0x109: {  	[hbm4b:s22+s2] =	stream.linear.scatter [tilespmem:s0], [sflag:$0x5], $0x4000, $0x38;
	v63 =	vld [tilespmem:$0x0]  }
0x10a: {  	_ =	swait.ge [sflag:s13], $0x4000  }
0x10b: {  	[sflag:s13] =	ssyncset.done $0x0  }
0x10c: {  	s22 =	rddreg [dreg:$0x6];
	[sflag:s13] =	ssyncadd.s32 $0xFFFFC000  }
0x10d: {  	[tilespmem:s25], [sflag:$0x6] =	stream.linear.gather [spmem:s22], $0x3C00, $0x38;
	v63 =	vld [tilespmem:$0x0]  }
0x10e: {  	_ =	swait.ge [sflag:s26], $0x3C00  }
0x10f: {  	[sflag:s26] =	ssyncset.done $0x0  }
0x110: {  	s23 =	rddreg [dreg:$0x10];
	[sflag:s26] =	ssyncadd.s32 $0xFFFFC400  }
0x111: {  	[hbm4b:s23+s2] =	stream.linear.scatter [tilespmem:s25], [sflag:$0x5], $0x3C00, $0x38;
	v63 =	vld [tilespmem:$0x0]  }
0x112: {  	_ =	swait.ge [sflag:s13], $0x4000  }
0x113: {  	[sflag:s13] =	ssyncset.done $0x0  }
0x114: {  	[sflag:s13] =	ssyncadd.s32 $0xFFFFC000  }
0x115: {  	_ =	swait.ge [sflag:s13], $0x3C00  }
0x116: {  	s14 =	sadd.s32 $0x1, s14;
	s24 =	rddreg [dreg:$0x13]  }
0x117: {  	p1 =	sne.s32 s14, s24  }
.Ltmp2:
0x118: {  	_ = 	snop;
	(pc) =	sbr.rel @p1 .LBB2_1-.Ltmp2, $3  }
0x119: {  	_ =	sdelay $0x1  }
0x11a: {  	[sflag:s13] =	ssyncset.done $0x0  }
0x11b: {  	s6 =	smov.u32 s11;
	[sflag:s13] =	ssyncadd.s32 $0xFFFFC400  }
0x11c: {  	_ =	sfence.sel $0x180000  }
0x11d: {  	[bflag:$0x0] =	sbarrier.arrive $0xFFFF  }
0x11e: {  	_ =	strace $0x9000004A  }
0x11f: {  	[bflag:$0x2] =	sbarrier.arrive $0xFFFF  }
0x120: {  	s0 =	rddreg [dreg:$0x2]  }
0x121: {  	s0 =	sadd.s32 @!p0 $0x100000, s0  }
0x122: {  	[sflag:s0] =	ssyncadd.tile.s32 @!p0 $0x1;
	_ =	shalt  }
.Lfunc_end2:
_tile_overlayer_lowered:
.L_overlay_start_2:
0x123: {  	(tag) =	ssettag $0x2  }
0x124: {  	s0 =	rddreg [dreg:$0x0];
	s2 =	stileid.u32  }
0x125: {  	s1 =	rddreg [dreg:$0x1];
	p0 =	sne.s32 s2, $0x0  }
0x126: {  	s3 =	rddreg [dreg:$0x2];
	[bflag:$0x3] =	sbarrier.arrive $0xFFFF;
	s2 =	simm.s32 @!p0 $0x1C06  }
0x127: {  	[timem:s3], [sflag:s2] =	dma.local @!p0 [hbm:s0], s1  }
0x128: {  	s0 =	simm.s32 @!p0 $0x6  }
0x129: {  	_ =	swait.ge @!p0 [sflag:s0], s1  }
0x12a: {  	s1 =	ssub.s32 @!p0 $0x0, s1;
	[sflag:s0] =	ssyncset.done @!p0 $0x0  }
0x12b: {  	[sflag:s0] =	ssyncadd.s32 @!p0 s1  }
0x12c: {  	[bflag:$0x3] =	sbarrier.arrive $0xFFFF  }
0x12d: {  	_ =	shalt  }

// kernel: kernel.14.cloned.1.call-start
scs
__scs_entry_jumppad:
0x0: {  	(pc) =	sbr.rel $0x88, $3  }
0x1: {  	(tag) =	ssettag $0x0;
	lr =	simm.s32 $0x1  }
0x2: {  	[smem:$0x3F93] =	sst lr;
	_ =	strace $0xD0000000  }
0x3: {  	_ = 	snop  }
0x4: {  	_ = 	snop  }
0x5: {  	_ = 	snop  }
0x6: {  	_ = 	snop  }
0x7: {  	_ = 	snop  }
__scs_overlays_trampoline_lowered:
0x8: {  	[smem:$0x3FA2] =	sst s0  }
0x9: {  	[smem:$0x3FA3] =	sst s1  }
0xa: {  	[smem:$0x3FA4] =	sst s2  }
0xb: {  	[smem:$0x3FA5] =	sst s3  }
0xc: {  	[smem:$0x3FA6] =	sst s4  }
0xd: {  	[smem:$0x3FA7] =	sst s5  }
0xe: {  	[smem:$0x3FA8] =	sst s6  }
0xf: {  	[smem:$0x3FA9] =	sst s7  }
0x10: {  	[smem:$0x3FAA] =	sst s8  }
0x11: {  	[smem:$0x3FAB] =	sst s9;
	s0 =	simm.s32 @!p0 $0x0  }
0x12: {  	s1 =	sld [smem:$0x3F91];
	s0 =	simm.s32 @p0 $0x1  }
0x13: {  	[smem:$0x3FAC] =	sst s0;
	s0 =	simm.s32 @!p1 $0x0  }
0x14: {  	s2 =	sld [smem:$0x3F90];
	s0 =	simm.s32 @p1 $0x1  }
0x15: {  	[smem:$0x3FAD] =	sst s0;
	s0 =	simm.s32 @!p2 $0x0  }
0x16: {  	s3 =	sld [smem:$0x3FDB];
	s0 =	simm.s32 @p2 $0x1  }
0x17: {  	s4 =	simm.s32 $0x1BF5;
	[smem:$0x3FAF] =	sst s0  }
0x18: {  	s0 =	sld [smem:$0x3F92];
	_ =	swait.ge [sflag:s4], $0x0  }
0x19: {  	s7 =	sld [smem:$0x3F93]  }
0x1a: {  	s8 =	sadd.s32 $0xFFFFE003, lr  }
0x1b: {  	s9 =	sadd.s32 $0xFFFFFEF7, lr;
	s5 =	simm.s32 $0xFFFFFFFF;
	p2 =	slt.u32 s8, $0xFFFFF086  }
0x1c: {  	p1 =	slt.u32 s9, $0xF7A;
	s5 =	simm.s32 @!p2 $0x0  }
0x1d: {  	s5 =	simm.s32 @p1 $0x1;
	p0 =	seq.s32 s7, s2  }
0x1e: {  	s7 =	smul.u32 @!p0 $0xF7A, s2;
	p2 =	seq.s32 @!p0 s5, $0x0  }
0x1f: {  	s9 =	smul.u32 $0xF7A, s1;
	s8 =	simm.s32 @!p0 $0x1BF5;
	p2 =	por !p2, p0  }
0x20: {  	[sflag:s8] =	ssyncset.s32 @!p0 $0xFFFFF086;
	s6 =	sadd.s32 @!p0 s3, s7;
	s7 =	simm.s32 @!p0 $0x108  }
0x21: {  	s3 =	sadd.s32 s3, s9;
	s6 =	sadd.s32 @!p0 $0x88, s6;
	s7 =	simm.s32 @p2 $0x1082  }
0x22: {  	[simem:s7], [sflag:s8] =	dma.local @!p0 [hbm:s6], $0xF7A  }
0x23: {  	s9 =	sor.u32 $0xD0000000, s2;
	s6 =	simm.s32 $0x108;
	_ =	swait.ge @!p0 [sflag:s8], $0x0  }
0x24: {  	s3 =	sadd.s32 $0x88, s3;
	s6 =	simm.s32 @!p1 $0x1082;
	[sflag:s4] =	ssyncset.s32 $0xFFFFF086  }
0x25: {  	[simem:s6], [sflag:s4] =	dma.local [hbm:s3], $0xF7A  }
0x26: {  	[smem:$0x3F93] =	sst s1;
	(tag) =	ssettag s2;
	_ =	strace s9  }
0x27: {  	s1 =	sld [smem:$0x3FA3]  }
0x28: {  	s2 =	sld [smem:$0x3FA4]  }
0x29: {  	s4 =	sld [smem:$0x3FA6]  }
0x2a: {  	p0 =	seq.s32 s5, $0x0;
	s5 =	sld [smem:$0x3FA7]  }
0x2b: {  	s6 =	sld [smem:$0x3FA8]  }
0x2c: {  	s7 =	sld [smem:$0x3FA9]  }
0x2d: {  	s3 =	simm.s32 $0x108;
	s8 =	sld [smem:$0x3FAA]  }
0x2e: {  	s3 =	simm.s32 @!p0 $0x1082;
	s9 =	sld [smem:$0x3FAB]  }
0x2f: {  	lr =	sadd.s32 s0, s3;
	s0 =	sld [smem:$0x3FA2]  }
0x30: {  	s3 =	sld [smem:$0x3FA5]  }
0x31: {  	[smem:$0x3FAE] =	sst s10  }
0x32: {  	s10 =	sld [smem:$0x3FAC];
	_ =	sdelay $0x3  }
0x33: {  	p0 =	seq.s32 s10, $0x1;
	s10 =	sld [smem:$0x3FAE];
	_ =	sdelay $0x3  }
0x34: {  	[smem:$0x3FAE] =	sst s10  }
0x35: {  	s10 =	sld [smem:$0x3FAD];
	_ =	sdelay $0x3  }
0x36: {  	p1 =	seq.s32 s10, $0x1;
	s10 =	sld [smem:$0x3FAE];
	_ =	sdelay $0x3  }
0x37: {  	[smem:$0x3FAE] =	sst s10  }
0x38: {  	s10 =	sld [smem:$0x3FAF]  }
0x39: {  	_ = 	snop;
	(pc) =	sbr.ind lr, $3  }
0x3a: {  	_ = 	snop  }
0x3b: {  	_ = 	snop  }
0x3c: {  	p2 =	seq.s32 s10, $0x1;
	s10 =	sld [smem:$0x3FAE]  }
0x3d: {  	_ =	shalt  }
0x3e: {  	_ =	shalt  }
0x3f: {  	_ =	shalt  }
0x40: {  	_ =	shalt  }
0x41: {  	_ =	shalt  }
0x42: {  	_ =	shalt  }
0x43: {  	_ =	shalt  }
0x44: {  	_ =	shalt  }
0x45: {  	_ =	shalt  }
0x46: {  	_ =	shalt  }
0x47: {  	_ =	shalt  }
0x48: {  	_ =	shalt  }
0x49: {  	_ =	shalt  }
0x4a: {  	_ =	shalt  }
0x4b: {  	_ =	shalt  }
0x4c: {  	_ =	shalt  }
0x4d: {  	_ =	shalt  }
0x4e: {  	_ =	shalt  }
0x4f: {  	_ =	shalt  }
0x50: {  	_ =	shalt  }
0x51: {  	_ =	shalt  }
0x52: {  	_ =	shalt  }
0x53: {  	_ =	shalt  }
0x54: {  	_ =	shalt  }
0x55: {  	_ =	shalt  }
0x56: {  	_ =	shalt  }
0x57: {  	_ =	shalt  }
0x58: {  	_ =	shalt  }
0x59: {  	_ =	shalt  }
0x5a: {  	_ =	shalt  }
0x5b: {  	_ =	shalt  }
0x5c: {  	_ =	shalt  }
0x5d: {  	_ =	shalt  }
0x5e: {  	_ =	shalt  }
0x5f: {  	_ =	shalt  }
0x60: {  	_ =	shalt  }
0x61: {  	_ =	shalt  }
0x62: {  	_ =	shalt  }
0x63: {  	_ =	shalt  }
0x64: {  	_ =	shalt  }
0x65: {  	_ =	shalt  }
0x66: {  	_ =	shalt  }
0x67: {  	_ =	shalt  }
0x68: {  	_ =	shalt  }
0x69: {  	_ =	shalt  }
0x6a: {  	_ =	shalt  }
0x6b: {  	_ =	shalt  }
0x6c: {  	_ =	shalt  }
0x6d: {  	_ =	shalt  }
0x6e: {  	_ =	shalt  }
0x6f: {  	_ =	shalt  }
0x70: {  	_ =	shalt  }
0x71: {  	_ =	shalt  }
0x72: {  	_ =	shalt  }
0x73: {  	_ =	shalt  }
0x74: {  	_ =	shalt  }
0x75: {  	_ =	shalt  }
0x76: {  	_ =	shalt  }
0x77: {  	_ =	shalt  }
0x78: {  	_ =	shalt  }
0x79: {  	_ =	shalt  }
0x7a: {  	_ =	shalt  }
0x7b: {  	_ =	shalt  }
0x7c: {  	_ =	shalt  }
0x7d: {  	_ =	shalt  }
0x7e: {  	_ =	shalt  }
0x7f: {  	_ =	shalt  }
0x80: {  	_ =	shalt  }
0x81: {  	_ =	shalt  }
0x82: {  	_ =	shalt  }
0x83: {  	_ =	shalt  }
0x84: {  	_ =	shalt  }
0x85: {  	_ =	shalt  }
0x86: {  	_ =	shalt  }
0x87: {  	_ =	shalt  }
.Lfunc_end0:
.L_simem_size_0:
called_computation.2_lowered:
.L_overlay_start_0:
0x88: {  	s2 =	sld [smem:$0x3FD9]  }
0x89: {  	s3 =	sld [smem:$0x3FFE];
	_ =	sdelay $0x1  }
0x8a: {  	s1 =	srdreg.scid  }
0x8b: {  	s0 =	sand.u32 $0x1, s1  }
0x8c: {  	s16 =	sshll.u32 s0, $0xA;
	s2 =	sadd.s32 s3, s2  }
0x8d: {  	s2 =	sadd.s32 s2, s16  }
0x8e: {  	[smem:$0x3FBA] =	sst s2  }
0x8f: {  	_ = 	snop  }
0x90: {  	(tm) =	ssettm $0x1  }
0x91: {  	s17 =	sld [smem:$0x3FFB];
	_ =	sdelay $0x3  }
0x92: {  	_ =	strace s17  }
0x93: {  	s2 =	sld [smem:$0x3FFC];
	_ =	sdelay $0x3  }
0x94: {  	_ =	strace s2  }
0x95: {  	s2 =	sld [smem:$0x3FFD];
	_ =	sdelay $0x3  }
0x96: {  	_ =	strace s2  }
0x97: {  	_ =	strace $0x8FFFFFFF  }
0x98: {  	s18 =	sld [smem:$0x3FDB];
	_ =	sdelay $0x1  }
0x99: {  	s19 =	simm.s32 $_scs_section_size  }
0x9a: {  	s4 =	simm.s32 $_size__tile_overlayer_lowered;
	s5 =	simm.s32 $_tile_overlayer_lowered  }
0x9b: {  	s22 =	simm.s32 $0x1BFF;
	s21 =	sshll.u32 s5, $0x1;
	s2 =	sadd.s32 s19, s18  }
0x9c: {  	s6 =	simm.s32 $0x0;
	s20 =	sshll.u32 s4, $0x1;
	s4 =	sadd.s32 s21, s2  }
0x9d: {  	[timem:s6], [sflag:s22] =	dma.local [hbm:s4], s20  }
0x9e: {  	_ =	swait.ge [sflag:s22], s20  }
0x9f: {  	s3 =	ssub.s32 $0x0, s20;
	[sflag:s22] =	ssyncset.done $0x0  }
0xa0: {  	[sflag:s22] =	ssyncadd.s32 s3;
	_ =	sdelay $0x1  }
0xa1: {  	s23 =	simm.s32 $0x1B8B  }
0xa2: {  	_ =	swait.ge [sflag:s23], $0x1  }
0xa3: {  	[sflag:s23] =	ssyncset.done $0x0  }
0xa4: {  	s25 =	simm.s32 $0x1B8E;
	s24 =	sld [smem:$0x3FFE];
	[sflag:s23] =	ssyncadd.s32 $0xFFFFFFFF  }
0xa5: {  	s26 =	simm.s32 $execute0_lowered;
	[smem:$0x3FD2] =	sst s25  }
0xa6: {  	s4 =	sshll.u32 s26, $0x1;
	_ =	strace $0x8000004C;
	[dreg:$0x1] =	wrdreg $0xFFFFFFFF  }
0xa7: {  	s28 =	simm.s32 $_size_execute0_lowered;
	s2 =	sadd.s32 s2, s4;
	[dreg:$0x0] =	wrdreg $0x0  }
0xa8: {  	s4 =	sshll.u32 s28, $0x1;
	[dreg:$0x2] =	wrdreg s2  }
0xa9: {  	[dreg:$0x3] =	wrdreg s4  }
0xaa: {  	[dreg:$0x4] =	wrdreg $0xC0  }
0xab: {  	_ =	task [dreg:s6], $0x5FFFF  }
0xac: {  	[dreg:$0x1] =	wrdreg $0xFFFFFFFF  }
0xad: {  	[dreg:$0x0] =	wrdreg $0x60  }
0xae: {  	[dreg:$0x2] =	wrdreg s24  }
0xaf: {  	[dreg:$0x3] =	wrdreg $0xC4000  }
0xb0: {  	[dreg:$0x4] =	wrdreg $0x9  }
0xb1: {  	_ =	task.clear_ibuf [dreg:s6], $0x5FFFF;
	_ =	strace $0x9000004C  }
0xb2: {  	s29 =	simm.s32 $0x9;
	_ =	strace $0x8000004E  }
0xb3: {  	_ =	swait.ge [sflag:s29], $0x1  }
0xb4: {  	[sflag:s29] =	ssyncadd.s32 $0xFFFFFFFF  }
0xb5: {  	_ =	strace $0x9000004E  }
0xb6: {  	_ =	sfence  }
0xb7: {  	s30 =	sld [smem:$0x0];
	_ =	sdelay $0x2  }
0xb8: {  	s31 =	sshll.u32 s1, $0xD;
	s1 =	sshrl.u32 s1, $0x2  }
0xb9: {  	s3 =	sand.u32 $0x4000, s31;
	s1 =	sadd.s32 s1, s30  }
0xba: {  	s0 =	sor.u32 s3, s0;
	s1 =	sshll.u32 s1, $0x11  }
0xbb: {  	s0 =	sor.u32 s1, s0  }
0xbc: {  	s0 =	sadd.s32 $0x8F2B, s0  }
0xbd: {  	[sflag:s0] =	ssyncadd.remote.s32 $0x1  }
0xbe: {  	_ =	sfence.sel $0xFFFF  }
0xbf: {  	[dreg:$0x0] =	wrdreg $0xFFFFFFFF;
	(pc) =	sbr.abs _section_cstart, $3  }
0xc0: {  	[dreg:$0x1] =	wrdreg $0xFFFFFFFF  }
0xc1: {  	_ =	task.clear_ibuf [dreg:s6], $0x2FFFF;
	_ =	strace $0x9FFFFFFF  }
0xc2: {  	(tm) =	ssettm $0x7FFFFFFF  }
0xc3: {  	_ =	shalt  }
tec
execute0_lowered:
.L_overlay_start_1:
0x0: {  	(tag) =	ssettag $0x1  }
0x1: {  	s0 =	rddreg [dreg:$0x0]  }
0x2: {  	s1 =	rddreg [dreg:$0x1];
	s2 =	simm.s32 $0x0  }
0x3: {  	s5 =	srdreg.scid;
	s12 =	stileid.u32;
	s29 =	simm.s32 $0x80  }
0x4: {  	s28 =	simm.s32 $0x1;
	s30 =	simm.s32 $0x4;
	s31 =	simm.s32 $0x8400  }
0x5: {  	[smem:$0x7FF] =	sst s2;
	s3 =	sadd.s32 $0xDC00, s0;
	s4 =	sadd.s32 $0x36C00, s0  }
0x6: {  	s8 =	sand.u32 $0x1, s5;
	s5 =	sadd.s32 $0x2C00, s0;
	s7 =	smul.u32 $0x4F000, s12  }
0x7: {  	s0 =	sadd.s32 $0x41C00, s0;
	s13 =	smul.u32 $0x13C00, s12;
	s22 =	sshll.u32 s12, $0x1  }
0x8: {  	p0 =	sne.s32 s12, $0x0;
	s12 =	simm.s32 $0x3;
	_ =	strace $0x8000004D  }
0x9: {  	s6 =	ssub.s32 $0x2, s8;
	s23 =	sor.u32 s8, s22;
	s17 =	smul.u32 $0x140000, s8  }
0xa: {  	s9 =	sshrl.u32 s6, $0x1;
	s7 =	sshrl.u32 s7, $0x2;
	s15 =	sadd.s32 $0x4000, s13  }
0xb: {  	s16 =	sadd.s32 $0x8000, s13;
	s18 =	sadd.s32 $0xC000, s13;
	s19 =	sadd.s32 $0x10000, s13  }
0xc: {  	s14 =	ssub.s32 s6, s9;
	s6 =	sadd.s32 s7, s1;
	s7 =	sadd.s32 s15, s1  }
0xd: {  	s8 =	sadd.s32 s16, s1;
	s9 =	smul.u32 $0x2C00, s23;
	s10 =	sadd.s32 s18, s1  }
0xe: {  	s20 =	sshrl.u32 s17, $0x3;
	s22 =	sadd.s32 s19, s1;
	[dreg:$0x3] =	wrdreg s7  }
0xf: {  	s13 =	sadd.s32 s13, s17;
	s15 =	sadd.s32 s17, s15;
	[dreg:$0x4] =	wrdreg s8  }
0x10: {  	s16 =	sadd.s32 s17, s16;
	s20 =	sadd.s32 s0, s20;
	[dreg:$0x5] =	wrdreg s10  }
0x11: {  	s16 =	sshrl.u32 s16, $0x3;
	[dreg:$0x6] =	wrdreg s22;
	s11 =	sadd.s32 $0x27800, s20  }
0x12: {  	s21 =	sshrl.u32 s9, $0x3;
	s20 =	sadd.s32 s0, s16;
	[dreg:$0x7] =	wrdreg s11  }
0x13: {  	s18 =	sadd.s32 s17, s18;
	s24 =	sadd.s32 s4, s21;
	[dreg:$0xe] =	wrdreg s20  }
0x14: {  	s25 =	sadd.s32 s5, s21;
	s26 =	sor.u32 $0x10, s21;
	[dreg:$0x8] =	wrdreg s24  }
0x15: {  	s17 =	sadd.s32 s17, s19;
	[dreg:$0x9] =	wrdreg s25;
	s23 =	sadd.s32 s4, s26  }
0x16: {  	s13 =	sshrl.u32 s13, $0x3;
	s24 =	sadd.s32 s5, s26;
	[dreg:$0xa] =	wrdreg s23  }
0x17: {  	s11 =	sshrl.u32 s15, $0x3;
	s26 =	sadd.s32 s0, s13;
	[dreg:$0xb] =	wrdreg s24  }
0x18: {  	s18 =	sshrl.u32 s18, $0x3;
	s15 =	sadd.s32 s0, s11;
	[dreg:$0xc] =	wrdreg s26  }
0x19: {  	s25 =	sor.u32 $0x20, s21;
	s21 =	sadd.s32 s0, s18;
	[dreg:$0xd] =	wrdreg s15  }
0x1a: {  	s13 =	simm.s32 $0x5;
	[dreg:$0xf] =	wrdreg s21;
	s24 =	sadd.s32 s4, s25  }
0x1b: {  	s23 =	sshrl.u32 s17, $0x3;
	s25 =	sadd.s32 s5, s25;
	[dreg:$0x11] =	wrdreg s24  }
0x1c: {  	s26 =	smax.u32 s14, $0x1;
	s14 =	simm.s32 $0x0;
	[dreg:$0x12] =	wrdreg s25  }
0x1d: {  	s0 =	sadd.s32 s0, s23;
	[dreg:$0x13] =	wrdreg s26;
	s25 =	simm.s32 $0x400  }
0x1e: {  	v0 =	vimm.f32 $0.0e+00;
	s26 =	simm.s32 $0x6;
	[dreg:$0x10] =	wrdreg s0;
	s0 =	simm.s32 $0x4400  }
.LBB2_1:
0x1f: {  	s15 =	simm.s32 $0x0;
	s16 =	simm.s32 $0x200  }
.LBB2_2:
0x20: {  	p1 =	sne.s32 s16, $0xFE00;
	[tilespmem:s15+$0x470] =	vst v0  }
0x21: {  	[tilespmem:s15+$0x400] =	vst v0  }
0x22: {  	[tilespmem:s15+$0x410] =	vst v0  }
.Ltmp0:
0x23: {  	[tilespmem:s15+$0x420] =	vst v0;
	(pc) =	sbr.rel @p1 .LBB2_2-.Ltmp0, $4  }
0x24: {  	[tilespmem:s15+$0x430] =	vst v0  }
0x25: {  	[tilespmem:s15+$0x440] =	vst v0  }
0x26: {  	[tilespmem:s15+$0x450] =	vst v0  }
0x27: {  	[tilespmem:s15+$0x460] =	vst v0;
	s15 =	sshra.s32 s16, $0x2;
	s16 =	sadd.s32 $0x200, s16  }
0x28: {  	[tilespmem:s15+$0x470] =	vst v0  }
0x29: {  	[tilespmem:s15+$0x400] =	vst v0  }
0x2a: {  	[tilespmem:s15+$0x410] =	vst v0  }
0x2b: {  	[tilespmem:s15+$0x420] =	vst v0  }
0x2c: {  	[tilespmem:s15+$0x430] =	vst v0  }
0x2d: {  	[tilespmem:s15+$0x440] =	vst v0  }
0x2e: {  	[tilespmem:s15+$0x450] =	vst v0  }
0x2f: {  	[tilespmem:s15+$0x460] =	vst v0  }
0x30: {  	[spmem:s6] =	stream.linear.scatter [tilespmem:s25], [sflag:$0x6], $0x4000, $0x38;
	v63 =	vld [tilespmem:$0x0]  }
0x31: {  	_ =	swait.ge [sflag:s26], $0x4000  }
0x32: {  	[sflag:s26] =	ssyncset.done $0x0  }
0x33: {  	[sflag:s26] =	ssyncadd.s32 $0xFFFFC000  }
0x34: {  	[spmem:s7] =	stream.linear.scatter [tilespmem:s25], [sflag:$0x6], $0x4000, $0x38;
	v63 =	vld [tilespmem:$0x0]  }
0x35: {  	_ =	swait.ge [sflag:s26], $0x4000  }
0x36: {  	[sflag:s26] =	ssyncset.done $0x0  }
0x37: {  	[sflag:s26] =	ssyncadd.s32 $0xFFFFC000  }
0x38: {  	[spmem:s8] =	stream.linear.scatter [tilespmem:s25], [sflag:$0x6], $0x4000, $0x38;
	v63 =	vld [tilespmem:$0x0]  }
0x39: {  	_ =	swait.ge [sflag:s26], $0x4000  }
0x3a: {  	[sflag:s26] =	ssyncset.done $0x0  }
0x3b: {  	[sflag:s26] =	ssyncadd.s32 $0xFFFFC000  }
0x3c: {  	[spmem:s10] =	stream.linear.scatter [tilespmem:s25], [sflag:$0x6], $0x4000, $0x38;
	v63 =	vld [tilespmem:$0x0]  }
0x3d: {  	_ =	swait.ge [sflag:s26], $0x4000  }
0x3e: {  	[sflag:s26] =	ssyncset.done $0x0  }
0x3f: {  	[sflag:s26] =	ssyncadd.s32 $0xFFFFC000  }
0x40: {  	[spmem:s22] =	stream.linear.scatter [tilespmem:s25], [sflag:$0x6], $0x3C00, $0x38;
	v63 =	vld [tilespmem:$0x0]  }
0x41: {  	_ =	swait.ge [sflag:s26], $0x3C00  }
0x42: {  	s11 =	smov.u32 s6;
	s15 =	simm.s32 @!p0 $0x0;
	[sflag:s26] =	ssyncset.done $0x0  }
0x43: {  	s16 =	simm.s32 @!p0 $0x400;
	s6 =	rddreg [dreg:$0x7];
	[sflag:s26] =	ssyncadd.s32 $0xFFFFC400  }
0x44: {  	[hbm4b:s6+s15] =	stream.linear.scatter @!p0 [tilespmem:s16], [sflag:$0x6], $0x4000, $0x38;
	v63 =	vld [tilespmem:$0x0]  }
0x45: {  	s15 =	simm.s32 @!p0 $0x6  }
0x46: {  	_ =	swait.ge @!p0 [sflag:s15], $0x4000  }
0x47: {  	[sflag:s15] =	ssyncset.done @!p0 $0x0  }
0x48: {  	[sflag:s15] =	ssyncadd.s32 @!p0 $0xFFFFC000  }
0x49: {  	[bflag:$0x0] =	sbarrier.arrive $0xFFFF  }
0x4a: {  	s21 =	rddreg [dreg:$0x8]  }
0x4b: {  	[tilespmem:s2], [sflag:$0x6] =	stream.linear.gather [hbm4b:s21+s2], $0x80, $0x38;
	v63 =	vld [tilespmem:$0x0]  }
0x4c: {  	_ =	swait.ge [sflag:s26], $0x80  }
0x4d: {  	[sflag:s26] =	ssyncset.done $0x0  }
0x4e: {  	s23 =	simm.s32 $0x200;
	s22 =	rddreg [dreg:$0x9];
	[sflag:s26] =	ssyncadd.s32 $0xFFFFFF80  }
0x4f: {  	[tilespmem:s23], [sflag:$0x6] =	stream.linear.gather [hbm4b:s22+s2], $0x80, $0x38;
	v63 =	vld [tilespmem:$0x0]  }
0x50: {  	_ =	swait.ge [sflag:s26], $0x80  }
0x51: {  	[sflag:s26] =	ssyncset.done $0x0  }
0x52: {  	s24 =	rddreg [dreg:$0xa];
	[sflag:s26] =	ssyncadd.s32 $0xFFFFFF80  }
0x53: {  	[tilespmem:s29], [sflag:$0x6] =	stream.linear.gather [hbm4b:s24+s2], $0x80, $0x38;
	v63 =	vld [tilespmem:$0x0]  }
0x54: {  	_ =	swait.ge [sflag:s26], $0x80  }
0x55: {  	[sflag:s26] =	ssyncset.done $0x0  }
0x56: {  	s16 =	simm.s32 $0x280;
	s7 =	rddreg [dreg:$0xb];
	[sflag:s26] =	ssyncadd.s32 $0xFFFFFF80  }
0x57: {  	[tilespmem:s16], [sflag:$0x6] =	stream.linear.gather [hbm4b:s7+s2], $0x80, $0x38;
	v63 =	vld [tilespmem:$0x0]  }
0x58: {  	_ =	swait.ge [sflag:s26], $0x80  }
0x59: {  	[sflag:s26] =	ssyncset.done $0x0  }
0x5a: {  	s10 =	simm.s32 $0x100;
	s8 =	rddreg [dreg:$0x11];
	[sflag:s26] =	ssyncadd.s32 $0xFFFFFF80  }
0x5b: {  	[tilespmem:s10], [sflag:$0x4] =	stream.linear.gather [hbm4b:s8+s2], $0x80, $0x38;
	v63 =	vld [tilespmem:$0x0]  }
0x5c: {  	s17 =	simm.s32 $0x300;
	s15 =	rddreg [dreg:$0x12]  }
0x5d: {  	[tilespmem:s17], [sflag:$0x4] =	stream.linear.gather [hbm4b:s15+s2], $0x80, $0x38;
	v63 =	vld [tilespmem:$0x0]  }
0x5e: {  	_ = 	snop  }
0x5f: {  	[tilespmem:s25], [sflag:$0x1] =	stream.indirect.gather [hbm4b:s3+s29], $0x80, s2, s29, $0xb8;
	v63 =	vld [tilespmem:$0x0]  }
0x60: {  	_ = 	snop  }
0x61: {  	[tilespmem:s0], [sflag:$0x2] =	stream.indirect.gather [hbm4b:s3+s29], $0x80, s29, s29, $0xb8;
	v63 =	vld [tilespmem:$0x0]  }
0x62: {  	_ =	swait.ge [sflag:s28], $0x4000  }
0x63: {  	[sflag:s28] =	ssyncset.done $0x0  }
0x64: {  	[sflag:s28] =	ssyncadd.s32 $0xFFFFC000  }
0x65: {  	p1 =	por $0x1, $0x1;
	s18 =	simm.s32 $0x0;
	_ =	swait.ge [sflag:s30], $0x80  }
0x66: {  	s18 =	sand.u32 $0x600, s18;
	s17 =	simm.s32 @p1 $0x180;
	[sflag:s30] =	ssyncset.done $0x0  }
0x67: {  	s21 =	sxor.u32 $0x400, s18;
	s19 =	sand.u32 @p1 $0x7C00, s17;
	[sflag:s30] =	ssyncadd.s32 $0xFFFFFF80  }
0x68: {  	s20 =	sand.u32 @p1 $0x380, s17;
	s15 =	sadd.s32 @p1 s9, s19;
	_ =	swait.ge [sflag:s30], $0x80  }
0x69: {  	s19 =	sand.u32 @p1 $0x180, s17;
	s15 =	sor.u32 @p1 s20, s15;
	[sflag:s30] =	ssyncset.done $0x0  }
0x6a: {  	s17 =	sshrl.u32 s21, $0x2;
	s15 =	sshrl.u32 @p1 s15, $0x3;
	[sflag:s30] =	ssyncadd.s32 $0xFFFFFF80  }
0x6b: {  	[tilespmem:s31], [sflag:$0x3] =	stream.indirect.gather [hbm4b:s3+s29], $0x80, s17, s29, $0xb8;
	v63 =	vld [tilespmem:$0x0]  }
0x6c: {  	s20 =	simm.s32 @p1 $0x0;
	s22 =	sor.u32 @p1 $0x200, s19;
	s21 =	sadd.s32 @p1 s4, s15  }
0x6d: {  	[tilespmem:s19], [sflag:$0x4] =	stream.linear.gather @p1 [hbm4b:s21+s20], $0x80, $0x38;
	v63 =	vld [tilespmem:$0x0]  }
0x6e: {  	s15 =	sadd.s32 @p1 s5, s15;
	s19 =	sshrl.u32 @p1 s18, $0x2;
	s21 =	simm.s32 @p1 $0x6  }
0x6f: {  	[tilespmem:s22], [sflag:$0x4] =	stream.linear.gather @p1 [hbm4b:s15+s20], $0x80, $0x38;
	v63 =	vld [tilespmem:$0x0]  }
0x70: {  	s15 =	sor.u32 @p1 $0x200, s19;
	s19 =	simm.s32 @p1 $0x80;
	s22 =	simm.s32 @p1 $0x400  }
0x71: {  	[spmem:s1] =	stream.indirect.scatter.add.f32 @p1 [tilespmem:s22], [sflag:$0x6], $0x80, s15, s19, $0xb8;
	v63 =	vld [tilespmem:$0x0]  }
0x72: {  	_ =	swait.ge @p1 [sflag:s21], $0x4000  }
0x73: {  	[sflag:s21] =	ssyncset.done @p1 $0x0  }
0x74: {  	s15 =	simm.s32 @p1 $0x2;
	[sflag:s21] =	ssyncadd.s32 @p1 $0xFFFFC000  }
0x75: {  	_ =	swait.ge @p1 [sflag:s15], $0x4000  }
0x76: {  	[sflag:s15] =	ssyncset.done @p1 $0x0  }
0x77: {  	s21 =	simm.s32 @p1 $0x4;
	[sflag:s15] =	ssyncadd.s32 @p1 $0xFFFFC000  }
0x78: {  	_ =	swait.ge @p1 [sflag:s21], $0x80  }
0x79: {  	[sflag:s21] =	ssyncset.done @p1 $0x0  }
0x7a: {  	[sflag:s21] =	ssyncadd.s32 @p1 $0xFFFFFF80  }
0x7b: {  	s15 =	simm.s32 $0x600;
	_ =	swait.ge @p1 [sflag:s21], $0x80  }
0x7c: {  	s23 =	sand.u32 @p1 $0x600, s15;
	[sflag:s21] =	ssyncset.done @p1 $0x0  }
0x7d: {  	[sflag:s21] =	ssyncadd.s32 @p1 $0xFFFFFF80;
	s21 =	sshrl.u32 @p1 s23, $0x2  }
0x7e: {  	[tilespmem:s22], [sflag:$0x1] =	stream.indirect.gather @p1 [hbm4b:s3+s19], $0x80, s21, s19, $0xb8;
	v63 =	vld [tilespmem:$0x0]  }
0x7f: {  	s19 =	simm.s32 @p1 $0x200  }
0x80: {  	s21 =	sand.u32 @p1 $0x7C00, s19  }
0x81: {  	s19 =	sand.u32 @p1 $0x380, s19;
	s21 =	sadd.s32 @p1 s9, s21  }
0x82: {  	s19 =	sor.u32 @p1 s19, s21  }
0x83: {  	s21 =	simm.s32 @p1 $0x0;
	s19 =	sshrl.u32 @p1 s19, $0x3  }
0x84: {  	s21 =	sand.u32 @p1 $0x180, s21;
	s22 =	sadd.s32 @p1 s4, s19  }
0x85: {  	[tilespmem:s21], [sflag:$0x4] =	stream.linear.gather @p1 [hbm4b:s22+s20], $0x80, $0x38;
	v63 =	vld [tilespmem:$0x0]  }
0x86: {  	s19 =	sadd.s32 @p1 s5, s19;
	s21 =	sor.u32 @p1 $0x200, s21  }
0x87: {  	[tilespmem:s21], [sflag:$0x4] =	stream.linear.gather @p1 [hbm4b:s19+s20], $0x80, $0x38;
	v63 =	vld [tilespmem:$0x0]  }
0x88: {  	s19 =	simm.s32 @!p1 $0x80;
	s20 =	simm.s32 @!p1 $0x300;
	s21 =	simm.s32 @!p1 $0x400  }
0x89: {  	[spmem:s1] =	stream.indirect.scatter.add.f32 @!p1 [tilespmem:s21], [sflag:$0x6], $0x80, s20, s19, $0xb8;
	v63 =	vld [tilespmem:$0x0]  }
0x8a: {  	s19 =	simm.s32 @!p1 $0x6  }
0x8b: {  	_ =	swait.ge @!p1 [sflag:s19], $0x4000  }
0x8c: {  	[sflag:s19] =	ssyncset.done @!p1 $0x0  }
0x8d: {  	s22 =	simm.s32 $0x200;
	[sflag:s19] =	ssyncadd.s32 @!p1 $0xFFFFC000;
	s19 =	simm.s32 @!p1 $0x2  }
0x8e: {  	s20 =	sand.u32 $0x600, s22;
	_ =	swait.ge @!p1 [sflag:s19], $0x4000  }
0x8f: {  	s20 =	sshrl.u32 s20, $0x2;
	[sflag:s19] =	ssyncset.done @!p1 $0x0  }
0x90: {  	s23 =	sor.u32 $0x200, s20;
	[sflag:s19] =	ssyncadd.s32 @!p1 $0xFFFFC000  }
0x91: {  	[spmem:s1] =	stream.indirect.scatter.add.f32 [tilespmem:s0], [sflag:$0x6], $0x80, s23, s29, $0xb8;
	v63 =	vld [tilespmem:$0x0]  }
0x92: {  	_ =	swait.ge [sflag:s26], $0x4000  }
0x93: {  	[sflag:s26] =	ssyncset.done $0x0  }
0x94: {  	[sflag:s26] =	ssyncadd.s32 $0xFFFFC000  }
0x95: {  	_ =	swait.ge [sflag:s12], $0x4000  }
0x96: {  	p1 =	por $0x0, $0x0;
	[sflag:s12] =	ssyncset.done $0x0  }
0x97: {  	s19 =	simm.s32 @!p1 $0x4;
	[sflag:s12] =	ssyncadd.s32 $0xFFFFC000  }
0x98: {  	_ =	swait.ge @!p1 [sflag:s19], $0x80  }
0x99: {  	[sflag:s19] =	ssyncset.done @!p1 $0x0  }
0x9a: {  	[sflag:s19] =	ssyncadd.s32 @!p1 $0xFFFFFF80  }
0x9b: {  	_ =	swait.ge @!p1 [sflag:s19], $0x80  }
0x9c: {  	s20 =	simm.s32 @!p1 $0x4400;
	[sflag:s19] =	ssyncset.done @!p1 $0x0  }
0x9d: {  	s18 =	sshrl.u32 @!p1 s18, $0x2;
	[sflag:s19] =	ssyncadd.s32 @!p1 $0xFFFFFF80;
	s19 =	simm.s32 @!p1 $0x80  }
0x9e: {  	[tilespmem:s20], [sflag:$0x2] =	stream.indirect.gather @!p1 [hbm4b:s3+s19], $0x80, s18, s19, $0xb8;
	v63 =	vld [tilespmem:$0x0]  }
0x9f: {  	s18 =	sand.u32 @!p1 $0x7C00, s16  }
0xa0: {  	s19 =	sand.u32 @!p1 $0x380, s16;
	s18 =	sadd.s32 @!p1 s9, s18  }
0xa1: {  	s18 =	sor.u32 @!p1 s19, s18  }
0xa2: {  	s18 =	sshrl.u32 @!p1 s18, $0x3  }
0xa3: {  	s16 =	sand.u32 @!p1 $0x180, s16;
	s20 =	simm.s32 @!p1 $0x0;
	s19 =	sadd.s32 @!p1 s4, s18  }
0xa4: {  	[tilespmem:s16], [sflag:$0x4] =	stream.linear.gather @!p1 [hbm4b:s19+s20], $0x80, $0x38;
	v63 =	vld [tilespmem:$0x0]  }
0xa5: {  	s18 =	sadd.s32 @!p1 s5, s18;
	s16 =	sor.u32 @!p1 $0x200, s16  }
0xa6: {  	[tilespmem:s16], [sflag:$0x4] =	stream.linear.gather @!p1 [hbm4b:s18+s20], $0x80, $0x38;
	v63 =	vld [tilespmem:$0x0]  }
0xa7: {  	s24 =	sor.u32 $0x200, s17  }
0xa8: {  	[spmem:s1] =	stream.indirect.scatter.add.f32 [tilespmem:s31], [sflag:$0x6], $0x80, s24, s29, $0xb8;
	v63 =	vld [tilespmem:$0x0]  }
0xa9: {  	s16 =	simm.s32 $0x400;
	_ =	swait.ge [sflag:s26], $0x4000  }
.LBB2_4:
0xaa: {  	[sflag:s26] =	ssyncset.done $0x0  }
0xab: {  	s15 =	sadd.s32 $0x600, s15;
	s17 =	smov.u32 s16;
	s16 =	sadd.s32 $0x180, s16  }
0xac: {  	p1 =	sne.s32 s16, $0x2B00;
	[sflag:s26] =	ssyncadd.s32 $0xFFFFC000  }
0xad: {  	_ =	swait.ge [sflag:s28], $0x4000  }
0xae: {  	[sflag:s28] =	ssyncset.done $0x0  }
0xaf: {  	[sflag:s28] =	ssyncadd.s32 $0xFFFFC000  }
0xb0: {  	_ =	swait.ge [sflag:s30], $0x80  }
0xb1: {  	s18 =	sadd.s32 $0xFFFFFA00, s15;
	p2 =	sne.s32 s17, $0x2980;
	[sflag:s30] =	ssyncset.done $0x0  }
0xb2: {  	s21 =	sadd.s32 @p2 $0xFFFFFF00, s17;
	s20 =	simm.s32 @p2 $0x0;
	[sflag:s30] =	ssyncadd.s32 $0xFFFFFF80  }
0xb3: {  	s22 =	sand.u32 @p2 $0x7C00, s21;
	s23 =	sand.u32 @p2 $0x380, s21;
	_ =	swait.ge [sflag:s30], $0x80  }
0xb4: {  	s19 =	sand.u32 $0x600, s18;
	s21 =	sand.u32 @p2 $0x180, s21;
	s18 =	sadd.s32 @p2 s9, s22  }
0xb5: {  	s22 =	sxor.u32 $0x400, s19;
	s23 =	sor.u32 @p2 s23, s18;
	[sflag:s30] =	ssyncset.done $0x0  }
0xb6: {  	s18 =	sshrl.u32 s22, $0x2;
	s22 =	sshrl.u32 @p2 s23, $0x3;
	[sflag:s30] =	ssyncadd.s32 $0xFFFFFF80  }
0xb7: {  	[tilespmem:s31], [sflag:$0x3] =	stream.indirect.gather [hbm4b:s3+s29], $0x80, s18, s29, $0xb8;
	v63 =	vld [tilespmem:$0x0]  }
0xb8: {  	s24 =	sor.u32 @p2 $0x200, s21;
	s23 =	sadd.s32 @p2 s4, s22;
	s22 =	sadd.s32 @p2 s5, s22  }
0xb9: {  	[tilespmem:s21], [sflag:$0x4] =	stream.linear.gather @p2 [hbm4b:s23+s20], $0x80, $0x38;
	v63 =	vld [tilespmem:$0x0]  }
0xba: {  	s6 =	sadd.s32 @p2 $0xFFFFFF80, s17;
	s21 =	sshrl.u32 @p2 s19, $0x2;
	s23 =	simm.s32 @p2 $0x6  }
0xbb: {  	[tilespmem:s24], [sflag:$0x4] =	stream.linear.gather @p2 [hbm4b:s22+s20], $0x80, $0x38;
	v63 =	vld [tilespmem:$0x0]  }
0xbc: {  	s21 =	sor.u32 @p2 $0x200, s21;
	s22 =	simm.s32 @p2 $0x80;
	s24 =	simm.s32 @p2 $0x400  }
0xbd: {  	[spmem:s1] =	stream.indirect.scatter.add.f32 @p2 [tilespmem:s24], [sflag:$0x6], $0x80, s21, s22, $0xb8;
	v63 =	vld [tilespmem:$0x0]  }
0xbe: {  	s21 =	sand.u32 @p2 $0x7C00, s6;
	s6 =	sand.u32 @p2 $0x380, s6;
	_ =	swait.ge @p2 [sflag:s23], $0x4000  }
0xbf: {  	s7 =	sand.u32 @p2 $0x600, s15;
	s21 =	sadd.s32 @p2 s9, s21;
	[sflag:s23] =	ssyncset.done @p2 $0x0  }
0xc0: {  	s6 =	sor.u32 @p2 s6, s21;
	[sflag:s23] =	ssyncadd.s32 @p2 $0xFFFFC000;
	s23 =	simm.s32 @p2 $0x2  }
0xc1: {  	s7 =	sshrl.u32 @p2 s7, $0x2;
	s6 =	sshrl.u32 @p2 s6, $0x3;
	_ =	swait.ge @p2 [sflag:s23], $0x4000  }
0xc2: {  	s21 =	sadd.s32 @p2 s4, s6;
	s6 =	sadd.s32 @p2 s5, s6;
	[sflag:s23] =	ssyncset.done @p2 $0x0  }
0xc3: {  	s8 =	sadd.s32 @p2 $0xFFFFFD80, s17;
	[sflag:s23] =	ssyncadd.s32 @p2 $0xFFFFC000;
	s23 =	simm.s32 @p2 $0x4  }
0xc4: {  	s8 =	sand.u32 @p2 $0x180, s8;
	_ =	swait.ge @p2 [sflag:s23], $0x80  }
0xc5: {  	s10 =	sor.u32 @p2 $0x200, s8;
	[sflag:s23] =	ssyncset.done @p2 $0x0  }
0xc6: {  	[sflag:s23] =	ssyncadd.s32 @p2 $0xFFFFFF80  }
0xc7: {  	_ =	swait.ge @p2 [sflag:s23], $0x80  }
0xc8: {  	[sflag:s23] =	ssyncset.done @p2 $0x0  }
0xc9: {  	[sflag:s23] =	ssyncadd.s32 @p2 $0xFFFFFF80  }
0xca: {  	[tilespmem:s24], [sflag:$0x1] =	stream.indirect.gather @p2 [hbm4b:s3+s22], $0x80, s7, s22, $0xb8;
	v63 =	vld [tilespmem:$0x0]  }
0xcb: {  	_ = 	snop  }
0xcc: {  	[tilespmem:s8], [sflag:$0x4] =	stream.linear.gather @p2 [hbm4b:s21+s20], $0x80, $0x38;
	v63 =	vld [tilespmem:$0x0]  }
0xcd: {  	s7 =	simm.s32 @!p2 $0x6  }
0xce: {  	[tilespmem:s10], [sflag:$0x4] =	stream.linear.gather @p2 [hbm4b:s6+s20], $0x80, $0x38;
	v63 =	vld [tilespmem:$0x0]  }
0xcf: {  	s8 =	simm.s32 @!p2 $0x300;
	s6 =	simm.s32 @!p2 $0x80;
	s10 =	simm.s32 @!p2 $0x400  }
0xd0: {  	[spmem:s1] =	stream.indirect.scatter.add.f32 @!p2 [tilespmem:s10], [sflag:$0x6], $0x80, s8, s6, $0xb8;
	v63 =	vld [tilespmem:$0x0]  }
0xd1: {  	_ =	swait.ge @!p2 [sflag:s7], $0x4000  }
0xd2: {  	[sflag:s7] =	ssyncset.done @!p2 $0x0  }
0xd3: {  	s6 =	simm.s32 @!p2 $0x2;
	[sflag:s7] =	ssyncadd.s32 @!p2 $0xFFFFC000;
	s7 =	sadd.s32 $0xFFFFFC00, s15  }
0xd4: {  	_ =	swait.ge @!p2 [sflag:s6], $0x4000;
	s7 =	sand.u32 $0x600, s7  }
0xd5: {  	[sflag:s6] =	ssyncset.done @!p2 $0x0;
	s7 =	sshrl.u32 s7, $0x2  }
0xd6: {  	[sflag:s6] =	ssyncadd.s32 @!p2 $0xFFFFC000;
	s6 =	sor.u32 $0x200, s7  }
0xd7: {  	[spmem:s1] =	stream.indirect.scatter.add.f32 [tilespmem:s0], [sflag:$0x6], $0x80, s6, s29, $0xb8;
	v63 =	vld [tilespmem:$0x0]  }
0xd8: {  	_ =	swait.ge [sflag:s26], $0x4000  }
0xd9: {  	[sflag:s26] =	ssyncset.done $0x0  }
0xda: {  	[sflag:s26] =	ssyncadd.s32 $0xFFFFC000  }
0xdb: {  	_ =	swait.ge [sflag:s12], $0x4000  }
0xdc: {  	p2 =	seq.s32 s17, $0x2980;
	[sflag:s12] =	ssyncset.done $0x0  }
0xdd: {  	s6 =	simm.s32 @!p2 $0x4;
	s7 =	sand.u32 @!p2 $0x7C00, s17;
	[sflag:s12] =	ssyncadd.s32 $0xFFFFC000  }
0xde: {  	s8 =	sand.u32 @!p2 $0x380, s17;
	s7 =	sadd.s32 @!p2 s9, s7;
	_ =	swait.ge @!p2 [sflag:s6], $0x80  }
0xdf: {  	s7 =	sor.u32 @!p2 s8, s7;
	[sflag:s6] =	ssyncset.done @!p2 $0x0  }
0xe0: {  	[sflag:s6] =	ssyncadd.s32 @!p2 $0xFFFFFF80  }
0xe1: {  	_ =	swait.ge @!p2 [sflag:s6], $0x80  }
0xe2: {  	s8 =	simm.s32 @!p2 $0x4400;
	s7 =	sshrl.u32 @!p2 s7, $0x3;
	[sflag:s6] =	ssyncset.done @!p2 $0x0  }
0xe3: {  	s10 =	sshrl.u32 @!p2 s19, $0x2;
	[sflag:s6] =	ssyncadd.s32 @!p2 $0xFFFFFF80;
	s6 =	simm.s32 @!p2 $0x80  }
0xe4: {  	[tilespmem:s8], [sflag:$0x2] =	stream.indirect.gather @!p2 [hbm4b:s3+s6], $0x80, s10, s6, $0xb8;
	v63 =	vld [tilespmem:$0x0]  }
0xe5: {  	s6 =	sand.u32 @!p2 $0x180, s17;
	s8 =	sadd.s32 @!p2 s4, s7;
	s10 =	simm.s32 @!p2 $0x0  }
0xe6: {  	[tilespmem:s6], [sflag:$0x4] =	stream.linear.gather @!p2 [hbm4b:s8+s10], $0x80, $0x38;
	v63 =	vld [tilespmem:$0x0]  }
.Ltmp1:
0xe7: {  	s7 =	sadd.s32 @!p2 s5, s7;
	s6 =	sor.u32 @!p2 $0x200, s6;
	(pc) =	sbr.rel @p1 .LBB2_4-.Ltmp1, $4  }
0xe8: {  	[tilespmem:s6], [sflag:$0x4] =	stream.linear.gather @!p2 [hbm4b:s7+s10], $0x80, $0x38;
	v63 =	vld [tilespmem:$0x0]  }
0xe9: {  	s6 =	sor.u32 $0x200, s18  }
0xea: {  	[spmem:s1] =	stream.indirect.scatter.add.f32 [tilespmem:s31], [sflag:$0x6], $0x80, s6, s29, $0xb8;
	v63 =	vld [tilespmem:$0x0]  }
0xeb: {  	_ =	swait.ge [sflag:s26], $0x4000  }
0xec: {  	[sflag:s26] =	ssyncset.done $0x0  }
0xed: {  	[sflag:s26] =	ssyncadd.s32 $0xFFFFC000  }
0xee: {  	[bflag:$0x0] =	sbarrier.arrive $0xFFFF  }
0xef: {  	[tilespmem:s25], [sflag:$0x6] =	stream.linear.gather [spmem:s11], $0x4000, $0x38;
	v63 =	vld [tilespmem:$0x0]  }
0xf0: {  	_ =	swait.ge [sflag:s26], $0x4000  }
0xf1: {  	[sflag:s26] =	ssyncset.done $0x0  }
0xf2: {  	s7 =	rddreg [dreg:$0xc];
	[sflag:s26] =	ssyncadd.s32 $0xFFFFC000  }
0xf3: {  	[hbm4b:s7+s2] =	stream.linear.scatter [tilespmem:s25], [sflag:$0x5], $0x4000, $0x38;
	v63 =	vld [tilespmem:$0x0]  }
0xf4: {  	s7 =	rddreg [dreg:$0x3]  }
0xf5: {  	[tilespmem:s0], [sflag:$0x6] =	stream.linear.gather [spmem:s7], $0x4000, $0x38;
	v63 =	vld [tilespmem:$0x0]  }
0xf6: {  	_ =	swait.ge [sflag:s26], $0x4000  }
0xf7: {  	[sflag:s26] =	ssyncset.done $0x0  }
0xf8: {  	s8 =	rddreg [dreg:$0xd];
	[sflag:s26] =	ssyncadd.s32 $0xFFFFC000  }
0xf9: {  	[hbm4b:s8+s2] =	stream.linear.scatter [tilespmem:s0], [sflag:$0x5], $0x4000, $0x38;
	v63 =	vld [tilespmem:$0x0]  }
0xfa: {  	_ =	swait.ge [sflag:s13], $0x4000  }
0xfb: {  	[sflag:s13] =	ssyncset.done $0x0  }
0xfc: {  	s8 =	rddreg [dreg:$0x4];
	[sflag:s13] =	ssyncadd.s32 $0xFFFFC000  }
0xfd: {  	[tilespmem:s25], [sflag:$0x6] =	stream.linear.gather [spmem:s8], $0x4000, $0x38;
	v63 =	vld [tilespmem:$0x0]  }
0xfe: {  	_ =	swait.ge [sflag:s26], $0x4000  }
0xff: {  	[sflag:s26] =	ssyncset.done $0x0  }
0x100: {  	s10 =	rddreg [dreg:$0xe];
	[sflag:s26] =	ssyncadd.s32 $0xFFFFC000  }
0x101: {  	[hbm4b:s10+s2] =	stream.linear.scatter [tilespmem:s25], [sflag:$0x5], $0x4000, $0x38;
	v63 =	vld [tilespmem:$0x0]  }
0x102: {  	_ =	swait.ge [sflag:s13], $0x4000  }
0x103: {  	[sflag:s13] =	ssyncset.done $0x0  }
0x104: {  	s10 =	rddreg [dreg:$0x5];
	[sflag:s13] =	ssyncadd.s32 $0xFFFFC000  }
0x105: {  	[tilespmem:s0], [sflag:$0x6] =	stream.linear.gather [spmem:s10], $0x4000, $0x38;
	v63 =	vld [tilespmem:$0x0]  }
0x106: {  	_ =	swait.ge [sflag:s26], $0x4000  }
0x107: {  	[sflag:s26] =	ssyncset.done $0x0  }
0x108: {  	s22 =	rddreg [dreg:$0xf];
	[sflag:s26] =	ssyncadd.s32 $0xFFFFC000  }
0x109: {  	[hbm4b:s22+s2] =	stream.linear.scatter [tilespmem:s0], [sflag:$0x5], $0x4000, $0x38;
	v63 =	vld [tilespmem:$0x0]  }
0x10a: {  	_ =	swait.ge [sflag:s13], $0x4000  }
0x10b: {  	[sflag:s13] =	ssyncset.done $0x0  }
0x10c: {  	s22 =	rddreg [dreg:$0x6];
	[sflag:s13] =	ssyncadd.s32 $0xFFFFC000  }
0x10d: {  	[tilespmem:s25], [sflag:$0x6] =	stream.linear.gather [spmem:s22], $0x3C00, $0x38;
	v63 =	vld [tilespmem:$0x0]  }
0x10e: {  	_ =	swait.ge [sflag:s26], $0x3C00  }
0x10f: {  	[sflag:s26] =	ssyncset.done $0x0  }
0x110: {  	s23 =	rddreg [dreg:$0x10];
	[sflag:s26] =	ssyncadd.s32 $0xFFFFC400  }
0x111: {  	[hbm4b:s23+s2] =	stream.linear.scatter [tilespmem:s25], [sflag:$0x5], $0x3C00, $0x38;
	v63 =	vld [tilespmem:$0x0]  }
0x112: {  	_ =	swait.ge [sflag:s13], $0x4000  }
0x113: {  	[sflag:s13] =	ssyncset.done $0x0  }
0x114: {  	[sflag:s13] =	ssyncadd.s32 $0xFFFFC000  }
0x115: {  	_ =	swait.ge [sflag:s13], $0x3C00  }
0x116: {  	s14 =	sadd.s32 $0x1, s14;
	s24 =	rddreg [dreg:$0x13]  }
0x117: {  	p1 =	sne.s32 s14, s24  }
.Ltmp2:
0x118: {  	_ = 	snop;
	(pc) =	sbr.rel @p1 .LBB2_1-.Ltmp2, $3  }
0x119: {  	_ =	sdelay $0x1  }
0x11a: {  	[sflag:s13] =	ssyncset.done $0x0  }
0x11b: {  	s6 =	smov.u32 s11;
	[sflag:s13] =	ssyncadd.s32 $0xFFFFC400  }
0x11c: {  	_ =	sfence.sel $0x180000  }
0x11d: {  	[bflag:$0x0] =	sbarrier.arrive $0xFFFF  }
0x11e: {  	_ =	strace $0x9000004D  }
0x11f: {  	[bflag:$0x2] =	sbarrier.arrive $0xFFFF  }
0x120: {  	s0 =	rddreg [dreg:$0x2]  }
0x121: {  	s0 =	sadd.s32 @!p0 $0x100000, s0  }
0x122: {  	[sflag:s0] =	ssyncadd.tile.s32 @!p0 $0x1;
	_ =	shalt  }
.Lfunc_end2:
_tile_overlayer_lowered:
.L_overlay_start_2:
0x123: {  	(tag) =	ssettag $0x2  }
0x124: {  	s0 =	rddreg [dreg:$0x0];
	s2 =	stileid.u32  }
0x125: {  	s1 =	rddreg [dreg:$0x1];
	p0 =	sne.s32 s2, $0x0  }
0x126: {  	s3 =	rddreg [dreg:$0x2];
	[bflag:$0x3] =	sbarrier.arrive $0xFFFF;
	s2 =	simm.s32 @!p0 $0x1C06  }
0x127: {  	[timem:s3], [sflag:s2] =	dma.local @!p0 [hbm:s0], s1  }
0x128: {  	s0 =	simm.s32 @!p0 $0x6  }
0x129: {  	_ =	swait.ge @!p0 [sflag:s0], s1  }
0x12a: {  	s1 =	ssub.s32 @!p0 $0x0, s1;
	[sflag:s0] =	ssyncset.done @!p0 $0x0  }
0x12b: {  	[sflag:s0] =	ssyncadd.s32 @!p0 s1  }
0x12c: {  	[bflag:$0x3] =	sbarrier.arrive $0xFFFF  }
0x12d: {  	_ =	shalt  }

// kernel: kernel.8.cloned.1.call-start
scs
__scs_entry_jumppad:
0x0: {  	(pc) =	sbr.rel $0x88, $3  }
0x1: {  	(tag) =	ssettag $0x0;
	lr =	simm.s32 $0x1  }
0x2: {  	[smem:$0x3F93] =	sst lr;
	_ =	strace $0xD0000000  }
0x3: {  	_ = 	snop  }
0x4: {  	_ = 	snop  }
0x5: {  	_ = 	snop  }
0x6: {  	_ = 	snop  }
0x7: {  	_ = 	snop  }
__scs_overlays_trampoline_lowered:
0x8: {  	[smem:$0x3FA2] =	sst s0  }
0x9: {  	[smem:$0x3FA3] =	sst s1  }
0xa: {  	[smem:$0x3FA4] =	sst s2  }
0xb: {  	[smem:$0x3FA5] =	sst s3  }
0xc: {  	[smem:$0x3FA6] =	sst s4  }
0xd: {  	[smem:$0x3FA7] =	sst s5  }
0xe: {  	[smem:$0x3FA8] =	sst s6  }
0xf: {  	[smem:$0x3FA9] =	sst s7  }
0x10: {  	[smem:$0x3FAA] =	sst s8  }
0x11: {  	[smem:$0x3FAB] =	sst s9;
	s0 =	simm.s32 @!p0 $0x0  }
0x12: {  	s1 =	sld [smem:$0x3F91];
	s0 =	simm.s32 @p0 $0x1  }
0x13: {  	[smem:$0x3FAC] =	sst s0;
	s0 =	simm.s32 @!p1 $0x0  }
0x14: {  	s2 =	sld [smem:$0x3F90];
	s0 =	simm.s32 @p1 $0x1  }
0x15: {  	[smem:$0x3FAD] =	sst s0;
	s0 =	simm.s32 @!p2 $0x0  }
0x16: {  	s3 =	sld [smem:$0x3FDB];
	s0 =	simm.s32 @p2 $0x1  }
0x17: {  	s4 =	simm.s32 $0x1BF5;
	[smem:$0x3FAF] =	sst s0  }
0x18: {  	s0 =	sld [smem:$0x3F92];
	_ =	swait.ge [sflag:s4], $0x0  }
0x19: {  	s7 =	sld [smem:$0x3F93]  }
0x1a: {  	s8 =	sadd.s32 $0xFFFFE003, lr  }
0x1b: {  	s9 =	sadd.s32 $0xFFFFFEF7, lr;
	s5 =	simm.s32 $0xFFFFFFFF;
	p2 =	slt.u32 s8, $0xFFFFF086  }
0x1c: {  	p1 =	slt.u32 s9, $0xF7A;
	s5 =	simm.s32 @!p2 $0x0  }
0x1d: {  	s5 =	simm.s32 @p1 $0x1;
	p0 =	seq.s32 s7, s2  }
0x1e: {  	s7 =	smul.u32 @!p0 $0xF7A, s2;
	p2 =	seq.s32 @!p0 s5, $0x0  }
0x1f: {  	s9 =	smul.u32 $0xF7A, s1;
	s8 =	simm.s32 @!p0 $0x1BF5;
	p2 =	por !p2, p0  }
0x20: {  	[sflag:s8] =	ssyncset.s32 @!p0 $0xFFFFF086;
	s6 =	sadd.s32 @!p0 s3, s7;
	s7 =	simm.s32 @!p0 $0x108  }
0x21: {  	s3 =	sadd.s32 s3, s9;
	s6 =	sadd.s32 @!p0 $0x88, s6;
	s7 =	simm.s32 @p2 $0x1082  }
0x22: {  	[simem:s7], [sflag:s8] =	dma.local @!p0 [hbm:s6], $0xF7A  }
0x23: {  	s9 =	sor.u32 $0xD0000000, s2;
	s6 =	simm.s32 $0x108;
	_ =	swait.ge @!p0 [sflag:s8], $0x0  }
0x24: {  	s3 =	sadd.s32 $0x88, s3;
	s6 =	simm.s32 @!p1 $0x1082;
	[sflag:s4] =	ssyncset.s32 $0xFFFFF086  }
0x25: {  	[simem:s6], [sflag:s4] =	dma.local [hbm:s3], $0xF7A  }
0x26: {  	[smem:$0x3F93] =	sst s1;
	(tag) =	ssettag s2;
	_ =	strace s9  }
0x27: {  	s1 =	sld [smem:$0x3FA3]  }
0x28: {  	s2 =	sld [smem:$0x3FA4]  }
0x29: {  	s4 =	sld [smem:$0x3FA6]  }
0x2a: {  	p0 =	seq.s32 s5, $0x0;
	s5 =	sld [smem:$0x3FA7]  }
0x2b: {  	s6 =	sld [smem:$0x3FA8]  }
0x2c: {  	s7 =	sld [smem:$0x3FA9]  }
0x2d: {  	s3 =	simm.s32 $0x108;
	s8 =	sld [smem:$0x3FAA]  }
0x2e: {  	s3 =	simm.s32 @!p0 $0x1082;
	s9 =	sld [smem:$0x3FAB]  }
0x2f: {  	lr =	sadd.s32 s0, s3;
	s0 =	sld [smem:$0x3FA2]  }
0x30: {  	s3 =	sld [smem:$0x3FA5]  }
0x31: {  	[smem:$0x3FAE] =	sst s10  }
0x32: {  	s10 =	sld [smem:$0x3FAC];
	_ =	sdelay $0x3  }
0x33: {  	p0 =	seq.s32 s10, $0x1;
	s10 =	sld [smem:$0x3FAE];
	_ =	sdelay $0x3  }
0x34: {  	[smem:$0x3FAE] =	sst s10  }
0x35: {  	s10 =	sld [smem:$0x3FAD];
	_ =	sdelay $0x3  }
0x36: {  	p1 =	seq.s32 s10, $0x1;
	s10 =	sld [smem:$0x3FAE];
	_ =	sdelay $0x3  }
0x37: {  	[smem:$0x3FAE] =	sst s10  }
0x38: {  	s10 =	sld [smem:$0x3FAF]  }
0x39: {  	_ = 	snop;
	(pc) =	sbr.ind lr, $3  }
0x3a: {  	_ = 	snop  }
0x3b: {  	_ = 	snop  }
0x3c: {  	p2 =	seq.s32 s10, $0x1;
	s10 =	sld [smem:$0x3FAE]  }
0x3d: {  	_ =	shalt  }
0x3e: {  	_ =	shalt  }
0x3f: {  	_ =	shalt  }
0x40: {  	_ =	shalt  }
0x41: {  	_ =	shalt  }
0x42: {  	_ =	shalt  }
0x43: {  	_ =	shalt  }
0x44: {  	_ =	shalt  }
0x45: {  	_ =	shalt  }
0x46: {  	_ =	shalt  }
0x47: {  	_ =	shalt  }
0x48: {  	_ =	shalt  }
0x49: {  	_ =	shalt  }
0x4a: {  	_ =	shalt  }
0x4b: {  	_ =	shalt  }
0x4c: {  	_ =	shalt  }
0x4d: {  	_ =	shalt  }
0x4e: {  	_ =	shalt  }
0x4f: {  	_ =	shalt  }
0x50: {  	_ =	shalt  }
0x51: {  	_ =	shalt  }
0x52: {  	_ =	shalt  }
0x53: {  	_ =	shalt  }
0x54: {  	_ =	shalt  }
0x55: {  	_ =	shalt  }
0x56: {  	_ =	shalt  }
0x57: {  	_ =	shalt  }
0x58: {  	_ =	shalt  }
0x59: {  	_ =	shalt  }
0x5a: {  	_ =	shalt  }
0x5b: {  	_ =	shalt  }
0x5c: {  	_ =	shalt  }
0x5d: {  	_ =	shalt  }
0x5e: {  	_ =	shalt  }
0x5f: {  	_ =	shalt  }
0x60: {  	_ =	shalt  }
0x61: {  	_ =	shalt  }
0x62: {  	_ =	shalt  }
0x63: {  	_ =	shalt  }
0x64: {  	_ =	shalt  }
0x65: {  	_ =	shalt  }
0x66: {  	_ =	shalt  }
0x67: {  	_ =	shalt  }
0x68: {  	_ =	shalt  }
0x69: {  	_ =	shalt  }
0x6a: {  	_ =	shalt  }
0x6b: {  	_ =	shalt  }
0x6c: {  	_ =	shalt  }
0x6d: {  	_ =	shalt  }
0x6e: {  	_ =	shalt  }
0x6f: {  	_ =	shalt  }
0x70: {  	_ =	shalt  }
0x71: {  	_ =	shalt  }
0x72: {  	_ =	shalt  }
0x73: {  	_ =	shalt  }
0x74: {  	_ =	shalt  }
0x75: {  	_ =	shalt  }
0x76: {  	_ =	shalt  }
0x77: {  	_ =	shalt  }
0x78: {  	_ =	shalt  }
0x79: {  	_ =	shalt  }
0x7a: {  	_ =	shalt  }
0x7b: {  	_ =	shalt  }
0x7c: {  	_ =	shalt  }
0x7d: {  	_ =	shalt  }
0x7e: {  	_ =	shalt  }
0x7f: {  	_ =	shalt  }
0x80: {  	_ =	shalt  }
0x81: {  	_ =	shalt  }
0x82: {  	_ =	shalt  }
0x83: {  	_ =	shalt  }
0x84: {  	_ =	shalt  }
0x85: {  	_ =	shalt  }
0x86: {  	_ =	shalt  }
0x87: {  	_ =	shalt  }
.Lfunc_end0:
.L_simem_size_0:
called_computation_lowered:
.L_overlay_start_0:
0x88: {  	s2 =	sld [smem:$0x3FD9]  }
0x89: {  	s3 =	sld [smem:$0x3FFE];
	_ =	sdelay $0x1  }
0x8a: {  	s1 =	srdreg.scid  }
0x8b: {  	s0 =	sand.u32 $0x1, s1  }
0x8c: {  	s17 =	sshll.u32 s0, $0xA;
	s2 =	sadd.s32 s3, s2  }
0x8d: {  	s2 =	sadd.s32 s2, s17  }
0x8e: {  	[smem:$0x3FBA] =	sst s2  }
0x8f: {  	_ = 	snop  }
0x90: {  	s2 =	sld [smem:$0x3FC6];
	(tm) =	ssettm $0x1  }
0x91: {  	s18 =	sld [smem:$0x3FFB];
	_ =	sdelay $0x3  }
0x92: {  	_ =	strace s18  }
0x93: {  	s3 =	sld [smem:$0x3FFC];
	_ =	sdelay $0x3  }
0x94: {  	_ =	strace s3  }
0x95: {  	s3 =	sld [smem:$0x3FFD];
	_ =	sdelay $0x3  }
0x96: {  	_ =	strace s3  }
0x97: {  	_ =	strace $0x8FFFFFFF  }
0x98: {  	s19 =	sld [smem:$0x3FDB];
	_ =	sdelay $0x1  }
0x99: {  	s4 =	simm.s32 $_scs_section_size  }
0x9a: {  	s5 =	simm.s32 $_size__tile_overlayer_lowered;
	s6 =	simm.s32 $_tile_overlayer_lowered  }
0x9b: {  	s22 =	simm.s32 $0x1BFF;
	s21 =	sshll.u32 s6, $0x1;
	s3 =	sadd.s32 s4, s19  }
0x9c: {  	s7 =	simm.s32 $0x0;
	s20 =	sshll.u32 s5, $0x1;
	s5 =	sadd.s32 s21, s3  }
0x9d: {  	[timem:s7], [sflag:s22] =	dma.local [hbm:s5], s20  }
0x9e: {  	_ =	swait.ge [sflag:s22], s20  }
0x9f: {  	s4 =	ssub.s32 $0x0, s20;
	[sflag:s22] =	ssyncset.done $0x0  }
0xa0: {  	[sflag:s22] =	ssyncadd.s32 s4;
	_ =	sdelay $0x1  }
0xa1: {  	s23 =	simm.s32 $0x1B8B  }
0xa2: {  	_ =	swait.ge [sflag:s23], $0x1  }
0xa3: {  	[sflag:s23] =	ssyncset.done $0x0  }
0xa4: {  	s25 =	simm.s32 $0x1B8E;
	s24 =	sld [smem:$0x3FFE];
	[sflag:s23] =	ssyncadd.s32 $0xFFFFFFFF  }
0xa5: {  	s26 =	simm.s32 $execute0_lowered;
	[smem:$0x3FD2] =	sst s25  }
0xa6: {  	s5 =	sshll.u32 s26, $0x1;
	_ =	strace $0x80000046;
	[dreg:$0x1] =	wrdreg $0xFFFFFFFF  }
0xa7: {  	s28 =	simm.s32 $_size_execute0_lowered;
	s3 =	sadd.s32 s3, s5;
	[dreg:$0x0] =	wrdreg $0x0  }
0xa8: {  	s5 =	sshll.u32 s28, $0x1;
	[dreg:$0x2] =	wrdreg s3  }
0xa9: {  	[dreg:$0x3] =	wrdreg s5  }
0xaa: {  	[dreg:$0x4] =	wrdreg $0xC0  }
0xab: {  	_ =	task [dreg:s7], $0x5FFFF  }
0xac: {  	[dreg:$0x1] =	wrdreg $0xFFFFFFFF  }
0xad: {  	[dreg:$0x0] =	wrdreg $0x60  }
0xae: {  	[dreg:$0x2] =	wrdreg s24  }
0xaf: {  	[dreg:$0x3] =	wrdreg s2  }
0xb0: {  	[dreg:$0x4] =	wrdreg $0x80800  }
0xb1: {  	[dreg:$0x5] =	wrdreg $0x9  }
0xb2: {  	_ =	task.clear_ibuf [dreg:s7], $0x6FFFF;
	_ =	strace $0x90000046  }
0xb3: {  	s29 =	simm.s32 $0x9;
	_ =	strace $0x80000048  }
0xb4: {  	_ =	swait.ge [sflag:s29], $0x1  }
0xb5: {  	[sflag:s29] =	ssyncadd.s32 $0xFFFFFFFF  }
0xb6: {  	_ =	strace $0x90000048  }
0xb7: {  	_ =	sfence  }
0xb8: {  	s30 =	sld [smem:$0x0];
	_ =	sdelay $0x2  }
0xb9: {  	s31 =	sshll.u32 s1, $0xD;
	s1 =	sshrl.u32 s1, $0x2  }
0xba: {  	s3 =	sand.u32 $0x4000, s31;
	s1 =	sadd.s32 s1, s30  }
0xbb: {  	s0 =	sor.u32 s3, s0;
	s1 =	sshll.u32 s1, $0x11  }
0xbc: {  	s0 =	sor.u32 s1, s0  }
0xbd: {  	s0 =	sadd.s32 $0x8F2B, s0  }
0xbe: {  	[sflag:s0] =	ssyncadd.remote.s32 $0x1  }
0xbf: {  	_ =	sfence.sel $0xFFFF  }
0xc0: {  	[dreg:$0x0] =	wrdreg $0xFFFFFFFF;
	(pc) =	sbr.abs _section_cstart, $3  }
0xc1: {  	[dreg:$0x1] =	wrdreg $0xFFFFFFFF  }
0xc2: {  	_ =	task.clear_ibuf [dreg:s7], $0x2FFFF;
	_ =	strace $0x9FFFFFFF  }
0xc3: {  	(tm) =	ssettm $0x7FFFFFFF  }
tec
execute0_lowered:
.L_overlay_start_1:
0x0: {  	(tag) =	ssettag $0x1  }
0x1: {  	s0 =	rddreg [dreg:$0x0]  }
0x2: {  	s1 =	srdreg.scid;
	s2 =	rddreg [dreg:$0x1]  }
0x3: {  	s11 =	stileid.u32;
	s3 =	rddreg [dreg:$0x2]  }
0x4: {  	s14 =	simm.s32 $0x2E00;
	s15 =	simm.s32 $0x3;
	s17 =	simm.s32 $0x50  }
0x5: {  	s18 =	simm.s32 $0x3080;
	s19 =	simm.s32 $0x1;
	s20 =	simm.s32 $0x5880  }
0x6: {  	s21 =	simm.s32 $0xA0;
	s22 =	simm.s32 $0xF0;
	s28 =	simm.s32 $0x100  }
0x7: {  	s1 =	sand.u32 $0x1, s1;
	s4 =	sshll.u32 s11, $0x1;
	s23 =	smul.u32 $0x500, s11  }
0x8: {  	s29 =	simm.s32 $0x0;
	s24 =	smul.u32 $0xA00, s11;
	s6 =	sor.u32 s1, s4  }
0x9: {  	s9 =	sadd.s32 $0xEC00, s0;
	s4 =	simm.s32 $0x0;
	s5 =	smul.u32 $0x28, s6  }
0xa: {  	s10 =	sshll.u32 s1, $0x7;
	s1 =	ssub.s32 $0x2, s1;
	s7 =	smul.u32 $0x580, s6  }
0xb: {  	[smem:$0x7FF] =	sst s4;
	s25 =	sshrl.u32 s1, $0x1;
	s12 =	smul.u32 $0xA000, s6  }
0xc: {  	s26 =	sshrl.u32 s24, $0x2;
	s30 =	smul.u32 $0x1400, s6;
	s24 =	simm.s32 $0x2D80  }
0xd: {  	_ =	strace $0x80000047;
	s1 =	ssub.s32 s1, s25;
	s25 =	simm.s32 $0x2  }
0xe: {  	s8 =	sadd.s32 s5, s0;
	s7 =	sadd.s32 s7, s0;
	s5 =	sor.u32 s10, s23  }
0xf: {  	s31 =	sshrl.u32 s12, $0x3;
	s13 =	smax.u32 s1, $0x1;
	s23 =	simm.s32 $0x80  }
0x10: {  	s5 =	sshrl.u32 s5, $0x3;
	s6 =	sadd.s32 $0x2C00, s7;
	s7 =	sadd.s32 $0xDC00, s8  }
0x11: {  	s11 =	sadd.s32 s9, s31;
	s8 =	sadd.s32 s9, s30;
	s0 =	sadd.s32 s5, s0  }
0x12: {  	s5 =	sadd.s32 s26, s3;
	s9 =	sadd.s32 $0x500, s11;
	s10 =	sadd.s32 $0xA00, s11  }
0x13: {  	v0 =	vimm.f32 $1.000000000e+00;
	v1 =	vimm.f32 $0.0e+00;
	s11 =	sadd.s32 $0xF00, s11;
	s26 =	simm.s32 $0x2980;
	s12 =	sadd.s32 $0xE200, s0  }
.LBB2_1:
0x14: {  	[tilespmem:$0x2D80] =	vst v0  }
0x15: {  	[tilespmem:$0x2D90] =	vst v0  }
0x16: {  	[tilespmem:$0x2DA0] =	vst v0  }
0x17: {  	[tilespmem:$0x2DB0] =	vst v0  }
0x18: {  	[tilespmem:$0x2DC0] =	vst v0  }
0x19: {  	[tilespmem:$0x2DD0] =	vst v0  }
0x1a: {  	[tilespmem:$0x2DE0] =	vst v0  }
0x1b: {  	[tilespmem:$0x2DF0] =	vst v0  }
0x1c: {  	[tilespmem:$0x2E00] =	vst v1  }
0x1d: {  	[tilespmem:$0x2E10] =	vst v1  }
0x1e: {  	[tilespmem:$0x2E20] =	vst v1  }
0x1f: {  	[tilespmem:$0x2E30] =	vst v1  }
0x20: {  	[tilespmem:$0x2E40] =	vst v1  }
0x21: {  	[tilespmem:$0x2E50] =	vst v1  }
0x22: {  	[tilespmem:$0x2E60] =	vst v1  }
0x23: {  	[tilespmem:$0x2E70] =	vst v1  }
0x24: {  	[tilespmem:$0x2E80] =	vst v1  }
0x25: {  	[tilespmem:$0x2E90] =	vst v1  }
0x26: {  	[tilespmem:$0x2EA0] =	vst v1  }
0x27: {  	[tilespmem:$0x2EB0] =	vst v1  }
0x28: {  	[tilespmem:$0x2EC0] =	vst v1  }
0x29: {  	[tilespmem:$0x2ED0] =	vst v1  }
0x2a: {  	[tilespmem:$0x2EE0] =	vst v1  }
0x2b: {  	[tilespmem:$0x2EF0] =	vst v1  }
0x2c: {  	[tilespmem:$0x2F00] =	vst v1  }
0x2d: {  	[tilespmem:$0x2F10] =	vst v1  }
0x2e: {  	[tilespmem:$0x2F20] =	vst v1  }
0x2f: {  	[tilespmem:$0x2F30] =	vst v1  }
0x30: {  	[tilespmem:$0x2F40] =	vst v1  }
0x31: {  	[tilespmem:$0x2F50] =	vst v1  }
0x32: {  	[tilespmem:$0x2F60] =	vst v1  }
0x33: {  	[tilespmem:$0x2F70] =	vst v1  }
0x34: {  	[tilespmem:$0x2F80] =	vst v1  }
0x35: {  	[tilespmem:$0x2F90] =	vst v1  }
0x36: {  	[tilespmem:$0x2FA0] =	vst v1  }
0x37: {  	[tilespmem:$0x2FB0] =	vst v1  }
0x38: {  	[tilespmem:$0x2FC0] =	vst v1  }
0x39: {  	[tilespmem:$0x2FD0] =	vst v1  }
0x3a: {  	[tilespmem:$0x2FE0] =	vst v1  }
0x3b: {  	[tilespmem:$0x2FF0] =	vst v1  }
0x3c: {  	[tilespmem:$0x3000] =	vst v1  }
0x3d: {  	[tilespmem:$0x3010] =	vst v1  }
0x3e: {  	[tilespmem:$0x3020] =	vst v1  }
0x3f: {  	[tilespmem:$0x3030] =	vst v1  }
0x40: {  	[tilespmem:$0x3040] =	vst v1  }
0x41: {  	[tilespmem:$0x3050] =	vst v1  }
0x42: {  	[tilespmem:$0x3060] =	vst v1  }
0x43: {  	[tilespmem:$0x3070] =	vst v1  }
0x44: {  	[spmem:s5] =	stream.linear.scatter [tilespmem:s14], [sflag:$0x3], $0x280, $0x38;
	[tilespmem:$0x8300] =	vst v63  }
0x45: {  	_ =	swait.ge [sflag:s15], $0x280  }
0x46: {  	[sflag:s15] =	ssyncset.done $0x0  }
0x47: {  	s0 =	simm.s32 $0x180;
	[sflag:s15] =	ssyncadd.s32 $0xFFFFFD80  }
0x48: {  	[tilespmem:s0], [sflag:$0x3] =	stream.linear.gather [hbm4b:s6+s4], $0x2880, $0x38;
	[tilespmem:$0x8300] =	vst v63  }
0x49: {  	_ =	swait.ge [sflag:s15], $0x2880  }
0x4a: {  	[sflag:s15] =	ssyncset.done $0x0  }
0x4b: {  	[sflag:s15] =	ssyncadd.s32 $0xFFFFD780  }
0x4c: {  	[bflag:$0x0] =	sbarrier.arrive $0xFFFF  }
0x4d: {  	[tilespmem:s4], [sflag:$0x3] =	stream.linear.gather [hbm4b:s7+s4], $0x140, $0x38;
	[tilespmem:$0x8300] =	vst v63  }
0x4e: {  	_ =	swait.ge [sflag:s15], $0x140  }
0x4f: {  	[sflag:s15] =	ssyncset.done $0x0  }
0x50: {  	[sflag:s15] =	ssyncadd.s32 $0xFFFFFEC0  }
0x51: {  	[tilespmem:s18], [sflag:$0x1] =	stream.indirect.gather [hbm4b:s2+s17], $0x80, s4, s17, $0xb8;
	[tilespmem:$0x8300] =	vst v63  }
0x52: {  	_ =	swait.ge [sflag:s19], $0x2800  }
0x53: {  	[sflag:s19] =	ssyncset.done $0x0  }
0x54: {  	[sflag:s19] =	ssyncadd.s32 $0xFFFFD800  }
0x55: {  	[tilespmem:s20], [sflag:$0x1] =	stream.indirect.gather [hbm4b:s2+s17], $0x80, s17, s17, $0xb8;
	[tilespmem:$0x8300] =	vst v63  }
0x56: {  	_ = 	snop  }
0x57: {  	[hbm4b:s8+s4] =	stream.linear.scatter [tilespmem:s18], [sflag:$0x3], $0x2800, $0x38;
	[tilespmem:$0x8300] =	vst v63  }
0x58: {  	_ =	swait.ge [sflag:s15], $0x2800  }
0x59: {  	[sflag:s15] =	ssyncset.done $0x0  }
0x5a: {  	[sflag:s15] =	ssyncadd.s32 $0xFFFFD800  }
0x5b: {  	_ =	swait.ge [sflag:s19], $0x2800  }
0x5c: {  	[sflag:s19] =	ssyncset.done $0x0  }
0x5d: {  	[sflag:s19] =	ssyncadd.s32 $0xFFFFD800  }
0x5e: {  	[tilespmem:s18], [sflag:$0x1] =	stream.indirect.gather [hbm4b:s2+s17], $0x80, s21, s17, $0xb8;
	[tilespmem:$0x8300] =	vst v63  }
0x5f: {  	_ = 	snop  }
0x60: {  	[hbm4b:s9+s4] =	stream.linear.scatter [tilespmem:s20], [sflag:$0x3], $0x2800, $0x38;
	[tilespmem:$0x8300] =	vst v63  }
0x61: {  	_ =	swait.ge [sflag:s15], $0x2800  }
0x62: {  	[sflag:s15] =	ssyncset.done $0x0  }
0x63: {  	[sflag:s15] =	ssyncadd.s32 $0xFFFFD800  }
0x64: {  	_ =	swait.ge [sflag:s19], $0x2800  }
0x65: {  	[sflag:s19] =	ssyncset.done $0x0  }
0x66: {  	[sflag:s19] =	ssyncadd.s32 $0xFFFFD800  }
0x67: {  	[tilespmem:s20], [sflag:$0x1] =	stream.indirect.gather [hbm4b:s2+s17], $0x80, s22, s17, $0xb8;
	[tilespmem:$0x8300] =	vst v63  }
0x68: {  	_ = 	snop  }
0x69: {  	[hbm4b:s10+s4] =	stream.linear.scatter [tilespmem:s18], [sflag:$0x3], $0x2800, $0x38;
	[tilespmem:$0x8300] =	vst v63  }
0x6a: {  	_ =	swait.ge [sflag:s15], $0x2800  }
0x6b: {  	[sflag:s15] =	ssyncset.done $0x0  }
0x6c: {  	[sflag:s15] =	ssyncadd.s32 $0xFFFFD800  }
0x6d: {  	_ =	swait.ge [sflag:s19], $0x2800  }
0x6e: {  	[sflag:s19] =	ssyncset.done $0x0  }
0x6f: {  	[sflag:s19] =	ssyncadd.s32 $0xFFFFD800  }
0x70: {  	[hbm4b:s11+s4] =	stream.linear.scatter [tilespmem:s20], [sflag:$0x3], $0x2800, $0x38;
	[tilespmem:$0x8300] =	vst v63  }
0x71: {  	_ =	swait.ge [sflag:s15], $0x2800  }
0x72: {  	[sflag:s15] =	ssyncset.done $0x0  }
0x73: {  	s16 =	simm.s32 $0x180;
	[sflag:s15] =	ssyncadd.s32 $0xFFFFD800  }
0x74: {  	[spmem:s3] =	stream.indirect.scatter.add.f32 [tilespmem:s24], [sflag:$0x2], $0x1, s16, s23, $0xb8;
	[tilespmem:$0x8300] =	vst v63  }
0x75: {  	s31 =	simm.s32 $0x200  }
0x76: {  	[spmem:s3] =	stream.indirect.scatter.add.f32 [tilespmem:s24], [sflag:$0x2], $0x1, s31, s23, $0xb8;
	[tilespmem:$0x8300] =	vst v63  }
0x77: {  	s1 =	simm.s32 $0x280  }
0x78: {  	[spmem:s3] =	stream.indirect.scatter.add.f32 [tilespmem:s24], [sflag:$0x2], $0x1, s1, s23, $0xb8;
	[tilespmem:$0x8300] =	vst v63  }
0x79: {  	s16 =	simm.s32 $0x300  }
0x7a: {  	[spmem:s3] =	stream.indirect.scatter.add.f32 [tilespmem:s24], [sflag:$0x2], $0x1, s16, s23, $0xb8;
	[tilespmem:$0x8300] =	vst v63  }
0x7b: {  	s31 =	simm.s32 $0x380  }
0x7c: {  	[spmem:s3] =	stream.indirect.scatter.add.f32 [tilespmem:s24], [sflag:$0x2], $0x1, s31, s23, $0xb8;
	[tilespmem:$0x8300] =	vst v63  }
0x7d: {  	s1 =	simm.s32 $0x400  }
0x7e: {  	[spmem:s3] =	stream.indirect.scatter.add.f32 [tilespmem:s24], [sflag:$0x2], $0x1, s1, s23, $0xb8;
	[tilespmem:$0x8300] =	vst v63  }
0x7f: {  	s16 =	simm.s32 $0x480  }
0x80: {  	[spmem:s3] =	stream.indirect.scatter.add.f32 [tilespmem:s24], [sflag:$0x2], $0x1, s16, s23, $0xb8;
	[tilespmem:$0x8300] =	vst v63  }
0x81: {  	s31 =	simm.s32 $0x500  }
0x82: {  	[spmem:s3] =	stream.indirect.scatter.add.f32 [tilespmem:s24], [sflag:$0x2], $0x1, s31, s23, $0xb8;
	[tilespmem:$0x8300] =	vst v63  }
0x83: {  	_ =	swait.ge [sflag:s25], $0x80  }
0x84: {  	[sflag:s25] =	ssyncset.done $0x0  }
0x85: {  	[sflag:s25] =	ssyncadd.s32 $0xFFFFFF80  }
0x86: {  	_ =	swait.ge [sflag:s25], $0x80  }
0x87: {  	[sflag:s25] =	ssyncset.done $0x0  }
0x88: {  	[sflag:s25] =	ssyncadd.s32 $0xFFFFFF80  }
0x89: {  	_ =	swait.ge [sflag:s25], $0x80  }
0x8a: {  	[sflag:s25] =	ssyncset.done $0x0  }
0x8b: {  	[sflag:s25] =	ssyncadd.s32 $0xFFFFFF80  }
0x8c: {  	_ =	swait.ge [sflag:s25], $0x80  }
0x8d: {  	[sflag:s25] =	ssyncset.done $0x0  }
0x8e: {  	[sflag:s25] =	ssyncadd.s32 $0xFFFFFF80  }
0x8f: {  	_ =	swait.ge [sflag:s25], $0x80  }
0x90: {  	[sflag:s25] =	ssyncset.done $0x0  }
0x91: {  	[sflag:s25] =	ssyncadd.s32 $0xFFFFFF80  }
0x92: {  	_ =	swait.ge [sflag:s25], $0x80  }
0x93: {  	[sflag:s25] =	ssyncset.done $0x0  }
0x94: {  	[sflag:s25] =	ssyncadd.s32 $0xFFFFFF80  }
0x95: {  	_ =	swait.ge [sflag:s25], $0x80  }
0x96: {  	[sflag:s25] =	ssyncset.done $0x0  }
0x97: {  	[sflag:s25] =	ssyncadd.s32 $0xFFFFFF80  }
0x98: {  	_ =	swait.ge [sflag:s25], $0x80  }
0x99: {  	s30 =	simm.s32 $0x2000;
	s1 =	simm.s32 $0x400;
	[sflag:s25] =	ssyncset.done $0x0  }
.LBB2_2:
0x9a: {  	s16 =	sadd.s32 $0x180, s1  }
0x9b: {  	[sflag:s25] =	ssyncadd.s32 $0xFFFFFF80;
	s31 =	smov.u32 s30;
	s0 =	sadd.s32 $0x1000, s30  }
0x9c: {  	[spmem:s3] =	stream.indirect.scatter.add.f32 [tilespmem:s24], [sflag:$0x2], $0x1, s16, s23, $0xb8;
	[tilespmem:$0x8300] =	vst v63  }
0x9d: {  	p0 =	sne.s32 s30, $0x9000;
	s16 =	sadd.s32 $0x200, s1  }
0x9e: {  	[spmem:s3] =	stream.indirect.scatter.add.f32 [tilespmem:s24], [sflag:$0x2], $0x1, s16, s23, $0xb8;
	[tilespmem:$0x8300] =	vst v63  }
0x9f: {  	s16 =	sadd.s32 $0x280, s1  }
0xa0: {  	[spmem:s3] =	stream.indirect.scatter.add.f32 [tilespmem:s24], [sflag:$0x2], $0x1, s16, s23, $0xb8;
	[tilespmem:$0x8300] =	vst v63  }
0xa1: {  	s16 =	sadd.s32 $0x300, s1  }
0xa2: {  	[spmem:s3] =	stream.indirect.scatter.add.f32 [tilespmem:s24], [sflag:$0x2], $0x1, s16, s23, $0xb8;
	[tilespmem:$0x8300] =	vst v63  }
0xa3: {  	s16 =	sadd.s32 $0x380, s1  }
0xa4: {  	[spmem:s3] =	stream.indirect.scatter.add.f32 [tilespmem:s24], [sflag:$0x2], $0x1, s16, s23, $0xb8;
	[tilespmem:$0x8300] =	vst v63  }
0xa5: {  	s16 =	sadd.s32 $0x400, s1  }
0xa6: {  	[spmem:s3] =	stream.indirect.scatter.add.f32 [tilespmem:s24], [sflag:$0x2], $0x1, s16, s23, $0xb8;
	[tilespmem:$0x8300] =	vst v63  }
0xa7: {  	s16 =	sadd.s32 $0x480, s1  }
0xa8: {  	[spmem:s3] =	stream.indirect.scatter.add.f32 [tilespmem:s24], [sflag:$0x2], $0x1, s16, s23, $0xb8;
	[tilespmem:$0x8300] =	vst v63  }
0xa9: {  	s1 =	sadd.s32 $0x500, s1  }
0xaa: {  	[spmem:s3] =	stream.indirect.scatter.add.f32 [tilespmem:s24], [sflag:$0x2], $0x1, s1, s23, $0xb8;
	[tilespmem:$0x8300] =	vst v63  }
0xab: {  	_ =	swait.ge [sflag:s25], $0x80  }
0xac: {  	[sflag:s25] =	ssyncset.done $0x0  }
0xad: {  	[sflag:s25] =	ssyncadd.s32 $0xFFFFFF80  }
0xae: {  	_ =	swait.ge [sflag:s25], $0x80  }
0xaf: {  	[sflag:s25] =	ssyncset.done $0x0  }
0xb0: {  	[sflag:s25] =	ssyncadd.s32 $0xFFFFFF80  }
0xb1: {  	_ =	swait.ge [sflag:s25], $0x80  }
0xb2: {  	[sflag:s25] =	ssyncset.done $0x0  }
0xb3: {  	[sflag:s25] =	ssyncadd.s32 $0xFFFFFF80  }
0xb4: {  	_ =	swait.ge [sflag:s25], $0x80  }
0xb5: {  	[sflag:s25] =	ssyncset.done $0x0  }
0xb6: {  	[sflag:s25] =	ssyncadd.s32 $0xFFFFFF80  }
0xb7: {  	_ =	swait.ge [sflag:s25], $0x80  }
0xb8: {  	[sflag:s25] =	ssyncset.done $0x0  }
0xb9: {  	[sflag:s25] =	ssyncadd.s32 $0xFFFFFF80  }
0xba: {  	_ =	swait.ge [sflag:s25], $0x80  }
0xbb: {  	[sflag:s25] =	ssyncset.done $0x0  }
0xbc: {  	[sflag:s25] =	ssyncadd.s32 $0xFFFFFF80  }
.Ltmp0:
0xbd: {  	_ =	swait.ge [sflag:s25], $0x80;
	(pc) =	sbr.rel @p0 .LBB2_2-.Ltmp0, $4  }
0xbe: {  	[sflag:s25] =	ssyncset.done $0x0  }
0xbf: {  	[sflag:s25] =	ssyncadd.s32 $0xFFFFFF80  }
0xc0: {  	_ =	swait.ge [sflag:s25], $0x80  }
0xc1: {  	s30 =	smov.u32 s0;
	s1 =	sshra.s32 s31, $0x2;
	[sflag:s25] =	ssyncset.done $0x0  }
0xc2: {  	s0 =	sadd.s32 $0x180, s1;
	[sflag:s25] =	ssyncadd.s32 $0xFFFFFF80  }
0xc3: {  	[spmem:s3] =	stream.indirect.scatter.add.f32 [tilespmem:s24], [sflag:$0x2], $0x1, s0, s23, $0xb8;
	[tilespmem:$0x8300] =	vst v63  }
0xc4: {  	s31 =	sadd.s32 $0x200, s1  }
0xc5: {  	[spmem:s3] =	stream.indirect.scatter.add.f32 [tilespmem:s24], [sflag:$0x2], $0x1, s31, s23, $0xb8;
	[tilespmem:$0x8300] =	vst v63  }
0xc6: {  	s16 =	sadd.s32 $0x280, s1  }
0xc7: {  	[spmem:s3] =	stream.indirect.scatter.add.f32 [tilespmem:s24], [sflag:$0x2], $0x1, s16, s23, $0xb8;
	[tilespmem:$0x8300] =	vst v63  }
0xc8: {  	s30 =	sadd.s32 $0x300, s1  }
0xc9: {  	[spmem:s3] =	stream.indirect.scatter.add.f32 [tilespmem:s24], [sflag:$0x2], $0x1, s30, s23, $0xb8;
	[tilespmem:$0x8300] =	vst v63  }
0xca: {  	s31 =	sadd.s32 $0x380, s1  }
0xcb: {  	[spmem:s3] =	stream.indirect.scatter.add.f32 [tilespmem:s24], [sflag:$0x2], $0x1, s31, s23, $0xb8;
	[tilespmem:$0x8300] =	vst v63  }
0xcc: {  	s16 =	sadd.s32 $0x400, s1  }
0xcd: {  	[spmem:s3] =	stream.indirect.scatter.add.f32 [tilespmem:s24], [sflag:$0x2], $0x1, s16, s23, $0xb8;
	[tilespmem:$0x8300] =	vst v63  }
0xce: {  	s30 =	sadd.s32 $0x480, s1  }
0xcf: {  	[spmem:s3] =	stream.indirect.scatter.add.f32 [tilespmem:s24], [sflag:$0x2], $0x1, s30, s23, $0xb8;
	[tilespmem:$0x8300] =	vst v63  }
0xd0: {  	s31 =	sadd.s32 $0x500, s1  }
0xd1: {  	[spmem:s3] =	stream.indirect.scatter.add.f32 [tilespmem:s24], [sflag:$0x2], $0x1, s31, s23, $0xb8;
	[tilespmem:$0x8300] =	vst v63  }
0xd2: {  	_ =	swait.ge [sflag:s25], $0x80  }
0xd3: {  	[sflag:s25] =	ssyncset.done $0x0  }
0xd4: {  	[sflag:s25] =	ssyncadd.s32 $0xFFFFFF80  }
0xd5: {  	_ =	swait.ge [sflag:s25], $0x80  }
0xd6: {  	[sflag:s25] =	ssyncset.done $0x0  }
0xd7: {  	[sflag:s25] =	ssyncadd.s32 $0xFFFFFF80  }
0xd8: {  	_ =	swait.ge [sflag:s25], $0x80  }
0xd9: {  	[sflag:s25] =	ssyncset.done $0x0  }
0xda: {  	[sflag:s25] =	ssyncadd.s32 $0xFFFFFF80  }
0xdb: {  	_ =	swait.ge [sflag:s25], $0x80  }
0xdc: {  	[sflag:s25] =	ssyncset.done $0x0  }
0xdd: {  	[sflag:s25] =	ssyncadd.s32 $0xFFFFFF80  }
0xde: {  	_ =	swait.ge [sflag:s25], $0x80  }
0xdf: {  	[sflag:s25] =	ssyncset.done $0x0  }
0xe0: {  	[sflag:s25] =	ssyncadd.s32 $0xFFFFFF80  }
0xe1: {  	_ =	swait.ge [sflag:s25], $0x80  }
0xe2: {  	[sflag:s25] =	ssyncset.done $0x0  }
0xe3: {  	[sflag:s25] =	ssyncadd.s32 $0xFFFFFF80  }
0xe4: {  	_ =	swait.ge [sflag:s25], $0x80  }
0xe5: {  	[sflag:s25] =	ssyncset.done $0x0  }
0xe6: {  	[sflag:s25] =	ssyncadd.s32 $0xFFFFFF80  }
0xe7: {  	_ =	swait.ge [sflag:s25], $0x80  }
0xe8: {  	[sflag:s25] =	ssyncset.done $0x0  }
0xe9: {  	[sflag:s25] =	ssyncadd.s32 $0xFFFFFF80  }
0xea: {  	[spmem:s3] =	stream.indirect.scatter.add.f32 [tilespmem:s24], [sflag:$0x2], $0x1, s26, s23, $0xb8;
	[tilespmem:$0x8300] =	vst v63  }
0xeb: {  	_ =	swait.ge [sflag:s25], $0x80  }
0xec: {  	[sflag:s25] =	ssyncset.done $0x0  }
0xed: {  	[sflag:s25] =	ssyncadd.s32 $0xFFFFFF80  }
0xee: {  	[bflag:$0x0] =	sbarrier.arrive $0xFFFF  }
0xef: {  	[tilespmem:s14], [sflag:$0x3] =	stream.linear.gather [spmem:s5], $0x280, $0x38;
	[tilespmem:$0x8300] =	vst v63  }
0xf0: {  	s29 =	sadd.s32 $0x1, s29;
	_ =	swait.ge [sflag:s15], $0x280  }
0xf1: {  	p0 =	sne.s32 s29, s13;
	[sflag:s15] =	ssyncset.done $0x0  }
.Ltmp1:
0xf2: {  	[sflag:s15] =	ssyncadd.s32 $0xFFFFFD80;
	(pc) =	sbr.rel @p0 .LBB2_1-.Ltmp1, $4  }
0xf3: {  	[hbm4b:s12+s23] =	stream.strided.scatter [tilespmem:s14], [sflag:$0x3], $0x280, s28, s23, $0x38;
	[tilespmem:$0x8300] =	vst v63  }
0xf4: {  	_ =	swait.ge [sflag:s15], $0x280  }
0xf5: {  	[sflag:s15] =	ssyncset.done $0x0  }
0xf6: {  	[sflag:s15] =	ssyncadd.s32 $0xFFFFFD80  }
0xf7: {  	_ =	sfence.sel $0x180000  }
0xf8: {  	[bflag:$0x0] =	sbarrier.arrive $0xFFFF  }
0xf9: {  	_ =	strace $0x90000047  }
0xfa: {  	s0 =	stileid.u32;
	[bflag:$0x2] =	sbarrier.arrive $0xFFFF  }
0xfb: {  	p0 =	sne.s32 s0, $0x0;
	s0 =	rddreg [dreg:$0x3]  }
0xfc: {  	s0 =	sadd.s32 @!p0 $0x100000, s0  }
0xfd: {  	[sflag:s0] =	ssyncadd.tile.s32 @!p0 $0x1;
	_ =	shalt  }
.Lfunc_end2:
_tile_overlayer_lowered:
.L_overlay_start_2:
0xfe: {  	(tag) =	ssettag $0x2  }
0xff: {  	s0 =	rddreg [dreg:$0x0];
	s2 =	stileid.u32  }
0x100: {  	s1 =	rddreg [dreg:$0x1];
	p0 =	sne.s32 s2, $0x0  }
0x101: {  	s3 =	rddreg [dreg:$0x2];
	[bflag:$0x3] =	sbarrier.arrive $0xFFFF;
	s2 =	simm.s32 @!p0 $0x1C03  }
0x102: {  	[timem:s3], [sflag:s2] =	dma.local @!p0 [hbm:s0], s1  }
0x103: {  	s0 =	simm.s32 @!p0 $0x3  }
0x104: {  	_ =	swait.ge @!p0 [sflag:s0], s1  }
0x105: {  	s1 =	ssub.s32 @!p0 $0x0, s1;
	[sflag:s0] =	ssyncset.done @!p0 $0x0  }
0x106: {  	[sflag:s0] =	ssyncadd.s32 @!p0 s1  }
0x107: {  	[bflag:$0x3] =	sbarrier.arrive $0xFFFF  }
0x108: {  	_ =	shalt  }

</sc_bundles>
